<compile_context>
chip_gen: v7x
topology: tpu7x:2x2x1
jax: 0.10.2.dev20260603
libtpu: 0.0.44.dev20260713+nightly
codegen_flags: <defaults>
</compile_context>

<pallas_src>
import functools

import jax
import jax.numpy as jnp
from jax import lax
from jax.experimental import pallas as pl
from jax.experimental.pallas import tpu as pltpu
from jax.experimental.pallas import tpu_sc as plsc

B, L, D = 16, 4096, 512
LANES = 16
NCORES, NSUB = 2, 16
NW = NCORES * NSUB
HALF = L // 2
CHUNK = 32
NCH = HALF // CHUNK
NB = 4
RA = 2
VPP = D // LANES


def _body(x_hbm, values_hbm, cand_hbm, buf, res_v, rsems, wsems, semw):
    c = lax.axis_index("c")
    s = lax.axis_index("s")
    w = s * NCORES + c
    b = w // 2
    h = w % 2
    base_pos = h * HALF

    zeros = jnp.zeros((LANES,), jnp.float32)
    lane = lax.iota(jnp.int32, LANES)

    def vmax_scalar(v):
        for k_ in (1, 2, 4, 8):
            v = jnp.maximum(v, jnp.take(v, lane ^ k_))
        return v[0]

    def rd(k, q):
        return pltpu.make_async_copy(
            x_hbm.at[b, pl.ds(base_pos + k * CHUNK, CHUNK), :],
            buf.at[pl.ds(q * CHUNK, CHUNK), :], rsems[q])

    def wr(k, q):
        return pltpu.make_async_copy(
            buf.at[pl.ds(q * CHUNK, CHUNK), :],
            values_hbm.at[b, pl.ds(base_pos + k * CHUNK, CHUNK), :], wsems[q])

    def absmax(q):
        def g_body(p, accs):
            accs = list(accs)
            for i in range(VPP):
                accs[i % 4] = jnp.maximum(
                    accs[i % 4],
                    jnp.abs(buf[q * CHUNK + p, pl.ds(i * LANES, LANES)]))
            return tuple(accs)
        a0, a1, a2, a3 = lax.fori_loop(
            0, CHUNK, g_body, (zeros, zeros, zeros, zeros))
        return jnp.maximum(jnp.maximum(a0, a1), jnp.maximum(a2, a3))

    def step(k, p, best, first):
        if not first:
            wr(0, (p - RA) % NB).wait()
        kr = jnp.minimum(k + RA, NCH - 1)
        rd(kr, (p + RA) % NB).start()
        rd(k, p).wait()
        found = vmax_scalar(absmax(p)) > 0.0
        best = jnp.where(found, k, best)
        wr(k, p).start()
        return best

    for q in range(RA):
        rd(q, q).start()

    best = jnp.int32(-1)
    for k0 in range(RA):
        best = step(jnp.int32(k0), k0 % NB, best, first=True)

    def group(g, best):
        for j in range(NB):
            k = RA + g * NB + j
            best = step(k, (RA + j) % NB, best, first=False)
        return best

    best = lax.fori_loop(0, (NCH - 2 * RA) // NB, group, best)

    for k0 in range(NCH - RA, NCH):
        best = step(jnp.int32(k0), k0 % NB, best, first=False)

    wr(0, (NCH - 2) % NB).wait()
    wr(0, (NCH - 1) % NB).wait()
    for q in range(RA):
        rd(0, q).wait()

    def resolve(best_):
        rd(best_, 0).start()
        rd(best_, 0).wait()

        def p_body(p, last_p):
            acc = zeros
            for i in range(VPP):
                acc = jnp.maximum(
                    acc, jnp.abs(buf[p, pl.ds(i * LANES, LANES)]))
            nz = vmax_scalar(acc) > 0.0
            return jnp.where(nz, p, last_p)

        last_p = lax.fori_loop(0, CHUNK, p_body, jnp.int32(0))
        return base_pos + best_ * CHUNK + last_p + 1

    length = lax.cond(best >= 0, resolve, lambda _: jnp.int32(0), best)

    res_v[:] = jnp.where(lane == b, length, 0)
    cp = pltpu.make_async_copy(res_v, cand_hbm.at[w], semw)
    cp.start()
    cp.wait()


_fused_kernel = functools.partial(
    pl.kernel,
    out_type=(
        jax.ShapeDtypeStruct((B, L, D), jnp.float32),
        jax.ShapeDtypeStruct((NW, NSUB), jnp.int32),
    ),
    mesh=plsc.VectorSubcoreMesh(core_axis_name="c", subcore_axis_name="s"),
    scratch_types=[
        pltpu.VMEM((NB * CHUNK, D), jnp.float32),
        pltpu.VMEM((LANES,), jnp.int32),
        [pltpu.SemaphoreType.DMA] * NB,
        [pltpu.SemaphoreType.DMA] * NB,
        pltpu.SemaphoreType.DMA,
    ],
)(_body)


def kernel(inputs):
    values, cand = _fused_kernel(inputs.reshape(B, L, D))
    row_lengths = jnp.max(cand, axis=0).astype(jnp.int32)
    return (values, row_lengths)

# --- scband reference (transcript-rebuilt; emitter-appended) ---
"""Pipeline reference for scband-dense-to-ragged-layer-83494164234245 (READ-ONLY COPY).

The authoritative reference and input builder live on the scoring server;
editing this copy changes nothing except your own understanding.
"""

import jax, jax.numpy as jnp
import numpy as np

IGNORE_VALUE = 0.0
B, L, D = 16, 4096, 512

def setup_inputs(seed: int = 0) -> dict:
    key = jax.random.key(seed)
    k1, k2 = jax.random.split(key)
    x = jax.random.normal(k1, (B, L, D), dtype=jnp.float32)
    # Create realistic trailing padding per row (RaggedTensor.from_tensor strips
    # trailing rows whose values all equal the padding value).
    lengths = jax.random.randint(k2, (B,), 1, L + 1)
    keep = jnp.arange(L)[None, :] < lengths[:, None]
    x = x * keep[:, :, None].astype(jnp.float32)
    return {"inputs": x}

def reference(inputs):
    # tf.RaggedTensor.from_tensor(inputs, padding=IGNORE_VALUE):
    # a trailing position t of row b is padding iff inputs[b, t, :] == IGNORE_VALUE everywhere.
    # Ragged output == (flat values per row up to row_length, row_lengths).
    # We represent the ragged result with a fixed-shape masked value tensor + row_lengths.
    nonpad = jnp.any(inputs != IGNORE_VALUE, axis=-1)           # [B, L]
    pos = jnp.arange(inputs.shape[1])                            # [L]
    row_lengths = jnp.max(jnp.where(nonpad, pos + 1, 0), axis=1).astype(jnp.int32)  # [B]
    keep = pos[None, :] < row_lengths[:, None]                   # [B, L]
    values = jnp.where(keep[..., None], inputs, 0.0)             # [B, L, D] (ragged values, zero outside)
    return (values, row_lengths)

if __name__ == "__main__":
    import jax
    _d = setup_inputs()
    print(jax.jit(kernel)(*tuple(_d.values())))

</pallas_src>

<mosaic_0001>
#map = affine_map<(d0, d1) -> (0, 0, 0)>
#map1 = affine_map<(d0, d1) -> (0, 0)>
module attributes {stable_mosaic.version = 14 : i64} {
  func.func @_body(%arg0: i32, %arg1: i32, %arg2: memref<16x4096x512xf32, #tpu.memory_space<hbm>>, %arg3: memref<16x4096x512xf32, #tpu.memory_space<hbm>>, %arg4: memref<32x16xi32, #tpu.memory_space<hbm>>, %arg5: memref<128x512xf32, #tpu.memory_space<vmem>>, %arg6: memref<16xi32, #tpu.memory_space<vmem>>, %arg7: memref<!tpu.dma_semaphore, #tpu.memory_space<semaphore_mem>>, %arg8: memref<!tpu.dma_semaphore, #tpu.memory_space<semaphore_mem>>, %arg9: memref<!tpu.dma_semaphore, #tpu.memory_space<semaphore_mem>>, %arg10: memref<!tpu.dma_semaphore, #tpu.memory_space<semaphore_mem>>, %arg11: memref<!tpu.dma_semaphore, #tpu.memory_space<semaphore_mem>>, %arg12: memref<!tpu.dma_semaphore, #tpu.memory_space<semaphore_mem>>, %arg13: memref<!tpu.dma_semaphore, #tpu.memory_space<semaphore_mem>>, %arg14: memref<!tpu.dma_semaphore, #tpu.memory_space<semaphore_mem>>, %arg15: memref<!tpu.dma_semaphore, #tpu.memory_space<semaphore_mem>>) attributes {dimension_semantics = [#tpu.dimension_semantics<core_parallel>, #tpu.dimension_semantics<subcore_parallel>], iteration_bounds = array<i64: 2, 16>, scalar_prefetch = 0 : i64, scratch_operands = 11 : i64, tpu.core_type = #tpu.core_type<sc_vector_subcore>, window_params = [{transform_indices = #map}, {transform_indices = #map}, {transform_indices = #map1}]} {
    %mul3A = arith.constant 2 : i32
    %mul3A_0 = arith.muli %arg1, %mul3A : i32
    %add3A = arith.addi %mul3A_0, %arg0 : i32
    %jit3A = arith.constant 2 : i32
    %div3A = arith.divsi %add3A, %jit3A : i32
    %sign3A = arith.constant 0 : i32
    %sign3A_1 = arith.cmpi sgt, %add3A, %sign3A : i32
    %sign3A_2 = arith.extui %sign3A_1 : i1 to i32
    %sign3A_3 = arith.constant 0 : i32
    %sign3A_4 = arith.cmpi slt, %add3A, %sign3A_3 : i32
    %sign3A_5 = arith.extui %sign3A_4 : i1 to i32
    %sign3A_6 = arith.subi %sign3A_2, %sign3A_5 : i32
    %sign3A_7 = arith.constant 0 : i32
    %sign3A_8 = arith.cmpi sgt, %jit3A, %sign3A_7 : i32
    %sign3A_9 = arith.extui %sign3A_8 : i1 to i32
    %sign3A_10 = arith.constant 0 : i32
    %sign3A_11 = arith.cmpi slt, %jit3A, %sign3A_10 : i32
    %sign3A_12 = arith.extui %sign3A_11 : i1 to i32
    %sign3A_13 = arith.subi %sign3A_9, %sign3A_12 : i32
    %ne3A = arith.cmpi ne, %sign3A_6, %sign3A_13 : i32
    %rem3A = arith.remsi %add3A, %jit3A : i32
    %ne3A_14 = arith.constant 0 : i32
    %ne3A_15 = arith.cmpi ne, %rem3A, %ne3A_14 : i32
    %and3A = arith.andi %ne3A, %ne3A_15 : i1
    %sub3A = arith.constant 1 : i32
    %sub3A_16 = arith.subi %div3A, %sub3A : i32
    %select_n3A = arith.select %and3A, %sub3A_16, %div3A : i32
    %jit3A_17 = arith.constant 2 : i32
    %eq3A = arith.constant 0 : i32
    %eq3A_18 = arith.cmpi eq, %jit3A_17, %eq3A : i32
    %jit3A_19 = arith.constant 1 : i32
    %select_n3A_20 = arith.select %eq3A_18, %jit3A_19, %jit3A_17 : i32
    %rem3A_21 = arith.remsi %add3A, %select_n3A_20 : i32
    %ne3A_22 = arith.constant 0 : i32
    %ne3A_23 = arith.cmpi ne, %rem3A_21, %ne3A_22 : i32
    %lt3A = arith.constant 0 : i32
    %lt3A_24 = arith.cmpi slt, %rem3A_21, %lt3A : i32
    %lt3A_25 = arith.constant 0 : i32
    %lt3A_26 = arith.cmpi slt, %select_n3A_20, %lt3A_25 : i32
    %ne3A_27 = arith.xori %lt3A_24, %lt3A_26 : i1
    %and3A_28 = arith.andi %ne3A_27, %ne3A_23 : i1
    %add3A_29 = arith.addi %rem3A_21, %select_n3A_20 : i32
    %select_n3A_30 = arith.select %and3A_28, %add3A_29, %rem3A_21 : i32
    %mul3A_31 = arith.constant 2048 : i32
    %mul3A_32 = arith.muli %select_n3A_30, %mul3A_31 : i32
    %broadcast_in_dim3A = arith.constant 0.000000e+00 : f32
    %broadcast_in_dim3A_33 = vector.broadcast %broadcast_in_dim3A : f32 to vector<16xf32>
    %iota3A = tpu.iota {dimensions = array<i32: 0>} : vector<16xi32>
    %add3A_34 = arith.constant 0 : i32
    %add3A_35 = arith.addi %mul3A_32, %add3A_34 : i32
    %dma_start3A = arith.constant 0 : i32
    %dma_start3A_36 = arith.constant 0 : i32
    %dma_start3A_37 = tpu.memref_slice %arg5[%dma_start3A, %dma_start3A_36] : memref<128x512xf32, #tpu.memory_space<vmem>> -> memref<32x512xf32, #tpu.memory_space<vmem>>
    %dma_start3A_38 = arith.constant 0 : i32
    %dma_start3A_39 = tpu.memref_slice %arg2[%select_n3A, %add3A_35, %dma_start3A_38] : memref<16x4096x512xf32, #tpu.memory_space<hbm>> -> memref<1x32x512xf32, #tpu.memory_space<hbm>>
    %dma_start3A_40 = tpu.memref_squeeze %dma_start3A_39 : memref<1x32x512xf32, #tpu.memory_space<hbm>> -> memref<32x512xf32, #tpu.memory_space<hbm>>
    %dma_start3A_41 = arith.constant 0 : i32
    %dma_start3A_42 = arith.constant 0 : i32
    %dma_start3A_43 = tpu.memref_slice %arg5[%dma_start3A_41, %dma_start3A_42] : memref<128x512xf32, #tpu.memory_space<vmem>> -> memref<32x512xf32, #tpu.memory_space<vmem>>
    %dma_start3A_44 = arith.constant 0 : i32
    %dma_start3A_45 = tpu.memref_slice %arg2[%select_n3A, %add3A_35, %dma_start3A_44] : memref<16x4096x512xf32, #tpu.memory_space<hbm>> -> memref<1x32x512xf32, #tpu.memory_space<hbm>>
    %dma_start3A_46 = tpu.memref_squeeze %dma_start3A_45 : memref<1x32x512xf32, #tpu.memory_space<hbm>> -> memref<32x512xf32, #tpu.memory_space<hbm>>
    tpu.enqueue_dma source(%dma_start3A_46 : memref<32x512xf32, #tpu.memory_space<hbm>>) target(%dma_start3A_43 : memref<32x512xf32, #tpu.memory_space<vmem>>) target_semaphore(%arg7 : memref<!tpu.dma_semaphore, #tpu.memory_space<semaphore_mem>>)
    %add3A_47 = arith.constant 32 : i32
    %add3A_48 = arith.addi %mul3A_32, %add3A_47 : i32
    %dma_start3A_49 = arith.constant 32 : i32
    %dma_start3A_50 = arith.constant 0 : i32
    %dma_start3A_51 = tpu.memref_slice %arg5[%dma_start3A_49, %dma_start3A_50] : memref<128x512xf32, #tpu.memory_space<vmem>> -> memref<32x512xf32, #tpu.memory_space<vmem>>
    %dma_start3A_52 = arith.constant 0 : i32
    %dma_start3A_53 = tpu.memref_slice %arg2[%select_n3A, %add3A_48, %dma_start3A_52] : memref<16x4096x512xf32, #tpu.memory_space<hbm>> -> memref<1x32x512xf32, #tpu.memory_space<hbm>>
    %dma_start3A_54 = tpu.memref_squeeze %dma_start3A_53 : memref<1x32x512xf32, #tpu.memory_space<hbm>> -> memref<32x512xf32, #tpu.memory_space<hbm>>
    %dma_start3A_55 = arith.constant 32 : i32
    %dma_start3A_56 = arith.constant 0 : i32
    %dma_start3A_57 = tpu.memref_slice %arg5[%dma_start3A_55, %dma_start3A_56] : memref<128x512xf32, #tpu.memory_space<vmem>> -> memref<32x512xf32, #tpu.memory_space<vmem>>
    %dma_start3A_58 = arith.constant 0 : i32
    %dma_start3A_59 = tpu.memref_slice %arg2[%select_n3A, %add3A_48, %dma_start3A_58] : memref<16x4096x512xf32, #tpu.memory_space<hbm>> -> memref<1x32x512xf32, #tpu.memory_space<hbm>>
    %dma_start3A_60 = tpu.memref_squeeze %dma_start3A_59 : memref<1x32x512xf32, #tpu.memory_space<hbm>> -> memref<32x512xf32, #tpu.memory_space<hbm>>
    tpu.enqueue_dma source(%dma_start3A_60 : memref<32x512xf32, #tpu.memory_space<hbm>>) target(%dma_start3A_57 : memref<32x512xf32, #tpu.memory_space<vmem>>) target_semaphore(%arg8 : memref<!tpu.dma_semaphore, #tpu.memory_space<semaphore_mem>>)
    %add3A_61 = arith.constant 0 : i32
    %add3A_62 = arith.constant 2 : i32
    %add3A_63 = arith.addi %add3A_61, %add3A_62 : i32
    %min3A = arith.constant 63 : i32
    %min3A_64 = arith.minsi %add3A_63, %min3A : i32
    %mul3A_65 = arith.constant 32 : i32
    %mul3A_66 = arith.muli %min3A_64, %mul3A_65 : i32
    %add3A_67 = arith.addi %mul3A_32, %mul3A_66 : i32
    %dma_start3A_68 = arith.constant 64 : i32
    %dma_start3A_69 = arith.constant 0 : i32
    %dma_start3A_70 = tpu.memref_slice %arg5[%dma_start3A_68, %dma_start3A_69] : memref<128x512xf32, #tpu.memory_space<vmem>> -> memref<32x512xf32, #tpu.memory_space<vmem>>
    %dma_start3A_71 = arith.constant 0 : i32
    %dma_start3A_72 = tpu.memref_slice %arg2[%select_n3A, %add3A_67, %dma_start3A_71] : memref<16x4096x512xf32, #tpu.memory_space<hbm>> -> memref<1x32x512xf32, #tpu.memory_space<hbm>>
    %dma_start3A_73 = tpu.memref_squeeze %dma_start3A_72 : memref<1x32x512xf32, #tpu.memory_space<hbm>> -> memref<32x512xf32, #tpu.memory_space<hbm>>
    %dma_start3A_74 = arith.constant 64 : i32
    %dma_start3A_75 = arith.constant 0 : i32
    %dma_start3A_76 = tpu.memref_slice %arg5[%dma_start3A_74, %dma_start3A_75] : memref<128x512xf32, #tpu.memory_space<vmem>> -> memref<32x512xf32, #tpu.memory_space<vmem>>
    %dma_start3A_77 = arith.constant 0 : i32
    %dma_start3A_78 = tpu.memref_slice %arg2[%select_n3A, %add3A_67, %dma_start3A_77] : memref<16x4096x512xf32, #tpu.memory_space<hbm>> -> memref<1x32x512xf32, #tpu.memory_space<hbm>>
    %dma_start3A_79 = tpu.memref_squeeze %dma_start3A_78 : memref<1x32x512xf32, #tpu.memory_space<hbm>> -> memref<32x512xf32, #tpu.memory_space<hbm>>
    tpu.enqueue_dma source(%dma_start3A_79 : memref<32x512xf32, #tpu.memory_space<hbm>>) target(%dma_start3A_76 : memref<32x512xf32, #tpu.memory_space<vmem>>) target_semaphore(%arg9 : memref<!tpu.dma_semaphore, #tpu.memory_space<semaphore_mem>>)
    %mul3A_80 = arith.constant 0 : i32
    %mul3A_81 = arith.constant 32 : i32
    %mul3A_82 = arith.muli %mul3A_80, %mul3A_81 : i32
    %add3A_83 = arith.addi %mul3A_32, %mul3A_82 : i32
    %dma_wait3A = arith.constant 0 : i32
    %dma_wait3A_84 = arith.constant 0 : i32
    %dma_wait3A_85 = tpu.memref_slice %arg5[%dma_wait3A, %dma_wait3A_84] : memref<128x512xf32, #tpu.memory_space<vmem>> -> memref<32x512xf32, #tpu.memory_space<vmem>>
    %dma_wait3A_86 = arith.constant 0 : i32
    %dma_wait3A_87 = tpu.memref_slice %arg2[%select_n3A, %add3A_83, %dma_wait3A_86] : memref<16x4096x512xf32, #tpu.memory_space<hbm>> -> memref<1x32x512xf32, #tpu.memory_space<hbm>>
    %dma_wait3A_88 = tpu.memref_squeeze %dma_wait3A_87 : memref<1x32x512xf32, #tpu.memory_space<hbm>> -> memref<32x512xf32, #tpu.memory_space<hbm>>
    %dma_wait3A_89 = arith.constant 0 : i32
    %dma_wait3A_90 = arith.constant 0 : i32
    %dma_wait3A_91 = tpu.memref_slice %arg5[%dma_wait3A_89, %dma_wait3A_90] : memref<128x512xf32, #tpu.memory_space<vmem>> -> memref<32x512xf32, #tpu.memory_space<vmem>>
    %dma_wait3A_92 = arith.constant 0 : i32
    %dma_wait3A_93 = tpu.memref_slice %arg2[%select_n3A, %add3A_83, %dma_wait3A_92] : memref<16x4096x512xf32, #tpu.memory_space<hbm>> -> memref<1x32x512xf32, #tpu.memory_space<hbm>>
    %dma_wait3A_94 = tpu.memref_squeeze %dma_wait3A_93 : memref<1x32x512xf32, #tpu.memory_space<hbm>> -> memref<32x512xf32, #tpu.memory_space<hbm>>
    tpu.wait_dma2 semaphore(%arg7 : memref<!tpu.dma_semaphore, #tpu.memory_space<semaphore_mem>>) src(%dma_wait3A_94 : memref<32x512xf32, #tpu.memory_space<hbm>>) dst(%dma_wait3A_91 : memref<32x512xf32, #tpu.memory_space<vmem>>)
    %scan3A = arith.constant 0 : i32
    %scan3A_95 = arith.constant 32 : i32
    %scan3A_96 = arith.addi %scan3A, %scan3A_95 : i32
    %scan3A_97 = arith.constant 1 : i32
    %scan3A_98:4 = scf.for %scan3A_659 = %scan3A to %scan3A_96 step %scan3A_97 iter_args(%scan3A_660 = %broadcast_in_dim3A_33, %scan3A_661 = %broadcast_in_dim3A_33, %scan3A_662 = %broadcast_in_dim3A_33, %scan3A_663 = %broadcast_in_dim3A_33) -> (vector<16xf32>, vector<16xf32>, vector<16xf32>, vector<16xf32>)  : i32 {
      %add3A_664 = arith.constant 0 : i32
      %add3A_665 = arith.addi %add3A_664, %scan3A_659 : i32
      %get3A = arith.index_cast %add3A_665 : i32 to index
      %get3A_666 = arith.constant 0 : index
      %get3A_667 = tpu.vector_load %arg5[%get3A, %get3A_666] {strides = array<i32>} : memref<128x512xf32, #tpu.memory_space<vmem>>, vector<1x16xf32>,
      %get3A_668 = vector.shape_cast %get3A_667 : vector<1x16xf32> to vector<16xf32>
      %abs3A = math.absf %get3A_668 : vector<16xf32>
      %max3A_669 = arith.maximumf %scan3A_660, %abs3A : vector<16xf32>
      %add3A_670 = arith.constant 0 : i32
      %add3A_671 = arith.addi %add3A_670, %scan3A_659 : i32
      %get3A_672 = arith.index_cast %add3A_671 : i32 to index
      %get3A_673 = arith.constant 16 : index
      %get3A_674 = tpu.vector_load %arg5[%get3A_672, %get3A_673] {strides = array<i32>} : memref<128x512xf32, #tpu.memory_space<vmem>>, vector<1x16xf32>,
      %get3A_675 = vector.shape_cast %get3A_674 : vector<1x16xf32> to vector<16xf32>
      %abs3A_676 = math.absf %get3A_675 : vector<16xf32>
      %max3A_677 = arith.maximumf %scan3A_661, %abs3A_676 : vector<16xf32>
      %add3A_678 = arith.constant 0 : i32
      %add3A_679 = arith.addi %add3A_678, %scan3A_659 : i32
      %get3A_680 = arith.index_cast %add3A_679 : i32 to index
      %get3A_681 = arith.constant 32 : index
      %get3A_682 = tpu.vector_load %arg5[%get3A_680, %get3A_681] {strides = array<i32>} : memref<128x512xf32, #tpu.memory_space<vmem>>, vector<1x16xf32>,
      %get3A_683 = vector.shape_cast %get3A_682 : vector<1x16xf32> to vector<16xf32>
      %abs3A_684 = math.absf %get3A_683 : vector<16xf32>
      %max3A_685 = arith.maximumf %scan3A_662, %abs3A_684 : vector<16xf32>
      %add3A_686 = arith.constant 0 : i32
      %add3A_687 = arith.addi %add3A_686, %scan3A_659 : i32
      %get3A_688 = arith.index_cast %add3A_687 : i32 to index
      %get3A_689 = arith.constant 48 : index
      %get3A_690 = tpu.vector_load %arg5[%get3A_688, %get3A_689] {strides = array<i32>} : memref<128x512xf32, #tpu.memory_space<vmem>>, vector<1x16xf32>,
      %get3A_691 = vector.shape_cast %get3A_690 : vector<1x16xf32> to vector<16xf32>
      %abs3A_692 = math.absf %get3A_691 : vector<16xf32>
      %max3A_693 = arith.maximumf %scan3A_663, %abs3A_692 : vector<16xf32>
      %add3A_694 = arith.constant 0 : i32
      %add3A_695 = arith.addi %add3A_694, %scan3A_659 : i32
      %get3A_696 = arith.index_cast %add3A_695 : i32 to index
      %get3A_697 = arith.constant 64 : index
      %get3A_698 = tpu.vector_load %arg5[%get3A_696, %get3A_697] {strides = array<i32>} : memref<128x512xf32, #tpu.memory_space<vmem>>, vector<1x16xf32>,
      %get3A_699 = vector.shape_cast %get3A_698 : vector<1x16xf32> to vector<16xf32>
      %abs3A_700 = math.absf %get3A_699 : vector<16xf32>
      %max3A_701 = arith.maximumf %max3A_669, %abs3A_700 : vector<16xf32>
      %add3A_702 = arith.constant 0 : i32
      %add3A_703 = arith.addi %add3A_702, %scan3A_659 : i32
      %get3A_704 = arith.index_cast %add3A_703 : i32 to index
      %get3A_705 = arith.constant 80 : index
      %get3A_706 = tpu.vector_load %arg5[%get3A_704, %get3A_705] {strides = array<i32>} : memref<128x512xf32, #tpu.memory_space<vmem>>, vector<1x16xf32>,
      %get3A_707 = vector.shape_cast %get3A_706 : vector<1x16xf32> to vector<16xf32>
      %abs3A_708 = math.absf %get3A_707 : vector<16xf32>
      %max3A_709 = arith.maximumf %max3A_677, %abs3A_708 : vector<16xf32>
      %add3A_710 = arith.constant 0 : i32
      %add3A_711 = arith.addi %add3A_710, %scan3A_659 : i32
      %get3A_712 = arith.index_cast %add3A_711 : i32 to index
      %get3A_713 = arith.constant 96 : index
      %get3A_714 = tpu.vector_load %arg5[%get3A_712, %get3A_713] {strides = array<i32>} : memref<128x512xf32, #tpu.memory_space<vmem>>, vector<1x16xf32>,
      %get3A_715 = vector.shape_cast %get3A_714 : vector<1x16xf32> to vector<16xf32>
      %abs3A_716 = math.absf %get3A_715 : vector<16xf32>
      %max3A_717 = arith.maximumf %max3A_685, %abs3A_716 : vector<16xf32>
      %add3A_718 = arith.constant 0 : i32
      %add3A_719 = arith.addi %add3A_718, %scan3A_659 : i32
      %get3A_720 = arith.index_cast %add3A_719 : i32 to index
      %get3A_721 = arith.constant 112 : index
      %get3A_722 = tpu.vector_load %arg5[%get3A_720, %get3A_721] {strides = array<i32>} : memref<128x512xf32, #tpu.memory_space<vmem>>, vector<1x16xf32>,
      %get3A_723 = vector.shape_cast %get3A_722 : vector<1x16xf32> to vector<16xf32>
      %abs3A_724 = math.absf %get3A_723 : vector<16xf32>
      %max3A_725 = arith.maximumf %max3A_693, %abs3A_724 : vector<16xf32>
      %add3A_726 = arith.constant 0 : i32
      %add3A_727 = arith.addi %add3A_726, %scan3A_659 : i32
      %get3A_728 = arith.index_cast %add3A_727 : i32 to index
      %get3A_729 = arith.constant 128 : index
      %get3A_730 = tpu.vector_load %arg5[%get3A_728, %get3A_729] {strides = array<i32>} : memref<128x512xf32, #tpu.memory_space<vmem>>, vector<1x16xf32>,
      %get3A_731 = vector.shape_cast %get3A_730 : vector<1x16xf32> to vector<16xf32>
      %abs3A_732 = math.absf %get3A_731 : vector<16xf32>
      %max3A_733 = arith.maximumf %max3A_701, %abs3A_732 : vector<16xf32>
      %add3A_734 = arith.constant 0 : i32
      %add3A_735 = arith.addi %add3A_734, %scan3A_659 : i32
      %get3A_736 = arith.index_cast %add3A_735 : i32 to index
      %get3A_737 = arith.constant 144 : index
      %get3A_738 = tpu.vector_load %arg5[%get3A_736, %get3A_737] {strides = array<i32>} : memref<128x512xf32, #tpu.memory_space<vmem>>, vector<1x16xf32>,
      %get3A_739 = vector.shape_cast %get3A_738 : vector<1x16xf32> to vector<16xf32>
      %abs3A_740 = math.absf %get3A_739 : vector<16xf32>
      %max3A_741 = arith.maximumf %max3A_709, %abs3A_740 : vector<16xf32>
      %add3A_742 = arith.constant 0 : i32
      %add3A_743 = arith.addi %add3A_742, %scan3A_659 : i32
      %get3A_744 = arith.index_cast %add3A_743 : i32 to index
      %get3A_745 = arith.constant 160 : index
      %get3A_746 = tpu.vector_load %arg5[%get3A_744, %get3A_745] {strides = array<i32>} : memref<128x512xf32, #tpu.memory_space<vmem>>, vector<1x16xf32>,
      %get3A_747 = vector.shape_cast %get3A_746 : vector<1x16xf32> to vector<16xf32>
      %abs3A_748 = math.absf %get3A_747 : vector<16xf32>
      %max3A_749 = arith.maximumf %max3A_717, %abs3A_748 : vector<16xf32>
      %add3A_750 = arith.constant 0 : i32
      %add3A_751 = arith.addi %add3A_750, %scan3A_659 : i32
      %get3A_752 = arith.index_cast %add3A_751 : i32 to index
      %get3A_753 = arith.constant 176 : index
      %get3A_754 = tpu.vector_load %arg5[%get3A_752, %get3A_753] {strides = array<i32>} : memref<128x512xf32, #tpu.memory_space<vmem>>, vector<1x16xf32>,
      %get3A_755 = vector.shape_cast %get3A_754 : vector<1x16xf32> to vector<16xf32>
      %abs3A_756 = math.absf %get3A_755 : vector<16xf32>
      %max3A_757 = arith.maximumf %max3A_725, %abs3A_756 : vector<16xf32>
      %add3A_758 = arith.constant 0 : i32
      %add3A_759 = arith.addi %add3A_758, %scan3A_659 : i32
      %get3A_760 = arith.index_cast %add3A_759 : i32 to index
      %get3A_761 = arith.constant 192 : index
      %get3A_762 = tpu.vector_load %arg5[%get3A_760, %get3A_761] {strides = array<i32>} : memref<128x512xf32, #tpu.memory_space<vmem>>, vector<1x16xf32>,
      %get3A_763 = vector.shape_cast %get3A_762 : vector<1x16xf32> to vector<16xf32>
      %abs3A_764 = math.absf %get3A_763 : vector<16xf32>
      %max3A_765 = arith.maximumf %max3A_733, %abs3A_764 : vector<16xf32>
      %add3A_766 = arith.constant 0 : i32
      %add3A_767 = arith.addi %add3A_766, %scan3A_659 : i32
      %get3A_768 = arith.index_cast %add3A_767 : i32 to index
      %get3A_769 = arith.constant 208 : index
      %get3A_770 = tpu.vector_load %arg5[%get3A_768, %get3A_769] {strides = array<i32>} : memref<128x512xf32, #tpu.memory_space<vmem>>, vector<1x16xf32>,
      %get3A_771 = vector.shape_cast %get3A_770 : vector<1x16xf32> to vector<16xf32>
      %abs3A_772 = math.absf %get3A_771 : vector<16xf32>
      %max3A_773 = arith.maximumf %max3A_741, %abs3A_772 : vector<16xf32>
      %add3A_774 = arith.constant 0 : i32
      %add3A_775 = arith.addi %add3A_774, %scan3A_659 : i32
      %get3A_776 = arith.index_cast %add3A_775 : i32 to index
      %get3A_777 = arith.constant 224 : index
      %get3A_778 = tpu.vector_load %arg5[%get3A_776, %get3A_777] {strides = array<i32>} : memref<128x512xf32, #tpu.memory_space<vmem>>, vector<1x16xf32>,
      %get3A_779 = vector.shape_cast %get3A_778 : vector<1x16xf32> to vector<16xf32>
      %abs3A_780 = math.absf %get3A_779 : vector<16xf32>
      %max3A_781 = arith.maximumf %max3A_749, %abs3A_780 : vector<16xf32>
      %add3A_782 = arith.constant 0 : i32
      %add3A_783 = arith.addi %add3A_782, %scan3A_659 : i32
      %get3A_784 = arith.index_cast %add3A_783 : i32 to index
      %get3A_785 = arith.constant 240 : index
      %get3A_786 = tpu.vector_load %arg5[%get3A_784, %get3A_785] {strides = array<i32>} : memref<128x512xf32, #tpu.memory_space<vmem>>, vector<1x16xf32>,
      %get3A_787 = vector.shape_cast %get3A_786 : vector<1x16xf32> to vector<16xf32>
      %abs3A_788 = math.absf %get3A_787 : vector<16xf32>
      %max3A_789 = arith.maximumf %max3A_757, %abs3A_788 : vector<16xf32>
      %add3A_790 = arith.constant 0 : i32
      %add3A_791 = arith.addi %add3A_790, %scan3A_659 : i32
      %get3A_792 = arith.index_cast %add3A_791 : i32 to index
      %get3A_793 = arith.constant 256 : index
      %get3A_794 = tpu.vector_load %arg5[%get3A_792, %get3A_793] {strides = array<i32>} : memref<128x512xf32, #tpu.memory_space<vmem>>, vector<1x16xf32>,
      %get3A_795 = vector.shape_cast %get3A_794 : vector<1x16xf32> to vector<16xf32>
      %abs3A_796 = math.absf %get3A_795 : vector<16xf32>
      %max3A_797 = arith.maximumf %max3A_765, %abs3A_796 : vector<16xf32>
      %add3A_798 = arith.constant 0 : i32
      %add3A_799 = arith.addi %add3A_798, %scan3A_659 : i32
      %get3A_800 = arith.index_cast %add3A_799 : i32 to index
      %get3A_801 = arith.constant 272 : index
      %get3A_802 = tpu.vector_load %arg5[%get3A_800, %get3A_801] {strides = array<i32>} : memref<128x512xf32, #tpu.memory_space<vmem>>, vector<1x16xf32>,
      %get3A_803 = vector.shape_cast %get3A_802 : vector<1x16xf32> to vector<16xf32>
      %abs3A_804 = math.absf %get3A_803 : vector<16xf32>
      %max3A_805 = arith.maximumf %max3A_773, %abs3A_804 : vector<16xf32>
      %add3A_806 = arith.constant 0 : i32
      %add3A_807 = arith.addi %add3A_806, %scan3A_659 : i32
      %get3A_808 = arith.index_cast %add3A_807 : i32 to index
      %get3A_809 = arith.constant 288 : index
      %get3A_810 = tpu.vector_load %arg5[%get3A_808, %get3A_809] {strides = array<i32>} : memref<128x512xf32, #tpu.memory_space<vmem>>, vector<1x16xf32>,
      %get3A_811 = vector.shape_cast %get3A_810 : vector<1x16xf32> to vector<16xf32>
      %abs3A_812 = math.absf %get3A_811 : vector<16xf32>
      %max3A_813 = arith.maximumf %max3A_781, %abs3A_812 : vector<16xf32>
      %add3A_814 = arith.constant 0 : i32
      %add3A_815 = arith.addi %add3A_814, %scan3A_659 : i32
      %get3A_816 = arith.index_cast %add3A_815 : i32 to index
      %get3A_817 = arith.constant 304 : index
      %get3A_818 = tpu.vector_load %arg5[%get3A_816, %get3A_817] {strides = array<i32>} : memref<128x512xf32, #tpu.memory_space<vmem>>, vector<1x16xf32>,
      %get3A_819 = vector.shape_cast %get3A_818 : vector<1x16xf32> to vector<16xf32>
      %abs3A_820 = math.absf %get3A_819 : vector<16xf32>
      %max3A_821 = arith.maximumf %max3A_789, %abs3A_820 : vector<16xf32>
      %add3A_822 = arith.constant 0 : i32
      %add3A_823 = arith.addi %add3A_822, %scan3A_659 : i32
      %get3A_824 = arith.index_cast %add3A_823 : i32 to index
      %get3A_825 = arith.constant 320 : index
      %get3A_826 = tpu.vector_load %arg5[%get3A_824, %get3A_825] {strides = array<i32>} : memref<128x512xf32, #tpu.memory_space<vmem>>, vector<1x16xf32>,
      %get3A_827 = vector.shape_cast %get3A_826 : vector<1x16xf32> to vector<16xf32>
      %abs3A_828 = math.absf %get3A_827 : vector<16xf32>
      %max3A_829 = arith.maximumf %max3A_797, %abs3A_828 : vector<16xf32>
      %add3A_830 = arith.constant 0 : i32
      %add3A_831 = arith.addi %add3A_830, %scan3A_659 : i32
      %get3A_832 = arith.index_cast %add3A_831 : i32 to index
      %get3A_833 = arith.constant 336 : index
      %get3A_834 = tpu.vector_load %arg5[%get3A_832, %get3A_833] {strides = array<i32>} : memref<128x512xf32, #tpu.memory_space<vmem>>, vector<1x16xf32>,
      %get3A_835 = vector.shape_cast %get3A_834 : vector<1x16xf32> to vector<16xf32>
      %abs3A_836 = math.absf %get3A_835 : vector<16xf32>
      %max3A_837 = arith.maximumf %max3A_805, %abs3A_836 : vector<16xf32>
      %add3A_838 = arith.constant 0 : i32
      %add3A_839 = arith.addi %add3A_838, %scan3A_659 : i32
      %get3A_840 = arith.index_cast %add3A_839 : i32 to index
      %get3A_841 = arith.constant 352 : index
      %get3A_842 = tpu.vector_load %arg5[%get3A_840, %get3A_841] {strides = array<i32>} : memref<128x512xf32, #tpu.memory_space<vmem>>, vector<1x16xf32>,
      %get3A_843 = vector.shape_cast %get3A_842 : vector<1x16xf32> to vector<16xf32>
      %abs3A_844 = math.absf %get3A_843 : vector<16xf32>
      %max3A_845 = arith.maximumf %max3A_813, %abs3A_844 : vector<16xf32>
      %add3A_846 = arith.constant 0 : i32
      %add3A_847 = arith.addi %add3A_846, %scan3A_659 : i32
      %get3A_848 = arith.index_cast %add3A_847 : i32 to index
      %get3A_849 = arith.constant 368 : index
      %get3A_850 = tpu.vector_load %arg5[%get3A_848, %get3A_849] {strides = array<i32>} : memref<128x512xf32, #tpu.memory_space<vmem>>, vector<1x16xf32>,
      %get3A_851 = vector.shape_cast %get3A_850 : vector<1x16xf32> to vector<16xf32>
      %abs3A_852 = math.absf %get3A_851 : vector<16xf32>
      %max3A_853 = arith.maximumf %max3A_821, %abs3A_852 : vector<16xf32>
      %add3A_854 = arith.constant 0 : i32
      %add3A_855 = arith.addi %add3A_854, %scan3A_659 : i32
      %get3A_856 = arith.index_cast %add3A_855 : i32 to index
      %get3A_857 = arith.constant 384 : index
      %get3A_858 = tpu.vector_load %arg5[%get3A_856, %get3A_857] {strides = array<i32>} : memref<128x512xf32, #tpu.memory_space<vmem>>, vector<1x16xf32>,
      %get3A_859 = vector.shape_cast %get3A_858 : vector<1x16xf32> to vector<16xf32>
      %abs3A_860 = math.absf %get3A_859 : vector<16xf32>
      %max3A_861 = arith.maximumf %max3A_829, %abs3A_860 : vector<16xf32>
      %add3A_862 = arith.constant 0 : i32
      %add3A_863 = arith.addi %add3A_862, %scan3A_659 : i32
      %get3A_864 = arith.index_cast %add3A_863 : i32 to index
      %get3A_865 = arith.constant 400 : index
      %get3A_866 = tpu.vector_load %arg5[%get3A_864, %get3A_865] {strides = array<i32>} : memref<128x512xf32, #tpu.memory_space<vmem>>, vector<1x16xf32>,
      %get3A_867 = vector.shape_cast %get3A_866 : vector<1x16xf32> to vector<16xf32>
      %abs3A_868 = math.absf %get3A_867 : vector<16xf32>
      %max3A_869 = arith.maximumf %max3A_837, %abs3A_868 : vector<16xf32>
      %add3A_870 = arith.constant 0 : i32
      %add3A_871 = arith.addi %add3A_870, %scan3A_659 : i32
      %get3A_872 = arith.index_cast %add3A_871 : i32 to index
      %get3A_873 = arith.constant 416 : index
      %get3A_874 = tpu.vector_load %arg5[%get3A_872, %get3A_873] {strides = array<i32>} : memref<128x512xf32, #tpu.memory_space<vmem>>, vector<1x16xf32>,
      %get3A_875 = vector.shape_cast %get3A_874 : vector<1x16xf32> to vector<16xf32>
      %abs3A_876 = math.absf %get3A_875 : vector<16xf32>
      %max3A_877 = arith.maximumf %max3A_845, %abs3A_876 : vector<16xf32>
      %add3A_878 = arith.constant 0 : i32
      %add3A_879 = arith.addi %add3A_878, %scan3A_659 : i32
      %get3A_880 = arith.index_cast %add3A_879 : i32 to index
      %get3A_881 = arith.constant 432 : index
      %get3A_882 = tpu.vector_load %arg5[%get3A_880, %get3A_881] {strides = array<i32>} : memref<128x512xf32, #tpu.memory_space<vmem>>, vector<1x16xf32>,
      %get3A_883 = vector.shape_cast %get3A_882 : vector<1x16xf32> to vector<16xf32>
      %abs3A_884 = math.absf %get3A_883 : vector<16xf32>
      %max3A_885 = arith.maximumf %max3A_853, %abs3A_884 : vector<16xf32>
      %add3A_886 = arith.constant 0 : i32
      %add3A_887 = arith.addi %add3A_886, %scan3A_659 : i32
      %get3A_888 = arith.index_cast %add3A_887 : i32 to index
      %get3A_889 = arith.constant 448 : index
      %get3A_890 = tpu.vector_load %arg5[%get3A_888, %get3A_889] {strides = array<i32>} : memref<128x512xf32, #tpu.memory_space<vmem>>, vector<1x16xf32>,
      %get3A_891 = vector.shape_cast %get3A_890 : vector<1x16xf32> to vector<16xf32>
      %abs3A_892 = math.absf %get3A_891 : vector<16xf32>
      %max3A_893 = arith.maximumf %max3A_861, %abs3A_892 : vector<16xf32>
      %add3A_894 = arith.constant 0 : i32
      %add3A_895 = arith.addi %add3A_894, %scan3A_659 : i32
      %get3A_896 = arith.index_cast %add3A_895 : i32 to index
      %get3A_897 = arith.constant 464 : index
      %get3A_898 = tpu.vector_load %arg5[%get3A_896, %get3A_897] {strides = array<i32>} : memref<128x512xf32, #tpu.memory_space<vmem>>, vector<1x16xf32>,
      %get3A_899 = vector.shape_cast %get3A_898 : vector<1x16xf32> to vector<16xf32>
      %abs3A_900 = math.absf %get3A_899 : vector<16xf32>
      %max3A_901 = arith.maximumf %max3A_869, %abs3A_900 : vector<16xf32>
      %add3A_902 = arith.constant 0 : i32
      %add3A_903 = arith.addi %add3A_902, %scan3A_659 : i32
      %get3A_904 = arith.index_cast %add3A_903 : i32 to index
      %get3A_905 = arith.constant 480 : index
      %get3A_906 = tpu.vector_load %arg5[%get3A_904, %get3A_905] {strides = array<i32>} : memref<128x512xf32, #tpu.memory_space<vmem>>, vector<1x16xf32>,
      %get3A_907 = vector.shape_cast %get3A_906 : vector<1x16xf32> to vector<16xf32>
      %abs3A_908 = math.absf %get3A_907 : vector<16xf32>
      %max3A_909 = arith.maximumf %max3A_877, %abs3A_908 : vector<16xf32>
      %add3A_910 = arith.constant 0 : i32
      %add3A_911 = arith.addi %add3A_910, %scan3A_659 : i32
      %get3A_912 = arith.index_cast %add3A_911 : i32 to index
      %get3A_913 = arith.constant 496 : index
      %get3A_914 = tpu.vector_load %arg5[%get3A_912, %get3A_913] {strides = array<i32>} : memref<128x512xf32, #tpu.memory_space<vmem>>, vector<1x16xf32>,
      %get3A_915 = vector.shape_cast %get3A_914 : vector<1x16xf32> to vector<16xf32>
      %abs3A_916 = math.absf %get3A_915 : vector<16xf32>
      %max3A_917 = arith.maximumf %max3A_885, %abs3A_916 : vector<16xf32>
      scf.yield %max3A_893, %max3A_901, %max3A_909, %max3A_917 : vector<16xf32>, vector<16xf32>, vector<16xf32>, vector<16xf32>
    }
    %scan3A_99 = arith.constant 32 : i32
    %max3A = arith.maximumf %scan3A_98#0, %scan3A_98#1 : vector<16xf32>
    %max3A_100 = arith.maximumf %scan3A_98#2, %scan3A_98#3 : vector<16xf32>
    %max3A_101 = arith.maximumf %max3A, %max3A_100 : vector<16xf32>
    %xor3A = arith.constant 1 : i32
    %xor3A_102 = vector.broadcast %xor3A : i32 to vector<16xi32>
    %xor3A_103 = arith.xori %iota3A, %xor3A_102 : vector<16xi32>
    %lt3A_104 = arith.constant 0 : i32
    %lt3A_105 = vector.broadcast %lt3A_104 : i32 to vector<16xi32>
    %lt3A_106 = arith.cmpi slt, %xor3A_103, %lt3A_105 : vector<16xi32>
    %add3A_107 = arith.constant 16 : i32
    %add3A_108 = vector.broadcast %add3A_107 : i32 to vector<16xi32>
    %add3A_109 = arith.addi %xor3A_103, %add3A_108 : vector<16xi32>
    %select_n3A_110 = arith.select %lt3A_106, %add3A_109, %xor3A_103 : vector<16xi1>, vector<16xi32>
    %broadcast_in_dim3A_111 = vector.shape_cast %select_n3A_110 : vector<16xi32> to vector<16x1xi32>
    %gather3A = vector.shape_cast %broadcast_in_dim3A_111 : vector<16x1xi32> to vector<16xi32>
    %gather3A_112 = tpu.dynamic_gather %max3A_101[%gather3A] in [0] : vector<16xf32>, vector<16xi32> -> vector<16xf32>
    %max3A_113 = arith.maximumf %max3A_101, %gather3A_112 : vector<16xf32>
    %xor3A_114 = arith.constant 2 : i32
    %xor3A_115 = vector.broadcast %xor3A_114 : i32 to vector<16xi32>
    %xor3A_116 = arith.xori %iota3A, %xor3A_115 : vector<16xi32>
    %lt3A_117 = arith.constant 0 : i32
    %lt3A_118 = vector.broadcast %lt3A_117 : i32 to vector<16xi32>
    %lt3A_119 = arith.cmpi slt, %xor3A_116, %lt3A_118 : vector<16xi32>
    %add3A_120 = arith.constant 16 : i32
    %add3A_121 = vector.broadcast %add3A_120 : i32 to vector<16xi32>
    %add3A_122 = arith.addi %xor3A_116, %add3A_121 : vector<16xi32>
    %select_n3A_123 = arith.select %lt3A_119, %add3A_122, %xor3A_116 : vector<16xi1>, vector<16xi32>
    %broadcast_in_dim3A_124 = vector.shape_cast %select_n3A_123 : vector<16xi32> to vector<16x1xi32>
    %gather3A_125 = vector.shape_cast %broadcast_in_dim3A_124 : vector<16x1xi32> to vector<16xi32>
    %gather3A_126 = tpu.dynamic_gather %max3A_113[%gather3A_125] in [0] : vector<16xf32>, vector<16xi32> -> vector<16xf32>
    %max3A_127 = arith.maximumf %max3A_113, %gather3A_126 : vector<16xf32>
    %xor3A_128 = arith.constant 4 : i32
    %xor3A_129 = vector.broadcast %xor3A_128 : i32 to vector<16xi32>
    %xor3A_130 = arith.xori %iota3A, %xor3A_129 : vector<16xi32>
    %lt3A_131 = arith.constant 0 : i32
    %lt3A_132 = vector.broadcast %lt3A_131 : i32 to vector<16xi32>
    %lt3A_133 = arith.cmpi slt, %xor3A_130, %lt3A_132 : vector<16xi32>
    %add3A_134 = arith.constant 16 : i32
    %add3A_135 = vector.broadcast %add3A_134 : i32 to vector<16xi32>
    %add3A_136 = arith.addi %xor3A_130, %add3A_135 : vector<16xi32>
    %select_n3A_137 = arith.select %lt3A_133, %add3A_136, %xor3A_130 : vector<16xi1>, vector<16xi32>
    %broadcast_in_dim3A_138 = vector.shape_cast %select_n3A_137 : vector<16xi32> to vector<16x1xi32>
    %gather3A_139 = vector.shape_cast %broadcast_in_dim3A_138 : vector<16x1xi32> to vector<16xi32>
    %gather3A_140 = tpu.dynamic_gather %max3A_127[%gather3A_139] in [0] : vector<16xf32>, vector<16xi32> -> vector<16xf32>
    %max3A_141 = arith.maximumf %max3A_127, %gather3A_140 : vector<16xf32>
    %xor3A_142 = arith.constant 8 : i32
    %xor3A_143 = vector.broadcast %xor3A_142 : i32 to vector<16xi32>
    %xor3A_144 = arith.xori %iota3A, %xor3A_143 : vector<16xi32>
    %lt3A_145 = arith.constant 0 : i32
    %lt3A_146 = vector.broadcast %lt3A_145 : i32 to vector<16xi32>
    %lt3A_147 = arith.cmpi slt, %xor3A_144, %lt3A_146 : vector<16xi32>
    %add3A_148 = arith.constant 16 : i32
    %add3A_149 = vector.broadcast %add3A_148 : i32 to vector<16xi32>
    %add3A_150 = arith.addi %xor3A_144, %add3A_149 : vector<16xi32>
    %select_n3A_151 = arith.select %lt3A_147, %add3A_150, %xor3A_144 : vector<16xi1>, vector<16xi32>
    %broadcast_in_dim3A_152 = vector.shape_cast %select_n3A_151 : vector<16xi32> to vector<16x1xi32>
    %gather3A_153 = vector.shape_cast %broadcast_in_dim3A_152 : vector<16x1xi32> to vector<16xi32>
    %gather3A_154 = tpu.dynamic_gather %max3A_141[%gather3A_153] in [0] : vector<16xf32>, vector<16xi32> -> vector<16xf32>
    %max3A_155 = arith.maximumf %max3A_141, %gather3A_154 : vector<16xf32>
    %slice3A = vector.extract_strided_slice %max3A_155 {offsets = [0], sizes = [1], strides = [1]} : vector<16xf32> to vector<1xf32>
    %squeeze3A = vector.extract %slice3A[0] : f32 from vector<1xf32>
    %gt3A = arith.constant 0.000000e+00 : f32
    %gt3A_156 = arith.cmpf ogt, %squeeze3A, %gt3A : f32
    %jit3A_157 = arith.constant 0 : i32
    %jit3A_158 = arith.constant -1 : i32
    %select_n3A_159 = arith.select %gt3A_156, %jit3A_157, %jit3A_158 : i32
    %mul3A_160 = arith.constant 0 : i32
    %mul3A_161 = arith.constant 32 : i32
    %mul3A_162 = arith.muli %mul3A_160, %mul3A_161 : i32
    %add3A_163 = arith.addi %mul3A_32, %mul3A_162 : i32
    %dma_start3A_164 = arith.constant 0 : i32
    %dma_start3A_165 = arith.constant 0 : i32
    %dma_start3A_166 = tpu.memref_slice %arg5[%dma_start3A_164, %dma_start3A_165] : memref<128x512xf32, #tpu.memory_space<vmem>> -> memref<32x512xf32, #tpu.memory_space<vmem>>
    %dma_start3A_167 = arith.constant 0 : i32
    %dma_start3A_168 = tpu.memref_slice %arg3[%select_n3A, %add3A_163, %dma_start3A_167] : memref<16x4096x512xf32, #tpu.memory_space<hbm>> -> memref<1x32x512xf32, #tpu.memory_space<hbm>>
    %dma_start3A_169 = tpu.memref_squeeze %dma_start3A_168 : memref<1x32x512xf32, #tpu.memory_space<hbm>> -> memref<32x512xf32, #tpu.memory_space<hbm>>
    %dma_start3A_170 = arith.constant 0 : i32
    %dma_start3A_171 = tpu.memref_slice %arg3[%select_n3A, %add3A_163, %dma_start3A_170] : memref<16x4096x512xf32, #tpu.memory_space<hbm>> -> memref<1x32x512xf32, #tpu.memory_space<hbm>>
    %dma_start3A_172 = tpu.memref_squeeze %dma_start3A_171 : memref<1x32x512xf32, #tpu.memory_space<hbm>> -> memref<32x512xf32, #tpu.memory_space<hbm>>
    %dma_start3A_173 = arith.constant 0 : i32
    %dma_start3A_174 = arith.constant 0 : i32
    %dma_start3A_175 = tpu.memref_slice %arg5[%dma_start3A_173, %dma_start3A_174] : memref<128x512xf32, #tpu.memory_space<vmem>> -> memref<32x512xf32, #tpu.memory_space<vmem>>
    tpu.enqueue_dma source(%dma_start3A_175 : memref<32x512xf32, #tpu.memory_space<vmem>>) target(%dma_start3A_172 : memref<32x512xf32, #tpu.memory_space<hbm>>) target_semaphore(%arg11 : memref<!tpu.dma_semaphore, #tpu.memory_space<semaphore_mem>>)
    %add3A_176 = arith.constant 1 : i32
    %add3A_177 = arith.constant 2 : i32
    %add3A_178 = arith.addi %add3A_176, %add3A_177 : i32
    %min3A_179 = arith.constant 63 : i32
    %min3A_180 = arith.minsi %add3A_178, %min3A_179 : i32
    %mul3A_181 = arith.constant 32 : i32
    %mul3A_182 = arith.muli %min3A_180, %mul3A_181 : i32
    %add3A_183 = arith.addi %mul3A_32, %mul3A_182 : i32
    %dma_start3A_184 = arith.constant 96 : i32
    %dma_start3A_185 = arith.constant 0 : i32
    %dma_start3A_186 = tpu.memref_slice %arg5[%dma_start3A_184, %dma_start3A_185] : memref<128x512xf32, #tpu.memory_space<vmem>> -> memref<32x512xf32, #tpu.memory_space<vmem>>
    %dma_start3A_187 = arith.constant 0 : i32
    %dma_start3A_188 = tpu.memref_slice %arg2[%select_n3A, %add3A_183, %dma_start3A_187] : memref<16x4096x512xf32, #tpu.memory_space<hbm>> -> memref<1x32x512xf32, #tpu.memory_space<hbm>>
    %dma_start3A_189 = tpu.memref_squeeze %dma_start3A_188 : memref<1x32x512xf32, #tpu.memory_space<hbm>> -> memref<32x512xf32, #tpu.memory_space<hbm>>
    %dma_start3A_190 = arith.constant 96 : i32
    %dma_start3A_191 = arith.constant 0 : i32
    %dma_start3A_192 = tpu.memref_slice %arg5[%dma_start3A_190, %dma_start3A_191] : memref<128x512xf32, #tpu.memory_space<vmem>> -> memref<32x512xf32, #tpu.memory_space<vmem>>
    %dma_start3A_193 = arith.constant 0 : i32
    %dma_start3A_194 = tpu.memref_slice %arg2[%select_n3A, %add3A_183, %dma_start3A_193] : memref<16x4096x512xf32, #tpu.memory_space<hbm>> -> memref<1x32x512xf32, #tpu.memory_space<hbm>>
    %dma_start3A_195 = tpu.memref_squeeze %dma_start3A_194 : memref<1x32x512xf32, #tpu.memory_space<hbm>> -> memref<32x512xf32, #tpu.memory_space<hbm>>
    tpu.enqueue_dma source(%dma_start3A_195 : memref<32x512xf32, #tpu.memory_space<hbm>>) target(%dma_start3A_192 : memref<32x512xf32, #tpu.memory_space<vmem>>) target_semaphore(%arg10 : memref<!tpu.dma_semaphore, #tpu.memory_space<semaphore_mem>>)
    %mul3A_196 = arith.constant 1 : i32
    %mul3A_197 = arith.constant 32 : i32
    %mul3A_198 = arith.muli %mul3A_196, %mul3A_197 : i32
    %add3A_199 = arith.addi %mul3A_32, %mul3A_198 : i32
    %dma_wait3A_200 = arith.constant 32 : i32
    %dma_wait3A_201 = arith.constant 0 : i32
    %dma_wait3A_202 = tpu.memref_slice %arg5[%dma_wait3A_200, %dma_wait3A_201] : memref<128x512xf32, #tpu.memory_space<vmem>> -> memref<32x512xf32, #tpu.memory_space<vmem>>
    %dma_wait3A_203 = arith.constant 0 : i32
    %dma_wait3A_204 = tpu.memref_slice %arg2[%select_n3A, %add3A_199, %dma_wait3A_203] : memref<16x4096x512xf32, #tpu.memory_space<hbm>> -> memref<1x32x512xf32, #tpu.memory_space<hbm>>
    %dma_wait3A_205 = tpu.memref_squeeze %dma_wait3A_204 : memref<1x32x512xf32, #tpu.memory_space<hbm>> -> memref<32x512xf32, #tpu.memory_space<hbm>>
    %dma_wait3A_206 = arith.constant 32 : i32
    %dma_wait3A_207 = arith.constant 0 : i32
    %dma_wait3A_208 = tpu.memref_slice %arg5[%dma_wait3A_206, %dma_wait3A_207] : memref<128x512xf32, #tpu.memory_space<vmem>> -> memref<32x512xf32, #tpu.memory_space<vmem>>
    %dma_wait3A_209 = arith.constant 0 : i32
    %dma_wait3A_210 = tpu.memref_slice %arg2[%select_n3A, %add3A_199, %dma_wait3A_209] : memref<16x4096x512xf32, #tpu.memory_space<hbm>> -> memref<1x32x512xf32, #tpu.memory_space<hbm>>
    %dma_wait3A_211 = tpu.memref_squeeze %dma_wait3A_210 : memref<1x32x512xf32, #tpu.memory_space<hbm>> -> memref<32x512xf32, #tpu.memory_space<hbm>>
    tpu.wait_dma2 semaphore(%arg8 : memref<!tpu.dma_semaphore, #tpu.memory_space<semaphore_mem>>) src(%dma_wait3A_211 : memref<32x512xf32, #tpu.memory_space<hbm>>) dst(%dma_wait3A_208 : memref<32x512xf32, #tpu.memory_space<vmem>>)
    %scan3A_212 = arith.constant 0 : i32
    %scan3A_213 = arith.constant 32 : i32
    %scan3A_214 = arith.addi %scan3A_212, %scan3A_213 : i32
    %scan3A_215 = arith.constant 1 : i32
    %scan3A_216:4 = scf.for %scan3A_659 = %scan3A_212 to %scan3A_214 step %scan3A_215 iter_args(%scan3A_660 = %broadcast_in_dim3A_33, %scan3A_661 = %broadcast_in_dim3A_33, %scan3A_662 = %broadcast_in_dim3A_33, %scan3A_663 = %broadcast_in_dim3A_33) -> (vector<16xf32>, vector<16xf32>, vector<16xf32>, vector<16xf32>)  : i32 {
      %add3A_664 = arith.constant 32 : i32
      %add3A_665 = arith.addi %add3A_664, %scan3A_659 : i32
      %get3A = arith.index_cast %add3A_665 : i32 to index
      %get3A_666 = arith.constant 0 : index
      %get3A_667 = tpu.vector_load %arg5[%get3A, %get3A_666] {strides = array<i32>} : memref<128x512xf32, #tpu.memory_space<vmem>>, vector<1x16xf32>,
      %get3A_668 = vector.shape_cast %get3A_667 : vector<1x16xf32> to vector<16xf32>
      %abs3A = math.absf %get3A_668 : vector<16xf32>
      %max3A_669 = arith.maximumf %scan3A_660, %abs3A : vector<16xf32>
      %add3A_670 = arith.constant 32 : i32
      %add3A_671 = arith.addi %add3A_670, %scan3A_659 : i32
      %get3A_672 = arith.index_cast %add3A_671 : i32 to index
      %get3A_673 = arith.constant 16 : index
      %get3A_674 = tpu.vector_load %arg5[%get3A_672, %get3A_673] {strides = array<i32>} : memref<128x512xf32, #tpu.memory_space<vmem>>, vector<1x16xf32>,
      %get3A_675 = vector.shape_cast %get3A_674 : vector<1x16xf32> to vector<16xf32>
      %abs3A_676 = math.absf %get3A_675 : vector<16xf32>
      %max3A_677 = arith.maximumf %scan3A_661, %abs3A_676 : vector<16xf32>
      %add3A_678 = arith.constant 32 : i32
      %add3A_679 = arith.addi %add3A_678, %scan3A_659 : i32
      %get3A_680 = arith.index_cast %add3A_679 : i32 to index
      %get3A_681 = arith.constant 32 : index
      %get3A_682 = tpu.vector_load %arg5[%get3A_680, %get3A_681] {strides = array<i32>} : memref<128x512xf32, #tpu.memory_space<vmem>>, vector<1x16xf32>,
      %get3A_683 = vector.shape_cast %get3A_682 : vector<1x16xf32> to vector<16xf32>
      %abs3A_684 = math.absf %get3A_683 : vector<16xf32>
      %max3A_685 = arith.maximumf %scan3A_662, %abs3A_684 : vector<16xf32>
      %add3A_686 = arith.constant 32 : i32
      %add3A_687 = arith.addi %add3A_686, %scan3A_659 : i32
      %get3A_688 = arith.index_cast %add3A_687 : i32 to index
      %get3A_689 = arith.constant 48 : index
      %get3A_690 = tpu.vector_load %arg5[%get3A_688, %get3A_689] {strides = array<i32>} : memref<128x512xf32, #tpu.memory_space<vmem>>, vector<1x16xf32>,
      %get3A_691 = vector.shape_cast %get3A_690 : vector<1x16xf32> to vector<16xf32>
      %abs3A_692 = math.absf %get3A_691 : vector<16xf32>
      %max3A_693 = arith.maximumf %scan3A_663, %abs3A_692 : vector<16xf32>
      %add3A_694 = arith.constant 32 : i32
      %add3A_695 = arith.addi %add3A_694, %scan3A_659 : i32
      %get3A_696 = arith.index_cast %add3A_695 : i32 to index
      %get3A_697 = arith.constant 64 : index
      %get3A_698 = tpu.vector_load %arg5[%get3A_696, %get3A_697] {strides = array<i32>} : memref<128x512xf32, #tpu.memory_space<vmem>>, vector<1x16xf32>,
      %get3A_699 = vector.shape_cast %get3A_698 : vector<1x16xf32> to vector<16xf32>
      %abs3A_700 = math.absf %get3A_699 : vector<16xf32>
      %max3A_701 = arith.maximumf %max3A_669, %abs3A_700 : vector<16xf32>
      %add3A_702 = arith.constant 32 : i32
      %add3A_703 = arith.addi %add3A_702, %scan3A_659 : i32
      %get3A_704 = arith.index_cast %add3A_703 : i32 to index
      %get3A_705 = arith.constant 80 : index
      %get3A_706 = tpu.vector_load %arg5[%get3A_704, %get3A_705] {strides = array<i32>} : memref<128x512xf32, #tpu.memory_space<vmem>>, vector<1x16xf32>,
      %get3A_707 = vector.shape_cast %get3A_706 : vector<1x16xf32> to vector<16xf32>
      %abs3A_708 = math.absf %get3A_707 : vector<16xf32>
      %max3A_709 = arith.maximumf %max3A_677, %abs3A_708 : vector<16xf32>
      %add3A_710 = arith.constant 32 : i32
      %add3A_711 = arith.addi %add3A_710, %scan3A_659 : i32
      %get3A_712 = arith.index_cast %add3A_711 : i32 to index
      %get3A_713 = arith.constant 96 : index
      %get3A_714 = tpu.vector_load %arg5[%get3A_712, %get3A_713] {strides = array<i32>} : memref<128x512xf32, #tpu.memory_space<vmem>>, vector<1x16xf32>,
      %get3A_715 = vector.shape_cast %get3A_714 : vector<1x16xf32> to vector<16xf32>
      %abs3A_716 = math.absf %get3A_715 : vector<16xf32>
      %max3A_717 = arith.maximumf %max3A_685, %abs3A_716 : vector<16xf32>
      %add3A_718 = arith.constant 32 : i32
      %add3A_719 = arith.addi %add3A_718, %scan3A_659 : i32
      %get3A_720 = arith.index_cast %add3A_719 : i32 to index
      %get3A_721 = arith.constant 112 : index
      %get3A_722 = tpu.vector_load %arg5[%get3A_720, %get3A_721] {strides = array<i32>} : memref<128x512xf32, #tpu.memory_space<vmem>>, vector<1x16xf32>,
      %get3A_723 = vector.shape_cast %get3A_722 : vector<1x16xf32> to vector<16xf32>
      %abs3A_724 = math.absf %get3A_723 : vector<16xf32>
      %max3A_725 = arith.maximumf %max3A_693, %abs3A_724 : vector<16xf32>
      %add3A_726 = arith.constant 32 : i32
      %add3A_727 = arith.addi %add3A_726, %scan3A_659 : i32
      %get3A_728 = arith.index_cast %add3A_727 : i32 to index
      %get3A_729 = arith.constant 128 : index
      %get3A_730 = tpu.vector_load %arg5[%get3A_728, %get3A_729] {strides = array<i32>} : memref<128x512xf32, #tpu.memory_space<vmem>>, vector<1x16xf32>,
      %get3A_731 = vector.shape_cast %get3A_730 : vector<1x16xf32> to vector<16xf32>
      %abs3A_732 = math.absf %get3A_731 : vector<16xf32>
      %max3A_733 = arith.maximumf %max3A_701, %abs3A_732 : vector<16xf32>
      %add3A_734 = arith.constant 32 : i32
      %add3A_735 = arith.addi %add3A_734, %scan3A_659 : i32
      %get3A_736 = arith.index_cast %add3A_735 : i32 to index
      %get3A_737 = arith.constant 144 : index
      %get3A_738 = tpu.vector_load %arg5[%get3A_736, %get3A_737] {strides = array<i32>} : memref<128x512xf32, #tpu.memory_space<vmem>>, vector<1x16xf32>,
      %get3A_739 = vector.shape_cast %get3A_738 : vector<1x16xf32> to vector<16xf32>
      %abs3A_740 = math.absf %get3A_739 : vector<16xf32>
      %max3A_741 = arith.maximumf %max3A_709, %abs3A_740 : vector<16xf32>
      %add3A_742 = arith.constant 32 : i32
      %add3A_743 = arith.addi %add3A_742, %scan3A_659 : i32
      %get3A_744 = arith.index_cast %add3A_743 : i32 to index
      %get3A_745 = arith.constant 160 : index
      %get3A_746 = tpu.vector_load %arg5[%get3A_744, %get3A_745] {strides = array<i32>} : memref<128x512xf32, #tpu.memory_space<vmem>>, vector<1x16xf32>,
      %get3A_747 = vector.shape_cast %get3A_746 : vector<1x16xf32> to vector<16xf32>
      %abs3A_748 = math.absf %get3A_747 : vector<16xf32>
      %max3A_749 = arith.maximumf %max3A_717, %abs3A_748 : vector<16xf32>
      %add3A_750 = arith.constant 32 : i32
      %add3A_751 = arith.addi %add3A_750, %scan3A_659 : i32
      %get3A_752 = arith.index_cast %add3A_751 : i32 to index
      %get3A_753 = arith.constant 176 : index
      %get3A_754 = tpu.vector_load %arg5[%get3A_752, %get3A_753] {strides = array<i32>} : memref<128x512xf32, #tpu.memory_space<vmem>>, vector<1x16xf32>,
      %get3A_755 = vector.shape_cast %get3A_754 : vector<1x16xf32> to vector<16xf32>
      %abs3A_756 = math.absf %get3A_755 : vector<16xf32>
      %max3A_757 = arith.maximumf %max3A_725, %abs3A_756 : vector<16xf32>
      %add3A_758 = arith.constant 32 : i32
      %add3A_759 = arith.addi %add3A_758, %scan3A_659 : i32
      %get3A_760 = arith.index_cast %add3A_759 : i32 to index
      %get3A_761 = arith.constant 192 : index
      %get3A_762 = tpu.vector_load %arg5[%get3A_760, %get3A_761] {strides = array<i32>} : memref<128x512xf32, #tpu.memory_space<vmem>>, vector<1x16xf32>,
      %get3A_763 = vector.shape_cast %get3A_762 : vector<1x16xf32> to vector<16xf32>
      %abs3A_764 = math.absf %get3A_763 : vector<16xf32>
      %max3A_765 = arith.maximumf %max3A_733, %abs3A_764 : vector<16xf32>
      %add3A_766 = arith.constant 32 : i32
      %add3A_767 = arith.addi %add3A_766, %scan3A_659 : i32
      %get3A_768 = arith.index_cast %add3A_767 : i32 to index
      %get3A_769 = arith.constant 208 : index
      %get3A_770 = tpu.vector_load %arg5[%get3A_768, %get3A_769] {strides = array<i32>} : memref<128x512xf32, #tpu.memory_space<vmem>>, vector<1x16xf32>,
      %get3A_771 = vector.shape_cast %get3A_770 : vector<1x16xf32> to vector<16xf32>
      %abs3A_772 = math.absf %get3A_771 : vector<16xf32>
      %max3A_773 = arith.maximumf %max3A_741, %abs3A_772 : vector<16xf32>
      %add3A_774 = arith.constant 32 : i32
      %add3A_775 = arith.addi %add3A_774, %scan3A_659 : i32
      %get3A_776 = arith.index_cast %add3A_775 : i32 to index
      %get3A_777 = arith.constant 224 : index
      %get3A_778 = tpu.vector_load %arg5[%get3A_776, %get3A_777] {strides = array<i32>} : memref<128x512xf32, #tpu.memory_space<vmem>>, vector<1x16xf32>,
      %get3A_779 = vector.shape_cast %get3A_778 : vector<1x16xf32> to vector<16xf32>
      %abs3A_780 = math.absf %get3A_779 : vector<16xf32>
      %max3A_781 = arith.maximumf %max3A_749, %abs3A_780 : vector<16xf32>
      %add3A_782 = arith.constant 32 : i32
      %add3A_783 = arith.addi %add3A_782, %scan3A_659 : i32
      %get3A_784 = arith.index_cast %add3A_783 : i32 to index
      %get3A_785 = arith.constant 240 : index
      %get3A_786 = tpu.vector_load %arg5[%get3A_784, %get3A_785] {strides = array<i32>} : memref<128x512xf32, #tpu.memory_space<vmem>>, vector<1x16xf32>,
      %get3A_787 = vector.shape_cast %get3A_786 : vector<1x16xf32> to vector<16xf32>
      %abs3A_788 = math.absf %get3A_787 : vector<16xf32>
      %max3A_789 = arith.maximumf %max3A_757, %abs3A_788 : vector<16xf32>
      %add3A_790 = arith.constant 32 : i32
      %add3A_791 = arith.addi %add3A_790, %scan3A_659 : i32
      %get3A_792 = arith.index_cast %add3A_791 : i32 to index
      %get3A_793 = arith.constant 256 : index
      %get3A_794 = tpu.vector_load %arg5[%get3A_792, %get3A_793] {strides = array<i32>} : memref<128x512xf32, #tpu.memory_space<vmem>>, vector<1x16xf32>,
      %get3A_795 = vector.shape_cast %get3A_794 : vector<1x16xf32> to vector<16xf32>
      %abs3A_796 = math.absf %get3A_795 : vector<16xf32>
      %max3A_797 = arith.maximumf %max3A_765, %abs3A_796 : vector<16xf32>
      %add3A_798 = arith.constant 32 : i32
      %add3A_799 = arith.addi %add3A_798, %scan3A_659 : i32
      %get3A_800 = arith.index_cast %add3A_799 : i32 to index
      %get3A_801 = arith.constant 272 : index
      %get3A_802 = tpu.vector_load %arg5[%get3A_800, %get3A_801] {strides = array<i32>} : memref<128x512xf32, #tpu.memory_space<vmem>>, vector<1x16xf32>,
      %get3A_803 = vector.shape_cast %get3A_802 : vector<1x16xf32> to vector<16xf32>
      %abs3A_804 = math.absf %get3A_803 : vector<16xf32>
      %max3A_805 = arith.maximumf %max3A_773, %abs3A_804 : vector<16xf32>
      %add3A_806 = arith.constant 32 : i32
      %add3A_807 = arith.addi %add3A_806, %scan3A_659 : i32
      %get3A_808 = arith.index_cast %add3A_807 : i32 to index
      %get3A_809 = arith.constant 288 : index
      %get3A_810 = tpu.vector_load %arg5[%get3A_808, %get3A_809] {strides = array<i32>} : memref<128x512xf32, #tpu.memory_space<vmem>>, vector<1x16xf32>,
      %get3A_811 = vector.shape_cast %get3A_810 : vector<1x16xf32> to vector<16xf32>
      %abs3A_812 = math.absf %get3A_811 : vector<16xf32>
      %max3A_813 = arith.maximumf %max3A_781, %abs3A_812 : vector<16xf32>
      %add3A_814 = arith.constant 32 : i32
      %add3A_815 = arith.addi %add3A_814, %scan3A_659 : i32
      %get3A_816 = arith.index_cast %add3A_815 : i32 to index
      %get3A_817 = arith.constant 304 : index
      %get3A_818 = tpu.vector_load %arg5[%get3A_816, %get3A_817] {strides = array<i32>} : memref<128x512xf32, #tpu.memory_space<vmem>>, vector<1x16xf32>,
      %get3A_819 = vector.shape_cast %get3A_818 : vector<1x16xf32> to vector<16xf32>
      %abs3A_820 = math.absf %get3A_819 : vector<16xf32>
      %max3A_821 = arith.maximumf %max3A_789, %abs3A_820 : vector<16xf32>
      %add3A_822 = arith.constant 32 : i32
      %add3A_823 = arith.addi %add3A_822, %scan3A_659 : i32
      %get3A_824 = arith.index_cast %add3A_823 : i32 to index
      %get3A_825 = arith.constant 320 : index
      %get3A_826 = tpu.vector_load %arg5[%get3A_824, %get3A_825] {strides = array<i32>} : memref<128x512xf32, #tpu.memory_space<vmem>>, vector<1x16xf32>,
      %get3A_827 = vector.shape_cast %get3A_826 : vector<1x16xf32> to vector<16xf32>
      %abs3A_828 = math.absf %get3A_827 : vector<16xf32>
      %max3A_829 = arith.maximumf %max3A_797, %abs3A_828 : vector<16xf32>
      %add3A_830 = arith.constant 32 : i32
      %add3A_831 = arith.addi %add3A_830, %scan3A_659 : i32
      %get3A_832 = arith.index_cast %add3A_831 : i32 to index
      %get3A_833 = arith.constant 336 : index
      %get3A_834 = tpu.vector_load %arg5[%get3A_832, %get3A_833] {strides = array<i32>} : memref<128x512xf32, #tpu.memory_space<vmem>>, vector<1x16xf32>,
      %get3A_835 = vector.shape_cast %get3A_834 : vector<1x16xf32> to vector<16xf32>
      %abs3A_836 = math.absf %get3A_835 : vector<16xf32>
      %max3A_837 = arith.maximumf %max3A_805, %abs3A_836 : vector<16xf32>
      %add3A_838 = arith.constant 32 : i32
      %add3A_839 = arith.addi %add3A_838, %scan3A_659 : i32
      %get3A_840 = arith.index_cast %add3A_839 : i32 to index
      %get3A_841 = arith.constant 352 : index
      %get3A_842 = tpu.vector_load %arg5[%get3A_840, %get3A_841] {strides = array<i32>} : memref<128x512xf32, #tpu.memory_space<vmem>>, vector<1x16xf32>,
      %get3A_843 = vector.shape_cast %get3A_842 : vector<1x16xf32> to vector<16xf32>
      %abs3A_844 = math.absf %get3A_843 : vector<16xf32>
      %max3A_845 = arith.maximumf %max3A_813, %abs3A_844 : vector<16xf32>
      %add3A_846 = arith.constant 32 : i32
      %add3A_847 = arith.addi %add3A_846, %scan3A_659 : i32
      %get3A_848 = arith.index_cast %add3A_847 : i32 to index
      %get3A_849 = arith.constant 368 : index
      %get3A_850 = tpu.vector_load %arg5[%get3A_848, %get3A_849] {strides = array<i32>} : memref<128x512xf32, #tpu.memory_space<vmem>>, vector<1x16xf32>,
      %get3A_851 = vector.shape_cast %get3A_850 : vector<1x16xf32> to vector<16xf32>
      %abs3A_852 = math.absf %get3A_851 : vector<16xf32>
      %max3A_853 = arith.maximumf %max3A_821, %abs3A_852 : vector<16xf32>
      %add3A_854 = arith.constant 32 : i32
      %add3A_855 = arith.addi %add3A_854, %scan3A_659 : i32
      %get3A_856 = arith.index_cast %add3A_855 : i32 to index
      %get3A_857 = arith.constant 384 : index
      %get3A_858 = tpu.vector_load %arg5[%get3A_856, %get3A_857] {strides = array<i32>} : memref<128x512xf32, #tpu.memory_space<vmem>>, vector<1x16xf32>,
      %get3A_859 = vector.shape_cast %get3A_858 : vector<1x16xf32> to vector<16xf32>
      %abs3A_860 = math.absf %get3A_859 : vector<16xf32>
      %max3A_861 = arith.maximumf %max3A_829, %abs3A_860 : vector<16xf32>
      %add3A_862 = arith.constant 32 : i32
      %add3A_863 = arith.addi %add3A_862, %scan3A_659 : i32
      %get3A_864 = arith.index_cast %add3A_863 : i32 to index
      %get3A_865 = arith.constant 400 : index
      %get3A_866 = tpu.vector_load %arg5[%get3A_864, %get3A_865] {strides = array<i32>} : memref<128x512xf32, #tpu.memory_space<vmem>>, vector<1x16xf32>,
      %get3A_867 = vector.shape_cast %get3A_866 : vector<1x16xf32> to vector<16xf32>
      %abs3A_868 = math.absf %get3A_867 : vector<16xf32>
      %max3A_869 = arith.maximumf %max3A_837, %abs3A_868 : vector<16xf32>
      %add3A_870 = arith.constant 32 : i32
      %add3A_871 = arith.addi %add3A_870, %scan3A_659 : i32
      %get3A_872 = arith.index_cast %add3A_871 : i32 to index
      %get3A_873 = arith.constant 416 : index
      %get3A_874 = tpu.vector_load %arg5[%get3A_872, %get3A_873] {strides = array<i32>} : memref<128x512xf32, #tpu.memory_space<vmem>>, vector<1x16xf32>,
      %get3A_875 = vector.shape_cast %get3A_874 : vector<1x16xf32> to vector<16xf32>
      %abs3A_876 = math.absf %get3A_875 : vector<16xf32>
      %max3A_877 = arith.maximumf %max3A_845, %abs3A_876 : vector<16xf32>
      %add3A_878 = arith.constant 32 : i32
      %add3A_879 = arith.addi %add3A_878, %scan3A_659 : i32
      %get3A_880 = arith.index_cast %add3A_879 : i32 to index
      %get3A_881 = arith.constant 432 : index
      %get3A_882 = tpu.vector_load %arg5[%get3A_880, %get3A_881] {strides = array<i32>} : memref<128x512xf32, #tpu.memory_space<vmem>>, vector<1x16xf32>,
      %get3A_883 = vector.shape_cast %get3A_882 : vector<1x16xf32> to vector<16xf32>
      %abs3A_884 = math.absf %get3A_883 : vector<16xf32>
      %max3A_885 = arith.maximumf %max3A_853, %abs3A_884 : vector<16xf32>
      %add3A_886 = arith.constant 32 : i32
      %add3A_887 = arith.addi %add3A_886, %scan3A_659 : i32
      %get3A_888 = arith.index_cast %add3A_887 : i32 to index
      %get3A_889 = arith.constant 448 : index
      %get3A_890 = tpu.vector_load %arg5[%get3A_888, %get3A_889] {strides = array<i32>} : memref<128x512xf32, #tpu.memory_space<vmem>>, vector<1x16xf32>,
      %get3A_891 = vector.shape_cast %get3A_890 : vector<1x16xf32> to vector<16xf32>
      %abs3A_892 = math.absf %get3A_891 : vector<16xf32>
      %max3A_893 = arith.maximumf %max3A_861, %abs3A_892 : vector<16xf32>
      %add3A_894 = arith.constant 32 : i32
      %add3A_895 = arith.addi %add3A_894, %scan3A_659 : i32
      %get3A_896 = arith.index_cast %add3A_895 : i32 to index
      %get3A_897 = arith.constant 464 : index
      %get3A_898 = tpu.vector_load %arg5[%get3A_896, %get3A_897] {strides = array<i32>} : memref<128x512xf32, #tpu.memory_space<vmem>>, vector<1x16xf32>,
      %get3A_899 = vector.shape_cast %get3A_898 : vector<1x16xf32> to vector<16xf32>
      %abs3A_900 = math.absf %get3A_899 : vector<16xf32>
      %max3A_901 = arith.maximumf %max3A_869, %abs3A_900 : vector<16xf32>
      %add3A_902 = arith.constant 32 : i32
      %add3A_903 = arith.addi %add3A_902, %scan3A_659 : i32
      %get3A_904 = arith.index_cast %add3A_903 : i32 to index
      %get3A_905 = arith.constant 480 : index
      %get3A_906 = tpu.vector_load %arg5[%get3A_904, %get3A_905] {strides = array<i32>} : memref<128x512xf32, #tpu.memory_space<vmem>>, vector<1x16xf32>,
      %get3A_907 = vector.shape_cast %get3A_906 : vector<1x16xf32> to vector<16xf32>
      %abs3A_908 = math.absf %get3A_907 : vector<16xf32>
      %max3A_909 = arith.maximumf %max3A_877, %abs3A_908 : vector<16xf32>
      %add3A_910 = arith.constant 32 : i32
      %add3A_911 = arith.addi %add3A_910, %scan3A_659 : i32
      %get3A_912 = arith.index_cast %add3A_911 : i32 to index
      %get3A_913 = arith.constant 496 : index
      %get3A_914 = tpu.vector_load %arg5[%get3A_912, %get3A_913] {strides = array<i32>} : memref<128x512xf32, #tpu.memory_space<vmem>>, vector<1x16xf32>,
      %get3A_915 = vector.shape_cast %get3A_914 : vector<1x16xf32> to vector<16xf32>
      %abs3A_916 = math.absf %get3A_915 : vector<16xf32>
      %max3A_917 = arith.maximumf %max3A_885, %abs3A_916 : vector<16xf32>
      scf.yield %max3A_893, %max3A_901, %max3A_909, %max3A_917 : vector<16xf32>, vector<16xf32>, vector<16xf32>, vector<16xf32>
    }
    %scan3A_217 = arith.constant 32 : i32
    %max3A_218 = arith.maximumf %scan3A_216#0, %scan3A_216#1 : vector<16xf32>
    %max3A_219 = arith.maximumf %scan3A_216#2, %scan3A_216#3 : vector<16xf32>
    %max3A_220 = arith.maximumf %max3A_218, %max3A_219 : vector<16xf32>
    %xor3A_221 = arith.constant 1 : i32
    %xor3A_222 = vector.broadcast %xor3A_221 : i32 to vector<16xi32>
    %xor3A_223 = arith.xori %iota3A, %xor3A_222 : vector<16xi32>
    %lt3A_224 = arith.constant 0 : i32
    %lt3A_225 = vector.broadcast %lt3A_224 : i32 to vector<16xi32>
    %lt3A_226 = arith.cmpi slt, %xor3A_223, %lt3A_225 : vector<16xi32>
    %add3A_227 = arith.constant 16 : i32
    %add3A_228 = vector.broadcast %add3A_227 : i32 to vector<16xi32>
    %add3A_229 = arith.addi %xor3A_223, %add3A_228 : vector<16xi32>
    %select_n3A_230 = arith.select %lt3A_226, %add3A_229, %xor3A_223 : vector<16xi1>, vector<16xi32>
    %broadcast_in_dim3A_231 = vector.shape_cast %select_n3A_230 : vector<16xi32> to vector<16x1xi32>
    %gather3A_232 = vector.shape_cast %broadcast_in_dim3A_231 : vector<16x1xi32> to vector<16xi32>
    %gather3A_233 = tpu.dynamic_gather %max3A_220[%gather3A_232] in [0] : vector<16xf32>, vector<16xi32> -> vector<16xf32>
    %max3A_234 = arith.maximumf %max3A_220, %gather3A_233 : vector<16xf32>
    %xor3A_235 = arith.constant 2 : i32
    %xor3A_236 = vector.broadcast %xor3A_235 : i32 to vector<16xi32>
    %xor3A_237 = arith.xori %iota3A, %xor3A_236 : vector<16xi32>
    %lt3A_238 = arith.constant 0 : i32
    %lt3A_239 = vector.broadcast %lt3A_238 : i32 to vector<16xi32>
    %lt3A_240 = arith.cmpi slt, %xor3A_237, %lt3A_239 : vector<16xi32>
    %add3A_241 = arith.constant 16 : i32
    %add3A_242 = vector.broadcast %add3A_241 : i32 to vector<16xi32>
    %add3A_243 = arith.addi %xor3A_237, %add3A_242 : vector<16xi32>
    %select_n3A_244 = arith.select %lt3A_240, %add3A_243, %xor3A_237 : vector<16xi1>, vector<16xi32>
    %broadcast_in_dim3A_245 = vector.shape_cast %select_n3A_244 : vector<16xi32> to vector<16x1xi32>
    %gather3A_246 = vector.shape_cast %broadcast_in_dim3A_245 : vector<16x1xi32> to vector<16xi32>
    %gather3A_247 = tpu.dynamic_gather %max3A_234[%gather3A_246] in [0] : vector<16xf32>, vector<16xi32> -> vector<16xf32>
    %max3A_248 = arith.maximumf %max3A_234, %gather3A_247 : vector<16xf32>
    %xor3A_249 = arith.constant 4 : i32
    %xor3A_250 = vector.broadcast %xor3A_249 : i32 to vector<16xi32>
    %xor3A_251 = arith.xori %iota3A, %xor3A_250 : vector<16xi32>
    %lt3A_252 = arith.constant 0 : i32
    %lt3A_253 = vector.broadcast %lt3A_252 : i32 to vector<16xi32>
    %lt3A_254 = arith.cmpi slt, %xor3A_251, %lt3A_253 : vector<16xi32>
    %add3A_255 = arith.constant 16 : i32
    %add3A_256 = vector.broadcast %add3A_255 : i32 to vector<16xi32>
    %add3A_257 = arith.addi %xor3A_251, %add3A_256 : vector<16xi32>
    %select_n3A_258 = arith.select %lt3A_254, %add3A_257, %xor3A_251 : vector<16xi1>, vector<16xi32>
    %broadcast_in_dim3A_259 = vector.shape_cast %select_n3A_258 : vector<16xi32> to vector<16x1xi32>
    %gather3A_260 = vector.shape_cast %broadcast_in_dim3A_259 : vector<16x1xi32> to vector<16xi32>
    %gather3A_261 = tpu.dynamic_gather %max3A_248[%gather3A_260] in [0] : vector<16xf32>, vector<16xi32> -> vector<16xf32>
    %max3A_262 = arith.maximumf %max3A_248, %gather3A_261 : vector<16xf32>
    %xor3A_263 = arith.constant 8 : i32
    %xor3A_264 = vector.broadcast %xor3A_263 : i32 to vector<16xi32>
    %xor3A_265 = arith.xori %iota3A, %xor3A_264 : vector<16xi32>
    %lt3A_266 = arith.constant 0 : i32
    %lt3A_267 = vector.broadcast %lt3A_266 : i32 to vector<16xi32>
    %lt3A_268 = arith.cmpi slt, %xor3A_265, %lt3A_267 : vector<16xi32>
    %add3A_269 = arith.constant 16 : i32
    %add3A_270 = vector.broadcast %add3A_269 : i32 to vector<16xi32>
    %add3A_271 = arith.addi %xor3A_265, %add3A_270 : vector<16xi32>
    %select_n3A_272 = arith.select %lt3A_268, %add3A_271, %xor3A_265 : vector<16xi1>, vector<16xi32>
    %broadcast_in_dim3A_273 = vector.shape_cast %select_n3A_272 : vector<16xi32> to vector<16x1xi32>
    %gather3A_274 = vector.shape_cast %broadcast_in_dim3A_273 : vector<16x1xi32> to vector<16xi32>
    %gather3A_275 = tpu.dynamic_gather %max3A_262[%gather3A_274] in [0] : vector<16xf32>, vector<16xi32> -> vector<16xf32>
    %max3A_276 = arith.maximumf %max3A_262, %gather3A_275 : vector<16xf32>
    %slice3A_277 = vector.extract_strided_slice %max3A_276 {offsets = [0], sizes = [1], strides = [1]} : vector<16xf32> to vector<1xf32>
    %squeeze3A_278 = vector.extract %slice3A_277[0] : f32 from vector<1xf32>
    %gt3A_279 = arith.constant 0.000000e+00 : f32
    %gt3A_280 = arith.cmpf ogt, %squeeze3A_278, %gt3A_279 : f32
    %jit3A_281 = arith.constant 1 : i32
    %select_n3A_282 = arith.select %gt3A_280, %jit3A_281, %select_n3A_159 : i32
    %mul3A_283 = arith.constant 1 : i32
    %mul3A_284 = arith.constant 32 : i32
    %mul3A_285 = arith.muli %mul3A_283, %mul3A_284 : i32
    %add3A_286 = arith.addi %mul3A_32, %mul3A_285 : i32
    %dma_start3A_287 = arith.constant 32 : i32
    %dma_start3A_288 = arith.constant 0 : i32
    %dma_start3A_289 = tpu.memref_slice %arg5[%dma_start3A_287, %dma_start3A_288] : memref<128x512xf32, #tpu.memory_space<vmem>> -> memref<32x512xf32, #tpu.memory_space<vmem>>
    %dma_start3A_290 = arith.constant 0 : i32
    %dma_start3A_291 = tpu.memref_slice %arg3[%select_n3A, %add3A_286, %dma_start3A_290] : memref<16x4096x512xf32, #tpu.memory_space<hbm>> -> memref<1x32x512xf32, #tpu.memory_space<hbm>>
    %dma_start3A_292 = tpu.memref_squeeze %dma_start3A_291 : memref<1x32x512xf32, #tpu.memory_space<hbm>> -> memref<32x512xf32, #tpu.memory_space<hbm>>
    %dma_start3A_293 = arith.constant 0 : i32
    %dma_start3A_294 = tpu.memref_slice %arg3[%select_n3A, %add3A_286, %dma_start3A_293] : memref<16x4096x512xf32, #tpu.memory_space<hbm>> -> memref<1x32x512xf32, #tpu.memory_space<hbm>>
    %dma_start3A_295 = tpu.memref_squeeze %dma_start3A_294 : memref<1x32x512xf32, #tpu.memory_space<hbm>> -> memref<32x512xf32, #tpu.memory_space<hbm>>
    %dma_start3A_296 = arith.constant 32 : i32
    %dma_start3A_297 = arith.constant 0 : i32
    %dma_start3A_298 = tpu.memref_slice %arg5[%dma_start3A_296, %dma_start3A_297] : memref<128x512xf32, #tpu.memory_space<vmem>> -> memref<32x512xf32, #tpu.memory_space<vmem>>
    tpu.enqueue_dma source(%dma_start3A_298 : memref<32x512xf32, #tpu.memory_space<vmem>>) target(%dma_start3A_295 : memref<32x512xf32, #tpu.memory_space<hbm>>) target_semaphore(%arg12 : memref<!tpu.dma_semaphore, #tpu.memory_space<semaphore_mem>>)
    %scan3A_299 = arith.constant 0 : i32
    %scan3A_300 = arith.constant 15 : i32
    %scan3A_301 = arith.addi %scan3A_299, %scan3A_300 : i32
    %scan3A_302 = arith.constant 1 : i32
    %scan3A_303 = scf.for %scan3A_659 = %scan3A_299 to %scan3A_301 step %scan3A_302 iter_args(%scan3A_660 = %select_n3A_282) -> (i32)  : i32 {
      %mul3A_661 = arith.constant 4 : i32
      %mul3A_662 = arith.muli %scan3A_659, %mul3A_661 : i32
      %add3A_663 = arith.constant 2 : i32
      %add3A_664 = arith.addi %add3A_663, %mul3A_662 : i32
      %add3A_665 = arith.constant 0 : i32
      %add3A_666 = arith.addi %add3A_664, %add3A_665 : i32
      %add3A_667 = arith.constant 0 : i32
      %add3A_668 = arith.addi %mul3A_32, %add3A_667 : i32
      %dma_wait3A_669 = arith.constant 0 : i32
      %dma_wait3A_670 = arith.constant 0 : i32
      %dma_wait3A_671 = tpu.memref_slice %arg5[%dma_wait3A_669, %dma_wait3A_670] : memref<128x512xf32, #tpu.memory_space<vmem>> -> memref<32x512xf32, #tpu.memory_space<vmem>>
      %dma_wait3A_672 = arith.constant 0 : i32
      %dma_wait3A_673 = tpu.memref_slice %arg3[%select_n3A, %add3A_668, %dma_wait3A_672] : memref<16x4096x512xf32, #tpu.memory_space<hbm>> -> memref<1x32x512xf32, #tpu.memory_space<hbm>>
      %dma_wait3A_674 = tpu.memref_squeeze %dma_wait3A_673 : memref<1x32x512xf32, #tpu.memory_space<hbm>> -> memref<32x512xf32, #tpu.memory_space<hbm>>
      %dma_wait3A_675 = arith.constant 0 : i32
      %dma_wait3A_676 = tpu.memref_slice %arg3[%select_n3A, %add3A_668, %dma_wait3A_675] : memref<16x4096x512xf32, #tpu.memory_space<hbm>> -> memref<1x32x512xf32, #tpu.memory_space<hbm>>
      %dma_wait3A_677 = tpu.memref_squeeze %dma_wait3A_676 : memref<1x32x512xf32, #tpu.memory_space<hbm>> -> memref<32x512xf32, #tpu.memory_space<hbm>>
      %dma_wait3A_678 = arith.constant 0 : i32
      %dma_wait3A_679 = arith.constant 0 : i32
      %dma_wait3A_680 = tpu.memref_slice %arg5[%dma_wait3A_678, %dma_wait3A_679] : memref<128x512xf32, #tpu.memory_space<vmem>> -> memref<32x512xf32, #tpu.memory_space<vmem>>
      tpu.wait_dma2 semaphore(%arg11 : memref<!tpu.dma_semaphore, #tpu.memory_space<semaphore_mem>>) src(%dma_wait3A_680 : memref<32x512xf32, #tpu.memory_space<vmem>>) dst(%dma_wait3A_677 : memref<32x512xf32, #tpu.memory_space<hbm>>)
      %add3A_681 = arith.constant 2 : i32
      %add3A_682 = arith.addi %add3A_666, %add3A_681 : i32
      %min3A_683 = arith.constant 63 : i32
      %min3A_684 = arith.minsi %add3A_682, %min3A_683 : i32
      %mul3A_685 = arith.constant 32 : i32
      %mul3A_686 = arith.muli %min3A_684, %mul3A_685 : i32
      %add3A_687 = arith.addi %mul3A_32, %mul3A_686 : i32
      %dma_start3A_688 = arith.constant 0 : i32
      %dma_start3A_689 = arith.constant 0 : i32
      %dma_start3A_690 = tpu.memref_slice %arg5[%dma_start3A_688, %dma_start3A_689] : memref<128x512xf32, #tpu.memory_space<vmem>> -> memref<32x512xf32, #tpu.memory_space<vmem>>
      %dma_start3A_691 = arith.constant 0 : i32
      %dma_start3A_692 = tpu.memref_slice %arg2[%select_n3A, %add3A_687, %dma_start3A_691] : memref<16x4096x512xf32, #tpu.memory_space<hbm>> -> memref<1x32x512xf32, #tpu.memory_space<hbm>>
      %dma_start3A_693 = tpu.memref_squeeze %dma_start3A_692 : memref<1x32x512xf32, #tpu.memory_space<hbm>> -> memref<32x512xf32, #tpu.memory_space<hbm>>
      %dma_start3A_694 = arith.constant 0 : i32
      %dma_start3A_695 = arith.constant 0 : i32
      %dma_start3A_696 = tpu.memref_slice %arg5[%dma_start3A_694, %dma_start3A_695] : memref<128x512xf32, #tpu.memory_space<vmem>> -> memref<32x512xf32, #tpu.memory_space<vmem>>
      %dma_start3A_697 = arith.constant 0 : i32
      %dma_start3A_698 = tpu.memref_slice %arg2[%select_n3A, %add3A_687, %dma_start3A_697] : memref<16x4096x512xf32, #tpu.memory_space<hbm>> -> memref<1x32x512xf32, #tpu.memory_space<hbm>>
      %dma_start3A_699 = tpu.memref_squeeze %dma_start3A_698 : memref<1x32x512xf32, #tpu.memory_space<hbm>> -> memref<32x512xf32, #tpu.memory_space<hbm>>
      tpu.enqueue_dma source(%dma_start3A_699 : memref<32x512xf32, #tpu.memory_space<hbm>>) target(%dma_start3A_696 : memref<32x512xf32, #tpu.memory_space<vmem>>) target_semaphore(%arg7 : memref<!tpu.dma_semaphore, #tpu.memory_space<semaphore_mem>>)
      %mul3A_700 = arith.constant 32 : i32
      %mul3A_701 = arith.muli %add3A_666, %mul3A_700 : i32
      %add3A_702 = arith.addi %mul3A_32, %mul3A_701 : i32
      %dma_wait3A_703 = arith.constant 64 : i32
      %dma_wait3A_704 = arith.constant 0 : i32
      %dma_wait3A_705 = tpu.memref_slice %arg5[%dma_wait3A_703, %dma_wait3A_704] : memref<128x512xf32, #tpu.memory_space<vmem>> -> memref<32x512xf32, #tpu.memory_space<vmem>>
      %dma_wait3A_706 = arith.constant 0 : i32
      %dma_wait3A_707 = tpu.memref_slice %arg2[%select_n3A, %add3A_702, %dma_wait3A_706] : memref<16x4096x512xf32, #tpu.memory_space<hbm>> -> memref<1x32x512xf32, #tpu.memory_space<hbm>>
      %dma_wait3A_708 = tpu.memref_squeeze %dma_wait3A_707 : memref<1x32x512xf32, #tpu.memory_space<hbm>> -> memref<32x512xf32, #tpu.memory_space<hbm>>
      %dma_wait3A_709 = arith.constant 64 : i32
      %dma_wait3A_710 = arith.constant 0 : i32
      %dma_wait3A_711 = tpu.memref_slice %arg5[%dma_wait3A_709, %dma_wait3A_710] : memref<128x512xf32, #tpu.memory_space<vmem>> -> memref<32x512xf32, #tpu.memory_space<vmem>>
      %dma_wait3A_712 = arith.constant 0 : i32
      %dma_wait3A_713 = tpu.memref_slice %arg2[%select_n3A, %add3A_702, %dma_wait3A_712] : memref<16x4096x512xf32, #tpu.memory_space<hbm>> -> memref<1x32x512xf32, #tpu.memory_space<hbm>>
      %dma_wait3A_714 = tpu.memref_squeeze %dma_wait3A_713 : memref<1x32x512xf32, #tpu.memory_space<hbm>> -> memref<32x512xf32, #tpu.memory_space<hbm>>
      tpu.wait_dma2 semaphore(%arg9 : memref<!tpu.dma_semaphore, #tpu.memory_space<semaphore_mem>>) src(%dma_wait3A_714 : memref<32x512xf32, #tpu.memory_space<hbm>>) dst(%dma_wait3A_711 : memref<32x512xf32, #tpu.memory_space<vmem>>)
      %scan3A_715 = arith.constant 0 : i32
      %scan3A_716 = arith.constant 32 : i32
      %scan3A_717 = arith.addi %scan3A_715, %scan3A_716 : i32
      %scan3A_718 = arith.constant 1 : i32
      %scan3A_719:4 = scf.for %scan3A_1217 = %scan3A_715 to %scan3A_717 step %scan3A_718 iter_args(%scan3A_1218 = %broadcast_in_dim3A_33, %scan3A_1219 = %broadcast_in_dim3A_33, %scan3A_1220 = %broadcast_in_dim3A_33, %scan3A_1221 = %broadcast_in_dim3A_33) -> (vector<16xf32>, vector<16xf32>, vector<16xf32>, vector<16xf32>)  : i32 {
        %add3A_1222 = arith.constant 64 : i32
        %add3A_1223 = arith.addi %add3A_1222, %scan3A_1217 : i32
        %get3A = arith.index_cast %add3A_1223 : i32 to index
        %get3A_1224 = arith.constant 0 : index
        %get3A_1225 = tpu.vector_load %arg5[%get3A, %get3A_1224] {strides = array<i32>} : memref<128x512xf32, #tpu.memory_space<vmem>>, vector<1x16xf32>,
        %get3A_1226 = vector.shape_cast %get3A_1225 : vector<1x16xf32> to vector<16xf32>
        %abs3A = math.absf %get3A_1226 : vector<16xf32>
        %max3A_1227 = arith.maximumf %scan3A_1218, %abs3A : vector<16xf32>
        %add3A_1228 = arith.constant 64 : i32
        %add3A_1229 = arith.addi %add3A_1228, %scan3A_1217 : i32
        %get3A_1230 = arith.index_cast %add3A_1229 : i32 to index
        %get3A_1231 = arith.constant 16 : index
        %get3A_1232 = tpu.vector_load %arg5[%get3A_1230, %get3A_1231] {strides = array<i32>} : memref<128x512xf32, #tpu.memory_space<vmem>>, vector<1x16xf32>,
        %get3A_1233 = vector.shape_cast %get3A_1232 : vector<1x16xf32> to vector<16xf32>
        %abs3A_1234 = math.absf %get3A_1233 : vector<16xf32>
        %max3A_1235 = arith.maximumf %scan3A_1219, %abs3A_1234 : vector<16xf32>
        %add3A_1236 = arith.constant 64 : i32
        %add3A_1237 = arith.addi %add3A_1236, %scan3A_1217 : i32
        %get3A_1238 = arith.index_cast %add3A_1237 : i32 to index
        %get3A_1239 = arith.constant 32 : index
        %get3A_1240 = tpu.vector_load %arg5[%get3A_1238, %get3A_1239] {strides = array<i32>} : memref<128x512xf32, #tpu.memory_space<vmem>>, vector<1x16xf32>,
        %get3A_1241 = vector.shape_cast %get3A_1240 : vector<1x16xf32> to vector<16xf32>
        %abs3A_1242 = math.absf %get3A_1241 : vector<16xf32>
        %max3A_1243 = arith.maximumf %scan3A_1220, %abs3A_1242 : vector<16xf32>
        %add3A_1244 = arith.constant 64 : i32
        %add3A_1245 = arith.addi %add3A_1244, %scan3A_1217 : i32
        %get3A_1246 = arith.index_cast %add3A_1245 : i32 to index
        %get3A_1247 = arith.constant 48 : index
        %get3A_1248 = tpu.vector_load %arg5[%get3A_1246, %get3A_1247] {strides = array<i32>} : memref<128x512xf32, #tpu.memory_space<vmem>>, vector<1x16xf32>,
        %get3A_1249 = vector.shape_cast %get3A_1248 : vector<1x16xf32> to vector<16xf32>
        %abs3A_1250 = math.absf %get3A_1249 : vector<16xf32>
        %max3A_1251 = arith.maximumf %scan3A_1221, %abs3A_1250 : vector<16xf32>
        %add3A_1252 = arith.constant 64 : i32
        %add3A_1253 = arith.addi %add3A_1252, %scan3A_1217 : i32
        %get3A_1254 = arith.index_cast %add3A_1253 : i32 to index
        %get3A_1255 = arith.constant 64 : index
        %get3A_1256 = tpu.vector_load %arg5[%get3A_1254, %get3A_1255] {strides = array<i32>} : memref<128x512xf32, #tpu.memory_space<vmem>>, vector<1x16xf32>,
        %get3A_1257 = vector.shape_cast %get3A_1256 : vector<1x16xf32> to vector<16xf32>
        %abs3A_1258 = math.absf %get3A_1257 : vector<16xf32>
        %max3A_1259 = arith.maximumf %max3A_1227, %abs3A_1258 : vector<16xf32>
        %add3A_1260 = arith.constant 64 : i32
        %add3A_1261 = arith.addi %add3A_1260, %scan3A_1217 : i32
        %get3A_1262 = arith.index_cast %add3A_1261 : i32 to index
        %get3A_1263 = arith.constant 80 : index
        %get3A_1264 = tpu.vector_load %arg5[%get3A_1262, %get3A_1263] {strides = array<i32>} : memref<128x512xf32, #tpu.memory_space<vmem>>, vector<1x16xf32>,
        %get3A_1265 = vector.shape_cast %get3A_1264 : vector<1x16xf32> to vector<16xf32>
        %abs3A_1266 = math.absf %get3A_1265 : vector<16xf32>
        %max3A_1267 = arith.maximumf %max3A_1235, %abs3A_1266 : vector<16xf32>
        %add3A_1268 = arith.constant 64 : i32
        %add3A_1269 = arith.addi %add3A_1268, %scan3A_1217 : i32
        %get3A_1270 = arith.index_cast %add3A_1269 : i32 to index
        %get3A_1271 = arith.constant 96 : index
        %get3A_1272 = tpu.vector_load %arg5[%get3A_1270, %get3A_1271] {strides = array<i32>} : memref<128x512xf32, #tpu.memory_space<vmem>>, vector<1x16xf32>,
        %get3A_1273 = vector.shape_cast %get3A_1272 : vector<1x16xf32> to vector<16xf32>
        %abs3A_1274 = math.absf %get3A_1273 : vector<16xf32>
        %max3A_1275 = arith.maximumf %max3A_1243, %abs3A_1274 : vector<16xf32>
        %add3A_1276 = arith.constant 64 : i32
        %add3A_1277 = arith.addi %add3A_1276, %scan3A_1217 : i32
        %get3A_1278 = arith.index_cast %add3A_1277 : i32 to index
        %get3A_1279 = arith.constant 112 : index
        %get3A_1280 = tpu.vector_load %arg5[%get3A_1278, %get3A_1279] {strides = array<i32>} : memref<128x512xf32, #tpu.memory_space<vmem>>, vector<1x16xf32>,
        %get3A_1281 = vector.shape_cast %get3A_1280 : vector<1x16xf32> to vector<16xf32>
        %abs3A_1282 = math.absf %get3A_1281 : vector<16xf32>
        %max3A_1283 = arith.maximumf %max3A_1251, %abs3A_1282 : vector<16xf32>
        %add3A_1284 = arith.constant 64 : i32
        %add3A_1285 = arith.addi %add3A_1284, %scan3A_1217 : i32
        %get3A_1286 = arith.index_cast %add3A_1285 : i32 to index
        %get3A_1287 = arith.constant 128 : index
        %get3A_1288 = tpu.vector_load %arg5[%get3A_1286, %get3A_1287] {strides = array<i32>} : memref<128x512xf32, #tpu.memory_space<vmem>>, vector<1x16xf32>,
        %get3A_1289 = vector.shape_cast %get3A_1288 : vector<1x16xf32> to vector<16xf32>
        %abs3A_1290 = math.absf %get3A_1289 : vector<16xf32>
        %max3A_1291 = arith.maximumf %max3A_1259, %abs3A_1290 : vector<16xf32>
        %add3A_1292 = arith.constant 64 : i32
        %add3A_1293 = arith.addi %add3A_1292, %scan3A_1217 : i32
        %get3A_1294 = arith.index_cast %add3A_1293 : i32 to index
        %get3A_1295 = arith.constant 144 : index
        %get3A_1296 = tpu.vector_load %arg5[%get3A_1294, %get3A_1295] {strides = array<i32>} : memref<128x512xf32, #tpu.memory_space<vmem>>, vector<1x16xf32>,
        %get3A_1297 = vector.shape_cast %get3A_1296 : vector<1x16xf32> to vector<16xf32>
        %abs3A_1298 = math.absf %get3A_1297 : vector<16xf32>
        %max3A_1299 = arith.maximumf %max3A_1267, %abs3A_1298 : vector<16xf32>
        %add3A_1300 = arith.constant 64 : i32
        %add3A_1301 = arith.addi %add3A_1300, %scan3A_1217 : i32
        %get3A_1302 = arith.index_cast %add3A_1301 : i32 to index
        %get3A_1303 = arith.constant 160 : index
        %get3A_1304 = tpu.vector_load %arg5[%get3A_1302, %get3A_1303] {strides = array<i32>} : memref<128x512xf32, #tpu.memory_space<vmem>>, vector<1x16xf32>,
        %get3A_1305 = vector.shape_cast %get3A_1304 : vector<1x16xf32> to vector<16xf32>
        %abs3A_1306 = math.absf %get3A_1305 : vector<16xf32>
        %max3A_1307 = arith.maximumf %max3A_1275, %abs3A_1306 : vector<16xf32>
        %add3A_1308 = arith.constant 64 : i32
        %add3A_1309 = arith.addi %add3A_1308, %scan3A_1217 : i32
        %get3A_1310 = arith.index_cast %add3A_1309 : i32 to index
        %get3A_1311 = arith.constant 176 : index
        %get3A_1312 = tpu.vector_load %arg5[%get3A_1310, %get3A_1311] {strides = array<i32>} : memref<128x512xf32, #tpu.memory_space<vmem>>, vector<1x16xf32>,
        %get3A_1313 = vector.shape_cast %get3A_1312 : vector<1x16xf32> to vector<16xf32>
        %abs3A_1314 = math.absf %get3A_1313 : vector<16xf32>
        %max3A_1315 = arith.maximumf %max3A_1283, %abs3A_1314 : vector<16xf32>
        %add3A_1316 = arith.constant 64 : i32
        %add3A_1317 = arith.addi %add3A_1316, %scan3A_1217 : i32
        %get3A_1318 = arith.index_cast %add3A_1317 : i32 to index
        %get3A_1319 = arith.constant 192 : index
        %get3A_1320 = tpu.vector_load %arg5[%get3A_1318, %get3A_1319] {strides = array<i32>} : memref<128x512xf32, #tpu.memory_space<vmem>>, vector<1x16xf32>,
        %get3A_1321 = vector.shape_cast %get3A_1320 : vector<1x16xf32> to vector<16xf32>
        %abs3A_1322 = math.absf %get3A_1321 : vector<16xf32>
        %max3A_1323 = arith.maximumf %max3A_1291, %abs3A_1322 : vector<16xf32>
        %add3A_1324 = arith.constant 64 : i32
        %add3A_1325 = arith.addi %add3A_1324, %scan3A_1217 : i32
        %get3A_1326 = arith.index_cast %add3A_1325 : i32 to index
        %get3A_1327 = arith.constant 208 : index
        %get3A_1328 = tpu.vector_load %arg5[%get3A_1326, %get3A_1327] {strides = array<i32>} : memref<128x512xf32, #tpu.memory_space<vmem>>, vector<1x16xf32>,
        %get3A_1329 = vector.shape_cast %get3A_1328 : vector<1x16xf32> to vector<16xf32>
        %abs3A_1330 = math.absf %get3A_1329 : vector<16xf32>
        %max3A_1331 = arith.maximumf %max3A_1299, %abs3A_1330 : vector<16xf32>
        %add3A_1332 = arith.constant 64 : i32
        %add3A_1333 = arith.addi %add3A_1332, %scan3A_1217 : i32
        %get3A_1334 = arith.index_cast %add3A_1333 : i32 to index
        %get3A_1335 = arith.constant 224 : index
        %get3A_1336 = tpu.vector_load %arg5[%get3A_1334, %get3A_1335] {strides = array<i32>} : memref<128x512xf32, #tpu.memory_space<vmem>>, vector<1x16xf32>,
        %get3A_1337 = vector.shape_cast %get3A_1336 : vector<1x16xf32> to vector<16xf32>
        %abs3A_1338 = math.absf %get3A_1337 : vector<16xf32>
        %max3A_1339 = arith.maximumf %max3A_1307, %abs3A_1338 : vector<16xf32>
        %add3A_1340 = arith.constant 64 : i32
        %add3A_1341 = arith.addi %add3A_1340, %scan3A_1217 : i32
        %get3A_1342 = arith.index_cast %add3A_1341 : i32 to index
        %get3A_1343 = arith.constant 240 : index
        %get3A_1344 = tpu.vector_load %arg5[%get3A_1342, %get3A_1343] {strides = array<i32>} : memref<128x512xf32, #tpu.memory_space<vmem>>, vector<1x16xf32>,
        %get3A_1345 = vector.shape_cast %get3A_1344 : vector<1x16xf32> to vector<16xf32>
        %abs3A_1346 = math.absf %get3A_1345 : vector<16xf32>
        %max3A_1347 = arith.maximumf %max3A_1315, %abs3A_1346 : vector<16xf32>
        %add3A_1348 = arith.constant 64 : i32
        %add3A_1349 = arith.addi %add3A_1348, %scan3A_1217 : i32
        %get3A_1350 = arith.index_cast %add3A_1349 : i32 to index
        %get3A_1351 = arith.constant 256 : index
        %get3A_1352 = tpu.vector_load %arg5[%get3A_1350, %get3A_1351] {strides = array<i32>} : memref<128x512xf32, #tpu.memory_space<vmem>>, vector<1x16xf32>,
        %get3A_1353 = vector.shape_cast %get3A_1352 : vector<1x16xf32> to vector<16xf32>
        %abs3A_1354 = math.absf %get3A_1353 : vector<16xf32>
        %max3A_1355 = arith.maximumf %max3A_1323, %abs3A_1354 : vector<16xf32>
        %add3A_1356 = arith.constant 64 : i32
        %add3A_1357 = arith.addi %add3A_1356, %scan3A_1217 : i32
        %get3A_1358 = arith.index_cast %add3A_1357 : i32 to index
        %get3A_1359 = arith.constant 272 : index
        %get3A_1360 = tpu.vector_load %arg5[%get3A_1358, %get3A_1359] {strides = array<i32>} : memref<128x512xf32, #tpu.memory_space<vmem>>, vector<1x16xf32>,
        %get3A_1361 = vector.shape_cast %get3A_1360 : vector<1x16xf32> to vector<16xf32>
        %abs3A_1362 = math.absf %get3A_1361 : vector<16xf32>
        %max3A_1363 = arith.maximumf %max3A_1331, %abs3A_1362 : vector<16xf32>
        %add3A_1364 = arith.constant 64 : i32
        %add3A_1365 = arith.addi %add3A_1364, %scan3A_1217 : i32
        %get3A_1366 = arith.index_cast %add3A_1365 : i32 to index
        %get3A_1367 = arith.constant 288 : index
        %get3A_1368 = tpu.vector_load %arg5[%get3A_1366, %get3A_1367] {strides = array<i32>} : memref<128x512xf32, #tpu.memory_space<vmem>>, vector<1x16xf32>,
        %get3A_1369 = vector.shape_cast %get3A_1368 : vector<1x16xf32> to vector<16xf32>
        %abs3A_1370 = math.absf %get3A_1369 : vector<16xf32>
        %max3A_1371 = arith.maximumf %max3A_1339, %abs3A_1370 : vector<16xf32>
        %add3A_1372 = arith.constant 64 : i32
        %add3A_1373 = arith.addi %add3A_1372, %scan3A_1217 : i32
        %get3A_1374 = arith.index_cast %add3A_1373 : i32 to index
        %get3A_1375 = arith.constant 304 : index
        %get3A_1376 = tpu.vector_load %arg5[%get3A_1374, %get3A_1375] {strides = array<i32>} : memref<128x512xf32, #tpu.memory_space<vmem>>, vector<1x16xf32>,
        %get3A_1377 = vector.shape_cast %get3A_1376 : vector<1x16xf32> to vector<16xf32>
        %abs3A_1378 = math.absf %get3A_1377 : vector<16xf32>
        %max3A_1379 = arith.maximumf %max3A_1347, %abs3A_1378 : vector<16xf32>
        %add3A_1380 = arith.constant 64 : i32
        %add3A_1381 = arith.addi %add3A_1380, %scan3A_1217 : i32
        %get3A_1382 = arith.index_cast %add3A_1381 : i32 to index
        %get3A_1383 = arith.constant 320 : index
        %get3A_1384 = tpu.vector_load %arg5[%get3A_1382, %get3A_1383] {strides = array<i32>} : memref<128x512xf32, #tpu.memory_space<vmem>>, vector<1x16xf32>,
        %get3A_1385 = vector.shape_cast %get3A_1384 : vector<1x16xf32> to vector<16xf32>
        %abs3A_1386 = math.absf %get3A_1385 : vector<16xf32>
        %max3A_1387 = arith.maximumf %max3A_1355, %abs3A_1386 : vector<16xf32>
        %add3A_1388 = arith.constant 64 : i32
        %add3A_1389 = arith.addi %add3A_1388, %scan3A_1217 : i32
        %get3A_1390 = arith.index_cast %add3A_1389 : i32 to index
        %get3A_1391 = arith.constant 336 : index
        %get3A_1392 = tpu.vector_load %arg5[%get3A_1390, %get3A_1391] {strides = array<i32>} : memref<128x512xf32, #tpu.memory_space<vmem>>, vector<1x16xf32>,
        %get3A_1393 = vector.shape_cast %get3A_1392 : vector<1x16xf32> to vector<16xf32>
        %abs3A_1394 = math.absf %get3A_1393 : vector<16xf32>
        %max3A_1395 = arith.maximumf %max3A_1363, %abs3A_1394 : vector<16xf32>
        %add3A_1396 = arith.constant 64 : i32
        %add3A_1397 = arith.addi %add3A_1396, %scan3A_1217 : i32
        %get3A_1398 = arith.index_cast %add3A_1397 : i32 to index
        %get3A_1399 = arith.constant 352 : index
        %get3A_1400 = tpu.vector_load %arg5[%get3A_1398, %get3A_1399] {strides = array<i32>} : memref<128x512xf32, #tpu.memory_space<vmem>>, vector<1x16xf32>,
        %get3A_1401 = vector.shape_cast %get3A_1400 : vector<1x16xf32> to vector<16xf32>
        %abs3A_1402 = math.absf %get3A_1401 : vector<16xf32>
        %max3A_1403 = arith.maximumf %max3A_1371, %abs3A_1402 : vector<16xf32>
        %add3A_1404 = arith.constant 64 : i32
        %add3A_1405 = arith.addi %add3A_1404, %scan3A_1217 : i32
        %get3A_1406 = arith.index_cast %add3A_1405 : i32 to index
        %get3A_1407 = arith.constant 368 : index
        %get3A_1408 = tpu.vector_load %arg5[%get3A_1406, %get3A_1407] {strides = array<i32>} : memref<128x512xf32, #tpu.memory_space<vmem>>, vector<1x16xf32>,
        %get3A_1409 = vector.shape_cast %get3A_1408 : vector<1x16xf32> to vector<16xf32>
        %abs3A_1410 = math.absf %get3A_1409 : vector<16xf32>
        %max3A_1411 = arith.maximumf %max3A_1379, %abs3A_1410 : vector<16xf32>
        %add3A_1412 = arith.constant 64 : i32
        %add3A_1413 = arith.addi %add3A_1412, %scan3A_1217 : i32
        %get3A_1414 = arith.index_cast %add3A_1413 : i32 to index
        %get3A_1415 = arith.constant 384 : index
        %get3A_1416 = tpu.vector_load %arg5[%get3A_1414, %get3A_1415] {strides = array<i32>} : memref<128x512xf32, #tpu.memory_space<vmem>>, vector<1x16xf32>,
        %get3A_1417 = vector.shape_cast %get3A_1416 : vector<1x16xf32> to vector<16xf32>
        %abs3A_1418 = math.absf %get3A_1417 : vector<16xf32>
        %max3A_1419 = arith.maximumf %max3A_1387, %abs3A_1418 : vector<16xf32>
        %add3A_1420 = arith.constant 64 : i32
        %add3A_1421 = arith.addi %add3A_1420, %scan3A_1217 : i32
        %get3A_1422 = arith.index_cast %add3A_1421 : i32 to index
        %get3A_1423 = arith.constant 400 : index
        %get3A_1424 = tpu.vector_load %arg5[%get3A_1422, %get3A_1423] {strides = array<i32>} : memref<128x512xf32, #tpu.memory_space<vmem>>, vector<1x16xf32>,
        %get3A_1425 = vector.shape_cast %get3A_1424 : vector<1x16xf32> to vector<16xf32>
        %abs3A_1426 = math.absf %get3A_1425 : vector<16xf32>
        %max3A_1427 = arith.maximumf %max3A_1395, %abs3A_1426 : vector<16xf32>
        %add3A_1428 = arith.constant 64 : i32
        %add3A_1429 = arith.addi %add3A_1428, %scan3A_1217 : i32
        %get3A_1430 = arith.index_cast %add3A_1429 : i32 to index
        %get3A_1431 = arith.constant 416 : index
        %get3A_1432 = tpu.vector_load %arg5[%get3A_1430, %get3A_1431] {strides = array<i32>} : memref<128x512xf32, #tpu.memory_space<vmem>>, vector<1x16xf32>,
        %get3A_1433 = vector.shape_cast %get3A_1432 : vector<1x16xf32> to vector<16xf32>
        %abs3A_1434 = math.absf %get3A_1433 : vector<16xf32>
        %max3A_1435 = arith.maximumf %max3A_1403, %abs3A_1434 : vector<16xf32>
        %add3A_1436 = arith.constant 64 : i32
        %add3A_1437 = arith.addi %add3A_1436, %scan3A_1217 : i32
        %get3A_1438 = arith.index_cast %add3A_1437 : i32 to index
        %get3A_1439 = arith.constant 432 : index
        %get3A_1440 = tpu.vector_load %arg5[%get3A_1438, %get3A_1439] {strides = array<i32>} : memref<128x512xf32, #tpu.memory_space<vmem>>, vector<1x16xf32>,
        %get3A_1441 = vector.shape_cast %get3A_1440 : vector<1x16xf32> to vector<16xf32>
        %abs3A_1442 = math.absf %get3A_1441 : vector<16xf32>
        %max3A_1443 = arith.maximumf %max3A_1411, %abs3A_1442 : vector<16xf32>
        %add3A_1444 = arith.constant 64 : i32
        %add3A_1445 = arith.addi %add3A_1444, %scan3A_1217 : i32
        %get3A_1446 = arith.index_cast %add3A_1445 : i32 to index
        %get3A_1447 = arith.constant 448 : index
        %get3A_1448 = tpu.vector_load %arg5[%get3A_1446, %get3A_1447] {strides = array<i32>} : memref<128x512xf32, #tpu.memory_space<vmem>>, vector<1x16xf32>,
        %get3A_1449 = vector.shape_cast %get3A_1448 : vector<1x16xf32> to vector<16xf32>
        %abs3A_1450 = math.absf %get3A_1449 : vector<16xf32>
        %max3A_1451 = arith.maximumf %max3A_1419, %abs3A_1450 : vector<16xf32>
        %add3A_1452 = arith.constant 64 : i32
        %add3A_1453 = arith.addi %add3A_1452, %scan3A_1217 : i32
        %get3A_1454 = arith.index_cast %add3A_1453 : i32 to index
        %get3A_1455 = arith.constant 464 : index
        %get3A_1456 = tpu.vector_load %arg5[%get3A_1454, %get3A_1455] {strides = array<i32>} : memref<128x512xf32, #tpu.memory_space<vmem>>, vector<1x16xf32>,
        %get3A_1457 = vector.shape_cast %get3A_1456 : vector<1x16xf32> to vector<16xf32>
        %abs3A_1458 = math.absf %get3A_1457 : vector<16xf32>
        %max3A_1459 = arith.maximumf %max3A_1427, %abs3A_1458 : vector<16xf32>
        %add3A_1460 = arith.constant 64 : i32
        %add3A_1461 = arith.addi %add3A_1460, %scan3A_1217 : i32
        %get3A_1462 = arith.index_cast %add3A_1461 : i32 to index
        %get3A_1463 = arith.constant 480 : index
        %get3A_1464 = tpu.vector_load %arg5[%get3A_1462, %get3A_1463] {strides = array<i32>} : memref<128x512xf32, #tpu.memory_space<vmem>>, vector<1x16xf32>,
        %get3A_1465 = vector.shape_cast %get3A_1464 : vector<1x16xf32> to vector<16xf32>
        %abs3A_1466 = math.absf %get3A_1465 : vector<16xf32>
        %max3A_1467 = arith.maximumf %max3A_1435, %abs3A_1466 : vector<16xf32>
        %add3A_1468 = arith.constant 64 : i32
        %add3A_1469 = arith.addi %add3A_1468, %scan3A_1217 : i32
        %get3A_1470 = arith.index_cast %add3A_1469 : i32 to index
        %get3A_1471 = arith.constant 496 : index
        %get3A_1472 = tpu.vector_load %arg5[%get3A_1470, %get3A_1471] {strides = array<i32>} : memref<128x512xf32, #tpu.memory_space<vmem>>, vector<1x16xf32>,
        %get3A_1473 = vector.shape_cast %get3A_1472 : vector<1x16xf32> to vector<16xf32>
        %abs3A_1474 = math.absf %get3A_1473 : vector<16xf32>
        %max3A_1475 = arith.maximumf %max3A_1443, %abs3A_1474 : vector<16xf32>
        scf.yield %max3A_1451, %max3A_1459, %max3A_1467, %max3A_1475 : vector<16xf32>, vector<16xf32>, vector<16xf32>, vector<16xf32>
      }
      %scan3A_720 = arith.constant 32 : i32
      %max3A_721 = arith.maximumf %scan3A_719#0, %scan3A_719#1 : vector<16xf32>
      %max3A_722 = arith.maximumf %scan3A_719#2, %scan3A_719#3 : vector<16xf32>
      %max3A_723 = arith.maximumf %max3A_721, %max3A_722 : vector<16xf32>
      %xor3A_724 = arith.constant 1 : i32
      %xor3A_725 = vector.broadcast %xor3A_724 : i32 to vector<16xi32>
      %xor3A_726 = arith.xori %iota3A, %xor3A_725 : vector<16xi32>
      %lt3A_727 = arith.constant 0 : i32
      %lt3A_728 = vector.broadcast %lt3A_727 : i32 to vector<16xi32>
      %lt3A_729 = arith.cmpi slt, %xor3A_726, %lt3A_728 : vector<16xi32>
      %add3A_730 = arith.constant 16 : i32
      %add3A_731 = vector.broadcast %add3A_730 : i32 to vector<16xi32>
      %add3A_732 = arith.addi %xor3A_726, %add3A_731 : vector<16xi32>
      %select_n3A_733 = arith.select %lt3A_729, %add3A_732, %xor3A_726 : vector<16xi1>, vector<16xi32>
      %broadcast_in_dim3A_734 = vector.shape_cast %select_n3A_733 : vector<16xi32> to vector<16x1xi32>
      %gather3A_735 = vector.shape_cast %broadcast_in_dim3A_734 : vector<16x1xi32> to vector<16xi32>
      %gather3A_736 = tpu.dynamic_gather %max3A_723[%gather3A_735] in [0] : vector<16xf32>, vector<16xi32> -> vector<16xf32>
      %max3A_737 = arith.maximumf %max3A_723, %gather3A_736 : vector<16xf32>
      %xor3A_738 = arith.constant 2 : i32
      %xor3A_739 = vector.broadcast %xor3A_738 : i32 to vector<16xi32>
      %xor3A_740 = arith.xori %iota3A, %xor3A_739 : vector<16xi32>
      %lt3A_741 = arith.constant 0 : i32
      %lt3A_742 = vector.broadcast %lt3A_741 : i32 to vector<16xi32>
      %lt3A_743 = arith.cmpi slt, %xor3A_740, %lt3A_742 : vector<16xi32>
      %add3A_744 = arith.constant 16 : i32
      %add3A_745 = vector.broadcast %add3A_744 : i32 to vector<16xi32>
      %add3A_746 = arith.addi %xor3A_740, %add3A_745 : vector<16xi32>
      %select_n3A_747 = arith.select %lt3A_743, %add3A_746, %xor3A_740 : vector<16xi1>, vector<16xi32>
      %broadcast_in_dim3A_748 = vector.shape_cast %select_n3A_747 : vector<16xi32> to vector<16x1xi32>
      %gather3A_749 = vector.shape_cast %broadcast_in_dim3A_748 : vector<16x1xi32> to vector<16xi32>
      %gather3A_750 = tpu.dynamic_gather %max3A_737[%gather3A_749] in [0] : vector<16xf32>, vector<16xi32> -> vector<16xf32>
      %max3A_751 = arith.maximumf %max3A_737, %gather3A_750 : vector<16xf32>
      %xor3A_752 = arith.constant 4 : i32
      %xor3A_753 = vector.broadcast %xor3A_752 : i32 to vector<16xi32>
      %xor3A_754 = arith.xori %iota3A, %xor3A_753 : vector<16xi32>
      %lt3A_755 = arith.constant 0 : i32
      %lt3A_756 = vector.broadcast %lt3A_755 : i32 to vector<16xi32>
      %lt3A_757 = arith.cmpi slt, %xor3A_754, %lt3A_756 : vector<16xi32>
      %add3A_758 = arith.constant 16 : i32
      %add3A_759 = vector.broadcast %add3A_758 : i32 to vector<16xi32>
      %add3A_760 = arith.addi %xor3A_754, %add3A_759 : vector<16xi32>
      %select_n3A_761 = arith.select %lt3A_757, %add3A_760, %xor3A_754 : vector<16xi1>, vector<16xi32>
      %broadcast_in_dim3A_762 = vector.shape_cast %select_n3A_761 : vector<16xi32> to vector<16x1xi32>
      %gather3A_763 = vector.shape_cast %broadcast_in_dim3A_762 : vector<16x1xi32> to vector<16xi32>
      %gather3A_764 = tpu.dynamic_gather %max3A_751[%gather3A_763] in [0] : vector<16xf32>, vector<16xi32> -> vector<16xf32>
      %max3A_765 = arith.maximumf %max3A_751, %gather3A_764 : vector<16xf32>
      %xor3A_766 = arith.constant 8 : i32
      %xor3A_767 = vector.broadcast %xor3A_766 : i32 to vector<16xi32>
      %xor3A_768 = arith.xori %iota3A, %xor3A_767 : vector<16xi32>
      %lt3A_769 = arith.constant 0 : i32
      %lt3A_770 = vector.broadcast %lt3A_769 : i32 to vector<16xi32>
      %lt3A_771 = arith.cmpi slt, %xor3A_768, %lt3A_770 : vector<16xi32>
      %add3A_772 = arith.constant 16 : i32
      %add3A_773 = vector.broadcast %add3A_772 : i32 to vector<16xi32>
      %add3A_774 = arith.addi %xor3A_768, %add3A_773 : vector<16xi32>
      %select_n3A_775 = arith.select %lt3A_771, %add3A_774, %xor3A_768 : vector<16xi1>, vector<16xi32>
      %broadcast_in_dim3A_776 = vector.shape_cast %select_n3A_775 : vector<16xi32> to vector<16x1xi32>
      %gather3A_777 = vector.shape_cast %broadcast_in_dim3A_776 : vector<16x1xi32> to vector<16xi32>
      %gather3A_778 = tpu.dynamic_gather %max3A_765[%gather3A_777] in [0] : vector<16xf32>, vector<16xi32> -> vector<16xf32>
      %max3A_779 = arith.maximumf %max3A_765, %gather3A_778 : vector<16xf32>
      %slice3A_780 = vector.extract_strided_slice %max3A_779 {offsets = [0], sizes = [1], strides = [1]} : vector<16xf32> to vector<1xf32>
      %squeeze3A_781 = vector.extract %slice3A_780[0] : f32 from vector<1xf32>
      %gt3A_782 = arith.constant 0.000000e+00 : f32
      %gt3A_783 = arith.cmpf ogt, %squeeze3A_781, %gt3A_782 : f32
      %select_n3A_784 = arith.select %gt3A_783, %add3A_666, %scan3A_660 : i32
      %mul3A_785 = arith.constant 32 : i32
      %mul3A_786 = arith.muli %add3A_666, %mul3A_785 : i32
      %add3A_787 = arith.addi %mul3A_32, %mul3A_786 : i32
      %dma_start3A_788 = arith.constant 64 : i32
      %dma_start3A_789 = arith.constant 0 : i32
      %dma_start3A_790 = tpu.memref_slice %arg5[%dma_start3A_788, %dma_start3A_789] : memref<128x512xf32, #tpu.memory_space<vmem>> -> memref<32x512xf32, #tpu.memory_space<vmem>>
      %dma_start3A_791 = arith.constant 0 : i32
      %dma_start3A_792 = tpu.memref_slice %arg3[%select_n3A, %add3A_787, %dma_start3A_791] : memref<16x4096x512xf32, #tpu.memory_space<hbm>> -> memref<1x32x512xf32, #tpu.memory_space<hbm>>
      %dma_start3A_793 = tpu.memref_squeeze %dma_start3A_792 : memref<1x32x512xf32, #tpu.memory_space<hbm>> -> memref<32x512xf32, #tpu.memory_space<hbm>>
      %dma_start3A_794 = arith.constant 0 : i32
      %dma_start3A_795 = tpu.memref_slice %arg3[%select_n3A, %add3A_787, %dma_start3A_794] : memref<16x4096x512xf32, #tpu.memory_space<hbm>> -> memref<1x32x512xf32, #tpu.memory_space<hbm>>
      %dma_start3A_796 = tpu.memref_squeeze %dma_start3A_795 : memref<1x32x512xf32, #tpu.memory_space<hbm>> -> memref<32x512xf32, #tpu.memory_space<hbm>>
      %dma_start3A_797 = arith.constant 64 : i32
      %dma_start3A_798 = arith.constant 0 : i32
      %dma_start3A_799 = tpu.memref_slice %arg5[%dma_start3A_797, %dma_start3A_798] : memref<128x512xf32, #tpu.memory_space<vmem>> -> memref<32x512xf32, #tpu.memory_space<vmem>>
      tpu.enqueue_dma source(%dma_start3A_799 : memref<32x512xf32, #tpu.memory_space<vmem>>) target(%dma_start3A_796 : memref<32x512xf32, #tpu.memory_space<hbm>>) target_semaphore(%arg13 : memref<!tpu.dma_semaphore, #tpu.memory_space<semaphore_mem>>)
      %mul3A_800 = arith.constant 4 : i32
      %mul3A_801 = arith.muli %scan3A_659, %mul3A_800 : i32
      %add3A_802 = arith.constant 2 : i32
      %add3A_803 = arith.addi %add3A_802, %mul3A_801 : i32
      %add3A_804 = arith.constant 1 : i32
      %add3A_805 = arith.addi %add3A_803, %add3A_804 : i32
      %add3A_806 = arith.constant 0 : i32
      %add3A_807 = arith.addi %mul3A_32, %add3A_806 : i32
      %dma_wait3A_808 = arith.constant 32 : i32
      %dma_wait3A_809 = arith.constant 0 : i32
      %dma_wait3A_810 = tpu.memref_slice %arg5[%dma_wait3A_808, %dma_wait3A_809] : memref<128x512xf32, #tpu.memory_space<vmem>> -> memref<32x512xf32, #tpu.memory_space<vmem>>
      %dma_wait3A_811 = arith.constant 0 : i32
      %dma_wait3A_812 = tpu.memref_slice %arg3[%select_n3A, %add3A_807, %dma_wait3A_811] : memref<16x4096x512xf32, #tpu.memory_space<hbm>> -> memref<1x32x512xf32, #tpu.memory_space<hbm>>
      %dma_wait3A_813 = tpu.memref_squeeze %dma_wait3A_812 : memref<1x32x512xf32, #tpu.memory_space<hbm>> -> memref<32x512xf32, #tpu.memory_space<hbm>>
      %dma_wait3A_814 = arith.constant 0 : i32
      %dma_wait3A_815 = tpu.memref_slice %arg3[%select_n3A, %add3A_807, %dma_wait3A_814] : memref<16x4096x512xf32, #tpu.memory_space<hbm>> -> memref<1x32x512xf32, #tpu.memory_space<hbm>>
      %dma_wait3A_816 = tpu.memref_squeeze %dma_wait3A_815 : memref<1x32x512xf32, #tpu.memory_space<hbm>> -> memref<32x512xf32, #tpu.memory_space<hbm>>
      %dma_wait3A_817 = arith.constant 32 : i32
      %dma_wait3A_818 = arith.constant 0 : i32
      %dma_wait3A_819 = tpu.memref_slice %arg5[%dma_wait3A_817, %dma_wait3A_818] : memref<128x512xf32, #tpu.memory_space<vmem>> -> memref<32x512xf32, #tpu.memory_space<vmem>>
      tpu.wait_dma2 semaphore(%arg12 : memref<!tpu.dma_semaphore, #tpu.memory_space<semaphore_mem>>) src(%dma_wait3A_819 : memref<32x512xf32, #tpu.memory_space<vmem>>) dst(%dma_wait3A_816 : memref<32x512xf32, #tpu.memory_space<hbm>>)
      %add3A_820 = arith.constant 2 : i32
      %add3A_821 = arith.addi %add3A_805, %add3A_820 : i32
      %min3A_822 = arith.constant 63 : i32
      %min3A_823 = arith.minsi %add3A_821, %min3A_822 : i32
      %mul3A_824 = arith.constant 32 : i32
      %mul3A_825 = arith.muli %min3A_823, %mul3A_824 : i32
      %add3A_826 = arith.addi %mul3A_32, %mul3A_825 : i32
      %dma_start3A_827 = arith.constant 32 : i32
      %dma_start3A_828 = arith.constant 0 : i32
      %dma_start3A_829 = tpu.memref_slice %arg5[%dma_start3A_827, %dma_start3A_828] : memref<128x512xf32, #tpu.memory_space<vmem>> -> memref<32x512xf32, #tpu.memory_space<vmem>>
      %dma_start3A_830 = arith.constant 0 : i32
      %dma_start3A_831 = tpu.memref_slice %arg2[%select_n3A, %add3A_826, %dma_start3A_830] : memref<16x4096x512xf32, #tpu.memory_space<hbm>> -> memref<1x32x512xf32, #tpu.memory_space<hbm>>
      %dma_start3A_832 = tpu.memref_squeeze %dma_start3A_831 : memref<1x32x512xf32, #tpu.memory_space<hbm>> -> memref<32x512xf32, #tpu.memory_space<hbm>>
      %dma_start3A_833 = arith.constant 32 : i32
      %dma_start3A_834 = arith.constant 0 : i32
      %dma_start3A_835 = tpu.memref_slice %arg5[%dma_start3A_833, %dma_start3A_834] : memref<128x512xf32, #tpu.memory_space<vmem>> -> memref<32x512xf32, #tpu.memory_space<vmem>>
      %dma_start3A_836 = arith.constant 0 : i32
      %dma_start3A_837 = tpu.memref_slice %arg2[%select_n3A, %add3A_826, %dma_start3A_836] : memref<16x4096x512xf32, #tpu.memory_space<hbm>> -> memref<1x32x512xf32, #tpu.memory_space<hbm>>
      %dma_start3A_838 = tpu.memref_squeeze %dma_start3A_837 : memref<1x32x512xf32, #tpu.memory_space<hbm>> -> memref<32x512xf32, #tpu.memory_space<hbm>>
      tpu.enqueue_dma source(%dma_start3A_838 : memref<32x512xf32, #tpu.memory_space<hbm>>) target(%dma_start3A_835 : memref<32x512xf32, #tpu.memory_space<vmem>>) target_semaphore(%arg8 : memref<!tpu.dma_semaphore, #tpu.memory_space<semaphore_mem>>)
      %mul3A_839 = arith.constant 32 : i32
      %mul3A_840 = arith.muli %add3A_805, %mul3A_839 : i32
      %add3A_841 = arith.addi %mul3A_32, %mul3A_840 : i32
      %dma_wait3A_842 = arith.constant 96 : i32
      %dma_wait3A_843 = arith.constant 0 : i32
      %dma_wait3A_844 = tpu.memref_slice %arg5[%dma_wait3A_842, %dma_wait3A_843] : memref<128x512xf32, #tpu.memory_space<vmem>> -> memref<32x512xf32, #tpu.memory_space<vmem>>
      %dma_wait3A_845 = arith.constant 0 : i32
      %dma_wait3A_846 = tpu.memref_slice %arg2[%select_n3A, %add3A_841, %dma_wait3A_845] : memref<16x4096x512xf32, #tpu.memory_space<hbm>> -> memref<1x32x512xf32, #tpu.memory_space<hbm>>
      %dma_wait3A_847 = tpu.memref_squeeze %dma_wait3A_846 : memref<1x32x512xf32, #tpu.memory_space<hbm>> -> memref<32x512xf32, #tpu.memory_space<hbm>>
      %dma_wait3A_848 = arith.constant 96 : i32
      %dma_wait3A_849 = arith.constant 0 : i32
      %dma_wait3A_850 = tpu.memref_slice %arg5[%dma_wait3A_848, %dma_wait3A_849] : memref<128x512xf32, #tpu.memory_space<vmem>> -> memref<32x512xf32, #tpu.memory_space<vmem>>
      %dma_wait3A_851 = arith.constant 0 : i32
      %dma_wait3A_852 = tpu.memref_slice %arg2[%select_n3A, %add3A_841, %dma_wait3A_851] : memref<16x4096x512xf32, #tpu.memory_space<hbm>> -> memref<1x32x512xf32, #tpu.memory_space<hbm>>
      %dma_wait3A_853 = tpu.memref_squeeze %dma_wait3A_852 : memref<1x32x512xf32, #tpu.memory_space<hbm>> -> memref<32x512xf32, #tpu.memory_space<hbm>>
      tpu.wait_dma2 semaphore(%arg10 : memref<!tpu.dma_semaphore, #tpu.memory_space<semaphore_mem>>) src(%dma_wait3A_853 : memref<32x512xf32, #tpu.memory_space<hbm>>) dst(%dma_wait3A_850 : memref<32x512xf32, #tpu.memory_space<vmem>>)
      %scan3A_854 = arith.constant 0 : i32
      %scan3A_855 = arith.constant 32 : i32
      %scan3A_856 = arith.addi %scan3A_854, %scan3A_855 : i32
      %scan3A_857 = arith.constant 1 : i32
      %scan3A_858:4 = scf.for %scan3A_1217 = %scan3A_854 to %scan3A_856 step %scan3A_857 iter_args(%scan3A_1218 = %broadcast_in_dim3A_33, %scan3A_1219 = %broadcast_in_dim3A_33, %scan3A_1220 = %broadcast_in_dim3A_33, %scan3A_1221 = %broadcast_in_dim3A_33) -> (vector<16xf32>, vector<16xf32>, vector<16xf32>, vector<16xf32>)  : i32 {
        %add3A_1222 = arith.constant 96 : i32
        %add3A_1223 = arith.addi %add3A_1222, %scan3A_1217 : i32
        %get3A = arith.index_cast %add3A_1223 : i32 to index
        %get3A_1224 = arith.constant 0 : index
        %get3A_1225 = tpu.vector_load %arg5[%get3A, %get3A_1224] {strides = array<i32>} : memref<128x512xf32, #tpu.memory_space<vmem>>, vector<1x16xf32>,
        %get3A_1226 = vector.shape_cast %get3A_1225 : vector<1x16xf32> to vector<16xf32>
        %abs3A = math.absf %get3A_1226 : vector<16xf32>
        %max3A_1227 = arith.maximumf %scan3A_1218, %abs3A : vector<16xf32>
        %add3A_1228 = arith.constant 96 : i32
        %add3A_1229 = arith.addi %add3A_1228, %scan3A_1217 : i32
        %get3A_1230 = arith.index_cast %add3A_1229 : i32 to index
        %get3A_1231 = arith.constant 16 : index
        %get3A_1232 = tpu.vector_load %arg5[%get3A_1230, %get3A_1231] {strides = array<i32>} : memref<128x512xf32, #tpu.memory_space<vmem>>, vector<1x16xf32>,
        %get3A_1233 = vector.shape_cast %get3A_1232 : vector<1x16xf32> to vector<16xf32>
        %abs3A_1234 = math.absf %get3A_1233 : vector<16xf32>
        %max3A_1235 = arith.maximumf %scan3A_1219, %abs3A_1234 : vector<16xf32>
        %add3A_1236 = arith.constant 96 : i32
        %add3A_1237 = arith.addi %add3A_1236, %scan3A_1217 : i32
        %get3A_1238 = arith.index_cast %add3A_1237 : i32 to index
        %get3A_1239 = arith.constant 32 : index
        %get3A_1240 = tpu.vector_load %arg5[%get3A_1238, %get3A_1239] {strides = array<i32>} : memref<128x512xf32, #tpu.memory_space<vmem>>, vector<1x16xf32>,
        %get3A_1241 = vector.shape_cast %get3A_1240 : vector<1x16xf32> to vector<16xf32>
        %abs3A_1242 = math.absf %get3A_1241 : vector<16xf32>
        %max3A_1243 = arith.maximumf %scan3A_1220, %abs3A_1242 : vector<16xf32>
        %add3A_1244 = arith.constant 96 : i32
        %add3A_1245 = arith.addi %add3A_1244, %scan3A_1217 : i32
        %get3A_1246 = arith.index_cast %add3A_1245 : i32 to index
        %get3A_1247 = arith.constant 48 : index
        %get3A_1248 = tpu.vector_load %arg5[%get3A_1246, %get3A_1247] {strides = array<i32>} : memref<128x512xf32, #tpu.memory_space<vmem>>, vector<1x16xf32>,
        %get3A_1249 = vector.shape_cast %get3A_1248 : vector<1x16xf32> to vector<16xf32>
        %abs3A_1250 = math.absf %get3A_1249 : vector<16xf32>
        %max3A_1251 = arith.maximumf %scan3A_1221, %abs3A_1250 : vector<16xf32>
        %add3A_1252 = arith.constant 96 : i32
        %add3A_1253 = arith.addi %add3A_1252, %scan3A_1217 : i32
        %get3A_1254 = arith.index_cast %add3A_1253 : i32 to index
        %get3A_1255 = arith.constant 64 : index
        %get3A_1256 = tpu.vector_load %arg5[%get3A_1254, %get3A_1255] {strides = array<i32>} : memref<128x512xf32, #tpu.memory_space<vmem>>, vector<1x16xf32>,
        %get3A_1257 = vector.shape_cast %get3A_1256 : vector<1x16xf32> to vector<16xf32>
        %abs3A_1258 = math.absf %get3A_1257 : vector<16xf32>
        %max3A_1259 = arith.maximumf %max3A_1227, %abs3A_1258 : vector<16xf32>
        %add3A_1260 = arith.constant 96 : i32
        %add3A_1261 = arith.addi %add3A_1260, %scan3A_1217 : i32
        %get3A_1262 = arith.index_cast %add3A_1261 : i32 to index
        %get3A_1263 = arith.constant 80 : index
        %get3A_1264 = tpu.vector_load %arg5[%get3A_1262, %get3A_1263] {strides = array<i32>} : memref<128x512xf32, #tpu.memory_space<vmem>>, vector<1x16xf32>,
        %get3A_1265 = vector.shape_cast %get3A_1264 : vector<1x16xf32> to vector<16xf32>
        %abs3A_1266 = math.absf %get3A_1265 : vector<16xf32>
        %max3A_1267 = arith.maximumf %max3A_1235, %abs3A_1266 : vector<16xf32>
        %add3A_1268 = arith.constant 96 : i32
        %add3A_1269 = arith.addi %add3A_1268, %scan3A_1217 : i32
        %get3A_1270 = arith.index_cast %add3A_1269 : i32 to index
        %get3A_1271 = arith.constant 96 : index
        %get3A_1272 = tpu.vector_load %arg5[%get3A_1270, %get3A_1271] {strides = array<i32>} : memref<128x512xf32, #tpu.memory_space<vmem>>, vector<1x16xf32>,
        %get3A_1273 = vector.shape_cast %get3A_1272 : vector<1x16xf32> to vector<16xf32>
        %abs3A_1274 = math.absf %get3A_1273 : vector<16xf32>
        %max3A_1275 = arith.maximumf %max3A_1243, %abs3A_1274 : vector<16xf32>
        %add3A_1276 = arith.constant 96 : i32
        %add3A_1277 = arith.addi %add3A_1276, %scan3A_1217 : i32
        %get3A_1278 = arith.index_cast %add3A_1277 : i32 to index
        %get3A_1279 = arith.constant 112 : index
        %get3A_1280 = tpu.vector_load %arg5[%get3A_1278, %get3A_1279] {strides = array<i32>} : memref<128x512xf32, #tpu.memory_space<vmem>>, vector<1x16xf32>,
        %get3A_1281 = vector.shape_cast %get3A_1280 : vector<1x16xf32> to vector<16xf32>
        %abs3A_1282 = math.absf %get3A_1281 : vector<16xf32>
        %max3A_1283 = arith.maximumf %max3A_1251, %abs3A_1282 : vector<16xf32>
        %add3A_1284 = arith.constant 96 : i32
        %add3A_1285 = arith.addi %add3A_1284, %scan3A_1217 : i32
        %get3A_1286 = arith.index_cast %add3A_1285 : i32 to index
        %get3A_1287 = arith.constant 128 : index
        %get3A_1288 = tpu.vector_load %arg5[%get3A_1286, %get3A_1287] {strides = array<i32>} : memref<128x512xf32, #tpu.memory_space<vmem>>, vector<1x16xf32>,
        %get3A_1289 = vector.shape_cast %get3A_1288 : vector<1x16xf32> to vector<16xf32>
        %abs3A_1290 = math.absf %get3A_1289 : vector<16xf32>
        %max3A_1291 = arith.maximumf %max3A_1259, %abs3A_1290 : vector<16xf32>
        %add3A_1292 = arith.constant 96 : i32
        %add3A_1293 = arith.addi %add3A_1292, %scan3A_1217 : i32
        %get3A_1294 = arith.index_cast %add3A_1293 : i32 to index
        %get3A_1295 = arith.constant 144 : index
        %get3A_1296 = tpu.vector_load %arg5[%get3A_1294, %get3A_1295] {strides = array<i32>} : memref<128x512xf32, #tpu.memory_space<vmem>>, vector<1x16xf32>,
        %get3A_1297 = vector.shape_cast %get3A_1296 : vector<1x16xf32> to vector<16xf32>
        %abs3A_1298 = math.absf %get3A_1297 : vector<16xf32>
        %max3A_1299 = arith.maximumf %max3A_1267, %abs3A_1298 : vector<16xf32>
        %add3A_1300 = arith.constant 96 : i32
        %add3A_1301 = arith.addi %add3A_1300, %scan3A_1217 : i32
        %get3A_1302 = arith.index_cast %add3A_1301 : i32 to index
        %get3A_1303 = arith.constant 160 : index
        %get3A_1304 = tpu.vector_load %arg5[%get3A_1302, %get3A_1303] {strides = array<i32>} : memref<128x512xf32, #tpu.memory_space<vmem>>, vector<1x16xf32>,
        %get3A_1305 = vector.shape_cast %get3A_1304 : vector<1x16xf32> to vector<16xf32>
        %abs3A_1306 = math.absf %get3A_1305 : vector<16xf32>
        %max3A_1307 = arith.maximumf %max3A_1275, %abs3A_1306 : vector<16xf32>
        %add3A_1308 = arith.constant 96 : i32
        %add3A_1309 = arith.addi %add3A_1308, %scan3A_1217 : i32
        %get3A_1310 = arith.index_cast %add3A_1309 : i32 to index
        %get3A_1311 = arith.constant 176 : index
        %get3A_1312 = tpu.vector_load %arg5[%get3A_1310, %get3A_1311] {strides = array<i32>} : memref<128x512xf32, #tpu.memory_space<vmem>>, vector<1x16xf32>,
        %get3A_1313 = vector.shape_cast %get3A_1312 : vector<1x16xf32> to vector<16xf32>
        %abs3A_1314 = math.absf %get3A_1313 : vector<16xf32>
        %max3A_1315 = arith.maximumf %max3A_1283, %abs3A_1314 : vector<16xf32>
        %add3A_1316 = arith.constant 96 : i32
        %add3A_1317 = arith.addi %add3A_1316, %scan3A_1217 : i32
        %get3A_1318 = arith.index_cast %add3A_1317 : i32 to index
        %get3A_1319 = arith.constant 192 : index
        %get3A_1320 = tpu.vector_load %arg5[%get3A_1318, %get3A_1319] {strides = array<i32>} : memref<128x512xf32, #tpu.memory_space<vmem>>, vector<1x16xf32>,
        %get3A_1321 = vector.shape_cast %get3A_1320 : vector<1x16xf32> to vector<16xf32>
        %abs3A_1322 = math.absf %get3A_1321 : vector<16xf32>
        %max3A_1323 = arith.maximumf %max3A_1291, %abs3A_1322 : vector<16xf32>
        %add3A_1324 = arith.constant 96 : i32
        %add3A_1325 = arith.addi %add3A_1324, %scan3A_1217 : i32
        %get3A_1326 = arith.index_cast %add3A_1325 : i32 to index
        %get3A_1327 = arith.constant 208 : index
        %get3A_1328 = tpu.vector_load %arg5[%get3A_1326, %get3A_1327] {strides = array<i32>} : memref<128x512xf32, #tpu.memory_space<vmem>>, vector<1x16xf32>,
        %get3A_1329 = vector.shape_cast %get3A_1328 : vector<1x16xf32> to vector<16xf32>
        %abs3A_1330 = math.absf %get3A_1329 : vector<16xf32>
        %max3A_1331 = arith.maximumf %max3A_1299, %abs3A_1330 : vector<16xf32>
        %add3A_1332 = arith.constant 96 : i32
        %add3A_1333 = arith.addi %add3A_1332, %scan3A_1217 : i32
        %get3A_1334 = arith.index_cast %add3A_1333 : i32 to index
        %get3A_1335 = arith.constant 224 : index
        %get3A_1336 = tpu.vector_load %arg5[%get3A_1334, %get3A_1335] {strides = array<i32>} : memref<128x512xf32, #tpu.memory_space<vmem>>, vector<1x16xf32>,
        %get3A_1337 = vector.shape_cast %get3A_1336 : vector<1x16xf32> to vector<16xf32>
        %abs3A_1338 = math.absf %get3A_1337 : vector<16xf32>
        %max3A_1339 = arith.maximumf %max3A_1307, %abs3A_1338 : vector<16xf32>
        %add3A_1340 = arith.constant 96 : i32
        %add3A_1341 = arith.addi %add3A_1340, %scan3A_1217 : i32
        %get3A_1342 = arith.index_cast %add3A_1341 : i32 to index
        %get3A_1343 = arith.constant 240 : index
        %get3A_1344 = tpu.vector_load %arg5[%get3A_1342, %get3A_1343] {strides = array<i32>} : memref<128x512xf32, #tpu.memory_space<vmem>>, vector<1x16xf32>,
        %get3A_1345 = vector.shape_cast %get3A_1344 : vector<1x16xf32> to vector<16xf32>
        %abs3A_1346 = math.absf %get3A_1345 : vector<16xf32>
        %max3A_1347 = arith.maximumf %max3A_1315, %abs3A_1346 : vector<16xf32>
        %add3A_1348 = arith.constant 96 : i32
        %add3A_1349 = arith.addi %add3A_1348, %scan3A_1217 : i32
        %get3A_1350 = arith.index_cast %add3A_1349 : i32 to index
        %get3A_1351 = arith.constant 256 : index
        %get3A_1352 = tpu.vector_load %arg5[%get3A_1350, %get3A_1351] {strides = array<i32>} : memref<128x512xf32, #tpu.memory_space<vmem>>, vector<1x16xf32>,
        %get3A_1353 = vector.shape_cast %get3A_1352 : vector<1x16xf32> to vector<16xf32>
        %abs3A_1354 = math.absf %get3A_1353 : vector<16xf32>
        %max3A_1355 = arith.maximumf %max3A_1323, %abs3A_1354 : vector<16xf32>
        %add3A_1356 = arith.constant 96 : i32
        %add3A_1357 = arith.addi %add3A_1356, %scan3A_1217 : i32
        %get3A_1358 = arith.index_cast %add3A_1357 : i32 to index
        %get3A_1359 = arith.constant 272 : index
        %get3A_1360 = tpu.vector_load %arg5[%get3A_1358, %get3A_1359] {strides = array<i32>} : memref<128x512xf32, #tpu.memory_space<vmem>>, vector<1x16xf32>,
        %get3A_1361 = vector.shape_cast %get3A_1360 : vector<1x16xf32> to vector<16xf32>
        %abs3A_1362 = math.absf %get3A_1361 : vector<16xf32>
        %max3A_1363 = arith.maximumf %max3A_1331, %abs3A_1362 : vector<16xf32>
        %add3A_1364 = arith.constant 96 : i32
        %add3A_1365 = arith.addi %add3A_1364, %scan3A_1217 : i32
        %get3A_1366 = arith.index_cast %add3A_1365 : i32 to index
        %get3A_1367 = arith.constant 288 : index
        %get3A_1368 = tpu.vector_load %arg5[%get3A_1366, %get3A_1367] {strides = array<i32>} : memref<128x512xf32, #tpu.memory_space<vmem>>, vector<1x16xf32>,
        %get3A_1369 = vector.shape_cast %get3A_1368 : vector<1x16xf32> to vector<16xf32>
        %abs3A_1370 = math.absf %get3A_1369 : vector<16xf32>
        %max3A_1371 = arith.maximumf %max3A_1339, %abs3A_1370 : vector<16xf32>
        %add3A_1372 = arith.constant 96 : i32
        %add3A_1373 = arith.addi %add3A_1372, %scan3A_1217 : i32
        %get3A_1374 = arith.index_cast %add3A_1373 : i32 to index
        %get3A_1375 = arith.constant 304 : index
        %get3A_1376 = tpu.vector_load %arg5[%get3A_1374, %get3A_1375] {strides = array<i32>} : memref<128x512xf32, #tpu.memory_space<vmem>>, vector<1x16xf32>,
        %get3A_1377 = vector.shape_cast %get3A_1376 : vector<1x16xf32> to vector<16xf32>
        %abs3A_1378 = math.absf %get3A_1377 : vector<16xf32>
        %max3A_1379 = arith.maximumf %max3A_1347, %abs3A_1378 : vector<16xf32>
        %add3A_1380 = arith.constant 96 : i32
        %add3A_1381 = arith.addi %add3A_1380, %scan3A_1217 : i32
        %get3A_1382 = arith.index_cast %add3A_1381 : i32 to index
        %get3A_1383 = arith.constant 320 : index
        %get3A_1384 = tpu.vector_load %arg5[%get3A_1382, %get3A_1383] {strides = array<i32>} : memref<128x512xf32, #tpu.memory_space<vmem>>, vector<1x16xf32>,
        %get3A_1385 = vector.shape_cast %get3A_1384 : vector<1x16xf32> to vector<16xf32>
        %abs3A_1386 = math.absf %get3A_1385 : vector<16xf32>
        %max3A_1387 = arith.maximumf %max3A_1355, %abs3A_1386 : vector<16xf32>
        %add3A_1388 = arith.constant 96 : i32
        %add3A_1389 = arith.addi %add3A_1388, %scan3A_1217 : i32
        %get3A_1390 = arith.index_cast %add3A_1389 : i32 to index
        %get3A_1391 = arith.constant 336 : index
        %get3A_1392 = tpu.vector_load %arg5[%get3A_1390, %get3A_1391] {strides = array<i32>} : memref<128x512xf32, #tpu.memory_space<vmem>>, vector<1x16xf32>,
        %get3A_1393 = vector.shape_cast %get3A_1392 : vector<1x16xf32> to vector<16xf32>
        %abs3A_1394 = math.absf %get3A_1393 : vector<16xf32>
        %max3A_1395 = arith.maximumf %max3A_1363, %abs3A_1394 : vector<16xf32>
        %add3A_1396 = arith.constant 96 : i32
        %add3A_1397 = arith.addi %add3A_1396, %scan3A_1217 : i32
        %get3A_1398 = arith.index_cast %add3A_1397 : i32 to index
        %get3A_1399 = arith.constant 352 : index
        %get3A_1400 = tpu.vector_load %arg5[%get3A_1398, %get3A_1399] {strides = array<i32>} : memref<128x512xf32, #tpu.memory_space<vmem>>, vector<1x16xf32>,
        %get3A_1401 = vector.shape_cast %get3A_1400 : vector<1x16xf32> to vector<16xf32>
        %abs3A_1402 = math.absf %get3A_1401 : vector<16xf32>
        %max3A_1403 = arith.maximumf %max3A_1371, %abs3A_1402 : vector<16xf32>
        %add3A_1404 = arith.constant 96 : i32
        %add3A_1405 = arith.addi %add3A_1404, %scan3A_1217 : i32
        %get3A_1406 = arith.index_cast %add3A_1405 : i32 to index
        %get3A_1407 = arith.constant 368 : index
        %get3A_1408 = tpu.vector_load %arg5[%get3A_1406, %get3A_1407] {strides = array<i32>} : memref<128x512xf32, #tpu.memory_space<vmem>>, vector<1x16xf32>,
        %get3A_1409 = vector.shape_cast %get3A_1408 : vector<1x16xf32> to vector<16xf32>
        %abs3A_1410 = math.absf %get3A_1409 : vector<16xf32>
        %max3A_1411 = arith.maximumf %max3A_1379, %abs3A_1410 : vector<16xf32>
        %add3A_1412 = arith.constant 96 : i32
        %add3A_1413 = arith.addi %add3A_1412, %scan3A_1217 : i32
        %get3A_1414 = arith.index_cast %add3A_1413 : i32 to index
        %get3A_1415 = arith.constant 384 : index
        %get3A_1416 = tpu.vector_load %arg5[%get3A_1414, %get3A_1415] {strides = array<i32>} : memref<128x512xf32, #tpu.memory_space<vmem>>, vector<1x16xf32>,
        %get3A_1417 = vector.shape_cast %get3A_1416 : vector<1x16xf32> to vector<16xf32>
        %abs3A_1418 = math.absf %get3A_1417 : vector<16xf32>
        %max3A_1419 = arith.maximumf %max3A_1387, %abs3A_1418 : vector<16xf32>
        %add3A_1420 = arith.constant 96 : i32
        %add3A_1421 = arith.addi %add3A_1420, %scan3A_1217 : i32
        %get3A_1422 = arith.index_cast %add3A_1421 : i32 to index
        %get3A_1423 = arith.constant 400 : index
        %get3A_1424 = tpu.vector_load %arg5[%get3A_1422, %get3A_1423] {strides = array<i32>} : memref<128x512xf32, #tpu.memory_space<vmem>>, vector<1x16xf32>,
        %get3A_1425 = vector.shape_cast %get3A_1424 : vector<1x16xf32> to vector<16xf32>
        %abs3A_1426 = math.absf %get3A_1425 : vector<16xf32>
        %max3A_1427 = arith.maximumf %max3A_1395, %abs3A_1426 : vector<16xf32>
        %add3A_1428 = arith.constant 96 : i32
        %add3A_1429 = arith.addi %add3A_1428, %scan3A_1217 : i32
        %get3A_1430 = arith.index_cast %add3A_1429 : i32 to index
        %get3A_1431 = arith.constant 416 : index
        %get3A_1432 = tpu.vector_load %arg5[%get3A_1430, %get3A_1431] {strides = array<i32>} : memref<128x512xf32, #tpu.memory_space<vmem>>, vector<1x16xf32>,
        %get3A_1433 = vector.shape_cast %get3A_1432 : vector<1x16xf32> to vector<16xf32>
        %abs3A_1434 = math.absf %get3A_1433 : vector<16xf32>
        %max3A_1435 = arith.maximumf %max3A_1403, %abs3A_1434 : vector<16xf32>
        %add3A_1436 = arith.constant 96 : i32
        %add3A_1437 = arith.addi %add3A_1436, %scan3A_1217 : i32
        %get3A_1438 = arith.index_cast %add3A_1437 : i32 to index
        %get3A_1439 = arith.constant 432 : index
        %get3A_1440 = tpu.vector_load %arg5[%get3A_1438, %get3A_1439] {strides = array<i32>} : memref<128x512xf32, #tpu.memory_space<vmem>>, vector<1x16xf32>,
        %get3A_1441 = vector.shape_cast %get3A_1440 : vector<1x16xf32> to vector<16xf32>
        %abs3A_1442 = math.absf %get3A_1441 : vector<16xf32>
        %max3A_1443 = arith.maximumf %max3A_1411, %abs3A_1442 : vector<16xf32>
        %add3A_1444 = arith.constant 96 : i32
        %add3A_1445 = arith.addi %add3A_1444, %scan3A_1217 : i32
        %get3A_1446 = arith.index_cast %add3A_1445 : i32 to index
        %get3A_1447 = arith.constant 448 : index
        %get3A_1448 = tpu.vector_load %arg5[%get3A_1446, %get3A_1447] {strides = array<i32>} : memref<128x512xf32, #tpu.memory_space<vmem>>, vector<1x16xf32>,
        %get3A_1449 = vector.shape_cast %get3A_1448 : vector<1x16xf32> to vector<16xf32>
        %abs3A_1450 = math.absf %get3A_1449 : vector<16xf32>
        %max3A_1451 = arith.maximumf %max3A_1419, %abs3A_1450 : vector<16xf32>
        %add3A_1452 = arith.constant 96 : i32
        %add3A_1453 = arith.addi %add3A_1452, %scan3A_1217 : i32
        %get3A_1454 = arith.index_cast %add3A_1453 : i32 to index
        %get3A_1455 = arith.constant 464 : index
        %get3A_1456 = tpu.vector_load %arg5[%get3A_1454, %get3A_1455] {strides = array<i32>} : memref<128x512xf32, #tpu.memory_space<vmem>>, vector<1x16xf32>,
        %get3A_1457 = vector.shape_cast %get3A_1456 : vector<1x16xf32> to vector<16xf32>
        %abs3A_1458 = math.absf %get3A_1457 : vector<16xf32>
        %max3A_1459 = arith.maximumf %max3A_1427, %abs3A_1458 : vector<16xf32>
        %add3A_1460 = arith.constant 96 : i32
        %add3A_1461 = arith.addi %add3A_1460, %scan3A_1217 : i32
        %get3A_1462 = arith.index_cast %add3A_1461 : i32 to index
        %get3A_1463 = arith.constant 480 : index
        %get3A_1464 = tpu.vector_load %arg5[%get3A_1462, %get3A_1463] {strides = array<i32>} : memref<128x512xf32, #tpu.memory_space<vmem>>, vector<1x16xf32>,
        %get3A_1465 = vector.shape_cast %get3A_1464 : vector<1x16xf32> to vector<16xf32>
        %abs3A_1466 = math.absf %get3A_1465 : vector<16xf32>
        %max3A_1467 = arith.maximumf %max3A_1435, %abs3A_1466 : vector<16xf32>
        %add3A_1468 = arith.constant 96 : i32
        %add3A_1469 = arith.addi %add3A_1468, %scan3A_1217 : i32
        %get3A_1470 = arith.index_cast %add3A_1469 : i32 to index
        %get3A_1471 = arith.constant 496 : index
        %get3A_1472 = tpu.vector_load %arg5[%get3A_1470, %get3A_1471] {strides = array<i32>} : memref<128x512xf32, #tpu.memory_space<vmem>>, vector<1x16xf32>,
        %get3A_1473 = vector.shape_cast %get3A_1472 : vector<1x16xf32> to vector<16xf32>
        %abs3A_1474 = math.absf %get3A_1473 : vector<16xf32>
        %max3A_1475 = arith.maximumf %max3A_1443, %abs3A_1474 : vector<16xf32>
        scf.yield %max3A_1451, %max3A_1459, %max3A_1467, %max3A_1475 : vector<16xf32>, vector<16xf32>, vector<16xf32>, vector<16xf32>
      }
      %scan3A_859 = arith.constant 32 : i32
      %max3A_860 = arith.maximumf %scan3A_858#0, %scan3A_858#1 : vector<16xf32>
      %max3A_861 = arith.maximumf %scan3A_858#2, %scan3A_858#3 : vector<16xf32>
      %max3A_862 = arith.maximumf %max3A_860, %max3A_861 : vector<16xf32>
      %xor3A_863 = arith.constant 1 : i32
      %xor3A_864 = vector.broadcast %xor3A_863 : i32 to vector<16xi32>
      %xor3A_865 = arith.xori %iota3A, %xor3A_864 : vector<16xi32>
      %lt3A_866 = arith.constant 0 : i32
      %lt3A_867 = vector.broadcast %lt3A_866 : i32 to vector<16xi32>
      %lt3A_868 = arith.cmpi slt, %xor3A_865, %lt3A_867 : vector<16xi32>
      %add3A_869 = arith.constant 16 : i32
      %add3A_870 = vector.broadcast %add3A_869 : i32 to vector<16xi32>
      %add3A_871 = arith.addi %xor3A_865, %add3A_870 : vector<16xi32>
      %select_n3A_872 = arith.select %lt3A_868, %add3A_871, %xor3A_865 : vector<16xi1>, vector<16xi32>
      %broadcast_in_dim3A_873 = vector.shape_cast %select_n3A_872 : vector<16xi32> to vector<16x1xi32>
      %gather3A_874 = vector.shape_cast %broadcast_in_dim3A_873 : vector<16x1xi32> to vector<16xi32>
      %gather3A_875 = tpu.dynamic_gather %max3A_862[%gather3A_874] in [0] : vector<16xf32>, vector<16xi32> -> vector<16xf32>
      %max3A_876 = arith.maximumf %max3A_862, %gather3A_875 : vector<16xf32>
      %xor3A_877 = arith.constant 2 : i32
      %xor3A_878 = vector.broadcast %xor3A_877 : i32 to vector<16xi32>
      %xor3A_879 = arith.xori %iota3A, %xor3A_878 : vector<16xi32>
      %lt3A_880 = arith.constant 0 : i32
      %lt3A_881 = vector.broadcast %lt3A_880 : i32 to vector<16xi32>
      %lt3A_882 = arith.cmpi slt, %xor3A_879, %lt3A_881 : vector<16xi32>
      %add3A_883 = arith.constant 16 : i32
      %add3A_884 = vector.broadcast %add3A_883 : i32 to vector<16xi32>
      %add3A_885 = arith.addi %xor3A_879, %add3A_884 : vector<16xi32>
      %select_n3A_886 = arith.select %lt3A_882, %add3A_885, %xor3A_879 : vector<16xi1>, vector<16xi32>
      %broadcast_in_dim3A_887 = vector.shape_cast %select_n3A_886 : vector<16xi32> to vector<16x1xi32>
      %gather3A_888 = vector.shape_cast %broadcast_in_dim3A_887 : vector<16x1xi32> to vector<16xi32>
      %gather3A_889 = tpu.dynamic_gather %max3A_876[%gather3A_888] in [0] : vector<16xf32>, vector<16xi32> -> vector<16xf32>
      %max3A_890 = arith.maximumf %max3A_876, %gather3A_889 : vector<16xf32>
      %xor3A_891 = arith.constant 4 : i32
      %xor3A_892 = vector.broadcast %xor3A_891 : i32 to vector<16xi32>
      %xor3A_893 = arith.xori %iota3A, %xor3A_892 : vector<16xi32>
      %lt3A_894 = arith.constant 0 : i32
      %lt3A_895 = vector.broadcast %lt3A_894 : i32 to vector<16xi32>
      %lt3A_896 = arith.cmpi slt, %xor3A_893, %lt3A_895 : vector<16xi32>
      %add3A_897 = arith.constant 16 : i32
      %add3A_898 = vector.broadcast %add3A_897 : i32 to vector<16xi32>
      %add3A_899 = arith.addi %xor3A_893, %add3A_898 : vector<16xi32>
      %select_n3A_900 = arith.select %lt3A_896, %add3A_899, %xor3A_893 : vector<16xi1>, vector<16xi32>
      %broadcast_in_dim3A_901 = vector.shape_cast %select_n3A_900 : vector<16xi32> to vector<16x1xi32>
      %gather3A_902 = vector.shape_cast %broadcast_in_dim3A_901 : vector<16x1xi32> to vector<16xi32>
      %gather3A_903 = tpu.dynamic_gather %max3A_890[%gather3A_902] in [0] : vector<16xf32>, vector<16xi32> -> vector<16xf32>
      %max3A_904 = arith.maximumf %max3A_890, %gather3A_903 : vector<16xf32>
      %xor3A_905 = arith.constant 8 : i32
      %xor3A_906 = vector.broadcast %xor3A_905 : i32 to vector<16xi32>
      %xor3A_907 = arith.xori %iota3A, %xor3A_906 : vector<16xi32>
      %lt3A_908 = arith.constant 0 : i32
      %lt3A_909 = vector.broadcast %lt3A_908 : i32 to vector<16xi32>
      %lt3A_910 = arith.cmpi slt, %xor3A_907, %lt3A_909 : vector<16xi32>
      %add3A_911 = arith.constant 16 : i32
      %add3A_912 = vector.broadcast %add3A_911 : i32 to vector<16xi32>
      %add3A_913 = arith.addi %xor3A_907, %add3A_912 : vector<16xi32>
      %select_n3A_914 = arith.select %lt3A_910, %add3A_913, %xor3A_907 : vector<16xi1>, vector<16xi32>
      %broadcast_in_dim3A_915 = vector.shape_cast %select_n3A_914 : vector<16xi32> to vector<16x1xi32>
      %gather3A_916 = vector.shape_cast %broadcast_in_dim3A_915 : vector<16x1xi32> to vector<16xi32>
      %gather3A_917 = tpu.dynamic_gather %max3A_904[%gather3A_916] in [0] : vector<16xf32>, vector<16xi32> -> vector<16xf32>
      %max3A_918 = arith.maximumf %max3A_904, %gather3A_917 : vector<16xf32>
      %slice3A_919 = vector.extract_strided_slice %max3A_918 {offsets = [0], sizes = [1], strides = [1]} : vector<16xf32> to vector<1xf32>
      %squeeze3A_920 = vector.extract %slice3A_919[0] : f32 from vector<1xf32>
      %gt3A_921 = arith.constant 0.000000e+00 : f32
      %gt3A_922 = arith.cmpf ogt, %squeeze3A_920, %gt3A_921 : f32
      %select_n3A_923 = arith.select %gt3A_922, %add3A_805, %select_n3A_784 : i32
      %mul3A_924 = arith.constant 32 : i32
      %mul3A_925 = arith.muli %add3A_805, %mul3A_924 : i32
      %add3A_926 = arith.addi %mul3A_32, %mul3A_925 : i32
      %dma_start3A_927 = arith.constant 96 : i32
      %dma_start3A_928 = arith.constant 0 : i32
      %dma_start3A_929 = tpu.memref_slice %arg5[%dma_start3A_927, %dma_start3A_928] : memref<128x512xf32, #tpu.memory_space<vmem>> -> memref<32x512xf32, #tpu.memory_space<vmem>>
      %dma_start3A_930 = arith.constant 0 : i32
      %dma_start3A_931 = tpu.memref_slice %arg3[%select_n3A, %add3A_926, %dma_start3A_930] : memref<16x4096x512xf32, #tpu.memory_space<hbm>> -> memref<1x32x512xf32, #tpu.memory_space<hbm>>
      %dma_start3A_932 = tpu.memref_squeeze %dma_start3A_931 : memref<1x32x512xf32, #tpu.memory_space<hbm>> -> memref<32x512xf32, #tpu.memory_space<hbm>>
      %dma_start3A_933 = arith.constant 0 : i32
      %dma_start3A_934 = tpu.memref_slice %arg3[%select_n3A, %add3A_926, %dma_start3A_933] : memref<16x4096x512xf32, #tpu.memory_space<hbm>> -> memref<1x32x512xf32, #tpu.memory_space<hbm>>
      %dma_start3A_935 = tpu.memref_squeeze %dma_start3A_934 : memref<1x32x512xf32, #tpu.memory_space<hbm>> -> memref<32x512xf32, #tpu.memory_space<hbm>>
      %dma_start3A_936 = arith.constant 96 : i32
      %dma_start3A_937 = arith.constant 0 : i32
      %dma_start3A_938 = tpu.memref_slice %arg5[%dma_start3A_936, %dma_start3A_937] : memref<128x512xf32, #tpu.memory_space<vmem>> -> memref<32x512xf32, #tpu.memory_space<vmem>>
      tpu.enqueue_dma source(%dma_start3A_938 : memref<32x512xf32, #tpu.memory_space<vmem>>) target(%dma_start3A_935 : memref<32x512xf32, #tpu.memory_space<hbm>>) target_semaphore(%arg14 : memref<!tpu.dma_semaphore, #tpu.memory_space<semaphore_mem>>)
      %mul3A_939 = arith.constant 4 : i32
      %mul3A_940 = arith.muli %scan3A_659, %mul3A_939 : i32
      %add3A_941 = arith.constant 2 : i32
      %add3A_942 = arith.addi %add3A_941, %mul3A_940 : i32
      %add3A_943 = arith.constant 2 : i32
      %add3A_944 = arith.addi %add3A_942, %add3A_943 : i32
      %add3A_945 = arith.constant 0 : i32
      %add3A_946 = arith.addi %mul3A_32, %add3A_945 : i32
      %dma_wait3A_947 = arith.constant 64 : i32
      %dma_wait3A_948 = arith.constant 0 : i32
      %dma_wait3A_949 = tpu.memref_slice %arg5[%dma_wait3A_947, %dma_wait3A_948] : memref<128x512xf32, #tpu.memory_space<vmem>> -> memref<32x512xf32, #tpu.memory_space<vmem>>
      %dma_wait3A_950 = arith.constant 0 : i32
      %dma_wait3A_951 = tpu.memref_slice %arg3[%select_n3A, %add3A_946, %dma_wait3A_950] : memref<16x4096x512xf32, #tpu.memory_space<hbm>> -> memref<1x32x512xf32, #tpu.memory_space<hbm>>
      %dma_wait3A_952 = tpu.memref_squeeze %dma_wait3A_951 : memref<1x32x512xf32, #tpu.memory_space<hbm>> -> memref<32x512xf32, #tpu.memory_space<hbm>>
      %dma_wait3A_953 = arith.constant 0 : i32
      %dma_wait3A_954 = tpu.memref_slice %arg3[%select_n3A, %add3A_946, %dma_wait3A_953] : memref<16x4096x512xf32, #tpu.memory_space<hbm>> -> memref<1x32x512xf32, #tpu.memory_space<hbm>>
      %dma_wait3A_955 = tpu.memref_squeeze %dma_wait3A_954 : memref<1x32x512xf32, #tpu.memory_space<hbm>> -> memref<32x512xf32, #tpu.memory_space<hbm>>
      %dma_wait3A_956 = arith.constant 64 : i32
      %dma_wait3A_957 = arith.constant 0 : i32
      %dma_wait3A_958 = tpu.memref_slice %arg5[%dma_wait3A_956, %dma_wait3A_957] : memref<128x512xf32, #tpu.memory_space<vmem>> -> memref<32x512xf32, #tpu.memory_space<vmem>>
      tpu.wait_dma2 semaphore(%arg13 : memref<!tpu.dma_semaphore, #tpu.memory_space<semaphore_mem>>) src(%dma_wait3A_958 : memref<32x512xf32, #tpu.memory_space<vmem>>) dst(%dma_wait3A_955 : memref<32x512xf32, #tpu.memory_space<hbm>>)
      %add3A_959 = arith.constant 2 : i32
      %add3A_960 = arith.addi %add3A_944, %add3A_959 : i32
      %min3A_961 = arith.constant 63 : i32
      %min3A_962 = arith.minsi %add3A_960, %min3A_961 : i32
      %mul3A_963 = arith.constant 32 : i32
      %mul3A_964 = arith.muli %min3A_962, %mul3A_963 : i32
      %add3A_965 = arith.addi %mul3A_32, %mul3A_964 : i32
      %dma_start3A_966 = arith.constant 64 : i32
      %dma_start3A_967 = arith.constant 0 : i32
      %dma_start3A_968 = tpu.memref_slice %arg5[%dma_start3A_966, %dma_start3A_967] : memref<128x512xf32, #tpu.memory_space<vmem>> -> memref<32x512xf32, #tpu.memory_space<vmem>>
      %dma_start3A_969 = arith.constant 0 : i32
      %dma_start3A_970 = tpu.memref_slice %arg2[%select_n3A, %add3A_965, %dma_start3A_969] : memref<16x4096x512xf32, #tpu.memory_space<hbm>> -> memref<1x32x512xf32, #tpu.memory_space<hbm>>
      %dma_start3A_971 = tpu.memref_squeeze %dma_start3A_970 : memref<1x32x512xf32, #tpu.memory_space<hbm>> -> memref<32x512xf32, #tpu.memory_space<hbm>>
      %dma_start3A_972 = arith.constant 64 : i32
      %dma_start3A_973 = arith.constant 0 : i32
      %dma_start3A_974 = tpu.memref_slice %arg5[%dma_start3A_972, %dma_start3A_973] : memref<128x512xf32, #tpu.memory_space<vmem>> -> memref<32x512xf32, #tpu.memory_space<vmem>>
      %dma_start3A_975 = arith.constant 0 : i32
      %dma_start3A_976 = tpu.memref_slice %arg2[%select_n3A, %add3A_965, %dma_start3A_975] : memref<16x4096x512xf32, #tpu.memory_space<hbm>> -> memref<1x32x512xf32, #tpu.memory_space<hbm>>
      %dma_start3A_977 = tpu.memref_squeeze %dma_start3A_976 : memref<1x32x512xf32, #tpu.memory_space<hbm>> -> memref<32x512xf32, #tpu.memory_space<hbm>>
      tpu.enqueue_dma source(%dma_start3A_977 : memref<32x512xf32, #tpu.memory_space<hbm>>) target(%dma_start3A_974 : memref<32x512xf32, #tpu.memory_space<vmem>>) target_semaphore(%arg9 : memref<!tpu.dma_semaphore, #tpu.memory_space<semaphore_mem>>)
      %mul3A_978 = arith.constant 32 : i32
      %mul3A_979 = arith.muli %add3A_944, %mul3A_978 : i32
      %add3A_980 = arith.addi %mul3A_32, %mul3A_979 : i32
      %dma_wait3A_981 = arith.constant 0 : i32
      %dma_wait3A_982 = arith.constant 0 : i32
      %dma_wait3A_983 = tpu.memref_slice %arg5[%dma_wait3A_981, %dma_wait3A_982] : memref<128x512xf32, #tpu.memory_space<vmem>> -> memref<32x512xf32, #tpu.memory_space<vmem>>
      %dma_wait3A_984 = arith.constant 0 : i32
      %dma_wait3A_985 = tpu.memref_slice %arg2[%select_n3A, %add3A_980, %dma_wait3A_984] : memref<16x4096x512xf32, #tpu.memory_space<hbm>> -> memref<1x32x512xf32, #tpu.memory_space<hbm>>
      %dma_wait3A_986 = tpu.memref_squeeze %dma_wait3A_985 : memref<1x32x512xf32, #tpu.memory_space<hbm>> -> memref<32x512xf32, #tpu.memory_space<hbm>>
      %dma_wait3A_987 = arith.constant 0 : i32
      %dma_wait3A_988 = arith.constant 0 : i32
      %dma_wait3A_989 = tpu.memref_slice %arg5[%dma_wait3A_987, %dma_wait3A_988] : memref<128x512xf32, #tpu.memory_space<vmem>> -> memref<32x512xf32, #tpu.memory_space<vmem>>
      %dma_wait3A_990 = arith.constant 0 : i32
      %dma_wait3A_991 = tpu.memref_slice %arg2[%select_n3A, %add3A_980, %dma_wait3A_990] : memref<16x4096x512xf32, #tpu.memory_space<hbm>> -> memref<1x32x512xf32, #tpu.memory_space<hbm>>
      %dma_wait3A_992 = tpu.memref_squeeze %dma_wait3A_991 : memref<1x32x512xf32, #tpu.memory_space<hbm>> -> memref<32x512xf32, #tpu.memory_space<hbm>>
      tpu.wait_dma2 semaphore(%arg7 : memref<!tpu.dma_semaphore, #tpu.memory_space<semaphore_mem>>) src(%dma_wait3A_992 : memref<32x512xf32, #tpu.memory_space<hbm>>) dst(%dma_wait3A_989 : memref<32x512xf32, #tpu.memory_space<vmem>>)
      %scan3A_993 = arith.constant 0 : i32
      %scan3A_994 = arith.constant 32 : i32
      %scan3A_995 = arith.addi %scan3A_993, %scan3A_994 : i32
      %scan3A_996 = arith.constant 1 : i32
      %scan3A_997:4 = scf.for %scan3A_1217 = %scan3A_993 to %scan3A_995 step %scan3A_996 iter_args(%scan3A_1218 = %broadcast_in_dim3A_33, %scan3A_1219 = %broadcast_in_dim3A_33, %scan3A_1220 = %broadcast_in_dim3A_33, %scan3A_1221 = %broadcast_in_dim3A_33) -> (vector<16xf32>, vector<16xf32>, vector<16xf32>, vector<16xf32>)  : i32 {
        %add3A_1222 = arith.constant 0 : i32
        %add3A_1223 = arith.addi %add3A_1222, %scan3A_1217 : i32
        %get3A = arith.index_cast %add3A_1223 : i32 to index
        %get3A_1224 = arith.constant 0 : index
        %get3A_1225 = tpu.vector_load %arg5[%get3A, %get3A_1224] {strides = array<i32>} : memref<128x512xf32, #tpu.memory_space<vmem>>, vector<1x16xf32>,
        %get3A_1226 = vector.shape_cast %get3A_1225 : vector<1x16xf32> to vector<16xf32>
        %abs3A = math.absf %get3A_1226 : vector<16xf32>
        %max3A_1227 = arith.maximumf %scan3A_1218, %abs3A : vector<16xf32>
        %add3A_1228 = arith.constant 0 : i32
        %add3A_1229 = arith.addi %add3A_1228, %scan3A_1217 : i32
        %get3A_1230 = arith.index_cast %add3A_1229 : i32 to index
        %get3A_1231 = arith.constant 16 : index
        %get3A_1232 = tpu.vector_load %arg5[%get3A_1230, %get3A_1231] {strides = array<i32>} : memref<128x512xf32, #tpu.memory_space<vmem>>, vector<1x16xf32>,
        %get3A_1233 = vector.shape_cast %get3A_1232 : vector<1x16xf32> to vector<16xf32>
        %abs3A_1234 = math.absf %get3A_1233 : vector<16xf32>
        %max3A_1235 = arith.maximumf %scan3A_1219, %abs3A_1234 : vector<16xf32>
        %add3A_1236 = arith.constant 0 : i32
        %add3A_1237 = arith.addi %add3A_1236, %scan3A_1217 : i32
        %get3A_1238 = arith.index_cast %add3A_1237 : i32 to index
        %get3A_1239 = arith.constant 32 : index
        %get3A_1240 = tpu.vector_load %arg5[%get3A_1238, %get3A_1239] {strides = array<i32>} : memref<128x512xf32, #tpu.memory_space<vmem>>, vector<1x16xf32>,
        %get3A_1241 = vector.shape_cast %get3A_1240 : vector<1x16xf32> to vector<16xf32>
        %abs3A_1242 = math.absf %get3A_1241 : vector<16xf32>
        %max3A_1243 = arith.maximumf %scan3A_1220, %abs3A_1242 : vector<16xf32>
        %add3A_1244 = arith.constant 0 : i32
        %add3A_1245 = arith.addi %add3A_1244, %scan3A_1217 : i32
        %get3A_1246 = arith.index_cast %add3A_1245 : i32 to index
        %get3A_1247 = arith.constant 48 : index
        %get3A_1248 = tpu.vector_load %arg5[%get3A_1246, %get3A_1247] {strides = array<i32>} : memref<128x512xf32, #tpu.memory_space<vmem>>, vector<1x16xf32>,
        %get3A_1249 = vector.shape_cast %get3A_1248 : vector<1x16xf32> to vector<16xf32>
        %abs3A_1250 = math.absf %get3A_1249 : vector<16xf32>
        %max3A_1251 = arith.maximumf %scan3A_1221, %abs3A_1250 : vector<16xf32>
        %add3A_1252 = arith.constant 0 : i32
        %add3A_1253 = arith.addi %add3A_1252, %scan3A_1217 : i32
        %get3A_1254 = arith.index_cast %add3A_1253 : i32 to index
        %get3A_1255 = arith.constant 64 : index
        %get3A_1256 = tpu.vector_load %arg5[%get3A_1254, %get3A_1255] {strides = array<i32>} : memref<128x512xf32, #tpu.memory_space<vmem>>, vector<1x16xf32>,
        %get3A_1257 = vector.shape_cast %get3A_1256 : vector<1x16xf32> to vector<16xf32>
        %abs3A_1258 = math.absf %get3A_1257 : vector<16xf32>
        %max3A_1259 = arith.maximumf %max3A_1227, %abs3A_1258 : vector<16xf32>
        %add3A_1260 = arith.constant 0 : i32
        %add3A_1261 = arith.addi %add3A_1260, %scan3A_1217 : i32
        %get3A_1262 = arith.index_cast %add3A_1261 : i32 to index
        %get3A_1263 = arith.constant 80 : index
        %get3A_1264 = tpu.vector_load %arg5[%get3A_1262, %get3A_1263] {strides = array<i32>} : memref<128x512xf32, #tpu.memory_space<vmem>>, vector<1x16xf32>,
        %get3A_1265 = vector.shape_cast %get3A_1264 : vector<1x16xf32> to vector<16xf32>
        %abs3A_1266 = math.absf %get3A_1265 : vector<16xf32>
        %max3A_1267 = arith.maximumf %max3A_1235, %abs3A_1266 : vector<16xf32>
        %add3A_1268 = arith.constant 0 : i32
        %add3A_1269 = arith.addi %add3A_1268, %scan3A_1217 : i32
        %get3A_1270 = arith.index_cast %add3A_1269 : i32 to index
        %get3A_1271 = arith.constant 96 : index
        %get3A_1272 = tpu.vector_load %arg5[%get3A_1270, %get3A_1271] {strides = array<i32>} : memref<128x512xf32, #tpu.memory_space<vmem>>, vector<1x16xf32>,
        %get3A_1273 = vector.shape_cast %get3A_1272 : vector<1x16xf32> to vector<16xf32>
        %abs3A_1274 = math.absf %get3A_1273 : vector<16xf32>
        %max3A_1275 = arith.maximumf %max3A_1243, %abs3A_1274 : vector<16xf32>
        %add3A_1276 = arith.constant 0 : i32
        %add3A_1277 = arith.addi %add3A_1276, %scan3A_1217 : i32
        %get3A_1278 = arith.index_cast %add3A_1277 : i32 to index
        %get3A_1279 = arith.constant 112 : index
        %get3A_1280 = tpu.vector_load %arg5[%get3A_1278, %get3A_1279] {strides = array<i32>} : memref<128x512xf32, #tpu.memory_space<vmem>>, vector<1x16xf32>,
        %get3A_1281 = vector.shape_cast %get3A_1280 : vector<1x16xf32> to vector<16xf32>
        %abs3A_1282 = math.absf %get3A_1281 : vector<16xf32>
        %max3A_1283 = arith.maximumf %max3A_1251, %abs3A_1282 : vector<16xf32>
        %add3A_1284 = arith.constant 0 : i32
        %add3A_1285 = arith.addi %add3A_1284, %scan3A_1217 : i32
        %get3A_1286 = arith.index_cast %add3A_1285 : i32 to index
        %get3A_1287 = arith.constant 128 : index
        %get3A_1288 = tpu.vector_load %arg5[%get3A_1286, %get3A_1287] {strides = array<i32>} : memref<128x512xf32, #tpu.memory_space<vmem>>, vector<1x16xf32>,
        %get3A_1289 = vector.shape_cast %get3A_1288 : vector<1x16xf32> to vector<16xf32>
        %abs3A_1290 = math.absf %get3A_1289 : vector<16xf32>
        %max3A_1291 = arith.maximumf %max3A_1259, %abs3A_1290 : vector<16xf32>
        %add3A_1292 = arith.constant 0 : i32
        %add3A_1293 = arith.addi %add3A_1292, %scan3A_1217 : i32
        %get3A_1294 = arith.index_cast %add3A_1293 : i32 to index
        %get3A_1295 = arith.constant 144 : index
        %get3A_1296 = tpu.vector_load %arg5[%get3A_1294, %get3A_1295] {strides = array<i32>} : memref<128x512xf32, #tpu.memory_space<vmem>>, vector<1x16xf32>,
        %get3A_1297 = vector.shape_cast %get3A_1296 : vector<1x16xf32> to vector<16xf32>
        %abs3A_1298 = math.absf %get3A_1297 : vector<16xf32>
        %max3A_1299 = arith.maximumf %max3A_1267, %abs3A_1298 : vector<16xf32>
        %add3A_1300 = arith.constant 0 : i32
        %add3A_1301 = arith.addi %add3A_1300, %scan3A_1217 : i32
        %get3A_1302 = arith.index_cast %add3A_1301 : i32 to index
        %get3A_1303 = arith.constant 160 : index
        %get3A_1304 = tpu.vector_load %arg5[%get3A_1302, %get3A_1303] {strides = array<i32>} : memref<128x512xf32, #tpu.memory_space<vmem>>, vector<1x16xf32>,
        %get3A_1305 = vector.shape_cast %get3A_1304 : vector<1x16xf32> to vector<16xf32>
        %abs3A_1306 = math.absf %get3A_1305 : vector<16xf32>
        %max3A_1307 = arith.maximumf %max3A_1275, %abs3A_1306 : vector<16xf32>
        %add3A_1308 = arith.constant 0 : i32
        %add3A_1309 = arith.addi %add3A_1308, %scan3A_1217 : i32
        %get3A_1310 = arith.index_cast %add3A_1309 : i32 to index
        %get3A_1311 = arith.constant 176 : index
        %get3A_1312 = tpu.vector_load %arg5[%get3A_1310, %get3A_1311] {strides = array<i32>} : memref<128x512xf32, #tpu.memory_space<vmem>>, vector<1x16xf32>,
        %get3A_1313 = vector.shape_cast %get3A_1312 : vector<1x16xf32> to vector<16xf32>
        %abs3A_1314 = math.absf %get3A_1313 : vector<16xf32>
        %max3A_1315 = arith.maximumf %max3A_1283, %abs3A_1314 : vector<16xf32>
        %add3A_1316 = arith.constant 0 : i32
        %add3A_1317 = arith.addi %add3A_1316, %scan3A_1217 : i32
        %get3A_1318 = arith.index_cast %add3A_1317 : i32 to index
        %get3A_1319 = arith.constant 192 : index
        %get3A_1320 = tpu.vector_load %arg5[%get3A_1318, %get3A_1319] {strides = array<i32>} : memref<128x512xf32, #tpu.memory_space<vmem>>, vector<1x16xf32>,
        %get3A_1321 = vector.shape_cast %get3A_1320 : vector<1x16xf32> to vector<16xf32>
        %abs3A_1322 = math.absf %get3A_1321 : vector<16xf32>
        %max3A_1323 = arith.maximumf %max3A_1291, %abs3A_1322 : vector<16xf32>
        %add3A_1324 = arith.constant 0 : i32
        %add3A_1325 = arith.addi %add3A_1324, %scan3A_1217 : i32
        %get3A_1326 = arith.index_cast %add3A_1325 : i32 to index
        %get3A_1327 = arith.constant 208 : index
        %get3A_1328 = tpu.vector_load %arg5[%get3A_1326, %get3A_1327] {strides = array<i32>} : memref<128x512xf32, #tpu.memory_space<vmem>>, vector<1x16xf32>,
        %get3A_1329 = vector.shape_cast %get3A_1328 : vector<1x16xf32> to vector<16xf32>
        %abs3A_1330 = math.absf %get3A_1329 : vector<16xf32>
        %max3A_1331 = arith.maximumf %max3A_1299, %abs3A_1330 : vector<16xf32>
        %add3A_1332 = arith.constant 0 : i32
        %add3A_1333 = arith.addi %add3A_1332, %scan3A_1217 : i32
        %get3A_1334 = arith.index_cast %add3A_1333 : i32 to index
        %get3A_1335 = arith.constant 224 : index
        %get3A_1336 = tpu.vector_load %arg5[%get3A_1334, %get3A_1335] {strides = array<i32>} : memref<128x512xf32, #tpu.memory_space<vmem>>, vector<1x16xf32>,
        %get3A_1337 = vector.shape_cast %get3A_1336 : vector<1x16xf32> to vector<16xf32>
        %abs3A_1338 = math.absf %get3A_1337 : vector<16xf32>
        %max3A_1339 = arith.maximumf %max3A_1307, %abs3A_1338 : vector<16xf32>
        %add3A_1340 = arith.constant 0 : i32
        %add3A_1341 = arith.addi %add3A_1340, %scan3A_1217 : i32
        %get3A_1342 = arith.index_cast %add3A_1341 : i32 to index
        %get3A_1343 = arith.constant 240 : index
        %get3A_1344 = tpu.vector_load %arg5[%get3A_1342, %get3A_1343] {strides = array<i32>} : memref<128x512xf32, #tpu.memory_space<vmem>>, vector<1x16xf32>,
        %get3A_1345 = vector.shape_cast %get3A_1344 : vector<1x16xf32> to vector<16xf32>
        %abs3A_1346 = math.absf %get3A_1345 : vector<16xf32>
        %max3A_1347 = arith.maximumf %max3A_1315, %abs3A_1346 : vector<16xf32>
        %add3A_1348 = arith.constant 0 : i32
        %add3A_1349 = arith.addi %add3A_1348, %scan3A_1217 : i32
        %get3A_1350 = arith.index_cast %add3A_1349 : i32 to index
        %get3A_1351 = arith.constant 256 : index
        %get3A_1352 = tpu.vector_load %arg5[%get3A_1350, %get3A_1351] {strides = array<i32>} : memref<128x512xf32, #tpu.memory_space<vmem>>, vector<1x16xf32>,
        %get3A_1353 = vector.shape_cast %get3A_1352 : vector<1x16xf32> to vector<16xf32>
        %abs3A_1354 = math.absf %get3A_1353 : vector<16xf32>
        %max3A_1355 = arith.maximumf %max3A_1323, %abs3A_1354 : vector<16xf32>
        %add3A_1356 = arith.constant 0 : i32
        %add3A_1357 = arith.addi %add3A_1356, %scan3A_1217 : i32
        %get3A_1358 = arith.index_cast %add3A_1357 : i32 to index
        %get3A_1359 = arith.constant 272 : index
        %get3A_1360 = tpu.vector_load %arg5[%get3A_1358, %get3A_1359] {strides = array<i32>} : memref<128x512xf32, #tpu.memory_space<vmem>>, vector<1x16xf32>,
        %get3A_1361 = vector.shape_cast %get3A_1360 : vector<1x16xf32> to vector<16xf32>
        %abs3A_1362 = math.absf %get3A_1361 : vector<16xf32>
        %max3A_1363 = arith.maximumf %max3A_1331, %abs3A_1362 : vector<16xf32>
        %add3A_1364 = arith.constant 0 : i32
        %add3A_1365 = arith.addi %add3A_1364, %scan3A_1217 : i32
        %get3A_1366 = arith.index_cast %add3A_1365 : i32 to index
        %get3A_1367 = arith.constant 288 : index
        %get3A_1368 = tpu.vector_load %arg5[%get3A_1366, %get3A_1367] {strides = array<i32>} : memref<128x512xf32, #tpu.memory_space<vmem>>, vector<1x16xf32>,
        %get3A_1369 = vector.shape_cast %get3A_1368 : vector<1x16xf32> to vector<16xf32>
        %abs3A_1370 = math.absf %get3A_1369 : vector<16xf32>
        %max3A_1371 = arith.maximumf %max3A_1339, %abs3A_1370 : vector<16xf32>
        %add3A_1372 = arith.constant 0 : i32
        %add3A_1373 = arith.addi %add3A_1372, %scan3A_1217 : i32
        %get3A_1374 = arith.index_cast %add3A_1373 : i32 to index
        %get3A_1375 = arith.constant 304 : index
        %get3A_1376 = tpu.vector_load %arg5[%get3A_1374, %get3A_1375] {strides = array<i32>} : memref<128x512xf32, #tpu.memory_space<vmem>>, vector<1x16xf32>,
        %get3A_1377 = vector.shape_cast %get3A_1376 : vector<1x16xf32> to vector<16xf32>
        %abs3A_1378 = math.absf %get3A_1377 : vector<16xf32>
        %max3A_1379 = arith.maximumf %max3A_1347, %abs3A_1378 : vector<16xf32>
        %add3A_1380 = arith.constant 0 : i32
        %add3A_1381 = arith.addi %add3A_1380, %scan3A_1217 : i32
        %get3A_1382 = arith.index_cast %add3A_1381 : i32 to index
        %get3A_1383 = arith.constant 320 : index
        %get3A_1384 = tpu.vector_load %arg5[%get3A_1382, %get3A_1383] {strides = array<i32>} : memref<128x512xf32, #tpu.memory_space<vmem>>, vector<1x16xf32>,
        %get3A_1385 = vector.shape_cast %get3A_1384 : vector<1x16xf32> to vector<16xf32>
        %abs3A_1386 = math.absf %get3A_1385 : vector<16xf32>
        %max3A_1387 = arith.maximumf %max3A_1355, %abs3A_1386 : vector<16xf32>
        %add3A_1388 = arith.constant 0 : i32
        %add3A_1389 = arith.addi %add3A_1388, %scan3A_1217 : i32
        %get3A_1390 = arith.index_cast %add3A_1389 : i32 to index
        %get3A_1391 = arith.constant 336 : index
        %get3A_1392 = tpu.vector_load %arg5[%get3A_1390, %get3A_1391] {strides = array<i32>} : memref<128x512xf32, #tpu.memory_space<vmem>>, vector<1x16xf32>,
        %get3A_1393 = vector.shape_cast %get3A_1392 : vector<1x16xf32> to vector<16xf32>
        %abs3A_1394 = math.absf %get3A_1393 : vector<16xf32>
        %max3A_1395 = arith.maximumf %max3A_1363, %abs3A_1394 : vector<16xf32>
        %add3A_1396 = arith.constant 0 : i32
        %add3A_1397 = arith.addi %add3A_1396, %scan3A_1217 : i32
        %get3A_1398 = arith.index_cast %add3A_1397 : i32 to index
        %get3A_1399 = arith.constant 352 : index
        %get3A_1400 = tpu.vector_load %arg5[%get3A_1398, %get3A_1399] {strides = array<i32>} : memref<128x512xf32, #tpu.memory_space<vmem>>, vector<1x16xf32>,
        %get3A_1401 = vector.shape_cast %get3A_1400 : vector<1x16xf32> to vector<16xf32>
        %abs3A_1402 = math.absf %get3A_1401 : vector<16xf32>
        %max3A_1403 = arith.maximumf %max3A_1371, %abs3A_1402 : vector<16xf32>
        %add3A_1404 = arith.constant 0 : i32
        %add3A_1405 = arith.addi %add3A_1404, %scan3A_1217 : i32
        %get3A_1406 = arith.index_cast %add3A_1405 : i32 to index
        %get3A_1407 = arith.constant 368 : index
        %get3A_1408 = tpu.vector_load %arg5[%get3A_1406, %get3A_1407] {strides = array<i32>} : memref<128x512xf32, #tpu.memory_space<vmem>>, vector<1x16xf32>,
        %get3A_1409 = vector.shape_cast %get3A_1408 : vector<1x16xf32> to vector<16xf32>
        %abs3A_1410 = math.absf %get3A_1409 : vector<16xf32>
        %max3A_1411 = arith.maximumf %max3A_1379, %abs3A_1410 : vector<16xf32>
        %add3A_1412 = arith.constant 0 : i32
        %add3A_1413 = arith.addi %add3A_1412, %scan3A_1217 : i32
        %get3A_1414 = arith.index_cast %add3A_1413 : i32 to index
        %get3A_1415 = arith.constant 384 : index
        %get3A_1416 = tpu.vector_load %arg5[%get3A_1414, %get3A_1415] {strides = array<i32>} : memref<128x512xf32, #tpu.memory_space<vmem>>, vector<1x16xf32>,
        %get3A_1417 = vector.shape_cast %get3A_1416 : vector<1x16xf32> to vector<16xf32>
        %abs3A_1418 = math.absf %get3A_1417 : vector<16xf32>
        %max3A_1419 = arith.maximumf %max3A_1387, %abs3A_1418 : vector<16xf32>
        %add3A_1420 = arith.constant 0 : i32
        %add3A_1421 = arith.addi %add3A_1420, %scan3A_1217 : i32
        %get3A_1422 = arith.index_cast %add3A_1421 : i32 to index
        %get3A_1423 = arith.constant 400 : index
        %get3A_1424 = tpu.vector_load %arg5[%get3A_1422, %get3A_1423] {strides = array<i32>} : memref<128x512xf32, #tpu.memory_space<vmem>>, vector<1x16xf32>,
        %get3A_1425 = vector.shape_cast %get3A_1424 : vector<1x16xf32> to vector<16xf32>
        %abs3A_1426 = math.absf %get3A_1425 : vector<16xf32>
        %max3A_1427 = arith.maximumf %max3A_1395, %abs3A_1426 : vector<16xf32>
        %add3A_1428 = arith.constant 0 : i32
        %add3A_1429 = arith.addi %add3A_1428, %scan3A_1217 : i32
        %get3A_1430 = arith.index_cast %add3A_1429 : i32 to index
        %get3A_1431 = arith.constant 416 : index
        %get3A_1432 = tpu.vector_load %arg5[%get3A_1430, %get3A_1431] {strides = array<i32>} : memref<128x512xf32, #tpu.memory_space<vmem>>, vector<1x16xf32>,
        %get3A_1433 = vector.shape_cast %get3A_1432 : vector<1x16xf32> to vector<16xf32>
        %abs3A_1434 = math.absf %get3A_1433 : vector<16xf32>
        %max3A_1435 = arith.maximumf %max3A_1403, %abs3A_1434 : vector<16xf32>
        %add3A_1436 = arith.constant 0 : i32
        %add3A_1437 = arith.addi %add3A_1436, %scan3A_1217 : i32
        %get3A_1438 = arith.index_cast %add3A_1437 : i32 to index
        %get3A_1439 = arith.constant 432 : index
        %get3A_1440 = tpu.vector_load %arg5[%get3A_1438, %get3A_1439] {strides = array<i32>} : memref<128x512xf32, #tpu.memory_space<vmem>>, vector<1x16xf32>,
        %get3A_1441 = vector.shape_cast %get3A_1440 : vector<1x16xf32> to vector<16xf32>
        %abs3A_1442 = math.absf %get3A_1441 : vector<16xf32>
        %max3A_1443 = arith.maximumf %max3A_1411, %abs3A_1442 : vector<16xf32>
        %add3A_1444 = arith.constant 0 : i32
        %add3A_1445 = arith.addi %add3A_1444, %scan3A_1217 : i32
        %get3A_1446 = arith.index_cast %add3A_1445 : i32 to index
        %get3A_1447 = arith.constant 448 : index
        %get3A_1448 = tpu.vector_load %arg5[%get3A_1446, %get3A_1447] {strides = array<i32>} : memref<128x512xf32, #tpu.memory_space<vmem>>, vector<1x16xf32>,
        %get3A_1449 = vector.shape_cast %get3A_1448 : vector<1x16xf32> to vector<16xf32>
        %abs3A_1450 = math.absf %get3A_1449 : vector<16xf32>
        %max3A_1451 = arith.maximumf %max3A_1419, %abs3A_1450 : vector<16xf32>
        %add3A_1452 = arith.constant 0 : i32
        %add3A_1453 = arith.addi %add3A_1452, %scan3A_1217 : i32
        %get3A_1454 = arith.index_cast %add3A_1453 : i32 to index
        %get3A_1455 = arith.constant 464 : index
        %get3A_1456 = tpu.vector_load %arg5[%get3A_1454, %get3A_1455] {strides = array<i32>} : memref<128x512xf32, #tpu.memory_space<vmem>>, vector<1x16xf32>,
        %get3A_1457 = vector.shape_cast %get3A_1456 : vector<1x16xf32> to vector<16xf32>
        %abs3A_1458 = math.absf %get3A_1457 : vector<16xf32>
        %max3A_1459 = arith.maximumf %max3A_1427, %abs3A_1458 : vector<16xf32>
        %add3A_1460 = arith.constant 0 : i32
        %add3A_1461 = arith.addi %add3A_1460, %scan3A_1217 : i32
        %get3A_1462 = arith.index_cast %add3A_1461 : i32 to index
        %get3A_1463 = arith.constant 480 : index
        %get3A_1464 = tpu.vector_load %arg5[%get3A_1462, %get3A_1463] {strides = array<i32>} : memref<128x512xf32, #tpu.memory_space<vmem>>, vector<1x16xf32>,
        %get3A_1465 = vector.shape_cast %get3A_1464 : vector<1x16xf32> to vector<16xf32>
        %abs3A_1466 = math.absf %get3A_1465 : vector<16xf32>
        %max3A_1467 = arith.maximumf %max3A_1435, %abs3A_1466 : vector<16xf32>
        %add3A_1468 = arith.constant 0 : i32
        %add3A_1469 = arith.addi %add3A_1468, %scan3A_1217 : i32
        %get3A_1470 = arith.index_cast %add3A_1469 : i32 to index
        %get3A_1471 = arith.constant 496 : index
        %get3A_1472 = tpu.vector_load %arg5[%get3A_1470, %get3A_1471] {strides = array<i32>} : memref<128x512xf32, #tpu.memory_space<vmem>>, vector<1x16xf32>,
        %get3A_1473 = vector.shape_cast %get3A_1472 : vector<1x16xf32> to vector<16xf32>
        %abs3A_1474 = math.absf %get3A_1473 : vector<16xf32>
        %max3A_1475 = arith.maximumf %max3A_1443, %abs3A_1474 : vector<16xf32>
        scf.yield %max3A_1451, %max3A_1459, %max3A_1467, %max3A_1475 : vector<16xf32>, vector<16xf32>, vector<16xf32>, vector<16xf32>
      }
      %scan3A_998 = arith.constant 32 : i32
      %max3A_999 = arith.maximumf %scan3A_997#0, %scan3A_997#1 : vector<16xf32>
      %max3A_1000 = arith.maximumf %scan3A_997#2, %scan3A_997#3 : vector<16xf32>
      %max3A_1001 = arith.maximumf %max3A_999, %max3A_1000 : vector<16xf32>
      %xor3A_1002 = arith.constant 1 : i32
      %xor3A_1003 = vector.broadcast %xor3A_1002 : i32 to vector<16xi32>
      %xor3A_1004 = arith.xori %iota3A, %xor3A_1003 : vector<16xi32>
      %lt3A_1005 = arith.constant 0 : i32
      %lt3A_1006 = vector.broadcast %lt3A_1005 : i32 to vector<16xi32>
      %lt3A_1007 = arith.cmpi slt, %xor3A_1004, %lt3A_1006 : vector<16xi32>
      %add3A_1008 = arith.constant 16 : i32
      %add3A_1009 = vector.broadcast %add3A_1008 : i32 to vector<16xi32>
      %add3A_1010 = arith.addi %xor3A_1004, %add3A_1009 : vector<16xi32>
      %select_n3A_1011 = arith.select %lt3A_1007, %add3A_1010, %xor3A_1004 : vector<16xi1>, vector<16xi32>
      %broadcast_in_dim3A_1012 = vector.shape_cast %select_n3A_1011 : vector<16xi32> to vector<16x1xi32>
      %gather3A_1013 = vector.shape_cast %broadcast_in_dim3A_1012 : vector<16x1xi32> to vector<16xi32>
      %gather3A_1014 = tpu.dynamic_gather %max3A_1001[%gather3A_1013] in [0] : vector<16xf32>, vector<16xi32> -> vector<16xf32>
      %max3A_1015 = arith.maximumf %max3A_1001, %gather3A_1014 : vector<16xf32>
      %xor3A_1016 = arith.constant 2 : i32
      %xor3A_1017 = vector.broadcast %xor3A_1016 : i32 to vector<16xi32>
      %xor3A_1018 = arith.xori %iota3A, %xor3A_1017 : vector<16xi32>
      %lt3A_1019 = arith.constant 0 : i32
      %lt3A_1020 = vector.broadcast %lt3A_1019 : i32 to vector<16xi32>
      %lt3A_1021 = arith.cmpi slt, %xor3A_1018, %lt3A_1020 : vector<16xi32>
      %add3A_1022 = arith.constant 16 : i32
      %add3A_1023 = vector.broadcast %add3A_1022 : i32 to vector<16xi32>
      %add3A_1024 = arith.addi %xor3A_1018, %add3A_1023 : vector<16xi32>
      %select_n3A_1025 = arith.select %lt3A_1021, %add3A_1024, %xor3A_1018 : vector<16xi1>, vector<16xi32>
      %broadcast_in_dim3A_1026 = vector.shape_cast %select_n3A_1025 : vector<16xi32> to vector<16x1xi32>
      %gather3A_1027 = vector.shape_cast %broadcast_in_dim3A_1026 : vector<16x1xi32> to vector<16xi32>
      %gather3A_1028 = tpu.dynamic_gather %max3A_1015[%gather3A_1027] in [0] : vector<16xf32>, vector<16xi32> -> vector<16xf32>
      %max3A_1029 = arith.maximumf %max3A_1015, %gather3A_1028 : vector<16xf32>
      %xor3A_1030 = arith.constant 4 : i32
      %xor3A_1031 = vector.broadcast %xor3A_1030 : i32 to vector<16xi32>
      %xor3A_1032 = arith.xori %iota3A, %xor3A_1031 : vector<16xi32>
      %lt3A_1033 = arith.constant 0 : i32
      %lt3A_1034 = vector.broadcast %lt3A_1033 : i32 to vector<16xi32>
      %lt3A_1035 = arith.cmpi slt, %xor3A_1032, %lt3A_1034 : vector<16xi32>
      %add3A_1036 = arith.constant 16 : i32
      %add3A_1037 = vector.broadcast %add3A_1036 : i32 to vector<16xi32>
      %add3A_1038 = arith.addi %xor3A_1032, %add3A_1037 : vector<16xi32>
      %select_n3A_1039 = arith.select %lt3A_1035, %add3A_1038, %xor3A_1032 : vector<16xi1>, vector<16xi32>
      %broadcast_in_dim3A_1040 = vector.shape_cast %select_n3A_1039 : vector<16xi32> to vector<16x1xi32>
      %gather3A_1041 = vector.shape_cast %broadcast_in_dim3A_1040 : vector<16x1xi32> to vector<16xi32>
      %gather3A_1042 = tpu.dynamic_gather %max3A_1029[%gather3A_1041] in [0] : vector<16xf32>, vector<16xi32> -> vector<16xf32>
      %max3A_1043 = arith.maximumf %max3A_1029, %gather3A_1042 : vector<16xf32>
      %xor3A_1044 = arith.constant 8 : i32
      %xor3A_1045 = vector.broadcast %xor3A_1044 : i32 to vector<16xi32>
      %xor3A_1046 = arith.xori %iota3A, %xor3A_1045 : vector<16xi32>
      %lt3A_1047 = arith.constant 0 : i32
      %lt3A_1048 = vector.broadcast %lt3A_1047 : i32 to vector<16xi32>
      %lt3A_1049 = arith.cmpi slt, %xor3A_1046, %lt3A_1048 : vector<16xi32>
      %add3A_1050 = arith.constant 16 : i32
      %add3A_1051 = vector.broadcast %add3A_1050 : i32 to vector<16xi32>
      %add3A_1052 = arith.addi %xor3A_1046, %add3A_1051 : vector<16xi32>
      %select_n3A_1053 = arith.select %lt3A_1049, %add3A_1052, %xor3A_1046 : vector<16xi1>, vector<16xi32>
      %broadcast_in_dim3A_1054 = vector.shape_cast %select_n3A_1053 : vector<16xi32> to vector<16x1xi32>
      %gather3A_1055 = vector.shape_cast %broadcast_in_dim3A_1054 : vector<16x1xi32> to vector<16xi32>
      %gather3A_1056 = tpu.dynamic_gather %max3A_1043[%gather3A_1055] in [0] : vector<16xf32>, vector<16xi32> -> vector<16xf32>
      %max3A_1057 = arith.maximumf %max3A_1043, %gather3A_1056 : vector<16xf32>
      %slice3A_1058 = vector.extract_strided_slice %max3A_1057 {offsets = [0], sizes = [1], strides = [1]} : vector<16xf32> to vector<1xf32>
      %squeeze3A_1059 = vector.extract %slice3A_1058[0] : f32 from vector<1xf32>
      %gt3A_1060 = arith.constant 0.000000e+00 : f32
      %gt3A_1061 = arith.cmpf ogt, %squeeze3A_1059, %gt3A_1060 : f32
      %select_n3A_1062 = arith.select %gt3A_1061, %add3A_944, %select_n3A_923 : i32
      %mul3A_1063 = arith.constant 32 : i32
      %mul3A_1064 = arith.muli %add3A_944, %mul3A_1063 : i32
      %add3A_1065 = arith.addi %mul3A_32, %mul3A_1064 : i32
      %dma_start3A_1066 = arith.constant 0 : i32
      %dma_start3A_1067 = arith.constant 0 : i32
      %dma_start3A_1068 = tpu.memref_slice %arg5[%dma_start3A_1066, %dma_start3A_1067] : memref<128x512xf32, #tpu.memory_space<vmem>> -> memref<32x512xf32, #tpu.memory_space<vmem>>
      %dma_start3A_1069 = arith.constant 0 : i32
      %dma_start3A_1070 = tpu.memref_slice %arg3[%select_n3A, %add3A_1065, %dma_start3A_1069] : memref<16x4096x512xf32, #tpu.memory_space<hbm>> -> memref<1x32x512xf32, #tpu.memory_space<hbm>>
      %dma_start3A_1071 = tpu.memref_squeeze %dma_start3A_1070 : memref<1x32x512xf32, #tpu.memory_space<hbm>> -> memref<32x512xf32, #tpu.memory_space<hbm>>
      %dma_start3A_1072 = arith.constant 0 : i32
      %dma_start3A_1073 = tpu.memref_slice %arg3[%select_n3A, %add3A_1065, %dma_start3A_1072] : memref<16x4096x512xf32, #tpu.memory_space<hbm>> -> memref<1x32x512xf32, #tpu.memory_space<hbm>>
      %dma_start3A_1074 = tpu.memref_squeeze %dma_start3A_1073 : memref<1x32x512xf32, #tpu.memory_space<hbm>> -> memref<32x512xf32, #tpu.memory_space<hbm>>
      %dma_start3A_1075 = arith.constant 0 : i32
      %dma_start3A_1076 = arith.constant 0 : i32
      %dma_start3A_1077 = tpu.memref_slice %arg5[%dma_start3A_1075, %dma_start3A_1076] : memref<128x512xf32, #tpu.memory_space<vmem>> -> memref<32x512xf32, #tpu.memory_space<vmem>>
      tpu.enqueue_dma source(%dma_start3A_1077 : memref<32x512xf32, #tpu.memory_space<vmem>>) target(%dma_start3A_1074 : memref<32x512xf32, #tpu.memory_space<hbm>>) target_semaphore(%arg11 : memref<!tpu.dma_semaphore, #tpu.memory_space<semaphore_mem>>)
      %mul3A_1078 = arith.constant 4 : i32
      %mul3A_1079 = arith.muli %scan3A_659, %mul3A_1078 : i32
      %add3A_1080 = arith.constant 2 : i32
      %add3A_1081 = arith.addi %add3A_1080, %mul3A_1079 : i32
      %add3A_1082 = arith.constant 3 : i32
      %add3A_1083 = arith.addi %add3A_1081, %add3A_1082 : i32
      %add3A_1084 = arith.constant 0 : i32
      %add3A_1085 = arith.addi %mul3A_32, %add3A_1084 : i32
      %dma_wait3A_1086 = arith.constant 96 : i32
      %dma_wait3A_1087 = arith.constant 0 : i32
      %dma_wait3A_1088 = tpu.memref_slice %arg5[%dma_wait3A_1086, %dma_wait3A_1087] : memref<128x512xf32, #tpu.memory_space<vmem>> -> memref<32x512xf32, #tpu.memory_space<vmem>>
      %dma_wait3A_1089 = arith.constant 0 : i32
      %dma_wait3A_1090 = tpu.memref_slice %arg3[%select_n3A, %add3A_1085, %dma_wait3A_1089] : memref<16x4096x512xf32, #tpu.memory_space<hbm>> -> memref<1x32x512xf32, #tpu.memory_space<hbm>>
      %dma_wait3A_1091 = tpu.memref_squeeze %dma_wait3A_1090 : memref<1x32x512xf32, #tpu.memory_space<hbm>> -> memref<32x512xf32, #tpu.memory_space<hbm>>
      %dma_wait3A_1092 = arith.constant 0 : i32
      %dma_wait3A_1093 = tpu.memref_slice %arg3[%select_n3A, %add3A_1085, %dma_wait3A_1092] : memref<16x4096x512xf32, #tpu.memory_space<hbm>> -> memref<1x32x512xf32, #tpu.memory_space<hbm>>
      %dma_wait3A_1094 = tpu.memref_squeeze %dma_wait3A_1093 : memref<1x32x512xf32, #tpu.memory_space<hbm>> -> memref<32x512xf32, #tpu.memory_space<hbm>>
      %dma_wait3A_1095 = arith.constant 96 : i32
      %dma_wait3A_1096 = arith.constant 0 : i32
      %dma_wait3A_1097 = tpu.memref_slice %arg5[%dma_wait3A_1095, %dma_wait3A_1096] : memref<128x512xf32, #tpu.memory_space<vmem>> -> memref<32x512xf32, #tpu.memory_space<vmem>>
      tpu.wait_dma2 semaphore(%arg14 : memref<!tpu.dma_semaphore, #tpu.memory_space<semaphore_mem>>) src(%dma_wait3A_1097 : memref<32x512xf32, #tpu.memory_space<vmem>>) dst(%dma_wait3A_1094 : memref<32x512xf32, #tpu.memory_space<hbm>>)
      %add3A_1098 = arith.constant 2 : i32
      %add3A_1099 = arith.addi %add3A_1083, %add3A_1098 : i32
      %min3A_1100 = arith.constant 63 : i32
      %min3A_1101 = arith.minsi %add3A_1099, %min3A_1100 : i32
      %mul3A_1102 = arith.constant 32 : i32
      %mul3A_1103 = arith.muli %min3A_1101, %mul3A_1102 : i32
      %add3A_1104 = arith.addi %mul3A_32, %mul3A_1103 : i32
      %dma_start3A_1105 = arith.constant 96 : i32
      %dma_start3A_1106 = arith.constant 0 : i32
      %dma_start3A_1107 = tpu.memref_slice %arg5[%dma_start3A_1105, %dma_start3A_1106] : memref<128x512xf32, #tpu.memory_space<vmem>> -> memref<32x512xf32, #tpu.memory_space<vmem>>
      %dma_start3A_1108 = arith.constant 0 : i32
      %dma_start3A_1109 = tpu.memref_slice %arg2[%select_n3A, %add3A_1104, %dma_start3A_1108] : memref<16x4096x512xf32, #tpu.memory_space<hbm>> -> memref<1x32x512xf32, #tpu.memory_space<hbm>>
      %dma_start3A_1110 = tpu.memref_squeeze %dma_start3A_1109 : memref<1x32x512xf32, #tpu.memory_space<hbm>> -> memref<32x512xf32, #tpu.memory_space<hbm>>
      %dma_start3A_1111 = arith.constant 96 : i32
      %dma_start3A_1112 = arith.constant 0 : i32
      %dma_start3A_1113 = tpu.memref_slice %arg5[%dma_start3A_1111, %dma_start3A_1112] : memref<128x512xf32, #tpu.memory_space<vmem>> -> memref<32x512xf32, #tpu.memory_space<vmem>>
      %dma_start3A_1114 = arith.constant 0 : i32
      %dma_start3A_1115 = tpu.memref_slice %arg2[%select_n3A, %add3A_1104, %dma_start3A_1114] : memref<16x4096x512xf32, #tpu.memory_space<hbm>> -> memref<1x32x512xf32, #tpu.memory_space<hbm>>
      %dma_start3A_1116 = tpu.memref_squeeze %dma_start3A_1115 : memref<1x32x512xf32, #tpu.memory_space<hbm>> -> memref<32x512xf32, #tpu.memory_space<hbm>>
      tpu.enqueue_dma source(%dma_start3A_1116 : memref<32x512xf32, #tpu.memory_space<hbm>>) target(%dma_start3A_1113 : memref<32x512xf32, #tpu.memory_space<vmem>>) target_semaphore(%arg10 : memref<!tpu.dma_semaphore, #tpu.memory_space<semaphore_mem>>)
      %mul3A_1117 = arith.constant 32 : i32
      %mul3A_1118 = arith.muli %add3A_1083, %mul3A_1117 : i32
      %add3A_1119 = arith.addi %mul3A_32, %mul3A_1118 : i32
      %dma_wait3A_1120 = arith.constant 32 : i32
      %dma_wait3A_1121 = arith.constant 0 : i32
      %dma_wait3A_1122 = tpu.memref_slice %arg5[%dma_wait3A_1120, %dma_wait3A_1121] : memref<128x512xf32, #tpu.memory_space<vmem>> -> memref<32x512xf32, #tpu.memory_space<vmem>>
      %dma_wait3A_1123 = arith.constant 0 : i32
      %dma_wait3A_1124 = tpu.memref_slice %arg2[%select_n3A, %add3A_1119, %dma_wait3A_1123] : memref<16x4096x512xf32, #tpu.memory_space<hbm>> -> memref<1x32x512xf32, #tpu.memory_space<hbm>>
      %dma_wait3A_1125 = tpu.memref_squeeze %dma_wait3A_1124 : memref<1x32x512xf32, #tpu.memory_space<hbm>> -> memref<32x512xf32, #tpu.memory_space<hbm>>
      %dma_wait3A_1126 = arith.constant 32 : i32
      %dma_wait3A_1127 = arith.constant 0 : i32
      %dma_wait3A_1128 = tpu.memref_slice %arg5[%dma_wait3A_1126, %dma_wait3A_1127] : memref<128x512xf32, #tpu.memory_space<vmem>> -> memref<32x512xf32, #tpu.memory_space<vmem>>
      %dma_wait3A_1129 = arith.constant 0 : i32
      %dma_wait3A_1130 = tpu.memref_slice %arg2[%select_n3A, %add3A_1119, %dma_wait3A_1129] : memref<16x4096x512xf32, #tpu.memory_space<hbm>> -> memref<1x32x512xf32, #tpu.memory_space<hbm>>
      %dma_wait3A_1131 = tpu.memref_squeeze %dma_wait3A_1130 : memref<1x32x512xf32, #tpu.memory_space<hbm>> -> memref<32x512xf32, #tpu.memory_space<hbm>>
      tpu.wait_dma2 semaphore(%arg8 : memref<!tpu.dma_semaphore, #tpu.memory_space<semaphore_mem>>) src(%dma_wait3A_1131 : memref<32x512xf32, #tpu.memory_space<hbm>>) dst(%dma_wait3A_1128 : memref<32x512xf32, #tpu.memory_space<vmem>>)
      %scan3A_1132 = arith.constant 0 : i32
      %scan3A_1133 = arith.constant 32 : i32
      %scan3A_1134 = arith.addi %scan3A_1132, %scan3A_1133 : i32
      %scan3A_1135 = arith.constant 1 : i32
      %scan3A_1136:4 = scf.for %scan3A_1217 = %scan3A_1132 to %scan3A_1134 step %scan3A_1135 iter_args(%scan3A_1218 = %broadcast_in_dim3A_33, %scan3A_1219 = %broadcast_in_dim3A_33, %scan3A_1220 = %broadcast_in_dim3A_33, %scan3A_1221 = %broadcast_in_dim3A_33) -> (vector<16xf32>, vector<16xf32>, vector<16xf32>, vector<16xf32>)  : i32 {
        %add3A_1222 = arith.constant 32 : i32
        %add3A_1223 = arith.addi %add3A_1222, %scan3A_1217 : i32
        %get3A = arith.index_cast %add3A_1223 : i32 to index
        %get3A_1224 = arith.constant 0 : index
        %get3A_1225 = tpu.vector_load %arg5[%get3A, %get3A_1224] {strides = array<i32>} : memref<128x512xf32, #tpu.memory_space<vmem>>, vector<1x16xf32>,
        %get3A_1226 = vector.shape_cast %get3A_1225 : vector<1x16xf32> to vector<16xf32>
        %abs3A = math.absf %get3A_1226 : vector<16xf32>
        %max3A_1227 = arith.maximumf %scan3A_1218, %abs3A : vector<16xf32>
        %add3A_1228 = arith.constant 32 : i32
        %add3A_1229 = arith.addi %add3A_1228, %scan3A_1217 : i32
        %get3A_1230 = arith.index_cast %add3A_1229 : i32 to index
        %get3A_1231 = arith.constant 16 : index
        %get3A_1232 = tpu.vector_load %arg5[%get3A_1230, %get3A_1231] {strides = array<i32>} : memref<128x512xf32, #tpu.memory_space<vmem>>, vector<1x16xf32>,
        %get3A_1233 = vector.shape_cast %get3A_1232 : vector<1x16xf32> to vector<16xf32>
        %abs3A_1234 = math.absf %get3A_1233 : vector<16xf32>
        %max3A_1235 = arith.maximumf %scan3A_1219, %abs3A_1234 : vector<16xf32>
        %add3A_1236 = arith.constant 32 : i32
        %add3A_1237 = arith.addi %add3A_1236, %scan3A_1217 : i32
        %get3A_1238 = arith.index_cast %add3A_1237 : i32 to index
        %get3A_1239 = arith.constant 32 : index
        %get3A_1240 = tpu.vector_load %arg5[%get3A_1238, %get3A_1239] {strides = array<i32>} : memref<128x512xf32, #tpu.memory_space<vmem>>, vector<1x16xf32>,
        %get3A_1241 = vector.shape_cast %get3A_1240 : vector<1x16xf32> to vector<16xf32>
        %abs3A_1242 = math.absf %get3A_1241 : vector<16xf32>
        %max3A_1243 = arith.maximumf %scan3A_1220, %abs3A_1242 : vector<16xf32>
        %add3A_1244 = arith.constant 32 : i32
        %add3A_1245 = arith.addi %add3A_1244, %scan3A_1217 : i32
        %get3A_1246 = arith.index_cast %add3A_1245 : i32 to index
        %get3A_1247 = arith.constant 48 : index
        %get3A_1248 = tpu.vector_load %arg5[%get3A_1246, %get3A_1247] {strides = array<i32>} : memref<128x512xf32, #tpu.memory_space<vmem>>, vector<1x16xf32>,
        %get3A_1249 = vector.shape_cast %get3A_1248 : vector<1x16xf32> to vector<16xf32>
        %abs3A_1250 = math.absf %get3A_1249 : vector<16xf32>
        %max3A_1251 = arith.maximumf %scan3A_1221, %abs3A_1250 : vector<16xf32>
        %add3A_1252 = arith.constant 32 : i32
        %add3A_1253 = arith.addi %add3A_1252, %scan3A_1217 : i32
        %get3A_1254 = arith.index_cast %add3A_1253 : i32 to index
        %get3A_1255 = arith.constant 64 : index
        %get3A_1256 = tpu.vector_load %arg5[%get3A_1254, %get3A_1255] {strides = array<i32>} : memref<128x512xf32, #tpu.memory_space<vmem>>, vector<1x16xf32>,
        %get3A_1257 = vector.shape_cast %get3A_1256 : vector<1x16xf32> to vector<16xf32>
        %abs3A_1258 = math.absf %get3A_1257 : vector<16xf32>
        %max3A_1259 = arith.maximumf %max3A_1227, %abs3A_1258 : vector<16xf32>
        %add3A_1260 = arith.constant 32 : i32
        %add3A_1261 = arith.addi %add3A_1260, %scan3A_1217 : i32
        %get3A_1262 = arith.index_cast %add3A_1261 : i32 to index
        %get3A_1263 = arith.constant 80 : index
        %get3A_1264 = tpu.vector_load %arg5[%get3A_1262, %get3A_1263] {strides = array<i32>} : memref<128x512xf32, #tpu.memory_space<vmem>>, vector<1x16xf32>,
        %get3A_1265 = vector.shape_cast %get3A_1264 : vector<1x16xf32> to vector<16xf32>
        %abs3A_1266 = math.absf %get3A_1265 : vector<16xf32>
        %max3A_1267 = arith.maximumf %max3A_1235, %abs3A_1266 : vector<16xf32>
        %add3A_1268 = arith.constant 32 : i32
        %add3A_1269 = arith.addi %add3A_1268, %scan3A_1217 : i32
        %get3A_1270 = arith.index_cast %add3A_1269 : i32 to index
        %get3A_1271 = arith.constant 96 : index
        %get3A_1272 = tpu.vector_load %arg5[%get3A_1270, %get3A_1271] {strides = array<i32>} : memref<128x512xf32, #tpu.memory_space<vmem>>, vector<1x16xf32>,
        %get3A_1273 = vector.shape_cast %get3A_1272 : vector<1x16xf32> to vector<16xf32>
        %abs3A_1274 = math.absf %get3A_1273 : vector<16xf32>
        %max3A_1275 = arith.maximumf %max3A_1243, %abs3A_1274 : vector<16xf32>
        %add3A_1276 = arith.constant 32 : i32
        %add3A_1277 = arith.addi %add3A_1276, %scan3A_1217 : i32
        %get3A_1278 = arith.index_cast %add3A_1277 : i32 to index
        %get3A_1279 = arith.constant 112 : index
        %get3A_1280 = tpu.vector_load %arg5[%get3A_1278, %get3A_1279] {strides = array<i32>} : memref<128x512xf32, #tpu.memory_space<vmem>>, vector<1x16xf32>,
        %get3A_1281 = vector.shape_cast %get3A_1280 : vector<1x16xf32> to vector<16xf32>
        %abs3A_1282 = math.absf %get3A_1281 : vector<16xf32>
        %max3A_1283 = arith.maximumf %max3A_1251, %abs3A_1282 : vector<16xf32>
        %add3A_1284 = arith.constant 32 : i32
        %add3A_1285 = arith.addi %add3A_1284, %scan3A_1217 : i32
        %get3A_1286 = arith.index_cast %add3A_1285 : i32 to index
        %get3A_1287 = arith.constant 128 : index
        %get3A_1288 = tpu.vector_load %arg5[%get3A_1286, %get3A_1287] {strides = array<i32>} : memref<128x512xf32, #tpu.memory_space<vmem>>, vector<1x16xf32>,
        %get3A_1289 = vector.shape_cast %get3A_1288 : vector<1x16xf32> to vector<16xf32>
        %abs3A_1290 = math.absf %get3A_1289 : vector<16xf32>
        %max3A_1291 = arith.maximumf %max3A_1259, %abs3A_1290 : vector<16xf32>
        %add3A_1292 = arith.constant 32 : i32
        %add3A_1293 = arith.addi %add3A_1292, %scan3A_1217 : i32
        %get3A_1294 = arith.index_cast %add3A_1293 : i32 to index
        %get3A_1295 = arith.constant 144 : index
        %get3A_1296 = tpu.vector_load %arg5[%get3A_1294, %get3A_1295] {strides = array<i32>} : memref<128x512xf32, #tpu.memory_space<vmem>>, vector<1x16xf32>,
        %get3A_1297 = vector.shape_cast %get3A_1296 : vector<1x16xf32> to vector<16xf32>
        %abs3A_1298 = math.absf %get3A_1297 : vector<16xf32>
        %max3A_1299 = arith.maximumf %max3A_1267, %abs3A_1298 : vector<16xf32>
        %add3A_1300 = arith.constant 32 : i32
        %add3A_1301 = arith.addi %add3A_1300, %scan3A_1217 : i32
        %get3A_1302 = arith.index_cast %add3A_1301 : i32 to index
        %get3A_1303 = arith.constant 160 : index
        %get3A_1304 = tpu.vector_load %arg5[%get3A_1302, %get3A_1303] {strides = array<i32>} : memref<128x512xf32, #tpu.memory_space<vmem>>, vector<1x16xf32>,
        %get3A_1305 = vector.shape_cast %get3A_1304 : vector<1x16xf32> to vector<16xf32>
        %abs3A_1306 = math.absf %get3A_1305 : vector<16xf32>
        %max3A_1307 = arith.maximumf %max3A_1275, %abs3A_1306 : vector<16xf32>
        %add3A_1308 = arith.constant 32 : i32
        %add3A_1309 = arith.addi %add3A_1308, %scan3A_1217 : i32
        %get3A_1310 = arith.index_cast %add3A_1309 : i32 to index
        %get3A_1311 = arith.constant 176 : index
        %get3A_1312 = tpu.vector_load %arg5[%get3A_1310, %get3A_1311] {strides = array<i32>} : memref<128x512xf32, #tpu.memory_space<vmem>>, vector<1x16xf32>,
        %get3A_1313 = vector.shape_cast %get3A_1312 : vector<1x16xf32> to vector<16xf32>
        %abs3A_1314 = math.absf %get3A_1313 : vector<16xf32>
        %max3A_1315 = arith.maximumf %max3A_1283, %abs3A_1314 : vector<16xf32>
        %add3A_1316 = arith.constant 32 : i32
        %add3A_1317 = arith.addi %add3A_1316, %scan3A_1217 : i32
        %get3A_1318 = arith.index_cast %add3A_1317 : i32 to index
        %get3A_1319 = arith.constant 192 : index
        %get3A_1320 = tpu.vector_load %arg5[%get3A_1318, %get3A_1319] {strides = array<i32>} : memref<128x512xf32, #tpu.memory_space<vmem>>, vector<1x16xf32>,
        %get3A_1321 = vector.shape_cast %get3A_1320 : vector<1x16xf32> to vector<16xf32>
        %abs3A_1322 = math.absf %get3A_1321 : vector<16xf32>
        %max3A_1323 = arith.maximumf %max3A_1291, %abs3A_1322 : vector<16xf32>
        %add3A_1324 = arith.constant 32 : i32
        %add3A_1325 = arith.addi %add3A_1324, %scan3A_1217 : i32
        %get3A_1326 = arith.index_cast %add3A_1325 : i32 to index
        %get3A_1327 = arith.constant 208 : index
        %get3A_1328 = tpu.vector_load %arg5[%get3A_1326, %get3A_1327] {strides = array<i32>} : memref<128x512xf32, #tpu.memory_space<vmem>>, vector<1x16xf32>,
        %get3A_1329 = vector.shape_cast %get3A_1328 : vector<1x16xf32> to vector<16xf32>
        %abs3A_1330 = math.absf %get3A_1329 : vector<16xf32>
        %max3A_1331 = arith.maximumf %max3A_1299, %abs3A_1330 : vector<16xf32>
        %add3A_1332 = arith.constant 32 : i32
        %add3A_1333 = arith.addi %add3A_1332, %scan3A_1217 : i32
        %get3A_1334 = arith.index_cast %add3A_1333 : i32 to index
        %get3A_1335 = arith.constant 224 : index
        %get3A_1336 = tpu.vector_load %arg5[%get3A_1334, %get3A_1335] {strides = array<i32>} : memref<128x512xf32, #tpu.memory_space<vmem>>, vector<1x16xf32>,
        %get3A_1337 = vector.shape_cast %get3A_1336 : vector<1x16xf32> to vector<16xf32>
        %abs3A_1338 = math.absf %get3A_1337 : vector<16xf32>
        %max3A_1339 = arith.maximumf %max3A_1307, %abs3A_1338 : vector<16xf32>
        %add3A_1340 = arith.constant 32 : i32
        %add3A_1341 = arith.addi %add3A_1340, %scan3A_1217 : i32
        %get3A_1342 = arith.index_cast %add3A_1341 : i32 to index
        %get3A_1343 = arith.constant 240 : index
        %get3A_1344 = tpu.vector_load %arg5[%get3A_1342, %get3A_1343] {strides = array<i32>} : memref<128x512xf32, #tpu.memory_space<vmem>>, vector<1x16xf32>,
        %get3A_1345 = vector.shape_cast %get3A_1344 : vector<1x16xf32> to vector<16xf32>
        %abs3A_1346 = math.absf %get3A_1345 : vector<16xf32>
        %max3A_1347 = arith.maximumf %max3A_1315, %abs3A_1346 : vector<16xf32>
        %add3A_1348 = arith.constant 32 : i32
        %add3A_1349 = arith.addi %add3A_1348, %scan3A_1217 : i32
        %get3A_1350 = arith.index_cast %add3A_1349 : i32 to index
        %get3A_1351 = arith.constant 256 : index
        %get3A_1352 = tpu.vector_load %arg5[%get3A_1350, %get3A_1351] {strides = array<i32>} : memref<128x512xf32, #tpu.memory_space<vmem>>, vector<1x16xf32>,
        %get3A_1353 = vector.shape_cast %get3A_1352 : vector<1x16xf32> to vector<16xf32>
        %abs3A_1354 = math.absf %get3A_1353 : vector<16xf32>
        %max3A_1355 = arith.maximumf %max3A_1323, %abs3A_1354 : vector<16xf32>
        %add3A_1356 = arith.constant 32 : i32
        %add3A_1357 = arith.addi %add3A_1356, %scan3A_1217 : i32
        %get3A_1358 = arith.index_cast %add3A_1357 : i32 to index
        %get3A_1359 = arith.constant 272 : index
        %get3A_1360 = tpu.vector_load %arg5[%get3A_1358, %get3A_1359] {strides = array<i32>} : memref<128x512xf32, #tpu.memory_space<vmem>>, vector<1x16xf32>,
        %get3A_1361 = vector.shape_cast %get3A_1360 : vector<1x16xf32> to vector<16xf32>
        %abs3A_1362 = math.absf %get3A_1361 : vector<16xf32>
        %max3A_1363 = arith.maximumf %max3A_1331, %abs3A_1362 : vector<16xf32>
        %add3A_1364 = arith.constant 32 : i32
        %add3A_1365 = arith.addi %add3A_1364, %scan3A_1217 : i32
        %get3A_1366 = arith.index_cast %add3A_1365 : i32 to index
        %get3A_1367 = arith.constant 288 : index
        %get3A_1368 = tpu.vector_load %arg5[%get3A_1366, %get3A_1367] {strides = array<i32>} : memref<128x512xf32, #tpu.memory_space<vmem>>, vector<1x16xf32>,
        %get3A_1369 = vector.shape_cast %get3A_1368 : vector<1x16xf32> to vector<16xf32>
        %abs3A_1370 = math.absf %get3A_1369 : vector<16xf32>
        %max3A_1371 = arith.maximumf %max3A_1339, %abs3A_1370 : vector<16xf32>
        %add3A_1372 = arith.constant 32 : i32
        %add3A_1373 = arith.addi %add3A_1372, %scan3A_1217 : i32
        %get3A_1374 = arith.index_cast %add3A_1373 : i32 to index
        %get3A_1375 = arith.constant 304 : index
        %get3A_1376 = tpu.vector_load %arg5[%get3A_1374, %get3A_1375] {strides = array<i32>} : memref<128x512xf32, #tpu.memory_space<vmem>>, vector<1x16xf32>,
        %get3A_1377 = vector.shape_cast %get3A_1376 : vector<1x16xf32> to vector<16xf32>
        %abs3A_1378 = math.absf %get3A_1377 : vector<16xf32>
        %max3A_1379 = arith.maximumf %max3A_1347, %abs3A_1378 : vector<16xf32>
        %add3A_1380 = arith.constant 32 : i32
        %add3A_1381 = arith.addi %add3A_1380, %scan3A_1217 : i32
        %get3A_1382 = arith.index_cast %add3A_1381 : i32 to index
        %get3A_1383 = arith.constant 320 : index
        %get3A_1384 = tpu.vector_load %arg5[%get3A_1382, %get3A_1383] {strides = array<i32>} : memref<128x512xf32, #tpu.memory_space<vmem>>, vector<1x16xf32>,
        %get3A_1385 = vector.shape_cast %get3A_1384 : vector<1x16xf32> to vector<16xf32>
        %abs3A_1386 = math.absf %get3A_1385 : vector<16xf32>
        %max3A_1387 = arith.maximumf %max3A_1355, %abs3A_1386 : vector<16xf32>
        %add3A_1388 = arith.constant 32 : i32
        %add3A_1389 = arith.addi %add3A_1388, %scan3A_1217 : i32
        %get3A_1390 = arith.index_cast %add3A_1389 : i32 to index
        %get3A_1391 = arith.constant 336 : index
        %get3A_1392 = tpu.vector_load %arg5[%get3A_1390, %get3A_1391] {strides = array<i32>} : memref<128x512xf32, #tpu.memory_space<vmem>>, vector<1x16xf32>,
        %get3A_1393 = vector.shape_cast %get3A_1392 : vector<1x16xf32> to vector<16xf32>
        %abs3A_1394 = math.absf %get3A_1393 : vector<16xf32>
        %max3A_1395 = arith.maximumf %max3A_1363, %abs3A_1394 : vector<16xf32>
        %add3A_1396 = arith.constant 32 : i32
        %add3A_1397 = arith.addi %add3A_1396, %scan3A_1217 : i32
        %get3A_1398 = arith.index_cast %add3A_1397 : i32 to index
        %get3A_1399 = arith.constant 352 : index
        %get3A_1400 = tpu.vector_load %arg5[%get3A_1398, %get3A_1399] {strides = array<i32>} : memref<128x512xf32, #tpu.memory_space<vmem>>, vector<1x16xf32>,
        %get3A_1401 = vector.shape_cast %get3A_1400 : vector<1x16xf32> to vector<16xf32>
        %abs3A_1402 = math.absf %get3A_1401 : vector<16xf32>
        %max3A_1403 = arith.maximumf %max3A_1371, %abs3A_1402 : vector<16xf32>
        %add3A_1404 = arith.constant 32 : i32
        %add3A_1405 = arith.addi %add3A_1404, %scan3A_1217 : i32
        %get3A_1406 = arith.index_cast %add3A_1405 : i32 to index
        %get3A_1407 = arith.constant 368 : index
        %get3A_1408 = tpu.vector_load %arg5[%get3A_1406, %get3A_1407] {strides = array<i32>} : memref<128x512xf32, #tpu.memory_space<vmem>>, vector<1x16xf32>,
        %get3A_1409 = vector.shape_cast %get3A_1408 : vector<1x16xf32> to vector<16xf32>
        %abs3A_1410 = math.absf %get3A_1409 : vector<16xf32>
        %max3A_1411 = arith.maximumf %max3A_1379, %abs3A_1410 : vector<16xf32>
        %add3A_1412 = arith.constant 32 : i32
        %add3A_1413 = arith.addi %add3A_1412, %scan3A_1217 : i32
        %get3A_1414 = arith.index_cast %add3A_1413 : i32 to index
        %get3A_1415 = arith.constant 384 : index
        %get3A_1416 = tpu.vector_load %arg5[%get3A_1414, %get3A_1415] {strides = array<i32>} : memref<128x512xf32, #tpu.memory_space<vmem>>, vector<1x16xf32>,
        %get3A_1417 = vector.shape_cast %get3A_1416 : vector<1x16xf32> to vector<16xf32>
        %abs3A_1418 = math.absf %get3A_1417 : vector<16xf32>
        %max3A_1419 = arith.maximumf %max3A_1387, %abs3A_1418 : vector<16xf32>
        %add3A_1420 = arith.constant 32 : i32
        %add3A_1421 = arith.addi %add3A_1420, %scan3A_1217 : i32
        %get3A_1422 = arith.index_cast %add3A_1421 : i32 to index
        %get3A_1423 = arith.constant 400 : index
        %get3A_1424 = tpu.vector_load %arg5[%get3A_1422, %get3A_1423] {strides = array<i32>} : memref<128x512xf32, #tpu.memory_space<vmem>>, vector<1x16xf32>,
        %get3A_1425 = vector.shape_cast %get3A_1424 : vector<1x16xf32> to vector<16xf32>
        %abs3A_1426 = math.absf %get3A_1425 : vector<16xf32>
        %max3A_1427 = arith.maximumf %max3A_1395, %abs3A_1426 : vector<16xf32>
        %add3A_1428 = arith.constant 32 : i32
        %add3A_1429 = arith.addi %add3A_1428, %scan3A_1217 : i32
        %get3A_1430 = arith.index_cast %add3A_1429 : i32 to index
        %get3A_1431 = arith.constant 416 : index
        %get3A_1432 = tpu.vector_load %arg5[%get3A_1430, %get3A_1431] {strides = array<i32>} : memref<128x512xf32, #tpu.memory_space<vmem>>, vector<1x16xf32>,
        %get3A_1433 = vector.shape_cast %get3A_1432 : vector<1x16xf32> to vector<16xf32>
        %abs3A_1434 = math.absf %get3A_1433 : vector<16xf32>
        %max3A_1435 = arith.maximumf %max3A_1403, %abs3A_1434 : vector<16xf32>
        %add3A_1436 = arith.constant 32 : i32
        %add3A_1437 = arith.addi %add3A_1436, %scan3A_1217 : i32
        %get3A_1438 = arith.index_cast %add3A_1437 : i32 to index
        %get3A_1439 = arith.constant 432 : index
        %get3A_1440 = tpu.vector_load %arg5[%get3A_1438, %get3A_1439] {strides = array<i32>} : memref<128x512xf32, #tpu.memory_space<vmem>>, vector<1x16xf32>,
        %get3A_1441 = vector.shape_cast %get3A_1440 : vector<1x16xf32> to vector<16xf32>
        %abs3A_1442 = math.absf %get3A_1441 : vector<16xf32>
        %max3A_1443 = arith.maximumf %max3A_1411, %abs3A_1442 : vector<16xf32>
        %add3A_1444 = arith.constant 32 : i32
        %add3A_1445 = arith.addi %add3A_1444, %scan3A_1217 : i32
        %get3A_1446 = arith.index_cast %add3A_1445 : i32 to index
        %get3A_1447 = arith.constant 448 : index
        %get3A_1448 = tpu.vector_load %arg5[%get3A_1446, %get3A_1447] {strides = array<i32>} : memref<128x512xf32, #tpu.memory_space<vmem>>, vector<1x16xf32>,
        %get3A_1449 = vector.shape_cast %get3A_1448 : vector<1x16xf32> to vector<16xf32>
        %abs3A_1450 = math.absf %get3A_1449 : vector<16xf32>
        %max3A_1451 = arith.maximumf %max3A_1419, %abs3A_1450 : vector<16xf32>
        %add3A_1452 = arith.constant 32 : i32
        %add3A_1453 = arith.addi %add3A_1452, %scan3A_1217 : i32
        %get3A_1454 = arith.index_cast %add3A_1453 : i32 to index
        %get3A_1455 = arith.constant 464 : index
        %get3A_1456 = tpu.vector_load %arg5[%get3A_1454, %get3A_1455] {strides = array<i32>} : memref<128x512xf32, #tpu.memory_space<vmem>>, vector<1x16xf32>,
        %get3A_1457 = vector.shape_cast %get3A_1456 : vector<1x16xf32> to vector<16xf32>
        %abs3A_1458 = math.absf %get3A_1457 : vector<16xf32>
        %max3A_1459 = arith.maximumf %max3A_1427, %abs3A_1458 : vector<16xf32>
        %add3A_1460 = arith.constant 32 : i32
        %add3A_1461 = arith.addi %add3A_1460, %scan3A_1217 : i32
        %get3A_1462 = arith.index_cast %add3A_1461 : i32 to index
        %get3A_1463 = arith.constant 480 : index
        %get3A_1464 = tpu.vector_load %arg5[%get3A_1462, %get3A_1463] {strides = array<i32>} : memref<128x512xf32, #tpu.memory_space<vmem>>, vector<1x16xf32>,
        %get3A_1465 = vector.shape_cast %get3A_1464 : vector<1x16xf32> to vector<16xf32>
        %abs3A_1466 = math.absf %get3A_1465 : vector<16xf32>
        %max3A_1467 = arith.maximumf %max3A_1435, %abs3A_1466 : vector<16xf32>
        %add3A_1468 = arith.constant 32 : i32
        %add3A_1469 = arith.addi %add3A_1468, %scan3A_1217 : i32
        %get3A_1470 = arith.index_cast %add3A_1469 : i32 to index
        %get3A_1471 = arith.constant 496 : index
        %get3A_1472 = tpu.vector_load %arg5[%get3A_1470, %get3A_1471] {strides = array<i32>} : memref<128x512xf32, #tpu.memory_space<vmem>>, vector<1x16xf32>,
        %get3A_1473 = vector.shape_cast %get3A_1472 : vector<1x16xf32> to vector<16xf32>
        %abs3A_1474 = math.absf %get3A_1473 : vector<16xf32>
        %max3A_1475 = arith.maximumf %max3A_1443, %abs3A_1474 : vector<16xf32>
        scf.yield %max3A_1451, %max3A_1459, %max3A_1467, %max3A_1475 : vector<16xf32>, vector<16xf32>, vector<16xf32>, vector<16xf32>
      }
      %scan3A_1137 = arith.constant 32 : i32
      %max3A_1138 = arith.maximumf %scan3A_1136#0, %scan3A_1136#1 : vector<16xf32>
      %max3A_1139 = arith.maximumf %scan3A_1136#2, %scan3A_1136#3 : vector<16xf32>
      %max3A_1140 = arith.maximumf %max3A_1138, %max3A_1139 : vector<16xf32>
      %xor3A_1141 = arith.constant 1 : i32
      %xor3A_1142 = vector.broadcast %xor3A_1141 : i32 to vector<16xi32>
      %xor3A_1143 = arith.xori %iota3A, %xor3A_1142 : vector<16xi32>
      %lt3A_1144 = arith.constant 0 : i32
      %lt3A_1145 = vector.broadcast %lt3A_1144 : i32 to vector<16xi32>
      %lt3A_1146 = arith.cmpi slt, %xor3A_1143, %lt3A_1145 : vector<16xi32>
      %add3A_1147 = arith.constant 16 : i32
      %add3A_1148 = vector.broadcast %add3A_1147 : i32 to vector<16xi32>
      %add3A_1149 = arith.addi %xor3A_1143, %add3A_1148 : vector<16xi32>
      %select_n3A_1150 = arith.select %lt3A_1146, %add3A_1149, %xor3A_1143 : vector<16xi1>, vector<16xi32>
      %broadcast_in_dim3A_1151 = vector.shape_cast %select_n3A_1150 : vector<16xi32> to vector<16x1xi32>
      %gather3A_1152 = vector.shape_cast %broadcast_in_dim3A_1151 : vector<16x1xi32> to vector<16xi32>
      %gather3A_1153 = tpu.dynamic_gather %max3A_1140[%gather3A_1152] in [0] : vector<16xf32>, vector<16xi32> -> vector<16xf32>
      %max3A_1154 = arith.maximumf %max3A_1140, %gather3A_1153 : vector<16xf32>
      %xor3A_1155 = arith.constant 2 : i32
      %xor3A_1156 = vector.broadcast %xor3A_1155 : i32 to vector<16xi32>
      %xor3A_1157 = arith.xori %iota3A, %xor3A_1156 : vector<16xi32>
      %lt3A_1158 = arith.constant 0 : i32
      %lt3A_1159 = vector.broadcast %lt3A_1158 : i32 to vector<16xi32>
      %lt3A_1160 = arith.cmpi slt, %xor3A_1157, %lt3A_1159 : vector<16xi32>
      %add3A_1161 = arith.constant 16 : i32
      %add3A_1162 = vector.broadcast %add3A_1161 : i32 to vector<16xi32>
      %add3A_1163 = arith.addi %xor3A_1157, %add3A_1162 : vector<16xi32>
      %select_n3A_1164 = arith.select %lt3A_1160, %add3A_1163, %xor3A_1157 : vector<16xi1>, vector<16xi32>
      %broadcast_in_dim3A_1165 = vector.shape_cast %select_n3A_1164 : vector<16xi32> to vector<16x1xi32>
      %gather3A_1166 = vector.shape_cast %broadcast_in_dim3A_1165 : vector<16x1xi32> to vector<16xi32>
      %gather3A_1167 = tpu.dynamic_gather %max3A_1154[%gather3A_1166] in [0] : vector<16xf32>, vector<16xi32> -> vector<16xf32>
      %max3A_1168 = arith.maximumf %max3A_1154, %gather3A_1167 : vector<16xf32>
      %xor3A_1169 = arith.constant 4 : i32
      %xor3A_1170 = vector.broadcast %xor3A_1169 : i32 to vector<16xi32>
      %xor3A_1171 = arith.xori %iota3A, %xor3A_1170 : vector<16xi32>
      %lt3A_1172 = arith.constant 0 : i32
      %lt3A_1173 = vector.broadcast %lt3A_1172 : i32 to vector<16xi32>
      %lt3A_1174 = arith.cmpi slt, %xor3A_1171, %lt3A_1173 : vector<16xi32>
      %add3A_1175 = arith.constant 16 : i32
      %add3A_1176 = vector.broadcast %add3A_1175 : i32 to vector<16xi32>
      %add3A_1177 = arith.addi %xor3A_1171, %add3A_1176 : vector<16xi32>
      %select_n3A_1178 = arith.select %lt3A_1174, %add3A_1177, %xor3A_1171 : vector<16xi1>, vector<16xi32>
      %broadcast_in_dim3A_1179 = vector.shape_cast %select_n3A_1178 : vector<16xi32> to vector<16x1xi32>
      %gather3A_1180 = vector.shape_cast %broadcast_in_dim3A_1179 : vector<16x1xi32> to vector<16xi32>
      %gather3A_1181 = tpu.dynamic_gather %max3A_1168[%gather3A_1180] in [0] : vector<16xf32>, vector<16xi32> -> vector<16xf32>
      %max3A_1182 = arith.maximumf %max3A_1168, %gather3A_1181 : vector<16xf32>
      %xor3A_1183 = arith.constant 8 : i32
      %xor3A_1184 = vector.broadcast %xor3A_1183 : i32 to vector<16xi32>
      %xor3A_1185 = arith.xori %iota3A, %xor3A_1184 : vector<16xi32>
      %lt3A_1186 = arith.constant 0 : i32
      %lt3A_1187 = vector.broadcast %lt3A_1186 : i32 to vector<16xi32>
      %lt3A_1188 = arith.cmpi slt, %xor3A_1185, %lt3A_1187 : vector<16xi32>
      %add3A_1189 = arith.constant 16 : i32
      %add3A_1190 = vector.broadcast %add3A_1189 : i32 to vector<16xi32>
      %add3A_1191 = arith.addi %xor3A_1185, %add3A_1190 : vector<16xi32>
      %select_n3A_1192 = arith.select %lt3A_1188, %add3A_1191, %xor3A_1185 : vector<16xi1>, vector<16xi32>
      %broadcast_in_dim3A_1193 = vector.shape_cast %select_n3A_1192 : vector<16xi32> to vector<16x1xi32>
      %gather3A_1194 = vector.shape_cast %broadcast_in_dim3A_1193 : vector<16x1xi32> to vector<16xi32>
      %gather3A_1195 = tpu.dynamic_gather %max3A_1182[%gather3A_1194] in [0] : vector<16xf32>, vector<16xi32> -> vector<16xf32>
      %max3A_1196 = arith.maximumf %max3A_1182, %gather3A_1195 : vector<16xf32>
      %slice3A_1197 = vector.extract_strided_slice %max3A_1196 {offsets = [0], sizes = [1], strides = [1]} : vector<16xf32> to vector<1xf32>
      %squeeze3A_1198 = vector.extract %slice3A_1197[0] : f32 from vector<1xf32>
      %gt3A_1199 = arith.constant 0.000000e+00 : f32
      %gt3A_1200 = arith.cmpf ogt, %squeeze3A_1198, %gt3A_1199 : f32
      %select_n3A_1201 = arith.select %gt3A_1200, %add3A_1083, %select_n3A_1062 : i32
      %mul3A_1202 = arith.constant 32 : i32
      %mul3A_1203 = arith.muli %add3A_1083, %mul3A_1202 : i32
      %add3A_1204 = arith.addi %mul3A_32, %mul3A_1203 : i32
      %dma_start3A_1205 = arith.constant 32 : i32
      %dma_start3A_1206 = arith.constant 0 : i32
      %dma_start3A_1207 = tpu.memref_slice %arg5[%dma_start3A_1205, %dma_start3A_1206] : memref<128x512xf32, #tpu.memory_space<vmem>> -> memref<32x512xf32, #tpu.memory_space<vmem>>
      %dma_start3A_1208 = arith.constant 0 : i32
      %dma_start3A_1209 = tpu.memref_slice %arg3[%select_n3A, %add3A_1204, %dma_start3A_1208] : memref<16x4096x512xf32, #tpu.memory_space<hbm>> -> memref<1x32x512xf32, #tpu.memory_space<hbm>>
      %dma_start3A_1210 = tpu.memref_squeeze %dma_start3A_1209 : memref<1x32x512xf32, #tpu.memory_space<hbm>> -> memref<32x512xf32, #tpu.memory_space<hbm>>
      %dma_start3A_1211 = arith.constant 0 : i32
      %dma_start3A_1212 = tpu.memref_slice %arg3[%select_n3A, %add3A_1204, %dma_start3A_1211] : memref<16x4096x512xf32, #tpu.memory_space<hbm>> -> memref<1x32x512xf32, #tpu.memory_space<hbm>>
      %dma_start3A_1213 = tpu.memref_squeeze %dma_start3A_1212 : memref<1x32x512xf32, #tpu.memory_space<hbm>> -> memref<32x512xf32, #tpu.memory_space<hbm>>
      %dma_start3A_1214 = arith.constant 32 : i32
      %dma_start3A_1215 = arith.constant 0 : i32
      %dma_start3A_1216 = tpu.memref_slice %arg5[%dma_start3A_1214, %dma_start3A_1215] : memref<128x512xf32, #tpu.memory_space<vmem>> -> memref<32x512xf32, #tpu.memory_space<vmem>>
      tpu.enqueue_dma source(%dma_start3A_1216 : memref<32x512xf32, #tpu.memory_space<vmem>>) target(%dma_start3A_1213 : memref<32x512xf32, #tpu.memory_space<hbm>>) target_semaphore(%arg12 : memref<!tpu.dma_semaphore, #tpu.memory_space<semaphore_mem>>)
      scf.yield %select_n3A_1201 : i32
    }
    %scan3A_304 = arith.constant 15 : i32
    %add3A_305 = arith.constant 0 : i32
    %add3A_306 = arith.addi %mul3A_32, %add3A_305 : i32
    %dma_wait3A_307 = arith.constant 0 : i32
    %dma_wait3A_308 = arith.constant 0 : i32
    %dma_wait3A_309 = tpu.memref_slice %arg5[%dma_wait3A_307, %dma_wait3A_308] : memref<128x512xf32, #tpu.memory_space<vmem>> -> memref<32x512xf32, #tpu.memory_space<vmem>>
    %dma_wait3A_310 = arith.constant 0 : i32
    %dma_wait3A_311 = tpu.memref_slice %arg3[%select_n3A, %add3A_306, %dma_wait3A_310] : memref<16x4096x512xf32, #tpu.memory_space<hbm>> -> memref<1x32x512xf32, #tpu.memory_space<hbm>>
    %dma_wait3A_312 = tpu.memref_squeeze %dma_wait3A_311 : memref<1x32x512xf32, #tpu.memory_space<hbm>> -> memref<32x512xf32, #tpu.memory_space<hbm>>
    %dma_wait3A_313 = arith.constant 0 : i32
    %dma_wait3A_314 = tpu.memref_slice %arg3[%select_n3A, %add3A_306, %dma_wait3A_313] : memref<16x4096x512xf32, #tpu.memory_space<hbm>> -> memref<1x32x512xf32, #tpu.memory_space<hbm>>
    %dma_wait3A_315 = tpu.memref_squeeze %dma_wait3A_314 : memref<1x32x512xf32, #tpu.memory_space<hbm>> -> memref<32x512xf32, #tpu.memory_space<hbm>>
    %dma_wait3A_316 = arith.constant 0 : i32
    %dma_wait3A_317 = arith.constant 0 : i32
    %dma_wait3A_318 = tpu.memref_slice %arg5[%dma_wait3A_316, %dma_wait3A_317] : memref<128x512xf32, #tpu.memory_space<vmem>> -> memref<32x512xf32, #tpu.memory_space<vmem>>
    tpu.wait_dma2 semaphore(%arg11 : memref<!tpu.dma_semaphore, #tpu.memory_space<semaphore_mem>>) src(%dma_wait3A_318 : memref<32x512xf32, #tpu.memory_space<vmem>>) dst(%dma_wait3A_315 : memref<32x512xf32, #tpu.memory_space<hbm>>)
    %add3A_319 = arith.constant 62 : i32
    %add3A_320 = arith.constant 2 : i32
    %add3A_321 = arith.addi %add3A_319, %add3A_320 : i32
    %min3A_322 = arith.constant 63 : i32
    %min3A_323 = arith.minsi %add3A_321, %min3A_322 : i32
    %mul3A_324 = arith.constant 32 : i32
    %mul3A_325 = arith.muli %min3A_323, %mul3A_324 : i32
    %add3A_326 = arith.addi %mul3A_32, %mul3A_325 : i32
    %dma_start3A_327 = arith.constant 0 : i32
    %dma_start3A_328 = arith.constant 0 : i32
    %dma_start3A_329 = tpu.memref_slice %arg5[%dma_start3A_327, %dma_start3A_328] : memref<128x512xf32, #tpu.memory_space<vmem>> -> memref<32x512xf32, #tpu.memory_space<vmem>>
    %dma_start3A_330 = arith.constant 0 : i32
    %dma_start3A_331 = tpu.memref_slice %arg2[%select_n3A, %add3A_326, %dma_start3A_330] : memref<16x4096x512xf32, #tpu.memory_space<hbm>> -> memref<1x32x512xf32, #tpu.memory_space<hbm>>
    %dma_start3A_332 = tpu.memref_squeeze %dma_start3A_331 : memref<1x32x512xf32, #tpu.memory_space<hbm>> -> memref<32x512xf32, #tpu.memory_space<hbm>>
    %dma_start3A_333 = arith.constant 0 : i32
    %dma_start3A_334 = arith.constant 0 : i32
    %dma_start3A_335 = tpu.memref_slice %arg5[%dma_start3A_333, %dma_start3A_334] : memref<128x512xf32, #tpu.memory_space<vmem>> -> memref<32x512xf32, #tpu.memory_space<vmem>>
    %dma_start3A_336 = arith.constant 0 : i32
    %dma_start3A_337 = tpu.memref_slice %arg2[%select_n3A, %add3A_326, %dma_start3A_336] : memref<16x4096x512xf32, #tpu.memory_space<hbm>> -> memref<1x32x512xf32, #tpu.memory_space<hbm>>
    %dma_start3A_338 = tpu.memref_squeeze %dma_start3A_337 : memref<1x32x512xf32, #tpu.memory_space<hbm>> -> memref<32x512xf32, #tpu.memory_space<hbm>>
    tpu.enqueue_dma source(%dma_start3A_338 : memref<32x512xf32, #tpu.memory_space<hbm>>) target(%dma_start3A_335 : memref<32x512xf32, #tpu.memory_space<vmem>>) target_semaphore(%arg7 : memref<!tpu.dma_semaphore, #tpu.memory_space<semaphore_mem>>)
    %mul3A_339 = arith.constant 62 : i32
    %mul3A_340 = arith.constant 32 : i32
    %mul3A_341 = arith.muli %mul3A_339, %mul3A_340 : i32
    %add3A_342 = arith.addi %mul3A_32, %mul3A_341 : i32
    %dma_wait3A_343 = arith.constant 64 : i32
    %dma_wait3A_344 = arith.constant 0 : i32
    %dma_wait3A_345 = tpu.memref_slice %arg5[%dma_wait3A_343, %dma_wait3A_344] : memref<128x512xf32, #tpu.memory_space<vmem>> -> memref<32x512xf32, #tpu.memory_space<vmem>>
    %dma_wait3A_346 = arith.constant 0 : i32
    %dma_wait3A_347 = tpu.memref_slice %arg2[%select_n3A, %add3A_342, %dma_wait3A_346] : memref<16x4096x512xf32, #tpu.memory_space<hbm>> -> memref<1x32x512xf32, #tpu.memory_space<hbm>>
    %dma_wait3A_348 = tpu.memref_squeeze %dma_wait3A_347 : memref<1x32x512xf32, #tpu.memory_space<hbm>> -> memref<32x512xf32, #tpu.memory_space<hbm>>
    %dma_wait3A_349 = arith.constant 64 : i32
    %dma_wait3A_350 = arith.constant 0 : i32
    %dma_wait3A_351 = tpu.memref_slice %arg5[%dma_wait3A_349, %dma_wait3A_350] : memref<128x512xf32, #tpu.memory_space<vmem>> -> memref<32x512xf32, #tpu.memory_space<vmem>>
    %dma_wait3A_352 = arith.constant 0 : i32
    %dma_wait3A_353 = tpu.memref_slice %arg2[%select_n3A, %add3A_342, %dma_wait3A_352] : memref<16x4096x512xf32, #tpu.memory_space<hbm>> -> memref<1x32x512xf32, #tpu.memory_space<hbm>>
    %dma_wait3A_354 = tpu.memref_squeeze %dma_wait3A_353 : memref<1x32x512xf32, #tpu.memory_space<hbm>> -> memref<32x512xf32, #tpu.memory_space<hbm>>
    tpu.wait_dma2 semaphore(%arg9 : memref<!tpu.dma_semaphore, #tpu.memory_space<semaphore_mem>>) src(%dma_wait3A_354 : memref<32x512xf32, #tpu.memory_space<hbm>>) dst(%dma_wait3A_351 : memref<32x512xf32, #tpu.memory_space<vmem>>)
    %scan3A_355 = arith.constant 0 : i32
    %scan3A_356 = arith.constant 32 : i32
    %scan3A_357 = arith.addi %scan3A_355, %scan3A_356 : i32
    %scan3A_358 = arith.constant 1 : i32
    %scan3A_359:4 = scf.for %scan3A_659 = %scan3A_355 to %scan3A_357 step %scan3A_358 iter_args(%scan3A_660 = %broadcast_in_dim3A_33, %scan3A_661 = %broadcast_in_dim3A_33, %scan3A_662 = %broadcast_in_dim3A_33, %scan3A_663 = %broadcast_in_dim3A_33) -> (vector<16xf32>, vector<16xf32>, vector<16xf32>, vector<16xf32>)  : i32 {
      %add3A_664 = arith.constant 64 : i32
      %add3A_665 = arith.addi %add3A_664, %scan3A_659 : i32
      %get3A = arith.index_cast %add3A_665 : i32 to index
      %get3A_666 = arith.constant 0 : index
      %get3A_667 = tpu.vector_load %arg5[%get3A, %get3A_666] {strides = array<i32>} : memref<128x512xf32, #tpu.memory_space<vmem>>, vector<1x16xf32>,
      %get3A_668 = vector.shape_cast %get3A_667 : vector<1x16xf32> to vector<16xf32>
      %abs3A = math.absf %get3A_668 : vector<16xf32>
      %max3A_669 = arith.maximumf %scan3A_660, %abs3A : vector<16xf32>
      %add3A_670 = arith.constant 64 : i32
      %add3A_671 = arith.addi %add3A_670, %scan3A_659 : i32
      %get3A_672 = arith.index_cast %add3A_671 : i32 to index
      %get3A_673 = arith.constant 16 : index
      %get3A_674 = tpu.vector_load %arg5[%get3A_672, %get3A_673] {strides = array<i32>} : memref<128x512xf32, #tpu.memory_space<vmem>>, vector<1x16xf32>,
      %get3A_675 = vector.shape_cast %get3A_674 : vector<1x16xf32> to vector<16xf32>
      %abs3A_676 = math.absf %get3A_675 : vector<16xf32>
      %max3A_677 = arith.maximumf %scan3A_661, %abs3A_676 : vector<16xf32>
      %add3A_678 = arith.constant 64 : i32
      %add3A_679 = arith.addi %add3A_678, %scan3A_659 : i32
      %get3A_680 = arith.index_cast %add3A_679 : i32 to index
      %get3A_681 = arith.constant 32 : index
      %get3A_682 = tpu.vector_load %arg5[%get3A_680, %get3A_681] {strides = array<i32>} : memref<128x512xf32, #tpu.memory_space<vmem>>, vector<1x16xf32>,
      %get3A_683 = vector.shape_cast %get3A_682 : vector<1x16xf32> to vector<16xf32>
      %abs3A_684 = math.absf %get3A_683 : vector<16xf32>
      %max3A_685 = arith.maximumf %scan3A_662, %abs3A_684 : vector<16xf32>
      %add3A_686 = arith.constant 64 : i32
      %add3A_687 = arith.addi %add3A_686, %scan3A_659 : i32
      %get3A_688 = arith.index_cast %add3A_687 : i32 to index
      %get3A_689 = arith.constant 48 : index
      %get3A_690 = tpu.vector_load %arg5[%get3A_688, %get3A_689] {strides = array<i32>} : memref<128x512xf32, #tpu.memory_space<vmem>>, vector<1x16xf32>,
      %get3A_691 = vector.shape_cast %get3A_690 : vector<1x16xf32> to vector<16xf32>
      %abs3A_692 = math.absf %get3A_691 : vector<16xf32>
      %max3A_693 = arith.maximumf %scan3A_663, %abs3A_692 : vector<16xf32>
      %add3A_694 = arith.constant 64 : i32
      %add3A_695 = arith.addi %add3A_694, %scan3A_659 : i32
      %get3A_696 = arith.index_cast %add3A_695 : i32 to index
      %get3A_697 = arith.constant 64 : index
      %get3A_698 = tpu.vector_load %arg5[%get3A_696, %get3A_697] {strides = array<i32>} : memref<128x512xf32, #tpu.memory_space<vmem>>, vector<1x16xf32>,
      %get3A_699 = vector.shape_cast %get3A_698 : vector<1x16xf32> to vector<16xf32>
      %abs3A_700 = math.absf %get3A_699 : vector<16xf32>
      %max3A_701 = arith.maximumf %max3A_669, %abs3A_700 : vector<16xf32>
      %add3A_702 = arith.constant 64 : i32
      %add3A_703 = arith.addi %add3A_702, %scan3A_659 : i32
      %get3A_704 = arith.index_cast %add3A_703 : i32 to index
      %get3A_705 = arith.constant 80 : index
      %get3A_706 = tpu.vector_load %arg5[%get3A_704, %get3A_705] {strides = array<i32>} : memref<128x512xf32, #tpu.memory_space<vmem>>, vector<1x16xf32>,
      %get3A_707 = vector.shape_cast %get3A_706 : vector<1x16xf32> to vector<16xf32>
      %abs3A_708 = math.absf %get3A_707 : vector<16xf32>
      %max3A_709 = arith.maximumf %max3A_677, %abs3A_708 : vector<16xf32>
      %add3A_710 = arith.constant 64 : i32
      %add3A_711 = arith.addi %add3A_710, %scan3A_659 : i32
      %get3A_712 = arith.index_cast %add3A_711 : i32 to index
      %get3A_713 = arith.constant 96 : index
      %get3A_714 = tpu.vector_load %arg5[%get3A_712, %get3A_713] {strides = array<i32>} : memref<128x512xf32, #tpu.memory_space<vmem>>, vector<1x16xf32>,
      %get3A_715 = vector.shape_cast %get3A_714 : vector<1x16xf32> to vector<16xf32>
      %abs3A_716 = math.absf %get3A_715 : vector<16xf32>
      %max3A_717 = arith.maximumf %max3A_685, %abs3A_716 : vector<16xf32>
      %add3A_718 = arith.constant 64 : i32
      %add3A_719 = arith.addi %add3A_718, %scan3A_659 : i32
      %get3A_720 = arith.index_cast %add3A_719 : i32 to index
      %get3A_721 = arith.constant 112 : index
      %get3A_722 = tpu.vector_load %arg5[%get3A_720, %get3A_721] {strides = array<i32>} : memref<128x512xf32, #tpu.memory_space<vmem>>, vector<1x16xf32>,
      %get3A_723 = vector.shape_cast %get3A_722 : vector<1x16xf32> to vector<16xf32>
      %abs3A_724 = math.absf %get3A_723 : vector<16xf32>
      %max3A_725 = arith.maximumf %max3A_693, %abs3A_724 : vector<16xf32>
      %add3A_726 = arith.constant 64 : i32
      %add3A_727 = arith.addi %add3A_726, %scan3A_659 : i32
      %get3A_728 = arith.index_cast %add3A_727 : i32 to index
      %get3A_729 = arith.constant 128 : index
      %get3A_730 = tpu.vector_load %arg5[%get3A_728, %get3A_729] {strides = array<i32>} : memref<128x512xf32, #tpu.memory_space<vmem>>, vector<1x16xf32>,
      %get3A_731 = vector.shape_cast %get3A_730 : vector<1x16xf32> to vector<16xf32>
      %abs3A_732 = math.absf %get3A_731 : vector<16xf32>
      %max3A_733 = arith.maximumf %max3A_701, %abs3A_732 : vector<16xf32>
      %add3A_734 = arith.constant 64 : i32
      %add3A_735 = arith.addi %add3A_734, %scan3A_659 : i32
      %get3A_736 = arith.index_cast %add3A_735 : i32 to index
      %get3A_737 = arith.constant 144 : index
      %get3A_738 = tpu.vector_load %arg5[%get3A_736, %get3A_737] {strides = array<i32>} : memref<128x512xf32, #tpu.memory_space<vmem>>, vector<1x16xf32>,
      %get3A_739 = vector.shape_cast %get3A_738 : vector<1x16xf32> to vector<16xf32>
      %abs3A_740 = math.absf %get3A_739 : vector<16xf32>
      %max3A_741 = arith.maximumf %max3A_709, %abs3A_740 : vector<16xf32>
      %add3A_742 = arith.constant 64 : i32
      %add3A_743 = arith.addi %add3A_742, %scan3A_659 : i32
      %get3A_744 = arith.index_cast %add3A_743 : i32 to index
      %get3A_745 = arith.constant 160 : index
      %get3A_746 = tpu.vector_load %arg5[%get3A_744, %get3A_745] {strides = array<i32>} : memref<128x512xf32, #tpu.memory_space<vmem>>, vector<1x16xf32>,
      %get3A_747 = vector.shape_cast %get3A_746 : vector<1x16xf32> to vector<16xf32>
      %abs3A_748 = math.absf %get3A_747 : vector<16xf32>
      %max3A_749 = arith.maximumf %max3A_717, %abs3A_748 : vector<16xf32>
      %add3A_750 = arith.constant 64 : i32
      %add3A_751 = arith.addi %add3A_750, %scan3A_659 : i32
      %get3A_752 = arith.index_cast %add3A_751 : i32 to index
      %get3A_753 = arith.constant 176 : index
      %get3A_754 = tpu.vector_load %arg5[%get3A_752, %get3A_753] {strides = array<i32>} : memref<128x512xf32, #tpu.memory_space<vmem>>, vector<1x16xf32>,
      %get3A_755 = vector.shape_cast %get3A_754 : vector<1x16xf32> to vector<16xf32>
      %abs3A_756 = math.absf %get3A_755 : vector<16xf32>
      %max3A_757 = arith.maximumf %max3A_725, %abs3A_756 : vector<16xf32>
      %add3A_758 = arith.constant 64 : i32
      %add3A_759 = arith.addi %add3A_758, %scan3A_659 : i32
      %get3A_760 = arith.index_cast %add3A_759 : i32 to index
      %get3A_761 = arith.constant 192 : index
      %get3A_762 = tpu.vector_load %arg5[%get3A_760, %get3A_761] {strides = array<i32>} : memref<128x512xf32, #tpu.memory_space<vmem>>, vector<1x16xf32>,
      %get3A_763 = vector.shape_cast %get3A_762 : vector<1x16xf32> to vector<16xf32>
      %abs3A_764 = math.absf %get3A_763 : vector<16xf32>
      %max3A_765 = arith.maximumf %max3A_733, %abs3A_764 : vector<16xf32>
      %add3A_766 = arith.constant 64 : i32
      %add3A_767 = arith.addi %add3A_766, %scan3A_659 : i32
      %get3A_768 = arith.index_cast %add3A_767 : i32 to index
      %get3A_769 = arith.constant 208 : index
      %get3A_770 = tpu.vector_load %arg5[%get3A_768, %get3A_769] {strides = array<i32>} : memref<128x512xf32, #tpu.memory_space<vmem>>, vector<1x16xf32>,
      %get3A_771 = vector.shape_cast %get3A_770 : vector<1x16xf32> to vector<16xf32>
      %abs3A_772 = math.absf %get3A_771 : vector<16xf32>
      %max3A_773 = arith.maximumf %max3A_741, %abs3A_772 : vector<16xf32>
      %add3A_774 = arith.constant 64 : i32
      %add3A_775 = arith.addi %add3A_774, %scan3A_659 : i32
      %get3A_776 = arith.index_cast %add3A_775 : i32 to index
      %get3A_777 = arith.constant 224 : index
      %get3A_778 = tpu.vector_load %arg5[%get3A_776, %get3A_777] {strides = array<i32>} : memref<128x512xf32, #tpu.memory_space<vmem>>, vector<1x16xf32>,
      %get3A_779 = vector.shape_cast %get3A_778 : vector<1x16xf32> to vector<16xf32>
      %abs3A_780 = math.absf %get3A_779 : vector<16xf32>
      %max3A_781 = arith.maximumf %max3A_749, %abs3A_780 : vector<16xf32>
      %add3A_782 = arith.constant 64 : i32
      %add3A_783 = arith.addi %add3A_782, %scan3A_659 : i32
      %get3A_784 = arith.index_cast %add3A_783 : i32 to index
      %get3A_785 = arith.constant 240 : index
      %get3A_786 = tpu.vector_load %arg5[%get3A_784, %get3A_785] {strides = array<i32>} : memref<128x512xf32, #tpu.memory_space<vmem>>, vector<1x16xf32>,
      %get3A_787 = vector.shape_cast %get3A_786 : vector<1x16xf32> to vector<16xf32>
      %abs3A_788 = math.absf %get3A_787 : vector<16xf32>
      %max3A_789 = arith.maximumf %max3A_757, %abs3A_788 : vector<16xf32>
      %add3A_790 = arith.constant 64 : i32
      %add3A_791 = arith.addi %add3A_790, %scan3A_659 : i32
      %get3A_792 = arith.index_cast %add3A_791 : i32 to index
      %get3A_793 = arith.constant 256 : index
      %get3A_794 = tpu.vector_load %arg5[%get3A_792, %get3A_793] {strides = array<i32>} : memref<128x512xf32, #tpu.memory_space<vmem>>, vector<1x16xf32>,
      %get3A_795 = vector.shape_cast %get3A_794 : vector<1x16xf32> to vector<16xf32>
      %abs3A_796 = math.absf %get3A_795 : vector<16xf32>
      %max3A_797 = arith.maximumf %max3A_765, %abs3A_796 : vector<16xf32>
      %add3A_798 = arith.constant 64 : i32
      %add3A_799 = arith.addi %add3A_798, %scan3A_659 : i32
      %get3A_800 = arith.index_cast %add3A_799 : i32 to index
      %get3A_801 = arith.constant 272 : index
      %get3A_802 = tpu.vector_load %arg5[%get3A_800, %get3A_801] {strides = array<i32>} : memref<128x512xf32, #tpu.memory_space<vmem>>, vector<1x16xf32>,
      %get3A_803 = vector.shape_cast %get3A_802 : vector<1x16xf32> to vector<16xf32>
      %abs3A_804 = math.absf %get3A_803 : vector<16xf32>
      %max3A_805 = arith.maximumf %max3A_773, %abs3A_804 : vector<16xf32>
      %add3A_806 = arith.constant 64 : i32
      %add3A_807 = arith.addi %add3A_806, %scan3A_659 : i32
      %get3A_808 = arith.index_cast %add3A_807 : i32 to index
      %get3A_809 = arith.constant 288 : index
      %get3A_810 = tpu.vector_load %arg5[%get3A_808, %get3A_809] {strides = array<i32>} : memref<128x512xf32, #tpu.memory_space<vmem>>, vector<1x16xf32>,
      %get3A_811 = vector.shape_cast %get3A_810 : vector<1x16xf32> to vector<16xf32>
      %abs3A_812 = math.absf %get3A_811 : vector<16xf32>
      %max3A_813 = arith.maximumf %max3A_781, %abs3A_812 : vector<16xf32>
      %add3A_814 = arith.constant 64 : i32
      %add3A_815 = arith.addi %add3A_814, %scan3A_659 : i32
      %get3A_816 = arith.index_cast %add3A_815 : i32 to index
      %get3A_817 = arith.constant 304 : index
      %get3A_818 = tpu.vector_load %arg5[%get3A_816, %get3A_817] {strides = array<i32>} : memref<128x512xf32, #tpu.memory_space<vmem>>, vector<1x16xf32>,
      %get3A_819 = vector.shape_cast %get3A_818 : vector<1x16xf32> to vector<16xf32>
      %abs3A_820 = math.absf %get3A_819 : vector<16xf32>
      %max3A_821 = arith.maximumf %max3A_789, %abs3A_820 : vector<16xf32>
      %add3A_822 = arith.constant 64 : i32
      %add3A_823 = arith.addi %add3A_822, %scan3A_659 : i32
      %get3A_824 = arith.index_cast %add3A_823 : i32 to index
      %get3A_825 = arith.constant 320 : index
      %get3A_826 = tpu.vector_load %arg5[%get3A_824, %get3A_825] {strides = array<i32>} : memref<128x512xf32, #tpu.memory_space<vmem>>, vector<1x16xf32>,
      %get3A_827 = vector.shape_cast %get3A_826 : vector<1x16xf32> to vector<16xf32>
      %abs3A_828 = math.absf %get3A_827 : vector<16xf32>
      %max3A_829 = arith.maximumf %max3A_797, %abs3A_828 : vector<16xf32>
      %add3A_830 = arith.constant 64 : i32
      %add3A_831 = arith.addi %add3A_830, %scan3A_659 : i32
      %get3A_832 = arith.index_cast %add3A_831 : i32 to index
      %get3A_833 = arith.constant 336 : index
      %get3A_834 = tpu.vector_load %arg5[%get3A_832, %get3A_833] {strides = array<i32>} : memref<128x512xf32, #tpu.memory_space<vmem>>, vector<1x16xf32>,
      %get3A_835 = vector.shape_cast %get3A_834 : vector<1x16xf32> to vector<16xf32>
      %abs3A_836 = math.absf %get3A_835 : vector<16xf32>
      %max3A_837 = arith.maximumf %max3A_805, %abs3A_836 : vector<16xf32>
      %add3A_838 = arith.constant 64 : i32
      %add3A_839 = arith.addi %add3A_838, %scan3A_659 : i32
      %get3A_840 = arith.index_cast %add3A_839 : i32 to index
      %get3A_841 = arith.constant 352 : index
      %get3A_842 = tpu.vector_load %arg5[%get3A_840, %get3A_841] {strides = array<i32>} : memref<128x512xf32, #tpu.memory_space<vmem>>, vector<1x16xf32>,
      %get3A_843 = vector.shape_cast %get3A_842 : vector<1x16xf32> to vector<16xf32>
      %abs3A_844 = math.absf %get3A_843 : vector<16xf32>
      %max3A_845 = arith.maximumf %max3A_813, %abs3A_844 : vector<16xf32>
      %add3A_846 = arith.constant 64 : i32
      %add3A_847 = arith.addi %add3A_846, %scan3A_659 : i32
      %get3A_848 = arith.index_cast %add3A_847 : i32 to index
      %get3A_849 = arith.constant 368 : index
      %get3A_850 = tpu.vector_load %arg5[%get3A_848, %get3A_849] {strides = array<i32>} : memref<128x512xf32, #tpu.memory_space<vmem>>, vector<1x16xf32>,
      %get3A_851 = vector.shape_cast %get3A_850 : vector<1x16xf32> to vector<16xf32>
      %abs3A_852 = math.absf %get3A_851 : vector<16xf32>
      %max3A_853 = arith.maximumf %max3A_821, %abs3A_852 : vector<16xf32>
      %add3A_854 = arith.constant 64 : i32
      %add3A_855 = arith.addi %add3A_854, %scan3A_659 : i32
      %get3A_856 = arith.index_cast %add3A_855 : i32 to index
      %get3A_857 = arith.constant 384 : index
      %get3A_858 = tpu.vector_load %arg5[%get3A_856, %get3A_857] {strides = array<i32>} : memref<128x512xf32, #tpu.memory_space<vmem>>, vector<1x16xf32>,
      %get3A_859 = vector.shape_cast %get3A_858 : vector<1x16xf32> to vector<16xf32>
      %abs3A_860 = math.absf %get3A_859 : vector<16xf32>
      %max3A_861 = arith.maximumf %max3A_829, %abs3A_860 : vector<16xf32>
      %add3A_862 = arith.constant 64 : i32
      %add3A_863 = arith.addi %add3A_862, %scan3A_659 : i32
      %get3A_864 = arith.index_cast %add3A_863 : i32 to index
      %get3A_865 = arith.constant 400 : index
      %get3A_866 = tpu.vector_load %arg5[%get3A_864, %get3A_865] {strides = array<i32>} : memref<128x512xf32, #tpu.memory_space<vmem>>, vector<1x16xf32>,
      %get3A_867 = vector.shape_cast %get3A_866 : vector<1x16xf32> to vector<16xf32>
      %abs3A_868 = math.absf %get3A_867 : vector<16xf32>
      %max3A_869 = arith.maximumf %max3A_837, %abs3A_868 : vector<16xf32>
      %add3A_870 = arith.constant 64 : i32
      %add3A_871 = arith.addi %add3A_870, %scan3A_659 : i32
      %get3A_872 = arith.index_cast %add3A_871 : i32 to index
      %get3A_873 = arith.constant 416 : index
      %get3A_874 = tpu.vector_load %arg5[%get3A_872, %get3A_873] {strides = array<i32>} : memref<128x512xf32, #tpu.memory_space<vmem>>, vector<1x16xf32>,
      %get3A_875 = vector.shape_cast %get3A_874 : vector<1x16xf32> to vector<16xf32>
      %abs3A_876 = math.absf %get3A_875 : vector<16xf32>
      %max3A_877 = arith.maximumf %max3A_845, %abs3A_876 : vector<16xf32>
      %add3A_878 = arith.constant 64 : i32
      %add3A_879 = arith.addi %add3A_878, %scan3A_659 : i32
      %get3A_880 = arith.index_cast %add3A_879 : i32 to index
      %get3A_881 = arith.constant 432 : index
      %get3A_882 = tpu.vector_load %arg5[%get3A_880, %get3A_881] {strides = array<i32>} : memref<128x512xf32, #tpu.memory_space<vmem>>, vector<1x16xf32>,
      %get3A_883 = vector.shape_cast %get3A_882 : vector<1x16xf32> to vector<16xf32>
      %abs3A_884 = math.absf %get3A_883 : vector<16xf32>
      %max3A_885 = arith.maximumf %max3A_853, %abs3A_884 : vector<16xf32>
      %add3A_886 = arith.constant 64 : i32
      %add3A_887 = arith.addi %add3A_886, %scan3A_659 : i32
      %get3A_888 = arith.index_cast %add3A_887 : i32 to index
      %get3A_889 = arith.constant 448 : index
      %get3A_890 = tpu.vector_load %arg5[%get3A_888, %get3A_889] {strides = array<i32>} : memref<128x512xf32, #tpu.memory_space<vmem>>, vector<1x16xf32>,
      %get3A_891 = vector.shape_cast %get3A_890 : vector<1x16xf32> to vector<16xf32>
      %abs3A_892 = math.absf %get3A_891 : vector<16xf32>
      %max3A_893 = arith.maximumf %max3A_861, %abs3A_892 : vector<16xf32>
      %add3A_894 = arith.constant 64 : i32
      %add3A_895 = arith.addi %add3A_894, %scan3A_659 : i32
      %get3A_896 = arith.index_cast %add3A_895 : i32 to index
      %get3A_897 = arith.constant 464 : index
      %get3A_898 = tpu.vector_load %arg5[%get3A_896, %get3A_897] {strides = array<i32>} : memref<128x512xf32, #tpu.memory_space<vmem>>, vector<1x16xf32>,
      %get3A_899 = vector.shape_cast %get3A_898 : vector<1x16xf32> to vector<16xf32>
      %abs3A_900 = math.absf %get3A_899 : vector<16xf32>
      %max3A_901 = arith.maximumf %max3A_869, %abs3A_900 : vector<16xf32>
      %add3A_902 = arith.constant 64 : i32
      %add3A_903 = arith.addi %add3A_902, %scan3A_659 : i32
      %get3A_904 = arith.index_cast %add3A_903 : i32 to index
      %get3A_905 = arith.constant 480 : index
      %get3A_906 = tpu.vector_load %arg5[%get3A_904, %get3A_905] {strides = array<i32>} : memref<128x512xf32, #tpu.memory_space<vmem>>, vector<1x16xf32>,
      %get3A_907 = vector.shape_cast %get3A_906 : vector<1x16xf32> to vector<16xf32>
      %abs3A_908 = math.absf %get3A_907 : vector<16xf32>
      %max3A_909 = arith.maximumf %max3A_877, %abs3A_908 : vector<16xf32>
      %add3A_910 = arith.constant 64 : i32
      %add3A_911 = arith.addi %add3A_910, %scan3A_659 : i32
      %get3A_912 = arith.index_cast %add3A_911 : i32 to index
      %get3A_913 = arith.constant 496 : index
      %get3A_914 = tpu.vector_load %arg5[%get3A_912, %get3A_913] {strides = array<i32>} : memref<128x512xf32, #tpu.memory_space<vmem>>, vector<1x16xf32>,
      %get3A_915 = vector.shape_cast %get3A_914 : vector<1x16xf32> to vector<16xf32>
      %abs3A_916 = math.absf %get3A_915 : vector<16xf32>
      %max3A_917 = arith.maximumf %max3A_885, %abs3A_916 : vector<16xf32>
      scf.yield %max3A_893, %max3A_901, %max3A_909, %max3A_917 : vector<16xf32>, vector<16xf32>, vector<16xf32>, vector<16xf32>
    }
    %scan3A_360 = arith.constant 32 : i32
    %max3A_361 = arith.maximumf %scan3A_359#0, %scan3A_359#1 : vector<16xf32>
    %max3A_362 = arith.maximumf %scan3A_359#2, %scan3A_359#3 : vector<16xf32>
    %max3A_363 = arith.maximumf %max3A_361, %max3A_362 : vector<16xf32>
    %xor3A_364 = arith.constant 1 : i32
    %xor3A_365 = vector.broadcast %xor3A_364 : i32 to vector<16xi32>
    %xor3A_366 = arith.xori %iota3A, %xor3A_365 : vector<16xi32>
    %lt3A_367 = arith.constant 0 : i32
    %lt3A_368 = vector.broadcast %lt3A_367 : i32 to vector<16xi32>
    %lt3A_369 = arith.cmpi slt, %xor3A_366, %lt3A_368 : vector<16xi32>
    %add3A_370 = arith.constant 16 : i32
    %add3A_371 = vector.broadcast %add3A_370 : i32 to vector<16xi32>
    %add3A_372 = arith.addi %xor3A_366, %add3A_371 : vector<16xi32>
    %select_n3A_373 = arith.select %lt3A_369, %add3A_372, %xor3A_366 : vector<16xi1>, vector<16xi32>
    %broadcast_in_dim3A_374 = vector.shape_cast %select_n3A_373 : vector<16xi32> to vector<16x1xi32>
    %gather3A_375 = vector.shape_cast %broadcast_in_dim3A_374 : vector<16x1xi32> to vector<16xi32>
    %gather3A_376 = tpu.dynamic_gather %max3A_363[%gather3A_375] in [0] : vector<16xf32>, vector<16xi32> -> vector<16xf32>
    %max3A_377 = arith.maximumf %max3A_363, %gather3A_376 : vector<16xf32>
    %xor3A_378 = arith.constant 2 : i32
    %xor3A_379 = vector.broadcast %xor3A_378 : i32 to vector<16xi32>
    %xor3A_380 = arith.xori %iota3A, %xor3A_379 : vector<16xi32>
    %lt3A_381 = arith.constant 0 : i32
    %lt3A_382 = vector.broadcast %lt3A_381 : i32 to vector<16xi32>
    %lt3A_383 = arith.cmpi slt, %xor3A_380, %lt3A_382 : vector<16xi32>
    %add3A_384 = arith.constant 16 : i32
    %add3A_385 = vector.broadcast %add3A_384 : i32 to vector<16xi32>
    %add3A_386 = arith.addi %xor3A_380, %add3A_385 : vector<16xi32>
    %select_n3A_387 = arith.select %lt3A_383, %add3A_386, %xor3A_380 : vector<16xi1>, vector<16xi32>
    %broadcast_in_dim3A_388 = vector.shape_cast %select_n3A_387 : vector<16xi32> to vector<16x1xi32>
    %gather3A_389 = vector.shape_cast %broadcast_in_dim3A_388 : vector<16x1xi32> to vector<16xi32>
    %gather3A_390 = tpu.dynamic_gather %max3A_377[%gather3A_389] in [0] : vector<16xf32>, vector<16xi32> -> vector<16xf32>
    %max3A_391 = arith.maximumf %max3A_377, %gather3A_390 : vector<16xf32>
    %xor3A_392 = arith.constant 4 : i32
    %xor3A_393 = vector.broadcast %xor3A_392 : i32 to vector<16xi32>
    %xor3A_394 = arith.xori %iota3A, %xor3A_393 : vector<16xi32>
    %lt3A_395 = arith.constant 0 : i32
    %lt3A_396 = vector.broadcast %lt3A_395 : i32 to vector<16xi32>
    %lt3A_397 = arith.cmpi slt, %xor3A_394, %lt3A_396 : vector<16xi32>
    %add3A_398 = arith.constant 16 : i32
    %add3A_399 = vector.broadcast %add3A_398 : i32 to vector<16xi32>
    %add3A_400 = arith.addi %xor3A_394, %add3A_399 : vector<16xi32>
    %select_n3A_401 = arith.select %lt3A_397, %add3A_400, %xor3A_394 : vector<16xi1>, vector<16xi32>
    %broadcast_in_dim3A_402 = vector.shape_cast %select_n3A_401 : vector<16xi32> to vector<16x1xi32>
    %gather3A_403 = vector.shape_cast %broadcast_in_dim3A_402 : vector<16x1xi32> to vector<16xi32>
    %gather3A_404 = tpu.dynamic_gather %max3A_391[%gather3A_403] in [0] : vector<16xf32>, vector<16xi32> -> vector<16xf32>
    %max3A_405 = arith.maximumf %max3A_391, %gather3A_404 : vector<16xf32>
    %xor3A_406 = arith.constant 8 : i32
    %xor3A_407 = vector.broadcast %xor3A_406 : i32 to vector<16xi32>
    %xor3A_408 = arith.xori %iota3A, %xor3A_407 : vector<16xi32>
    %lt3A_409 = arith.constant 0 : i32
    %lt3A_410 = vector.broadcast %lt3A_409 : i32 to vector<16xi32>
    %lt3A_411 = arith.cmpi slt, %xor3A_408, %lt3A_410 : vector<16xi32>
    %add3A_412 = arith.constant 16 : i32
    %add3A_413 = vector.broadcast %add3A_412 : i32 to vector<16xi32>
    %add3A_414 = arith.addi %xor3A_408, %add3A_413 : vector<16xi32>
    %select_n3A_415 = arith.select %lt3A_411, %add3A_414, %xor3A_408 : vector<16xi1>, vector<16xi32>
    %broadcast_in_dim3A_416 = vector.shape_cast %select_n3A_415 : vector<16xi32> to vector<16x1xi32>
    %gather3A_417 = vector.shape_cast %broadcast_in_dim3A_416 : vector<16x1xi32> to vector<16xi32>
    %gather3A_418 = tpu.dynamic_gather %max3A_405[%gather3A_417] in [0] : vector<16xf32>, vector<16xi32> -> vector<16xf32>
    %max3A_419 = arith.maximumf %max3A_405, %gather3A_418 : vector<16xf32>
    %slice3A_420 = vector.extract_strided_slice %max3A_419 {offsets = [0], sizes = [1], strides = [1]} : vector<16xf32> to vector<1xf32>
    %squeeze3A_421 = vector.extract %slice3A_420[0] : f32 from vector<1xf32>
    %gt3A_422 = arith.constant 0.000000e+00 : f32
    %gt3A_423 = arith.cmpf ogt, %squeeze3A_421, %gt3A_422 : f32
    %jit3A_424 = arith.constant 62 : i32
    %select_n3A_425 = arith.select %gt3A_423, %jit3A_424, %scan3A_303 : i32
    %mul3A_426 = arith.constant 62 : i32
    %mul3A_427 = arith.constant 32 : i32
    %mul3A_428 = arith.muli %mul3A_426, %mul3A_427 : i32
    %add3A_429 = arith.addi %mul3A_32, %mul3A_428 : i32
    %dma_start3A_430 = arith.constant 64 : i32
    %dma_start3A_431 = arith.constant 0 : i32
    %dma_start3A_432 = tpu.memref_slice %arg5[%dma_start3A_430, %dma_start3A_431] : memref<128x512xf32, #tpu.memory_space<vmem>> -> memref<32x512xf32, #tpu.memory_space<vmem>>
    %dma_start3A_433 = arith.constant 0 : i32
    %dma_start3A_434 = tpu.memref_slice %arg3[%select_n3A, %add3A_429, %dma_start3A_433] : memref<16x4096x512xf32, #tpu.memory_space<hbm>> -> memref<1x32x512xf32, #tpu.memory_space<hbm>>
    %dma_start3A_435 = tpu.memref_squeeze %dma_start3A_434 : memref<1x32x512xf32, #tpu.memory_space<hbm>> -> memref<32x512xf32, #tpu.memory_space<hbm>>
    %dma_start3A_436 = arith.constant 0 : i32
    %dma_start3A_437 = tpu.memref_slice %arg3[%select_n3A, %add3A_429, %dma_start3A_436] : memref<16x4096x512xf32, #tpu.memory_space<hbm>> -> memref<1x32x512xf32, #tpu.memory_space<hbm>>
    %dma_start3A_438 = tpu.memref_squeeze %dma_start3A_437 : memref<1x32x512xf32, #tpu.memory_space<hbm>> -> memref<32x512xf32, #tpu.memory_space<hbm>>
    %dma_start3A_439 = arith.constant 64 : i32
    %dma_start3A_440 = arith.constant 0 : i32
    %dma_start3A_441 = tpu.memref_slice %arg5[%dma_start3A_439, %dma_start3A_440] : memref<128x512xf32, #tpu.memory_space<vmem>> -> memref<32x512xf32, #tpu.memory_space<vmem>>
    tpu.enqueue_dma source(%dma_start3A_441 : memref<32x512xf32, #tpu.memory_space<vmem>>) target(%dma_start3A_438 : memref<32x512xf32, #tpu.memory_space<hbm>>) target_semaphore(%arg13 : memref<!tpu.dma_semaphore, #tpu.memory_space<semaphore_mem>>)
    %add3A_442 = arith.constant 0 : i32
    %add3A_443 = arith.addi %mul3A_32, %add3A_442 : i32
    %dma_wait3A_444 = arith.constant 32 : i32
    %dma_wait3A_445 = arith.constant 0 : i32
    %dma_wait3A_446 = tpu.memref_slice %arg5[%dma_wait3A_444, %dma_wait3A_445] : memref<128x512xf32, #tpu.memory_space<vmem>> -> memref<32x512xf32, #tpu.memory_space<vmem>>
    %dma_wait3A_447 = arith.constant 0 : i32
    %dma_wait3A_448 = tpu.memref_slice %arg3[%select_n3A, %add3A_443, %dma_wait3A_447] : memref<16x4096x512xf32, #tpu.memory_space<hbm>> -> memref<1x32x512xf32, #tpu.memory_space<hbm>>
    %dma_wait3A_449 = tpu.memref_squeeze %dma_wait3A_448 : memref<1x32x512xf32, #tpu.memory_space<hbm>> -> memref<32x512xf32, #tpu.memory_space<hbm>>
    %dma_wait3A_450 = arith.constant 0 : i32
    %dma_wait3A_451 = tpu.memref_slice %arg3[%select_n3A, %add3A_443, %dma_wait3A_450] : memref<16x4096x512xf32, #tpu.memory_space<hbm>> -> memref<1x32x512xf32, #tpu.memory_space<hbm>>
    %dma_wait3A_452 = tpu.memref_squeeze %dma_wait3A_451 : memref<1x32x512xf32, #tpu.memory_space<hbm>> -> memref<32x512xf32, #tpu.memory_space<hbm>>
    %dma_wait3A_453 = arith.constant 32 : i32
    %dma_wait3A_454 = arith.constant 0 : i32
    %dma_wait3A_455 = tpu.memref_slice %arg5[%dma_wait3A_453, %dma_wait3A_454] : memref<128x512xf32, #tpu.memory_space<vmem>> -> memref<32x512xf32, #tpu.memory_space<vmem>>
    tpu.wait_dma2 semaphore(%arg12 : memref<!tpu.dma_semaphore, #tpu.memory_space<semaphore_mem>>) src(%dma_wait3A_455 : memref<32x512xf32, #tpu.memory_space<vmem>>) dst(%dma_wait3A_452 : memref<32x512xf32, #tpu.memory_space<hbm>>)
    %add3A_456 = arith.constant 63 : i32
    %add3A_457 = arith.constant 2 : i32
    %add3A_458 = arith.addi %add3A_456, %add3A_457 : i32
    %min3A_459 = arith.constant 63 : i32
    %min3A_460 = arith.minsi %add3A_458, %min3A_459 : i32
    %mul3A_461 = arith.constant 32 : i32
    %mul3A_462 = arith.muli %min3A_460, %mul3A_461 : i32
    %add3A_463 = arith.addi %mul3A_32, %mul3A_462 : i32
    %dma_start3A_464 = arith.constant 32 : i32
    %dma_start3A_465 = arith.constant 0 : i32
    %dma_start3A_466 = tpu.memref_slice %arg5[%dma_start3A_464, %dma_start3A_465] : memref<128x512xf32, #tpu.memory_space<vmem>> -> memref<32x512xf32, #tpu.memory_space<vmem>>
    %dma_start3A_467 = arith.constant 0 : i32
    %dma_start3A_468 = tpu.memref_slice %arg2[%select_n3A, %add3A_463, %dma_start3A_467] : memref<16x4096x512xf32, #tpu.memory_space<hbm>> -> memref<1x32x512xf32, #tpu.memory_space<hbm>>
    %dma_start3A_469 = tpu.memref_squeeze %dma_start3A_468 : memref<1x32x512xf32, #tpu.memory_space<hbm>> -> memref<32x512xf32, #tpu.memory_space<hbm>>
    %dma_start3A_470 = arith.constant 32 : i32
    %dma_start3A_471 = arith.constant 0 : i32
    %dma_start3A_472 = tpu.memref_slice %arg5[%dma_start3A_470, %dma_start3A_471] : memref<128x512xf32, #tpu.memory_space<vmem>> -> memref<32x512xf32, #tpu.memory_space<vmem>>
    %dma_start3A_473 = arith.constant 0 : i32
    %dma_start3A_474 = tpu.memref_slice %arg2[%select_n3A, %add3A_463, %dma_start3A_473] : memref<16x4096x512xf32, #tpu.memory_space<hbm>> -> memref<1x32x512xf32, #tpu.memory_space<hbm>>
    %dma_start3A_475 = tpu.memref_squeeze %dma_start3A_474 : memref<1x32x512xf32, #tpu.memory_space<hbm>> -> memref<32x512xf32, #tpu.memory_space<hbm>>
    tpu.enqueue_dma source(%dma_start3A_475 : memref<32x512xf32, #tpu.memory_space<hbm>>) target(%dma_start3A_472 : memref<32x512xf32, #tpu.memory_space<vmem>>) target_semaphore(%arg8 : memref<!tpu.dma_semaphore, #tpu.memory_space<semaphore_mem>>)
    %mul3A_476 = arith.constant 63 : i32
    %mul3A_477 = arith.constant 32 : i32
    %mul3A_478 = arith.muli %mul3A_476, %mul3A_477 : i32
    %add3A_479 = arith.addi %mul3A_32, %mul3A_478 : i32
    %dma_wait3A_480 = arith.constant 96 : i32
    %dma_wait3A_481 = arith.constant 0 : i32
    %dma_wait3A_482 = tpu.memref_slice %arg5[%dma_wait3A_480, %dma_wait3A_481] : memref<128x512xf32, #tpu.memory_space<vmem>> -> memref<32x512xf32, #tpu.memory_space<vmem>>
    %dma_wait3A_483 = arith.constant 0 : i32
    %dma_wait3A_484 = tpu.memref_slice %arg2[%select_n3A, %add3A_479, %dma_wait3A_483] : memref<16x4096x512xf32, #tpu.memory_space<hbm>> -> memref<1x32x512xf32, #tpu.memory_space<hbm>>
    %dma_wait3A_485 = tpu.memref_squeeze %dma_wait3A_484 : memref<1x32x512xf32, #tpu.memory_space<hbm>> -> memref<32x512xf32, #tpu.memory_space<hbm>>
    %dma_wait3A_486 = arith.constant 96 : i32
    %dma_wait3A_487 = arith.constant 0 : i32
    %dma_wait3A_488 = tpu.memref_slice %arg5[%dma_wait3A_486, %dma_wait3A_487] : memref<128x512xf32, #tpu.memory_space<vmem>> -> memref<32x512xf32, #tpu.memory_space<vmem>>
    %dma_wait3A_489 = arith.constant 0 : i32
    %dma_wait3A_490 = tpu.memref_slice %arg2[%select_n3A, %add3A_479, %dma_wait3A_489] : memref<16x4096x512xf32, #tpu.memory_space<hbm>> -> memref<1x32x512xf32, #tpu.memory_space<hbm>>
    %dma_wait3A_491 = tpu.memref_squeeze %dma_wait3A_490 : memref<1x32x512xf32, #tpu.memory_space<hbm>> -> memref<32x512xf32, #tpu.memory_space<hbm>>
    tpu.wait_dma2 semaphore(%arg10 : memref<!tpu.dma_semaphore, #tpu.memory_space<semaphore_mem>>) src(%dma_wait3A_491 : memref<32x512xf32, #tpu.memory_space<hbm>>) dst(%dma_wait3A_488 : memref<32x512xf32, #tpu.memory_space<vmem>>)
    %scan3A_492 = arith.constant 0 : i32
    %scan3A_493 = arith.constant 32 : i32
    %scan3A_494 = arith.addi %scan3A_492, %scan3A_493 : i32
    %scan3A_495 = arith.constant 1 : i32
    %scan3A_496:4 = scf.for %scan3A_659 = %scan3A_492 to %scan3A_494 step %scan3A_495 iter_args(%scan3A_660 = %broadcast_in_dim3A_33, %scan3A_661 = %broadcast_in_dim3A_33, %scan3A_662 = %broadcast_in_dim3A_33, %scan3A_663 = %broadcast_in_dim3A_33) -> (vector<16xf32>, vector<16xf32>, vector<16xf32>, vector<16xf32>)  : i32 {
      %add3A_664 = arith.constant 96 : i32
      %add3A_665 = arith.addi %add3A_664, %scan3A_659 : i32
      %get3A = arith.index_cast %add3A_665 : i32 to index
      %get3A_666 = arith.constant 0 : index
      %get3A_667 = tpu.vector_load %arg5[%get3A, %get3A_666] {strides = array<i32>} : memref<128x512xf32, #tpu.memory_space<vmem>>, vector<1x16xf32>,
      %get3A_668 = vector.shape_cast %get3A_667 : vector<1x16xf32> to vector<16xf32>
      %abs3A = math.absf %get3A_668 : vector<16xf32>
      %max3A_669 = arith.maximumf %scan3A_660, %abs3A : vector<16xf32>
      %add3A_670 = arith.constant 96 : i32
      %add3A_671 = arith.addi %add3A_670, %scan3A_659 : i32
      %get3A_672 = arith.index_cast %add3A_671 : i32 to index
      %get3A_673 = arith.constant 16 : index
      %get3A_674 = tpu.vector_load %arg5[%get3A_672, %get3A_673] {strides = array<i32>} : memref<128x512xf32, #tpu.memory_space<vmem>>, vector<1x16xf32>,
      %get3A_675 = vector.shape_cast %get3A_674 : vector<1x16xf32> to vector<16xf32>
      %abs3A_676 = math.absf %get3A_675 : vector<16xf32>
      %max3A_677 = arith.maximumf %scan3A_661, %abs3A_676 : vector<16xf32>
      %add3A_678 = arith.constant 96 : i32
      %add3A_679 = arith.addi %add3A_678, %scan3A_659 : i32
      %get3A_680 = arith.index_cast %add3A_679 : i32 to index
      %get3A_681 = arith.constant 32 : index
      %get3A_682 = tpu.vector_load %arg5[%get3A_680, %get3A_681] {strides = array<i32>} : memref<128x512xf32, #tpu.memory_space<vmem>>, vector<1x16xf32>,
      %get3A_683 = vector.shape_cast %get3A_682 : vector<1x16xf32> to vector<16xf32>
      %abs3A_684 = math.absf %get3A_683 : vector<16xf32>
      %max3A_685 = arith.maximumf %scan3A_662, %abs3A_684 : vector<16xf32>
      %add3A_686 = arith.constant 96 : i32
      %add3A_687 = arith.addi %add3A_686, %scan3A_659 : i32
      %get3A_688 = arith.index_cast %add3A_687 : i32 to index
      %get3A_689 = arith.constant 48 : index
      %get3A_690 = tpu.vector_load %arg5[%get3A_688, %get3A_689] {strides = array<i32>} : memref<128x512xf32, #tpu.memory_space<vmem>>, vector<1x16xf32>,
      %get3A_691 = vector.shape_cast %get3A_690 : vector<1x16xf32> to vector<16xf32>
      %abs3A_692 = math.absf %get3A_691 : vector<16xf32>
      %max3A_693 = arith.maximumf %scan3A_663, %abs3A_692 : vector<16xf32>
      %add3A_694 = arith.constant 96 : i32
      %add3A_695 = arith.addi %add3A_694, %scan3A_659 : i32
      %get3A_696 = arith.index_cast %add3A_695 : i32 to index
      %get3A_697 = arith.constant 64 : index
      %get3A_698 = tpu.vector_load %arg5[%get3A_696, %get3A_697] {strides = array<i32>} : memref<128x512xf32, #tpu.memory_space<vmem>>, vector<1x16xf32>,
      %get3A_699 = vector.shape_cast %get3A_698 : vector<1x16xf32> to vector<16xf32>
      %abs3A_700 = math.absf %get3A_699 : vector<16xf32>
      %max3A_701 = arith.maximumf %max3A_669, %abs3A_700 : vector<16xf32>
      %add3A_702 = arith.constant 96 : i32
      %add3A_703 = arith.addi %add3A_702, %scan3A_659 : i32
      %get3A_704 = arith.index_cast %add3A_703 : i32 to index
      %get3A_705 = arith.constant 80 : index
      %get3A_706 = tpu.vector_load %arg5[%get3A_704, %get3A_705] {strides = array<i32>} : memref<128x512xf32, #tpu.memory_space<vmem>>, vector<1x16xf32>,
      %get3A_707 = vector.shape_cast %get3A_706 : vector<1x16xf32> to vector<16xf32>
      %abs3A_708 = math.absf %get3A_707 : vector<16xf32>
      %max3A_709 = arith.maximumf %max3A_677, %abs3A_708 : vector<16xf32>
      %add3A_710 = arith.constant 96 : i32
      %add3A_711 = arith.addi %add3A_710, %scan3A_659 : i32
      %get3A_712 = arith.index_cast %add3A_711 : i32 to index
      %get3A_713 = arith.constant 96 : index
      %get3A_714 = tpu.vector_load %arg5[%get3A_712, %get3A_713] {strides = array<i32>} : memref<128x512xf32, #tpu.memory_space<vmem>>, vector<1x16xf32>,
      %get3A_715 = vector.shape_cast %get3A_714 : vector<1x16xf32> to vector<16xf32>
      %abs3A_716 = math.absf %get3A_715 : vector<16xf32>
      %max3A_717 = arith.maximumf %max3A_685, %abs3A_716 : vector<16xf32>
      %add3A_718 = arith.constant 96 : i32
      %add3A_719 = arith.addi %add3A_718, %scan3A_659 : i32
      %get3A_720 = arith.index_cast %add3A_719 : i32 to index
      %get3A_721 = arith.constant 112 : index
      %get3A_722 = tpu.vector_load %arg5[%get3A_720, %get3A_721] {strides = array<i32>} : memref<128x512xf32, #tpu.memory_space<vmem>>, vector<1x16xf32>,
      %get3A_723 = vector.shape_cast %get3A_722 : vector<1x16xf32> to vector<16xf32>
      %abs3A_724 = math.absf %get3A_723 : vector<16xf32>
      %max3A_725 = arith.maximumf %max3A_693, %abs3A_724 : vector<16xf32>
      %add3A_726 = arith.constant 96 : i32
      %add3A_727 = arith.addi %add3A_726, %scan3A_659 : i32
      %get3A_728 = arith.index_cast %add3A_727 : i32 to index
      %get3A_729 = arith.constant 128 : index
      %get3A_730 = tpu.vector_load %arg5[%get3A_728, %get3A_729] {strides = array<i32>} : memref<128x512xf32, #tpu.memory_space<vmem>>, vector<1x16xf32>,
      %get3A_731 = vector.shape_cast %get3A_730 : vector<1x16xf32> to vector<16xf32>
      %abs3A_732 = math.absf %get3A_731 : vector<16xf32>
      %max3A_733 = arith.maximumf %max3A_701, %abs3A_732 : vector<16xf32>
      %add3A_734 = arith.constant 96 : i32
      %add3A_735 = arith.addi %add3A_734, %scan3A_659 : i32
      %get3A_736 = arith.index_cast %add3A_735 : i32 to index
      %get3A_737 = arith.constant 144 : index
      %get3A_738 = tpu.vector_load %arg5[%get3A_736, %get3A_737] {strides = array<i32>} : memref<128x512xf32, #tpu.memory_space<vmem>>, vector<1x16xf32>,
      %get3A_739 = vector.shape_cast %get3A_738 : vector<1x16xf32> to vector<16xf32>
      %abs3A_740 = math.absf %get3A_739 : vector<16xf32>
      %max3A_741 = arith.maximumf %max3A_709, %abs3A_740 : vector<16xf32>
      %add3A_742 = arith.constant 96 : i32
      %add3A_743 = arith.addi %add3A_742, %scan3A_659 : i32
      %get3A_744 = arith.index_cast %add3A_743 : i32 to index
      %get3A_745 = arith.constant 160 : index
      %get3A_746 = tpu.vector_load %arg5[%get3A_744, %get3A_745] {strides = array<i32>} : memref<128x512xf32, #tpu.memory_space<vmem>>, vector<1x16xf32>,
      %get3A_747 = vector.shape_cast %get3A_746 : vector<1x16xf32> to vector<16xf32>
      %abs3A_748 = math.absf %get3A_747 : vector<16xf32>
      %max3A_749 = arith.maximumf %max3A_717, %abs3A_748 : vector<16xf32>
      %add3A_750 = arith.constant 96 : i32
      %add3A_751 = arith.addi %add3A_750, %scan3A_659 : i32
      %get3A_752 = arith.index_cast %add3A_751 : i32 to index
      %get3A_753 = arith.constant 176 : index
      %get3A_754 = tpu.vector_load %arg5[%get3A_752, %get3A_753] {strides = array<i32>} : memref<128x512xf32, #tpu.memory_space<vmem>>, vector<1x16xf32>,
      %get3A_755 = vector.shape_cast %get3A_754 : vector<1x16xf32> to vector<16xf32>
      %abs3A_756 = math.absf %get3A_755 : vector<16xf32>
      %max3A_757 = arith.maximumf %max3A_725, %abs3A_756 : vector<16xf32>
      %add3A_758 = arith.constant 96 : i32
      %add3A_759 = arith.addi %add3A_758, %scan3A_659 : i32
      %get3A_760 = arith.index_cast %add3A_759 : i32 to index
      %get3A_761 = arith.constant 192 : index
      %get3A_762 = tpu.vector_load %arg5[%get3A_760, %get3A_761] {strides = array<i32>} : memref<128x512xf32, #tpu.memory_space<vmem>>, vector<1x16xf32>,
      %get3A_763 = vector.shape_cast %get3A_762 : vector<1x16xf32> to vector<16xf32>
      %abs3A_764 = math.absf %get3A_763 : vector<16xf32>
      %max3A_765 = arith.maximumf %max3A_733, %abs3A_764 : vector<16xf32>
      %add3A_766 = arith.constant 96 : i32
      %add3A_767 = arith.addi %add3A_766, %scan3A_659 : i32
      %get3A_768 = arith.index_cast %add3A_767 : i32 to index
      %get3A_769 = arith.constant 208 : index
      %get3A_770 = tpu.vector_load %arg5[%get3A_768, %get3A_769] {strides = array<i32>} : memref<128x512xf32, #tpu.memory_space<vmem>>, vector<1x16xf32>,
      %get3A_771 = vector.shape_cast %get3A_770 : vector<1x16xf32> to vector<16xf32>
      %abs3A_772 = math.absf %get3A_771 : vector<16xf32>
      %max3A_773 = arith.maximumf %max3A_741, %abs3A_772 : vector<16xf32>
      %add3A_774 = arith.constant 96 : i32
      %add3A_775 = arith.addi %add3A_774, %scan3A_659 : i32
      %get3A_776 = arith.index_cast %add3A_775 : i32 to index
      %get3A_777 = arith.constant 224 : index
      %get3A_778 = tpu.vector_load %arg5[%get3A_776, %get3A_777] {strides = array<i32>} : memref<128x512xf32, #tpu.memory_space<vmem>>, vector<1x16xf32>,
      %get3A_779 = vector.shape_cast %get3A_778 : vector<1x16xf32> to vector<16xf32>
      %abs3A_780 = math.absf %get3A_779 : vector<16xf32>
      %max3A_781 = arith.maximumf %max3A_749, %abs3A_780 : vector<16xf32>
      %add3A_782 = arith.constant 96 : i32
      %add3A_783 = arith.addi %add3A_782, %scan3A_659 : i32
      %get3A_784 = arith.index_cast %add3A_783 : i32 to index
      %get3A_785 = arith.constant 240 : index
      %get3A_786 = tpu.vector_load %arg5[%get3A_784, %get3A_785] {strides = array<i32>} : memref<128x512xf32, #tpu.memory_space<vmem>>, vector<1x16xf32>,
      %get3A_787 = vector.shape_cast %get3A_786 : vector<1x16xf32> to vector<16xf32>
      %abs3A_788 = math.absf %get3A_787 : vector<16xf32>
      %max3A_789 = arith.maximumf %max3A_757, %abs3A_788 : vector<16xf32>
      %add3A_790 = arith.constant 96 : i32
      %add3A_791 = arith.addi %add3A_790, %scan3A_659 : i32
      %get3A_792 = arith.index_cast %add3A_791 : i32 to index
      %get3A_793 = arith.constant 256 : index
      %get3A_794 = tpu.vector_load %arg5[%get3A_792, %get3A_793] {strides = array<i32>} : memref<128x512xf32, #tpu.memory_space<vmem>>, vector<1x16xf32>,
      %get3A_795 = vector.shape_cast %get3A_794 : vector<1x16xf32> to vector<16xf32>
      %abs3A_796 = math.absf %get3A_795 : vector<16xf32>
      %max3A_797 = arith.maximumf %max3A_765, %abs3A_796 : vector<16xf32>
      %add3A_798 = arith.constant 96 : i32
      %add3A_799 = arith.addi %add3A_798, %scan3A_659 : i32
      %get3A_800 = arith.index_cast %add3A_799 : i32 to index
      %get3A_801 = arith.constant 272 : index
      %get3A_802 = tpu.vector_load %arg5[%get3A_800, %get3A_801] {strides = array<i32>} : memref<128x512xf32, #tpu.memory_space<vmem>>, vector<1x16xf32>,
      %get3A_803 = vector.shape_cast %get3A_802 : vector<1x16xf32> to vector<16xf32>
      %abs3A_804 = math.absf %get3A_803 : vector<16xf32>
      %max3A_805 = arith.maximumf %max3A_773, %abs3A_804 : vector<16xf32>
      %add3A_806 = arith.constant 96 : i32
      %add3A_807 = arith.addi %add3A_806, %scan3A_659 : i32
      %get3A_808 = arith.index_cast %add3A_807 : i32 to index
      %get3A_809 = arith.constant 288 : index
      %get3A_810 = tpu.vector_load %arg5[%get3A_808, %get3A_809] {strides = array<i32>} : memref<128x512xf32, #tpu.memory_space<vmem>>, vector<1x16xf32>,
      %get3A_811 = vector.shape_cast %get3A_810 : vector<1x16xf32> to vector<16xf32>
      %abs3A_812 = math.absf %get3A_811 : vector<16xf32>
      %max3A_813 = arith.maximumf %max3A_781, %abs3A_812 : vector<16xf32>
      %add3A_814 = arith.constant 96 : i32
      %add3A_815 = arith.addi %add3A_814, %scan3A_659 : i32
      %get3A_816 = arith.index_cast %add3A_815 : i32 to index
      %get3A_817 = arith.constant 304 : index
      %get3A_818 = tpu.vector_load %arg5[%get3A_816, %get3A_817] {strides = array<i32>} : memref<128x512xf32, #tpu.memory_space<vmem>>, vector<1x16xf32>,
      %get3A_819 = vector.shape_cast %get3A_818 : vector<1x16xf32> to vector<16xf32>
      %abs3A_820 = math.absf %get3A_819 : vector<16xf32>
      %max3A_821 = arith.maximumf %max3A_789, %abs3A_820 : vector<16xf32>
      %add3A_822 = arith.constant 96 : i32
      %add3A_823 = arith.addi %add3A_822, %scan3A_659 : i32
      %get3A_824 = arith.index_cast %add3A_823 : i32 to index
      %get3A_825 = arith.constant 320 : index
      %get3A_826 = tpu.vector_load %arg5[%get3A_824, %get3A_825] {strides = array<i32>} : memref<128x512xf32, #tpu.memory_space<vmem>>, vector<1x16xf32>,
      %get3A_827 = vector.shape_cast %get3A_826 : vector<1x16xf32> to vector<16xf32>
      %abs3A_828 = math.absf %get3A_827 : vector<16xf32>
      %max3A_829 = arith.maximumf %max3A_797, %abs3A_828 : vector<16xf32>
      %add3A_830 = arith.constant 96 : i32
      %add3A_831 = arith.addi %add3A_830, %scan3A_659 : i32
      %get3A_832 = arith.index_cast %add3A_831 : i32 to index
      %get3A_833 = arith.constant 336 : index
      %get3A_834 = tpu.vector_load %arg5[%get3A_832, %get3A_833] {strides = array<i32>} : memref<128x512xf32, #tpu.memory_space<vmem>>, vector<1x16xf32>,
      %get3A_835 = vector.shape_cast %get3A_834 : vector<1x16xf32> to vector<16xf32>
      %abs3A_836 = math.absf %get3A_835 : vector<16xf32>
      %max3A_837 = arith.maximumf %max3A_805, %abs3A_836 : vector<16xf32>
      %add3A_838 = arith.constant 96 : i32
      %add3A_839 = arith.addi %add3A_838, %scan3A_659 : i32
      %get3A_840 = arith.index_cast %add3A_839 : i32 to index
      %get3A_841 = arith.constant 352 : index
      %get3A_842 = tpu.vector_load %arg5[%get3A_840, %get3A_841] {strides = array<i32>} : memref<128x512xf32, #tpu.memory_space<vmem>>, vector<1x16xf32>,
      %get3A_843 = vector.shape_cast %get3A_842 : vector<1x16xf32> to vector<16xf32>
      %abs3A_844 = math.absf %get3A_843 : vector<16xf32>
      %max3A_845 = arith.maximumf %max3A_813, %abs3A_844 : vector<16xf32>
      %add3A_846 = arith.constant 96 : i32
      %add3A_847 = arith.addi %add3A_846, %scan3A_659 : i32
      %get3A_848 = arith.index_cast %add3A_847 : i32 to index
      %get3A_849 = arith.constant 368 : index
      %get3A_850 = tpu.vector_load %arg5[%get3A_848, %get3A_849] {strides = array<i32>} : memref<128x512xf32, #tpu.memory_space<vmem>>, vector<1x16xf32>,
      %get3A_851 = vector.shape_cast %get3A_850 : vector<1x16xf32> to vector<16xf32>
      %abs3A_852 = math.absf %get3A_851 : vector<16xf32>
      %max3A_853 = arith.maximumf %max3A_821, %abs3A_852 : vector<16xf32>
      %add3A_854 = arith.constant 96 : i32
      %add3A_855 = arith.addi %add3A_854, %scan3A_659 : i32
      %get3A_856 = arith.index_cast %add3A_855 : i32 to index
      %get3A_857 = arith.constant 384 : index
      %get3A_858 = tpu.vector_load %arg5[%get3A_856, %get3A_857] {strides = array<i32>} : memref<128x512xf32, #tpu.memory_space<vmem>>, vector<1x16xf32>,
      %get3A_859 = vector.shape_cast %get3A_858 : vector<1x16xf32> to vector<16xf32>
      %abs3A_860 = math.absf %get3A_859 : vector<16xf32>
      %max3A_861 = arith.maximumf %max3A_829, %abs3A_860 : vector<16xf32>
      %add3A_862 = arith.constant 96 : i32
      %add3A_863 = arith.addi %add3A_862, %scan3A_659 : i32
      %get3A_864 = arith.index_cast %add3A_863 : i32 to index
      %get3A_865 = arith.constant 400 : index
      %get3A_866 = tpu.vector_load %arg5[%get3A_864, %get3A_865] {strides = array<i32>} : memref<128x512xf32, #tpu.memory_space<vmem>>, vector<1x16xf32>,
      %get3A_867 = vector.shape_cast %get3A_866 : vector<1x16xf32> to vector<16xf32>
      %abs3A_868 = math.absf %get3A_867 : vector<16xf32>
      %max3A_869 = arith.maximumf %max3A_837, %abs3A_868 : vector<16xf32>
      %add3A_870 = arith.constant 96 : i32
      %add3A_871 = arith.addi %add3A_870, %scan3A_659 : i32
      %get3A_872 = arith.index_cast %add3A_871 : i32 to index
      %get3A_873 = arith.constant 416 : index
      %get3A_874 = tpu.vector_load %arg5[%get3A_872, %get3A_873] {strides = array<i32>} : memref<128x512xf32, #tpu.memory_space<vmem>>, vector<1x16xf32>,
      %get3A_875 = vector.shape_cast %get3A_874 : vector<1x16xf32> to vector<16xf32>
      %abs3A_876 = math.absf %get3A_875 : vector<16xf32>
      %max3A_877 = arith.maximumf %max3A_845, %abs3A_876 : vector<16xf32>
      %add3A_878 = arith.constant 96 : i32
      %add3A_879 = arith.addi %add3A_878, %scan3A_659 : i32
      %get3A_880 = arith.index_cast %add3A_879 : i32 to index
      %get3A_881 = arith.constant 432 : index
      %get3A_882 = tpu.vector_load %arg5[%get3A_880, %get3A_881] {strides = array<i32>} : memref<128x512xf32, #tpu.memory_space<vmem>>, vector<1x16xf32>,
      %get3A_883 = vector.shape_cast %get3A_882 : vector<1x16xf32> to vector<16xf32>
      %abs3A_884 = math.absf %get3A_883 : vector<16xf32>
      %max3A_885 = arith.maximumf %max3A_853, %abs3A_884 : vector<16xf32>
      %add3A_886 = arith.constant 96 : i32
      %add3A_887 = arith.addi %add3A_886, %scan3A_659 : i32
      %get3A_888 = arith.index_cast %add3A_887 : i32 to index
      %get3A_889 = arith.constant 448 : index
      %get3A_890 = tpu.vector_load %arg5[%get3A_888, %get3A_889] {strides = array<i32>} : memref<128x512xf32, #tpu.memory_space<vmem>>, vector<1x16xf32>,
      %get3A_891 = vector.shape_cast %get3A_890 : vector<1x16xf32> to vector<16xf32>
      %abs3A_892 = math.absf %get3A_891 : vector<16xf32>
      %max3A_893 = arith.maximumf %max3A_861, %abs3A_892 : vector<16xf32>
      %add3A_894 = arith.constant 96 : i32
      %add3A_895 = arith.addi %add3A_894, %scan3A_659 : i32
      %get3A_896 = arith.index_cast %add3A_895 : i32 to index
      %get3A_897 = arith.constant 464 : index
      %get3A_898 = tpu.vector_load %arg5[%get3A_896, %get3A_897] {strides = array<i32>} : memref<128x512xf32, #tpu.memory_space<vmem>>, vector<1x16xf32>,
      %get3A_899 = vector.shape_cast %get3A_898 : vector<1x16xf32> to vector<16xf32>
      %abs3A_900 = math.absf %get3A_899 : vector<16xf32>
      %max3A_901 = arith.maximumf %max3A_869, %abs3A_900 : vector<16xf32>
      %add3A_902 = arith.constant 96 : i32
      %add3A_903 = arith.addi %add3A_902, %scan3A_659 : i32
      %get3A_904 = arith.index_cast %add3A_903 : i32 to index
      %get3A_905 = arith.constant 480 : index
      %get3A_906 = tpu.vector_load %arg5[%get3A_904, %get3A_905] {strides = array<i32>} : memref<128x512xf32, #tpu.memory_space<vmem>>, vector<1x16xf32>,
      %get3A_907 = vector.shape_cast %get3A_906 : vector<1x16xf32> to vector<16xf32>
      %abs3A_908 = math.absf %get3A_907 : vector<16xf32>
      %max3A_909 = arith.maximumf %max3A_877, %abs3A_908 : vector<16xf32>
      %add3A_910 = arith.constant 96 : i32
      %add3A_911 = arith.addi %add3A_910, %scan3A_659 : i32
      %get3A_912 = arith.index_cast %add3A_911 : i32 to index
      %get3A_913 = arith.constant 496 : index
      %get3A_914 = tpu.vector_load %arg5[%get3A_912, %get3A_913] {strides = array<i32>} : memref<128x512xf32, #tpu.memory_space<vmem>>, vector<1x16xf32>,
      %get3A_915 = vector.shape_cast %get3A_914 : vector<1x16xf32> to vector<16xf32>
      %abs3A_916 = math.absf %get3A_915 : vector<16xf32>
      %max3A_917 = arith.maximumf %max3A_885, %abs3A_916 : vector<16xf32>
      scf.yield %max3A_893, %max3A_901, %max3A_909, %max3A_917 : vector<16xf32>, vector<16xf32>, vector<16xf32>, vector<16xf32>
    }
    %scan3A_497 = arith.constant 32 : i32
    %max3A_498 = arith.maximumf %scan3A_496#0, %scan3A_496#1 : vector<16xf32>
    %max3A_499 = arith.maximumf %scan3A_496#2, %scan3A_496#3 : vector<16xf32>
    %max3A_500 = arith.maximumf %max3A_498, %max3A_499 : vector<16xf32>
    %xor3A_501 = arith.constant 1 : i32
    %xor3A_502 = vector.broadcast %xor3A_501 : i32 to vector<16xi32>
    %xor3A_503 = arith.xori %iota3A, %xor3A_502 : vector<16xi32>
    %lt3A_504 = arith.constant 0 : i32
    %lt3A_505 = vector.broadcast %lt3A_504 : i32 to vector<16xi32>
    %lt3A_506 = arith.cmpi slt, %xor3A_503, %lt3A_505 : vector<16xi32>
    %add3A_507 = arith.constant 16 : i32
    %add3A_508 = vector.broadcast %add3A_507 : i32 to vector<16xi32>
    %add3A_509 = arith.addi %xor3A_503, %add3A_508 : vector<16xi32>
    %select_n3A_510 = arith.select %lt3A_506, %add3A_509, %xor3A_503 : vector<16xi1>, vector<16xi32>
    %broadcast_in_dim3A_511 = vector.shape_cast %select_n3A_510 : vector<16xi32> to vector<16x1xi32>
    %gather3A_512 = vector.shape_cast %broadcast_in_dim3A_511 : vector<16x1xi32> to vector<16xi32>
    %gather3A_513 = tpu.dynamic_gather %max3A_500[%gather3A_512] in [0] : vector<16xf32>, vector<16xi32> -> vector<16xf32>
    %max3A_514 = arith.maximumf %max3A_500, %gather3A_513 : vector<16xf32>
    %xor3A_515 = arith.constant 2 : i32
    %xor3A_516 = vector.broadcast %xor3A_515 : i32 to vector<16xi32>
    %xor3A_517 = arith.xori %iota3A, %xor3A_516 : vector<16xi32>
    %lt3A_518 = arith.constant 0 : i32
    %lt3A_519 = vector.broadcast %lt3A_518 : i32 to vector<16xi32>
    %lt3A_520 = arith.cmpi slt, %xor3A_517, %lt3A_519 : vector<16xi32>
    %add3A_521 = arith.constant 16 : i32
    %add3A_522 = vector.broadcast %add3A_521 : i32 to vector<16xi32>
    %add3A_523 = arith.addi %xor3A_517, %add3A_522 : vector<16xi32>
    %select_n3A_524 = arith.select %lt3A_520, %add3A_523, %xor3A_517 : vector<16xi1>, vector<16xi32>
    %broadcast_in_dim3A_525 = vector.shape_cast %select_n3A_524 : vector<16xi32> to vector<16x1xi32>
    %gather3A_526 = vector.shape_cast %broadcast_in_dim3A_525 : vector<16x1xi32> to vector<16xi32>
    %gather3A_527 = tpu.dynamic_gather %max3A_514[%gather3A_526] in [0] : vector<16xf32>, vector<16xi32> -> vector<16xf32>
    %max3A_528 = arith.maximumf %max3A_514, %gather3A_527 : vector<16xf32>
    %xor3A_529 = arith.constant 4 : i32
    %xor3A_530 = vector.broadcast %xor3A_529 : i32 to vector<16xi32>
    %xor3A_531 = arith.xori %iota3A, %xor3A_530 : vector<16xi32>
    %lt3A_532 = arith.constant 0 : i32
    %lt3A_533 = vector.broadcast %lt3A_532 : i32 to vector<16xi32>
    %lt3A_534 = arith.cmpi slt, %xor3A_531, %lt3A_533 : vector<16xi32>
    %add3A_535 = arith.constant 16 : i32
    %add3A_536 = vector.broadcast %add3A_535 : i32 to vector<16xi32>
    %add3A_537 = arith.addi %xor3A_531, %add3A_536 : vector<16xi32>
    %select_n3A_538 = arith.select %lt3A_534, %add3A_537, %xor3A_531 : vector<16xi1>, vector<16xi32>
    %broadcast_in_dim3A_539 = vector.shape_cast %select_n3A_538 : vector<16xi32> to vector<16x1xi32>
    %gather3A_540 = vector.shape_cast %broadcast_in_dim3A_539 : vector<16x1xi32> to vector<16xi32>
    %gather3A_541 = tpu.dynamic_gather %max3A_528[%gather3A_540] in [0] : vector<16xf32>, vector<16xi32> -> vector<16xf32>
    %max3A_542 = arith.maximumf %max3A_528, %gather3A_541 : vector<16xf32>
    %xor3A_543 = arith.constant 8 : i32
    %xor3A_544 = vector.broadcast %xor3A_543 : i32 to vector<16xi32>
    %xor3A_545 = arith.xori %iota3A, %xor3A_544 : vector<16xi32>
    %lt3A_546 = arith.constant 0 : i32
    %lt3A_547 = vector.broadcast %lt3A_546 : i32 to vector<16xi32>
    %lt3A_548 = arith.cmpi slt, %xor3A_545, %lt3A_547 : vector<16xi32>
    %add3A_549 = arith.constant 16 : i32
    %add3A_550 = vector.broadcast %add3A_549 : i32 to vector<16xi32>
    %add3A_551 = arith.addi %xor3A_545, %add3A_550 : vector<16xi32>
    %select_n3A_552 = arith.select %lt3A_548, %add3A_551, %xor3A_545 : vector<16xi1>, vector<16xi32>
    %broadcast_in_dim3A_553 = vector.shape_cast %select_n3A_552 : vector<16xi32> to vector<16x1xi32>
    %gather3A_554 = vector.shape_cast %broadcast_in_dim3A_553 : vector<16x1xi32> to vector<16xi32>
    %gather3A_555 = tpu.dynamic_gather %max3A_542[%gather3A_554] in [0] : vector<16xf32>, vector<16xi32> -> vector<16xf32>
    %max3A_556 = arith.maximumf %max3A_542, %gather3A_555 : vector<16xf32>
    %slice3A_557 = vector.extract_strided_slice %max3A_556 {offsets = [0], sizes = [1], strides = [1]} : vector<16xf32> to vector<1xf32>
    %squeeze3A_558 = vector.extract %slice3A_557[0] : f32 from vector<1xf32>
    %gt3A_559 = arith.constant 0.000000e+00 : f32
    %gt3A_560 = arith.cmpf ogt, %squeeze3A_558, %gt3A_559 : f32
    %jit3A_561 = arith.constant 63 : i32
    %select_n3A_562 = arith.select %gt3A_560, %jit3A_561, %select_n3A_425 : i32
    %mul3A_563 = arith.constant 63 : i32
    %mul3A_564 = arith.constant 32 : i32
    %mul3A_565 = arith.muli %mul3A_563, %mul3A_564 : i32
    %add3A_566 = arith.addi %mul3A_32, %mul3A_565 : i32
    %dma_start3A_567 = arith.constant 96 : i32
    %dma_start3A_568 = arith.constant 0 : i32
    %dma_start3A_569 = tpu.memref_slice %arg5[%dma_start3A_567, %dma_start3A_568] : memref<128x512xf32, #tpu.memory_space<vmem>> -> memref<32x512xf32, #tpu.memory_space<vmem>>
    %dma_start3A_570 = arith.constant 0 : i32
    %dma_start3A_571 = tpu.memref_slice %arg3[%select_n3A, %add3A_566, %dma_start3A_570] : memref<16x4096x512xf32, #tpu.memory_space<hbm>> -> memref<1x32x512xf32, #tpu.memory_space<hbm>>
    %dma_start3A_572 = tpu.memref_squeeze %dma_start3A_571 : memref<1x32x512xf32, #tpu.memory_space<hbm>> -> memref<32x512xf32, #tpu.memory_space<hbm>>
    %dma_start3A_573 = arith.constant 0 : i32
    %dma_start3A_574 = tpu.memref_slice %arg3[%select_n3A, %add3A_566, %dma_start3A_573] : memref<16x4096x512xf32, #tpu.memory_space<hbm>> -> memref<1x32x512xf32, #tpu.memory_space<hbm>>
    %dma_start3A_575 = tpu.memref_squeeze %dma_start3A_574 : memref<1x32x512xf32, #tpu.memory_space<hbm>> -> memref<32x512xf32, #tpu.memory_space<hbm>>
    %dma_start3A_576 = arith.constant 96 : i32
    %dma_start3A_577 = arith.constant 0 : i32
    %dma_start3A_578 = tpu.memref_slice %arg5[%dma_start3A_576, %dma_start3A_577] : memref<128x512xf32, #tpu.memory_space<vmem>> -> memref<32x512xf32, #tpu.memory_space<vmem>>
    tpu.enqueue_dma source(%dma_start3A_578 : memref<32x512xf32, #tpu.memory_space<vmem>>) target(%dma_start3A_575 : memref<32x512xf32, #tpu.memory_space<hbm>>) target_semaphore(%arg14 : memref<!tpu.dma_semaphore, #tpu.memory_space<semaphore_mem>>)
    %add3A_579 = arith.constant 0 : i32
    %add3A_580 = arith.addi %mul3A_32, %add3A_579 : i32
    %dma_wait3A_581 = arith.constant 64 : i32
    %dma_wait3A_582 = arith.constant 0 : i32
    %dma_wait3A_583 = tpu.memref_slice %arg5[%dma_wait3A_581, %dma_wait3A_582] : memref<128x512xf32, #tpu.memory_space<vmem>> -> memref<32x512xf32, #tpu.memory_space<vmem>>
    %dma_wait3A_584 = arith.constant 0 : i32
    %dma_wait3A_585 = tpu.memref_slice %arg3[%select_n3A, %add3A_580, %dma_wait3A_584] : memref<16x4096x512xf32, #tpu.memory_space<hbm>> -> memref<1x32x512xf32, #tpu.memory_space<hbm>>
    %dma_wait3A_586 = tpu.memref_squeeze %dma_wait3A_585 : memref<1x32x512xf32, #tpu.memory_space<hbm>> -> memref<32x512xf32, #tpu.memory_space<hbm>>
    %dma_wait3A_587 = arith.constant 0 : i32
    %dma_wait3A_588 = tpu.memref_slice %arg3[%select_n3A, %add3A_580, %dma_wait3A_587] : memref<16x4096x512xf32, #tpu.memory_space<hbm>> -> memref<1x32x512xf32, #tpu.memory_space<hbm>>
    %dma_wait3A_589 = tpu.memref_squeeze %dma_wait3A_588 : memref<1x32x512xf32, #tpu.memory_space<hbm>> -> memref<32x512xf32, #tpu.memory_space<hbm>>
    %dma_wait3A_590 = arith.constant 64 : i32
    %dma_wait3A_591 = arith.constant 0 : i32
    %dma_wait3A_592 = tpu.memref_slice %arg5[%dma_wait3A_590, %dma_wait3A_591] : memref<128x512xf32, #tpu.memory_space<vmem>> -> memref<32x512xf32, #tpu.memory_space<vmem>>
    tpu.wait_dma2 semaphore(%arg13 : memref<!tpu.dma_semaphore, #tpu.memory_space<semaphore_mem>>) src(%dma_wait3A_592 : memref<32x512xf32, #tpu.memory_space<vmem>>) dst(%dma_wait3A_589 : memref<32x512xf32, #tpu.memory_space<hbm>>)
    %add3A_593 = arith.constant 0 : i32
    %add3A_594 = arith.addi %mul3A_32, %add3A_593 : i32
    %dma_wait3A_595 = arith.constant 96 : i32
    %dma_wait3A_596 = arith.constant 0 : i32
    %dma_wait3A_597 = tpu.memref_slice %arg5[%dma_wait3A_595, %dma_wait3A_596] : memref<128x512xf32, #tpu.memory_space<vmem>> -> memref<32x512xf32, #tpu.memory_space<vmem>>
    %dma_wait3A_598 = arith.constant 0 : i32
    %dma_wait3A_599 = tpu.memref_slice %arg3[%select_n3A, %add3A_594, %dma_wait3A_598] : memref<16x4096x512xf32, #tpu.memory_space<hbm>> -> memref<1x32x512xf32, #tpu.memory_space<hbm>>
    %dma_wait3A_600 = tpu.memref_squeeze %dma_wait3A_599 : memref<1x32x512xf32, #tpu.memory_space<hbm>> -> memref<32x512xf32, #tpu.memory_space<hbm>>
    %dma_wait3A_601 = arith.constant 0 : i32
    %dma_wait3A_602 = tpu.memref_slice %arg3[%select_n3A, %add3A_594, %dma_wait3A_601] : memref<16x4096x512xf32, #tpu.memory_space<hbm>> -> memref<1x32x512xf32, #tpu.memory_space<hbm>>
    %dma_wait3A_603 = tpu.memref_squeeze %dma_wait3A_602 : memref<1x32x512xf32, #tpu.memory_space<hbm>> -> memref<32x512xf32, #tpu.memory_space<hbm>>
    %dma_wait3A_604 = arith.constant 96 : i32
    %dma_wait3A_605 = arith.constant 0 : i32
    %dma_wait3A_606 = tpu.memref_slice %arg5[%dma_wait3A_604, %dma_wait3A_605] : memref<128x512xf32, #tpu.memory_space<vmem>> -> memref<32x512xf32, #tpu.memory_space<vmem>>
    tpu.wait_dma2 semaphore(%arg14 : memref<!tpu.dma_semaphore, #tpu.memory_space<semaphore_mem>>) src(%dma_wait3A_606 : memref<32x512xf32, #tpu.memory_space<vmem>>) dst(%dma_wait3A_603 : memref<32x512xf32, #tpu.memory_space<hbm>>)
    %add3A_607 = arith.constant 0 : i32
    %add3A_608 = arith.addi %mul3A_32, %add3A_607 : i32
    %dma_wait3A_609 = arith.constant 0 : i32
    %dma_wait3A_610 = arith.constant 0 : i32
    %dma_wait3A_611 = tpu.memref_slice %arg5[%dma_wait3A_609, %dma_wait3A_610] : memref<128x512xf32, #tpu.memory_space<vmem>> -> memref<32x512xf32, #tpu.memory_space<vmem>>
    %dma_wait3A_612 = arith.constant 0 : i32
    %dma_wait3A_613 = tpu.memref_slice %arg2[%select_n3A, %add3A_608, %dma_wait3A_612] : memref<16x4096x512xf32, #tpu.memory_space<hbm>> -> memref<1x32x512xf32, #tpu.memory_space<hbm>>
    %dma_wait3A_614 = tpu.memref_squeeze %dma_wait3A_613 : memref<1x32x512xf32, #tpu.memory_space<hbm>> -> memref<32x512xf32, #tpu.memory_space<hbm>>
    %dma_wait3A_615 = arith.constant 0 : i32
    %dma_wait3A_616 = arith.constant 0 : i32
    %dma_wait3A_617 = tpu.memref_slice %arg5[%dma_wait3A_615, %dma_wait3A_616] : memref<128x512xf32, #tpu.memory_space<vmem>> -> memref<32x512xf32, #tpu.memory_space<vmem>>
    %dma_wait3A_618 = arith.constant 0 : i32
    %dma_wait3A_619 = tpu.memref_slice %arg2[%select_n3A, %add3A_608, %dma_wait3A_618] : memref<16x4096x512xf32, #tpu.memory_space<hbm>> -> memref<1x32x512xf32, #tpu.memory_space<hbm>>
    %dma_wait3A_620 = tpu.memref_squeeze %dma_wait3A_619 : memref<1x32x512xf32, #tpu.memory_space<hbm>> -> memref<32x512xf32, #tpu.memory_space<hbm>>
    tpu.wait_dma2 semaphore(%arg7 : memref<!tpu.dma_semaphore, #tpu.memory_space<semaphore_mem>>) src(%dma_wait3A_620 : memref<32x512xf32, #tpu.memory_space<hbm>>) dst(%dma_wait3A_617 : memref<32x512xf32, #tpu.memory_space<vmem>>)
    %add3A_621 = arith.constant 0 : i32
    %add3A_622 = arith.addi %mul3A_32, %add3A_621 : i32
    %dma_wait3A_623 = arith.constant 32 : i32
    %dma_wait3A_624 = arith.constant 0 : i32
    %dma_wait3A_625 = tpu.memref_slice %arg5[%dma_wait3A_623, %dma_wait3A_624] : memref<128x512xf32, #tpu.memory_space<vmem>> -> memref<32x512xf32, #tpu.memory_space<vmem>>
    %dma_wait3A_626 = arith.constant 0 : i32
    %dma_wait3A_627 = tpu.memref_slice %arg2[%select_n3A, %add3A_622, %dma_wait3A_626] : memref<16x4096x512xf32, #tpu.memory_space<hbm>> -> memref<1x32x512xf32, #tpu.memory_space<hbm>>
    %dma_wait3A_628 = tpu.memref_squeeze %dma_wait3A_627 : memref<1x32x512xf32, #tpu.memory_space<hbm>> -> memref<32x512xf32, #tpu.memory_space<hbm>>
    %dma_wait3A_629 = arith.constant 32 : i32
    %dma_wait3A_630 = arith.constant 0 : i32
    %dma_wait3A_631 = tpu.memref_slice %arg5[%dma_wait3A_629, %dma_wait3A_630] : memref<128x512xf32, #tpu.memory_space<vmem>> -> memref<32x512xf32, #tpu.memory_space<vmem>>
    %dma_wait3A_632 = arith.constant 0 : i32
    %dma_wait3A_633 = tpu.memref_slice %arg2[%select_n3A, %add3A_622, %dma_wait3A_632] : memref<16x4096x512xf32, #tpu.memory_space<hbm>> -> memref<1x32x512xf32, #tpu.memory_space<hbm>>
    %dma_wait3A_634 = tpu.memref_squeeze %dma_wait3A_633 : memref<1x32x512xf32, #tpu.memory_space<hbm>> -> memref<32x512xf32, #tpu.memory_space<hbm>>
    tpu.wait_dma2 semaphore(%arg8 : memref<!tpu.dma_semaphore, #tpu.memory_space<semaphore_mem>>) src(%dma_wait3A_634 : memref<32x512xf32, #tpu.memory_space<hbm>>) dst(%dma_wait3A_631 : memref<32x512xf32, #tpu.memory_space<vmem>>)
    %ge3A = arith.constant 0 : i32
    %ge3A_635 = arith.cmpi sge, %select_n3A_562, %ge3A : i32
    %convert_element_type3A = arith.extui %ge3A_635 : i1 to i32
    %cond3A = arith.constant 0 : i32
    %cond3A_636 = arith.cmpi ne, %convert_element_type3A, %cond3A : i32
    %cond3A_637 = scf.if %cond3A_636 -> (i32) {
      %mul3A_659 = arith.constant 32 : i32
      %mul3A_660 = arith.muli %select_n3A_562, %mul3A_659 : i32
      %add3A_661 = arith.addi %mul3A_32, %mul3A_660 : i32
      %dma_start3A_662 = arith.constant 0 : i32
      %dma_start3A_663 = arith.constant 0 : i32
      %dma_start3A_664 = tpu.memref_slice %arg5[%dma_start3A_662, %dma_start3A_663] : memref<128x512xf32, #tpu.memory_space<vmem>> -> memref<32x512xf32, #tpu.memory_space<vmem>>
      %dma_start3A_665 = arith.constant 0 : i32
      %dma_start3A_666 = tpu.memref_slice %arg2[%select_n3A, %add3A_661, %dma_start3A_665] : memref<16x4096x512xf32, #tpu.memory_space<hbm>> -> memref<1x32x512xf32, #tpu.memory_space<hbm>>
      %dma_start3A_667 = tpu.memref_squeeze %dma_start3A_666 : memref<1x32x512xf32, #tpu.memory_space<hbm>> -> memref<32x512xf32, #tpu.memory_space<hbm>>
      %dma_start3A_668 = arith.constant 0 : i32
      %dma_start3A_669 = arith.constant 0 : i32
      %dma_start3A_670 = tpu.memref_slice %arg5[%dma_start3A_668, %dma_start3A_669] : memref<128x512xf32, #tpu.memory_space<vmem>> -> memref<32x512xf32, #tpu.memory_space<vmem>>
      %dma_start3A_671 = arith.constant 0 : i32
      %dma_start3A_672 = tpu.memref_slice %arg2[%select_n3A, %add3A_661, %dma_start3A_671] : memref<16x4096x512xf32, #tpu.memory_space<hbm>> -> memref<1x32x512xf32, #tpu.memory_space<hbm>>
      %dma_start3A_673 = tpu.memref_squeeze %dma_start3A_672 : memref<1x32x512xf32, #tpu.memory_space<hbm>> -> memref<32x512xf32, #tpu.memory_space<hbm>>
      tpu.enqueue_dma source(%dma_start3A_673 : memref<32x512xf32, #tpu.memory_space<hbm>>) target(%dma_start3A_670 : memref<32x512xf32, #tpu.memory_space<vmem>>) target_semaphore(%arg7 : memref<!tpu.dma_semaphore, #tpu.memory_space<semaphore_mem>>)
      %mul3A_674 = arith.constant 32 : i32
      %mul3A_675 = arith.muli %select_n3A_562, %mul3A_674 : i32
      %add3A_676 = arith.addi %mul3A_32, %mul3A_675 : i32
      %dma_wait3A_677 = arith.constant 0 : i32
      %dma_wait3A_678 = arith.constant 0 : i32
      %dma_wait3A_679 = tpu.memref_slice %arg5[%dma_wait3A_677, %dma_wait3A_678] : memref<128x512xf32, #tpu.memory_space<vmem>> -> memref<32x512xf32, #tpu.memory_space<vmem>>
      %dma_wait3A_680 = arith.constant 0 : i32
      %dma_wait3A_681 = tpu.memref_slice %arg2[%select_n3A, %add3A_676, %dma_wait3A_680] : memref<16x4096x512xf32, #tpu.memory_space<hbm>> -> memref<1x32x512xf32, #tpu.memory_space<hbm>>
      %dma_wait3A_682 = tpu.memref_squeeze %dma_wait3A_681 : memref<1x32x512xf32, #tpu.memory_space<hbm>> -> memref<32x512xf32, #tpu.memory_space<hbm>>
      %dma_wait3A_683 = arith.constant 0 : i32
      %dma_wait3A_684 = arith.constant 0 : i32
      %dma_wait3A_685 = tpu.memref_slice %arg5[%dma_wait3A_683, %dma_wait3A_684] : memref<128x512xf32, #tpu.memory_space<vmem>> -> memref<32x512xf32, #tpu.memory_space<vmem>>
      %dma_wait3A_686 = arith.constant 0 : i32
      %dma_wait3A_687 = tpu.memref_slice %arg2[%select_n3A, %add3A_676, %dma_wait3A_686] : memref<16x4096x512xf32, #tpu.memory_space<hbm>> -> memref<1x32x512xf32, #tpu.memory_space<hbm>>
      %dma_wait3A_688 = tpu.memref_squeeze %dma_wait3A_687 : memref<1x32x512xf32, #tpu.memory_space<hbm>> -> memref<32x512xf32, #tpu.memory_space<hbm>>
      tpu.wait_dma2 semaphore(%arg7 : memref<!tpu.dma_semaphore, #tpu.memory_space<semaphore_mem>>) src(%dma_wait3A_688 : memref<32x512xf32, #tpu.memory_space<hbm>>) dst(%dma_wait3A_685 : memref<32x512xf32, #tpu.memory_space<vmem>>)
      %scan3A_689 = arith.constant 0 : i32
      %scan3A_690 = arith.constant 0 : i32
      %scan3A_691 = arith.constant 32 : i32
      %scan3A_692 = arith.addi %scan3A_690, %scan3A_691 : i32
      %scan3A_693 = arith.constant 1 : i32
      %scan3A_694 = scf.for %scan3A_702 = %scan3A_690 to %scan3A_692 step %scan3A_693 iter_args(%scan3A_703 = %scan3A_689) -> (i32)  : i32 {
        %get3A = arith.index_cast %scan3A_702 : i32 to index
        %get3A_704 = arith.constant 0 : index
        %get3A_705 = tpu.vector_load %arg5[%get3A, %get3A_704] {strides = array<i32>} : memref<128x512xf32, #tpu.memory_space<vmem>>, vector<1x16xf32>,
        %get3A_706 = vector.shape_cast %get3A_705 : vector<1x16xf32> to vector<16xf32>
        %abs3A = math.absf %get3A_706 : vector<16xf32>
        %max3A_707 = arith.maximumf %broadcast_in_dim3A_33, %abs3A : vector<16xf32>
        %get3A_708 = arith.index_cast %scan3A_702 : i32 to index
        %get3A_709 = arith.constant 16 : index
        %get3A_710 = tpu.vector_load %arg5[%get3A_708, %get3A_709] {strides = array<i32>} : memref<128x512xf32, #tpu.memory_space<vmem>>, vector<1x16xf32>,
        %get3A_711 = vector.shape_cast %get3A_710 : vector<1x16xf32> to vector<16xf32>
        %abs3A_712 = math.absf %get3A_711 : vector<16xf32>
        %max3A_713 = arith.maximumf %max3A_707, %abs3A_712 : vector<16xf32>
        %get3A_714 = arith.index_cast %scan3A_702 : i32 to index
        %get3A_715 = arith.constant 32 : index
        %get3A_716 = tpu.vector_load %arg5[%get3A_714, %get3A_715] {strides = array<i32>} : memref<128x512xf32, #tpu.memory_space<vmem>>, vector<1x16xf32>,
        %get3A_717 = vector.shape_cast %get3A_716 : vector<1x16xf32> to vector<16xf32>
        %abs3A_718 = math.absf %get3A_717 : vector<16xf32>
        %max3A_719 = arith.maximumf %max3A_713, %abs3A_718 : vector<16xf32>
        %get3A_720 = arith.index_cast %scan3A_702 : i32 to index
        %get3A_721 = arith.constant 48 : index
        %get3A_722 = tpu.vector_load %arg5[%get3A_720, %get3A_721] {strides = array<i32>} : memref<128x512xf32, #tpu.memory_space<vmem>>, vector<1x16xf32>,
        %get3A_723 = vector.shape_cast %get3A_722 : vector<1x16xf32> to vector<16xf32>
        %abs3A_724 = math.absf %get3A_723 : vector<16xf32>
        %max3A_725 = arith.maximumf %max3A_719, %abs3A_724 : vector<16xf32>
        %get3A_726 = arith.index_cast %scan3A_702 : i32 to index
        %get3A_727 = arith.constant 64 : index
        %get3A_728 = tpu.vector_load %arg5[%get3A_726, %get3A_727] {strides = array<i32>} : memref<128x512xf32, #tpu.memory_space<vmem>>, vector<1x16xf32>,
        %get3A_729 = vector.shape_cast %get3A_728 : vector<1x16xf32> to vector<16xf32>
        %abs3A_730 = math.absf %get3A_729 : vector<16xf32>
        %max3A_731 = arith.maximumf %max3A_725, %abs3A_730 : vector<16xf32>
        %get3A_732 = arith.index_cast %scan3A_702 : i32 to index
        %get3A_733 = arith.constant 80 : index
        %get3A_734 = tpu.vector_load %arg5[%get3A_732, %get3A_733] {strides = array<i32>} : memref<128x512xf32, #tpu.memory_space<vmem>>, vector<1x16xf32>,
        %get3A_735 = vector.shape_cast %get3A_734 : vector<1x16xf32> to vector<16xf32>
        %abs3A_736 = math.absf %get3A_735 : vector<16xf32>
        %max3A_737 = arith.maximumf %max3A_731, %abs3A_736 : vector<16xf32>
        %get3A_738 = arith.index_cast %scan3A_702 : i32 to index
        %get3A_739 = arith.constant 96 : index
        %get3A_740 = tpu.vector_load %arg5[%get3A_738, %get3A_739] {strides = array<i32>} : memref<128x512xf32, #tpu.memory_space<vmem>>, vector<1x16xf32>,
        %get3A_741 = vector.shape_cast %get3A_740 : vector<1x16xf32> to vector<16xf32>
        %abs3A_742 = math.absf %get3A_741 : vector<16xf32>
        %max3A_743 = arith.maximumf %max3A_737, %abs3A_742 : vector<16xf32>
        %get3A_744 = arith.index_cast %scan3A_702 : i32 to index
        %get3A_745 = arith.constant 112 : index
        %get3A_746 = tpu.vector_load %arg5[%get3A_744, %get3A_745] {strides = array<i32>} : memref<128x512xf32, #tpu.memory_space<vmem>>, vector<1x16xf32>,
        %get3A_747 = vector.shape_cast %get3A_746 : vector<1x16xf32> to vector<16xf32>
        %abs3A_748 = math.absf %get3A_747 : vector<16xf32>
        %max3A_749 = arith.maximumf %max3A_743, %abs3A_748 : vector<16xf32>
        %get3A_750 = arith.index_cast %scan3A_702 : i32 to index
        %get3A_751 = arith.constant 128 : index
        %get3A_752 = tpu.vector_load %arg5[%get3A_750, %get3A_751] {strides = array<i32>} : memref<128x512xf32, #tpu.memory_space<vmem>>, vector<1x16xf32>,
        %get3A_753 = vector.shape_cast %get3A_752 : vector<1x16xf32> to vector<16xf32>
        %abs3A_754 = math.absf %get3A_753 : vector<16xf32>
        %max3A_755 = arith.maximumf %max3A_749, %abs3A_754 : vector<16xf32>
        %get3A_756 = arith.index_cast %scan3A_702 : i32 to index
        %get3A_757 = arith.constant 144 : index
        %get3A_758 = tpu.vector_load %arg5[%get3A_756, %get3A_757] {strides = array<i32>} : memref<128x512xf32, #tpu.memory_space<vmem>>, vector<1x16xf32>,
        %get3A_759 = vector.shape_cast %get3A_758 : vector<1x16xf32> to vector<16xf32>
        %abs3A_760 = math.absf %get3A_759 : vector<16xf32>
        %max3A_761 = arith.maximumf %max3A_755, %abs3A_760 : vector<16xf32>
        %get3A_762 = arith.index_cast %scan3A_702 : i32 to index
        %get3A_763 = arith.constant 160 : index
        %get3A_764 = tpu.vector_load %arg5[%get3A_762, %get3A_763] {strides = array<i32>} : memref<128x512xf32, #tpu.memory_space<vmem>>, vector<1x16xf32>,
        %get3A_765 = vector.shape_cast %get3A_764 : vector<1x16xf32> to vector<16xf32>
        %abs3A_766 = math.absf %get3A_765 : vector<16xf32>
        %max3A_767 = arith.maximumf %max3A_761, %abs3A_766 : vector<16xf32>
        %get3A_768 = arith.index_cast %scan3A_702 : i32 to index
        %get3A_769 = arith.constant 176 : index
        %get3A_770 = tpu.vector_load %arg5[%get3A_768, %get3A_769] {strides = array<i32>} : memref<128x512xf32, #tpu.memory_space<vmem>>, vector<1x16xf32>,
        %get3A_771 = vector.shape_cast %get3A_770 : vector<1x16xf32> to vector<16xf32>
        %abs3A_772 = math.absf %get3A_771 : vector<16xf32>
        %max3A_773 = arith.maximumf %max3A_767, %abs3A_772 : vector<16xf32>
        %get3A_774 = arith.index_cast %scan3A_702 : i32 to index
        %get3A_775 = arith.constant 192 : index
        %get3A_776 = tpu.vector_load %arg5[%get3A_774, %get3A_775] {strides = array<i32>} : memref<128x512xf32, #tpu.memory_space<vmem>>, vector<1x16xf32>,
        %get3A_777 = vector.shape_cast %get3A_776 : vector<1x16xf32> to vector<16xf32>
        %abs3A_778 = math.absf %get3A_777 : vector<16xf32>
        %max3A_779 = arith.maximumf %max3A_773, %abs3A_778 : vector<16xf32>
        %get3A_780 = arith.index_cast %scan3A_702 : i32 to index
        %get3A_781 = arith.constant 208 : index
        %get3A_782 = tpu.vector_load %arg5[%get3A_780, %get3A_781] {strides = array<i32>} : memref<128x512xf32, #tpu.memory_space<vmem>>, vector<1x16xf32>,
        %get3A_783 = vector.shape_cast %get3A_782 : vector<1x16xf32> to vector<16xf32>
        %abs3A_784 = math.absf %get3A_783 : vector<16xf32>
        %max3A_785 = arith.maximumf %max3A_779, %abs3A_784 : vector<16xf32>
        %get3A_786 = arith.index_cast %scan3A_702 : i32 to index
        %get3A_787 = arith.constant 224 : index
        %get3A_788 = tpu.vector_load %arg5[%get3A_786, %get3A_787] {strides = array<i32>} : memref<128x512xf32, #tpu.memory_space<vmem>>, vector<1x16xf32>,
        %get3A_789 = vector.shape_cast %get3A_788 : vector<1x16xf32> to vector<16xf32>
        %abs3A_790 = math.absf %get3A_789 : vector<16xf32>
        %max3A_791 = arith.maximumf %max3A_785, %abs3A_790 : vector<16xf32>
        %get3A_792 = arith.index_cast %scan3A_702 : i32 to index
        %get3A_793 = arith.constant 240 : index
        %get3A_794 = tpu.vector_load %arg5[%get3A_792, %get3A_793] {strides = array<i32>} : memref<128x512xf32, #tpu.memory_space<vmem>>, vector<1x16xf32>,
        %get3A_795 = vector.shape_cast %get3A_794 : vector<1x16xf32> to vector<16xf32>
        %abs3A_796 = math.absf %get3A_795 : vector<16xf32>
        %max3A_797 = arith.maximumf %max3A_791, %abs3A_796 : vector<16xf32>
        %get3A_798 = arith.index_cast %scan3A_702 : i32 to index
        %get3A_799 = arith.constant 256 : index
        %get3A_800 = tpu.vector_load %arg5[%get3A_798, %get3A_799] {strides = array<i32>} : memref<128x512xf32, #tpu.memory_space<vmem>>, vector<1x16xf32>,
        %get3A_801 = vector.shape_cast %get3A_800 : vector<1x16xf32> to vector<16xf32>
        %abs3A_802 = math.absf %get3A_801 : vector<16xf32>
        %max3A_803 = arith.maximumf %max3A_797, %abs3A_802 : vector<16xf32>
        %get3A_804 = arith.index_cast %scan3A_702 : i32 to index
        %get3A_805 = arith.constant 272 : index
        %get3A_806 = tpu.vector_load %arg5[%get3A_804, %get3A_805] {strides = array<i32>} : memref<128x512xf32, #tpu.memory_space<vmem>>, vector<1x16xf32>,
        %get3A_807 = vector.shape_cast %get3A_806 : vector<1x16xf32> to vector<16xf32>
        %abs3A_808 = math.absf %get3A_807 : vector<16xf32>
        %max3A_809 = arith.maximumf %max3A_803, %abs3A_808 : vector<16xf32>
        %get3A_810 = arith.index_cast %scan3A_702 : i32 to index
        %get3A_811 = arith.constant 288 : index
        %get3A_812 = tpu.vector_load %arg5[%get3A_810, %get3A_811] {strides = array<i32>} : memref<128x512xf32, #tpu.memory_space<vmem>>, vector<1x16xf32>,
        %get3A_813 = vector.shape_cast %get3A_812 : vector<1x16xf32> to vector<16xf32>
        %abs3A_814 = math.absf %get3A_813 : vector<16xf32>
        %max3A_815 = arith.maximumf %max3A_809, %abs3A_814 : vector<16xf32>
        %get3A_816 = arith.index_cast %scan3A_702 : i32 to index
        %get3A_817 = arith.constant 304 : index
        %get3A_818 = tpu.vector_load %arg5[%get3A_816, %get3A_817] {strides = array<i32>} : memref<128x512xf32, #tpu.memory_space<vmem>>, vector<1x16xf32>,
        %get3A_819 = vector.shape_cast %get3A_818 : vector<1x16xf32> to vector<16xf32>
        %abs3A_820 = math.absf %get3A_819 : vector<16xf32>
        %max3A_821 = arith.maximumf %max3A_815, %abs3A_820 : vector<16xf32>
        %get3A_822 = arith.index_cast %scan3A_702 : i32 to index
        %get3A_823 = arith.constant 320 : index
        %get3A_824 = tpu.vector_load %arg5[%get3A_822, %get3A_823] {strides = array<i32>} : memref<128x512xf32, #tpu.memory_space<vmem>>, vector<1x16xf32>,
        %get3A_825 = vector.shape_cast %get3A_824 : vector<1x16xf32> to vector<16xf32>
        %abs3A_826 = math.absf %get3A_825 : vector<16xf32>
        %max3A_827 = arith.maximumf %max3A_821, %abs3A_826 : vector<16xf32>
        %get3A_828 = arith.index_cast %scan3A_702 : i32 to index
        %get3A_829 = arith.constant 336 : index
        %get3A_830 = tpu.vector_load %arg5[%get3A_828, %get3A_829] {strides = array<i32>} : memref<128x512xf32, #tpu.memory_space<vmem>>, vector<1x16xf32>,
        %get3A_831 = vector.shape_cast %get3A_830 : vector<1x16xf32> to vector<16xf32>
        %abs3A_832 = math.absf %get3A_831 : vector<16xf32>
        %max3A_833 = arith.maximumf %max3A_827, %abs3A_832 : vector<16xf32>
        %get3A_834 = arith.index_cast %scan3A_702 : i32 to index
        %get3A_835 = arith.constant 352 : index
        %get3A_836 = tpu.vector_load %arg5[%get3A_834, %get3A_835] {strides = array<i32>} : memref<128x512xf32, #tpu.memory_space<vmem>>, vector<1x16xf32>,
        %get3A_837 = vector.shape_cast %get3A_836 : vector<1x16xf32> to vector<16xf32>
        %abs3A_838 = math.absf %get3A_837 : vector<16xf32>
        %max3A_839 = arith.maximumf %max3A_833, %abs3A_838 : vector<16xf32>
        %get3A_840 = arith.index_cast %scan3A_702 : i32 to index
        %get3A_841 = arith.constant 368 : index
        %get3A_842 = tpu.vector_load %arg5[%get3A_840, %get3A_841] {strides = array<i32>} : memref<128x512xf32, #tpu.memory_space<vmem>>, vector<1x16xf32>,
        %get3A_843 = vector.shape_cast %get3A_842 : vector<1x16xf32> to vector<16xf32>
        %abs3A_844 = math.absf %get3A_843 : vector<16xf32>
        %max3A_845 = arith.maximumf %max3A_839, %abs3A_844 : vector<16xf32>
        %get3A_846 = arith.index_cast %scan3A_702 : i32 to index
        %get3A_847 = arith.constant 384 : index
        %get3A_848 = tpu.vector_load %arg5[%get3A_846, %get3A_847] {strides = array<i32>} : memref<128x512xf32, #tpu.memory_space<vmem>>, vector<1x16xf32>,
        %get3A_849 = vector.shape_cast %get3A_848 : vector<1x16xf32> to vector<16xf32>
        %abs3A_850 = math.absf %get3A_849 : vector<16xf32>
        %max3A_851 = arith.maximumf %max3A_845, %abs3A_850 : vector<16xf32>
        %get3A_852 = arith.index_cast %scan3A_702 : i32 to index
        %get3A_853 = arith.constant 400 : index
        %get3A_854 = tpu.vector_load %arg5[%get3A_852, %get3A_853] {strides = array<i32>} : memref<128x512xf32, #tpu.memory_space<vmem>>, vector<1x16xf32>,
        %get3A_855 = vector.shape_cast %get3A_854 : vector<1x16xf32> to vector<16xf32>
        %abs3A_856 = math.absf %get3A_855 : vector<16xf32>
        %max3A_857 = arith.maximumf %max3A_851, %abs3A_856 : vector<16xf32>
        %get3A_858 = arith.index_cast %scan3A_702 : i32 to index
        %get3A_859 = arith.constant 416 : index
        %get3A_860 = tpu.vector_load %arg5[%get3A_858, %get3A_859] {strides = array<i32>} : memref<128x512xf32, #tpu.memory_space<vmem>>, vector<1x16xf32>,
        %get3A_861 = vector.shape_cast %get3A_860 : vector<1x16xf32> to vector<16xf32>
        %abs3A_862 = math.absf %get3A_861 : vector<16xf32>
        %max3A_863 = arith.maximumf %max3A_857, %abs3A_862 : vector<16xf32>
        %get3A_864 = arith.index_cast %scan3A_702 : i32 to index
        %get3A_865 = arith.constant 432 : index
        %get3A_866 = tpu.vector_load %arg5[%get3A_864, %get3A_865] {strides = array<i32>} : memref<128x512xf32, #tpu.memory_space<vmem>>, vector<1x16xf32>,
        %get3A_867 = vector.shape_cast %get3A_866 : vector<1x16xf32> to vector<16xf32>
        %abs3A_868 = math.absf %get3A_867 : vector<16xf32>
        %max3A_869 = arith.maximumf %max3A_863, %abs3A_868 : vector<16xf32>
        %get3A_870 = arith.index_cast %scan3A_702 : i32 to index
        %get3A_871 = arith.constant 448 : index
        %get3A_872 = tpu.vector_load %arg5[%get3A_870, %get3A_871] {strides = array<i32>} : memref<128x512xf32, #tpu.memory_space<vmem>>, vector<1x16xf32>,
        %get3A_873 = vector.shape_cast %get3A_872 : vector<1x16xf32> to vector<16xf32>
        %abs3A_874 = math.absf %get3A_873 : vector<16xf32>
        %max3A_875 = arith.maximumf %max3A_869, %abs3A_874 : vector<16xf32>
        %get3A_876 = arith.index_cast %scan3A_702 : i32 to index
        %get3A_877 = arith.constant 464 : index
        %get3A_878 = tpu.vector_load %arg5[%get3A_876, %get3A_877] {strides = array<i32>} : memref<128x512xf32, #tpu.memory_space<vmem>>, vector<1x16xf32>,
        %get3A_879 = vector.shape_cast %get3A_878 : vector<1x16xf32> to vector<16xf32>
        %abs3A_880 = math.absf %get3A_879 : vector<16xf32>
        %max3A_881 = arith.maximumf %max3A_875, %abs3A_880 : vector<16xf32>
        %get3A_882 = arith.index_cast %scan3A_702 : i32 to index
        %get3A_883 = arith.constant 480 : index
        %get3A_884 = tpu.vector_load %arg5[%get3A_882, %get3A_883] {strides = array<i32>} : memref<128x512xf32, #tpu.memory_space<vmem>>, vector<1x16xf32>,
        %get3A_885 = vector.shape_cast %get3A_884 : vector<1x16xf32> to vector<16xf32>
        %abs3A_886 = math.absf %get3A_885 : vector<16xf32>
        %max3A_887 = arith.maximumf %max3A_881, %abs3A_886 : vector<16xf32>
        %get3A_888 = arith.index_cast %scan3A_702 : i32 to index
        %get3A_889 = arith.constant 496 : index
        %get3A_890 = tpu.vector_load %arg5[%get3A_888, %get3A_889] {strides = array<i32>} : memref<128x512xf32, #tpu.memory_space<vmem>>, vector<1x16xf32>,
        %get3A_891 = vector.shape_cast %get3A_890 : vector<1x16xf32> to vector<16xf32>
        %abs3A_892 = math.absf %get3A_891 : vector<16xf32>
        %max3A_893 = arith.maximumf %max3A_887, %abs3A_892 : vector<16xf32>
        %xor3A_894 = arith.constant 1 : i32
        %xor3A_895 = vector.broadcast %xor3A_894 : i32 to vector<16xi32>
        %xor3A_896 = arith.xori %iota3A, %xor3A_895 : vector<16xi32>
        %lt3A_897 = arith.constant 0 : i32
        %lt3A_898 = vector.broadcast %lt3A_897 : i32 to vector<16xi32>
        %lt3A_899 = arith.cmpi slt, %xor3A_896, %lt3A_898 : vector<16xi32>
        %add3A_900 = arith.constant 16 : i32
        %add3A_901 = vector.broadcast %add3A_900 : i32 to vector<16xi32>
        %add3A_902 = arith.addi %xor3A_896, %add3A_901 : vector<16xi32>
        %select_n3A_903 = arith.select %lt3A_899, %add3A_902, %xor3A_896 : vector<16xi1>, vector<16xi32>
        %broadcast_in_dim3A_904 = vector.shape_cast %select_n3A_903 : vector<16xi32> to vector<16x1xi32>
        %gather3A_905 = vector.shape_cast %broadcast_in_dim3A_904 : vector<16x1xi32> to vector<16xi32>
        %gather3A_906 = tpu.dynamic_gather %max3A_893[%gather3A_905] in [0] : vector<16xf32>, vector<16xi32> -> vector<16xf32>
        %max3A_907 = arith.maximumf %max3A_893, %gather3A_906 : vector<16xf32>
        %xor3A_908 = arith.constant 2 : i32
        %xor3A_909 = vector.broadcast %xor3A_908 : i32 to vector<16xi32>
        %xor3A_910 = arith.xori %iota3A, %xor3A_909 : vector<16xi32>
        %lt3A_911 = arith.constant 0 : i32
        %lt3A_912 = vector.broadcast %lt3A_911 : i32 to vector<16xi32>
        %lt3A_913 = arith.cmpi slt, %xor3A_910, %lt3A_912 : vector<16xi32>
        %add3A_914 = arith.constant 16 : i32
        %add3A_915 = vector.broadcast %add3A_914 : i32 to vector<16xi32>
        %add3A_916 = arith.addi %xor3A_910, %add3A_915 : vector<16xi32>
        %select_n3A_917 = arith.select %lt3A_913, %add3A_916, %xor3A_910 : vector<16xi1>, vector<16xi32>
        %broadcast_in_dim3A_918 = vector.shape_cast %select_n3A_917 : vector<16xi32> to vector<16x1xi32>
        %gather3A_919 = vector.shape_cast %broadcast_in_dim3A_918 : vector<16x1xi32> to vector<16xi32>
        %gather3A_920 = tpu.dynamic_gather %max3A_907[%gather3A_919] in [0] : vector<16xf32>, vector<16xi32> -> vector<16xf32>
        %max3A_921 = arith.maximumf %max3A_907, %gather3A_920 : vector<16xf32>
        %xor3A_922 = arith.constant 4 : i32
        %xor3A_923 = vector.broadcast %xor3A_922 : i32 to vector<16xi32>
        %xor3A_924 = arith.xori %iota3A, %xor3A_923 : vector<16xi32>
        %lt3A_925 = arith.constant 0 : i32
        %lt3A_926 = vector.broadcast %lt3A_925 : i32 to vector<16xi32>
        %lt3A_927 = arith.cmpi slt, %xor3A_924, %lt3A_926 : vector<16xi32>
        %add3A_928 = arith.constant 16 : i32
        %add3A_929 = vector.broadcast %add3A_928 : i32 to vector<16xi32>
        %add3A_930 = arith.addi %xor3A_924, %add3A_929 : vector<16xi32>
        %select_n3A_931 = arith.select %lt3A_927, %add3A_930, %xor3A_924 : vector<16xi1>, vector<16xi32>
        %broadcast_in_dim3A_932 = vector.shape_cast %select_n3A_931 : vector<16xi32> to vector<16x1xi32>
        %gather3A_933 = vector.shape_cast %broadcast_in_dim3A_932 : vector<16x1xi32> to vector<16xi32>
        %gather3A_934 = tpu.dynamic_gather %max3A_921[%gather3A_933] in [0] : vector<16xf32>, vector<16xi32> -> vector<16xf32>
        %max3A_935 = arith.maximumf %max3A_921, %gather3A_934 : vector<16xf32>
        %xor3A_936 = arith.constant 8 : i32
        %xor3A_937 = vector.broadcast %xor3A_936 : i32 to vector<16xi32>
        %xor3A_938 = arith.xori %iota3A, %xor3A_937 : vector<16xi32>
        %lt3A_939 = arith.constant 0 : i32
        %lt3A_940 = vector.broadcast %lt3A_939 : i32 to vector<16xi32>
        %lt3A_941 = arith.cmpi slt, %xor3A_938, %lt3A_940 : vector<16xi32>
        %add3A_942 = arith.constant 16 : i32
        %add3A_943 = vector.broadcast %add3A_942 : i32 to vector<16xi32>
        %add3A_944 = arith.addi %xor3A_938, %add3A_943 : vector<16xi32>
        %select_n3A_945 = arith.select %lt3A_941, %add3A_944, %xor3A_938 : vector<16xi1>, vector<16xi32>
        %broadcast_in_dim3A_946 = vector.shape_cast %select_n3A_945 : vector<16xi32> to vector<16x1xi32>
        %gather3A_947 = vector.shape_cast %broadcast_in_dim3A_946 : vector<16x1xi32> to vector<16xi32>
        %gather3A_948 = tpu.dynamic_gather %max3A_935[%gather3A_947] in [0] : vector<16xf32>, vector<16xi32> -> vector<16xf32>
        %max3A_949 = arith.maximumf %max3A_935, %gather3A_948 : vector<16xf32>
        %slice3A_950 = vector.extract_strided_slice %max3A_949 {offsets = [0], sizes = [1], strides = [1]} : vector<16xf32> to vector<1xf32>
        %squeeze3A_951 = vector.extract %slice3A_950[0] : f32 from vector<1xf32>
        %gt3A_952 = arith.constant 0.000000e+00 : f32
        %gt3A_953 = arith.cmpf ogt, %squeeze3A_951, %gt3A_952 : f32
        %select_n3A_954 = arith.select %gt3A_953, %scan3A_702, %scan3A_703 : i32
        scf.yield %select_n3A_954 : i32
      }
      %scan3A_695 = arith.constant 32 : i32
      %mul3A_696 = arith.constant 32 : i32
      %mul3A_697 = arith.muli %select_n3A_562, %mul3A_696 : i32
      %add3A_698 = arith.addi %mul3A_32, %mul3A_697 : i32
      %add3A_699 = arith.addi %add3A_698, %scan3A_694 : i32
      %add3A_700 = arith.constant 1 : i32
      %add3A_701 = arith.addi %add3A_699, %add3A_700 : i32
      scf.yield %add3A_701 : i32
    } else {
      %cond3A_659 = arith.constant 0 : i32
      scf.yield %cond3A_659 : i32
    }
    %eq3A_638 = vector.broadcast %select_n3A : i32 to vector<16xi32>
    %eq3A_639 = arith.cmpi eq, %iota3A, %eq3A_638 : vector<16xi32>
    %jit3A_640 = arith.constant 0 : i32
    %broadcast_in_dim3A_641 = vector.broadcast %cond3A_637 : i32 to vector<16xi32>
    %broadcast_in_dim3A_642 = vector.broadcast %jit3A_640 : i32 to vector<16xi32>
    %select_n3A_643 = arith.select %eq3A_639, %broadcast_in_dim3A_641, %broadcast_in_dim3A_642 : vector<16xi1>, vector<16xi32>
    %swap3A = arith.constant 0 : index
    %swap3A_644 = tpu.vector_load %arg6[%swap3A] {strides = array<i32>} : memref<16xi32, #tpu.memory_space<vmem>>, vector<16xi32>,
    %swap3A_645 = vector.shape_cast %swap3A_644 : vector<16xi32> to vector<16xi32>
    %swap3A_646 = vector.shape_cast %select_n3A_643 : vector<16xi32> to vector<16xi32>
    tpu.vector_store %arg6[%swap3A], %swap3A_646 {strides = array<i32>} : memref<16xi32, #tpu.memory_space<vmem>>, vector<16xi32>,
    %dma_start3A_647 = arith.constant 0 : i32
    %dma_start3A_648 = tpu.memref_slice %arg4[%add3A, %dma_start3A_647] : memref<32x16xi32, #tpu.memory_space<hbm>> -> memref<1x16xi32, #tpu.memory_space<hbm>>
    %dma_start3A_649 = tpu.memref_squeeze %dma_start3A_648 : memref<1x16xi32, #tpu.memory_space<hbm>> -> memref<16xi32, #tpu.memory_space<hbm>>
    %dma_start3A_650 = arith.constant 0 : i32
    %dma_start3A_651 = tpu.memref_slice %arg4[%add3A, %dma_start3A_650] : memref<32x16xi32, #tpu.memory_space<hbm>> -> memref<1x16xi32, #tpu.memory_space<hbm>>
    %dma_start3A_652 = tpu.memref_squeeze %dma_start3A_651 : memref<1x16xi32, #tpu.memory_space<hbm>> -> memref<16xi32, #tpu.memory_space<hbm>>
    tpu.enqueue_dma source(%arg6 : memref<16xi32, #tpu.memory_space<vmem>>) target(%dma_start3A_652 : memref<16xi32, #tpu.memory_space<hbm>>) target_semaphore(%arg15 : memref<!tpu.dma_semaphore, #tpu.memory_space<semaphore_mem>>)
    %dma_wait3A_653 = arith.constant 0 : i32
    %dma_wait3A_654 = tpu.memref_slice %arg4[%add3A, %dma_wait3A_653] : memref<32x16xi32, #tpu.memory_space<hbm>> -> memref<1x16xi32, #tpu.memory_space<hbm>>
    %dma_wait3A_655 = tpu.memref_squeeze %dma_wait3A_654 : memref<1x16xi32, #tpu.memory_space<hbm>> -> memref<16xi32, #tpu.memory_space<hbm>>
    %dma_wait3A_656 = arith.constant 0 : i32
    %dma_wait3A_657 = tpu.memref_slice %arg4[%add3A, %dma_wait3A_656] : memref<32x16xi32, #tpu.memory_space<hbm>> -> memref<1x16xi32, #tpu.memory_space<hbm>>
    %dma_wait3A_658 = tpu.memref_squeeze %dma_wait3A_657 : memref<1x16xi32, #tpu.memory_space<hbm>> -> memref<16xi32, #tpu.memory_space<hbm>>
    tpu.wait_dma2 semaphore(%arg15 : memref<!tpu.dma_semaphore, #tpu.memory_space<semaphore_mem>>) src(%arg6 : memref<16xi32, #tpu.memory_space<vmem>>) dst(%dma_wait3A_658 : memref<16xi32, #tpu.memory_space<hbm>>)
    return
  }
}

</mosaic_0001>

<sc_bundles>
// kernel: kernel.3.cloned.1.call-start
scs
__scs_entry_jumppad:
0x0: {  	(pc) =	sbr.rel $0x88, $3  }
0x1: {  	(tag) =	ssettag $0x0;
	lr =	simm.s32 $0x1  }
0x2: {  	[smem:$0x3FA0] =	sst lr;
	_ =	strace $0xD0000000  }
0x3: {  	_ = 	snop  }
0x4: {  	_ = 	snop  }
0x5: {  	_ = 	snop  }
0x6: {  	_ = 	snop  }
0x7: {  	_ = 	snop  }
__scs_overlays_trampoline_lowered:
0x8: {  	[smem:$0x3FAF] =	sst s0  }
0x9: {  	[smem:$0x3FB0] =	sst s1  }
0xa: {  	[smem:$0x3FB1] =	sst s2  }
0xb: {  	[smem:$0x3FB2] =	sst s3  }
0xc: {  	[smem:$0x3FB3] =	sst s4  }
0xd: {  	[smem:$0x3FB4] =	sst s5  }
0xe: {  	[smem:$0x3FB5] =	sst s6  }
0xf: {  	[smem:$0x3FB6] =	sst s7  }
0x10: {  	[smem:$0x3FB7] =	sst s8  }
0x11: {  	[smem:$0x3FB8] =	sst s9;
	s0 =	simm.s32 @!p0 $0x0  }
0x12: {  	s1 =	sld [smem:$0x3F9E];
	s0 =	simm.s32 @p0 $0x1  }
0x13: {  	[smem:$0x3FB9] =	sst s0;
	s0 =	simm.s32 @!p1 $0x0  }
0x14: {  	s2 =	sld [smem:$0x3F9D];
	s0 =	simm.s32 @p1 $0x1  }
0x15: {  	[smem:$0x3FBA] =	sst s0;
	s0 =	simm.s32 @!p2 $0x0  }
0x16: {  	s3 =	sld [smem:$0x3FDB];
	s0 =	simm.s32 @p2 $0x1  }
0x17: {  	s4 =	simm.s32 $0x1BF5;
	[smem:$0x3FBC] =	sst s0  }
0x18: {  	s0 =	sld [smem:$0x3F9F];
	_ =	swait.ge [sflag:s4], $0x0  }
0x19: {  	s7 =	sld [smem:$0x3FA0]  }
0x1a: {  	s8 =	sadd.s32 $0xFFFFE003, lr  }
0x1b: {  	s9 =	sadd.s32 $0xFFFFFEF7, lr;
	s5 =	simm.s32 $0xFFFFFFFF;
	p2 =	slt.u32 s8, $0xFFFFF086  }
0x1c: {  	p1 =	slt.u32 s9, $0xF7A;
	s5 =	simm.s32 @!p2 $0x0  }
0x1d: {  	s5 =	simm.s32 @p1 $0x1;
	p0 =	seq.s32 s7, s2  }
0x1e: {  	s7 =	smul.u32 @!p0 $0xF7A, s2;
	p2 =	seq.s32 @!p0 s5, $0x0  }
0x1f: {  	s9 =	smul.u32 $0xF7A, s1;
	s8 =	simm.s32 @!p0 $0x1BF5;
	p2 =	por !p2, p0  }
0x20: {  	[sflag:s8] =	ssyncset.s32 @!p0 $0xFFFFF086;
	s6 =	sadd.s32 @!p0 s3, s7;
	s7 =	simm.s32 @!p0 $0x108  }
0x21: {  	s3 =	sadd.s32 s3, s9;
	s6 =	sadd.s32 @!p0 $0x88, s6;
	s7 =	simm.s32 @p2 $0x1082  }
0x22: {  	[simem:s7], [sflag:s8] =	dma.local @!p0 [hbm:s6], $0xF7A  }
0x23: {  	s9 =	sor.u32 $0xD0000000, s2;
	s6 =	simm.s32 $0x108;
	_ =	swait.ge @!p0 [sflag:s8], $0x0  }
0x24: {  	s3 =	sadd.s32 $0x88, s3;
	s6 =	simm.s32 @!p1 $0x1082;
	[sflag:s4] =	ssyncset.s32 $0xFFFFF086  }
0x25: {  	[simem:s6], [sflag:s4] =	dma.local [hbm:s3], $0xF7A  }
0x26: {  	[smem:$0x3FA0] =	sst s1;
	(tag) =	ssettag s2;
	_ =	strace s9  }
0x27: {  	s1 =	sld [smem:$0x3FB0]  }
0x28: {  	s2 =	sld [smem:$0x3FB1]  }
0x29: {  	s4 =	sld [smem:$0x3FB3]  }
0x2a: {  	p0 =	seq.s32 s5, $0x0;
	s5 =	sld [smem:$0x3FB4]  }
0x2b: {  	s6 =	sld [smem:$0x3FB5]  }
0x2c: {  	s7 =	sld [smem:$0x3FB6]  }
0x2d: {  	s3 =	simm.s32 $0x108;
	s8 =	sld [smem:$0x3FB7]  }
0x2e: {  	s3 =	simm.s32 @!p0 $0x1082;
	s9 =	sld [smem:$0x3FB8]  }
0x2f: {  	lr =	sadd.s32 s0, s3;
	s0 =	sld [smem:$0x3FAF]  }
0x30: {  	s3 =	sld [smem:$0x3FB2]  }
0x31: {  	[smem:$0x3FBB] =	sst s10  }
0x32: {  	s10 =	sld [smem:$0x3FB9];
	_ =	sdelay $0x3  }
0x33: {  	p0 =	seq.s32 s10, $0x1;
	s10 =	sld [smem:$0x3FBB];
	_ =	sdelay $0x3  }
0x34: {  	[smem:$0x3FBB] =	sst s10  }
0x35: {  	s10 =	sld [smem:$0x3FBA];
	_ =	sdelay $0x3  }
0x36: {  	p1 =	seq.s32 s10, $0x1;
	s10 =	sld [smem:$0x3FBB];
	_ =	sdelay $0x3  }
0x37: {  	[smem:$0x3FBB] =	sst s10  }
0x38: {  	s10 =	sld [smem:$0x3FBC]  }
0x39: {  	_ = 	snop;
	(pc) =	sbr.ind lr, $3  }
0x3a: {  	_ = 	snop  }
0x3b: {  	_ = 	snop  }
0x3c: {  	p2 =	seq.s32 s10, $0x1;
	s10 =	sld [smem:$0x3FBB]  }
0x3d: {  	_ =	shalt  }
0x3e: {  	_ =	shalt  }
0x3f: {  	_ =	shalt  }
0x40: {  	_ =	shalt  }
0x41: {  	_ =	shalt  }
0x42: {  	_ =	shalt  }
0x43: {  	_ =	shalt  }
0x44: {  	_ =	shalt  }
0x45: {  	_ =	shalt  }
0x46: {  	_ =	shalt  }
0x47: {  	_ =	shalt  }
0x48: {  	_ =	shalt  }
0x49: {  	_ =	shalt  }
0x4a: {  	_ =	shalt  }
0x4b: {  	_ =	shalt  }
0x4c: {  	_ =	shalt  }
0x4d: {  	_ =	shalt  }
0x4e: {  	_ =	shalt  }
0x4f: {  	_ =	shalt  }
0x50: {  	_ =	shalt  }
0x51: {  	_ =	shalt  }
0x52: {  	_ =	shalt  }
0x53: {  	_ =	shalt  }
0x54: {  	_ =	shalt  }
0x55: {  	_ =	shalt  }
0x56: {  	_ =	shalt  }
0x57: {  	_ =	shalt  }
0x58: {  	_ =	shalt  }
0x59: {  	_ =	shalt  }
0x5a: {  	_ =	shalt  }
0x5b: {  	_ =	shalt  }
0x5c: {  	_ =	shalt  }
0x5d: {  	_ =	shalt  }
0x5e: {  	_ =	shalt  }
0x5f: {  	_ =	shalt  }
0x60: {  	_ =	shalt  }
0x61: {  	_ =	shalt  }
0x62: {  	_ =	shalt  }
0x63: {  	_ =	shalt  }
0x64: {  	_ =	shalt  }
0x65: {  	_ =	shalt  }
0x66: {  	_ =	shalt  }
0x67: {  	_ =	shalt  }
0x68: {  	_ =	shalt  }
0x69: {  	_ =	shalt  }
0x6a: {  	_ =	shalt  }
0x6b: {  	_ =	shalt  }
0x6c: {  	_ =	shalt  }
0x6d: {  	_ =	shalt  }
0x6e: {  	_ =	shalt  }
0x6f: {  	_ =	shalt  }
0x70: {  	_ =	shalt  }
0x71: {  	_ =	shalt  }
0x72: {  	_ =	shalt  }
0x73: {  	_ =	shalt  }
0x74: {  	_ =	shalt  }
0x75: {  	_ =	shalt  }
0x76: {  	_ =	shalt  }
0x77: {  	_ =	shalt  }
0x78: {  	_ =	shalt  }
0x79: {  	_ =	shalt  }
0x7a: {  	_ =	shalt  }
0x7b: {  	_ =	shalt  }
0x7c: {  	_ =	shalt  }
0x7d: {  	_ =	shalt  }
0x7e: {  	_ =	shalt  }
0x7f: {  	_ =	shalt  }
0x80: {  	_ =	shalt  }
0x81: {  	_ =	shalt  }
0x82: {  	_ =	shalt  }
0x83: {  	_ =	shalt  }
0x84: {  	_ =	shalt  }
0x85: {  	_ =	shalt  }
0x86: {  	_ =	shalt  }
0x87: {  	_ =	shalt  }
.Lfunc_end0:
.L_simem_size_0:
called_computation_lowered:
.L_overlay_start_0:
0x88: {  	s2 =	sld [smem:$0x3FD9]  }
0x89: {  	s3 =	sld [smem:$0x3FFE];
	_ =	sdelay $0x1  }
0x8a: {  	s1 =	srdreg.scid  }
0x8b: {  	s0 =	sand.u32 $0x1, s1  }
0x8c: {  	s14 =	sshll.u32 s0, $0xA;
	s2 =	sadd.s32 s3, s2  }
0x8d: {  	s2 =	sadd.s32 s2, s14  }
0x8e: {  	[smem:$0x3FC7] =	sst s2  }
0x8f: {  	_ = 	snop  }
0x90: {  	s2 =	sld [smem:$0x3FD0];
	_ =	sdelay $0x2  }
0x91: {  	s4 =	simm.s32 $0xA;
	s5 =	simm.s32 $0x10;
	s15 =	sld [smem:$0x3FC9]  }
0x92: {  	[smem:s5], [sflag:s4] =	dma.local [hbm:s2], $0x1  }
0x93: {  	_ =	swait.eq [sflag:s4], $0x1  }
0x94: {  	[sflag:s4] =	ssyncset.done $0x0  }
0x95: {  	[sflag:s4] =	ssyncadd.s32 $0xFFFFFFFF  }
0x96: {  	s16 =	sld [smem:$0x10];
	(tm) =	ssettm $0x1  }
0x97: {  	s17 =	sld [smem:$0x3FFB];
	_ =	sdelay $0x3  }
0x98: {  	_ =	strace s17  }
0x99: {  	s4 =	sld [smem:$0x3FFC];
	_ =	sdelay $0x3  }
0x9a: {  	_ =	strace s4  }
0x9b: {  	s4 =	sld [smem:$0x3FFD];
	_ =	sdelay $0x3  }
0x9c: {  	_ =	strace s4  }
0x9d: {  	_ =	strace $0x8FFFFFFF  }
0x9e: {  	s18 =	sld [smem:$0x3FDB];
	_ =	sdelay $0x1  }
0x9f: {  	s19 =	simm.s32 $_scs_section_size  }
0xa0: {  	s6 =	simm.s32 $_size__tile_overlayer_lowered;
	s7 =	simm.s32 $_tile_overlayer_lowered  }
0xa1: {  	s22 =	simm.s32 $0x1BFF;
	s21 =	sshll.u32 s7, $0x1;
	s4 =	sadd.s32 s19, s18  }
0xa2: {  	s8 =	simm.s32 $0x0;
	s20 =	sshll.u32 s6, $0x1;
	s6 =	sadd.s32 s21, s4  }
0xa3: {  	[timem:s8], [sflag:s22] =	dma.local [hbm:s6], s20  }
0xa4: {  	_ =	swait.ge [sflag:s22], s20  }
0xa5: {  	s5 =	ssub.s32 $0x0, s20;
	[sflag:s22] =	ssyncset.done $0x0  }
0xa6: {  	[sflag:s22] =	ssyncadd.s32 s5;
	_ =	sdelay $0x1  }
0xa7: {  	s23 =	simm.s32 $0x1B8B  }
0xa8: {  	_ =	swait.ge [sflag:s23], $0x1  }
0xa9: {  	[sflag:s23] =	ssyncset.done $0x0  }
0xaa: {  	s25 =	simm.s32 $0x1B8E;
	s24 =	sld [smem:$0x3FFE];
	[sflag:s23] =	ssyncadd.s32 $0xFFFFFFFF  }
0xab: {  	s26 =	simm.s32 $execute0_lowered;
	[smem:$0x3FD2] =	sst s25  }
0xac: {  	s6 =	sshll.u32 s26, $0x1;
	_ =	strace $0x80000046;
	[dreg:$0x1] =	wrdreg $0xFFFFFFFF  }
0xad: {  	s28 =	simm.s32 $_size_execute0_lowered;
	s4 =	sadd.s32 s4, s6;
	[dreg:$0x0] =	wrdreg $0x0  }
0xae: {  	s6 =	sshll.u32 s28, $0x1;
	[dreg:$0x2] =	wrdreg s4  }
0xaf: {  	[dreg:$0x3] =	wrdreg s6  }
0xb0: {  	[dreg:$0x4] =	wrdreg $0xC0  }
0xb1: {  	_ =	task [dreg:s8], $0x5FFFF  }
0xb2: {  	[dreg:$0x1] =	wrdreg $0xFFFFFFFF  }
0xb3: {  	[dreg:$0x0] =	wrdreg $0x60  }
0xb4: {  	[dreg:$0x2] =	wrdreg s15  }
0xb5: {  	[dreg:$0x3] =	wrdreg s16  }
0xb6: {  	[dreg:$0x4] =	wrdreg s24  }
0xb7: {  	[dreg:$0x5] =	wrdreg $0x9  }
0xb8: {  	_ =	task.clear_ibuf [dreg:s8], $0x6FFFF;
	_ =	strace $0x90000046  }
0xb9: {  	s29 =	simm.s32 $0x9;
	_ =	strace $0x80000048  }
0xba: {  	_ =	swait.ge [sflag:s29], $0x1  }
0xbb: {  	[sflag:s29] =	ssyncadd.s32 $0xFFFFFFFF  }
0xbc: {  	_ =	strace $0x90000048  }
0xbd: {  	_ =	sfence  }
0xbe: {  	s30 =	sld [smem:$0x0];
	_ =	sdelay $0x2  }
0xbf: {  	s31 =	sshll.u32 s1, $0xD;
	s1 =	sshrl.u32 s1, $0x2  }
0xc0: {  	s3 =	sand.u32 $0x4000, s31;
	s1 =	sadd.s32 s1, s30  }
0xc1: {  	s0 =	sor.u32 s3, s0;
	s1 =	sshll.u32 s1, $0x11  }
0xc2: {  	s0 =	sor.u32 s1, s0  }
0xc3: {  	s0 =	sadd.s32 $0x8F2B, s0  }
0xc4: {  	[sflag:s0] =	ssyncadd.remote.s32 $0x1  }
0xc5: {  	_ =	sfence.sel $0xFFFF  }
0xc6: {  	[dreg:$0x0] =	wrdreg $0xFFFFFFFF;
	(pc) =	sbr.abs _section_cstart, $3  }
0xc7: {  	[dreg:$0x1] =	wrdreg $0xFFFFFFFF  }
0xc8: {  	_ =	task.clear_ibuf [dreg:s8], $0x2FFFF;
	_ =	strace $0x9FFFFFFF  }
0xc9: {  	(tm) =	ssettm $0x7FFFFFFF  }
tec
execute0_lowered:
.L_overlay_start_1:
0x0: {  	(tag) =	ssettag $0x1  }
0x1: {  	s1 =	rddreg [dreg:$0x0]  }
0x2: {  	s0 =	srdreg.scid;
	s3 =	rddreg [dreg:$0x1]  }
0x3: {  	s4 =	stileid.u32;
	s5 =	rddreg [dreg:$0x2];
	s17 =	simm.s32 $0x0  }
0x4: {  	s6 =	simm.s32 $0x1;
	s28 =	simm.s32 $0x3;
	s29 =	simm.s32 $0x6  }
0x5: {  	s30 =	simm.s32 $0x4;
	s0 =	sand.u32 $0x1, s0;
	s2 =	sshll.u32 s4, $0x1  }
0x6: {  	s31 =	simm.s32 $0x7;
	[smem:$0x7FF] =	sst s17;
	s2 =	sor.u32 s0, s2  }
0x7: {  	p1 =	seq.s32 s0, $0x1;
	_ =	strace $0x80000047;
	p0 =	seq.s32 s2, $0x0  }
0x8: {  	s7 =	ssub.s32 $0x2, s0;
	s11 =	sshll.u32 s0, $0x14;
	p0 =	por !p0, !p1  }
0x9: {  	s0 =	sshll.u32 s0, $0xB;
	s2 =	sshll.u32 s2, $0x4;
	p0 =	por !p0, !p0  }
0xa: {  	s9 =	sshrl.u32 s7, $0x1;
	[dreg:$0x6] =	wrdreg s0;
	s6 =	simm.s32 @!p0 $0x0  }
0xb: {  	s2 =	sadd.s32 s2, s5;
	s12 =	ssub.s32 s7, s9;
	s8 =	ssub.s32 s4, s6  }
0xc: {  	v0 =	vimm.s32 $0xEFCDAB89;
	v1 =	vimm.s32 $0x67452301;
	s7 =	simm.s32 $0x1;
	s25 =	sadd.s32 $0x400, s2;
	s4 =	sshll.u32 s8, $0x15  }
0xd: {  	v0 =	vunpack.c.l.s4.s8 v0;
	v1 =	vunpack.c.l.s4.s8 v1;
	s26 =	smax.u32 s12, $0x1;
	[dreg:$0xf] =	wrdreg s25;
	s6 =	sor.u32 s11, s4  }
0xe: {  	s2 =	simm.s32 $0x8;
	[dreg:$0x10] =	wrdreg s26;
	s13 =	sshrl.u32 s6, $0x3  }
0xf: {  	v0 =	vunpack.c.0.s8.s32 v0;
	v1 =	vunpack.c.0.s8.s32 v1;
	s25 =	simm.s32 $0x2;
	[dreg:$0x4] =	wrdreg s4;
	s15 =	sadd.s32 s1, s13  }
0x10: {  	v2 =	vimm.s32 $0xDCFE98BA;
	v3 =	vimm.s32 $0xBA98FEDC;
	s10 =	sor.u32 $0x800, s13;
	s19 =	sadd.s32 s3, s13;
	[dreg:$0x5] =	wrdreg s15  }
0x11: {  	v5 =	vimm.s32 $0xFEDCBA98;
	v6 =	vimm.s32 $0x32107654;
	v0 =	vcombine.low v1, v0;
	s26 =	simm.s32 $0x5;
	s16 =	sadd.s32 s1, s10;
	[dreg:$0x9] =	wrdreg s19  }
0x12: {  	v1 =	vunpack.c.l.s4.s8 v2;
	v2 =	vimm.s32 $0x54761032;
	v4 =	vmov s8;
	s8 =	simm.s32 $0x0;
	s18 =	sadd.s32 $0x1000, s15;
	[dreg:$0x7] =	wrdreg s16  }
0x13: {  	v7 =	vimm.s32 $0x76543210;
	v5 =	vunpack.c.l.s4.s8 v5;
	v2 =	vunpack.c.l.s4.s8 v2;
	s14 =	sor.u32 $0x18000, s6;
	s21 =	sadd.s32 $0x1800, s15;
	[dreg:$0x8] =	wrdreg s18  }
.Ltmp0:
0x14: {  	v3 =	vunpack.c.l.s4.s8 v3;
	v6 =	vunpack.c.l.s4.s8 v6;
	v7 =	vunpack.c.l.s4.s8 v7;
	s22 =	sadd.s32 s3, s10;
	[dreg:$0xa] =	wrdreg s21;
	(pc) =	sbr.rel .LBB2_1-.Ltmp0, $4  }
0x15: {  	v5 =	vunpack.c.0.s8.s32 v5;
	v1 =	vunpack.c.0.s8.s32 v1;
	v2 =	vunpack.c.0.s8.s32 v2;
	s23 =	sor.u32 $0x1F800, s13;
	s24 =	sadd.s32 $0x1F000, s19;
	[dreg:$0xb] =	wrdreg s22  }
0x16: {  	v3 =	vunpack.c.0.s8.s32 v3;
	v6 =	vunpack.c.0.s8.s32 v6;
	v7 =	vunpack.c.0.s8.s32 v7;
	s20 =	sadd.s32 s1, s23;
	s0 =	sadd.s32 s3, s23;
	[dreg:$0xd] =	wrdreg s24  }
0x17: {  	v8 =	vlaneseq.u32;
	v5 =	vand.u32 $0xF, v5;
	v1 =	vcombine.low v2, v1;
	s23 =	simm.s32 $0x8000;
	s16 =	sor.u32 $0x1C000, s6;
	[dreg:$0xe] =	wrdreg s0  }
0x18: {  	vm0 =	veq.s32 v4, v8;
	v2 =	vcombine.low v6, v3;
	v3 =	vcombine.low v5, v7;
	s22 =	simm.s32 $0x4000;
	s24 =	simm.s32 $0xC000;
	[dreg:$0xc] =	wrdreg s20  }
.LBB2_23:
0x19: {  	v4 =	vmov s0  }
0x1a: {  	v4 =	vnsel vm0, $0x0, v4  }
0x1b: {  	s19 =	rddreg [dreg:$0xf];
	s4 =	simm.s32 $0x10000;
	s20 =	simm.s32 $0x9;
	[tilespmem:$0x10000] =	vst v4  }
0x1c: {  	[hbm4b:s19+s17] =	stream.linear.scatter [tilespmem:s4], [sflag:$0x9], $0x80, $0x38;
	[tilespmem:$0x10080] =	vst v63  }
0x1d: {  	_ =	swait.ge [sflag:s20], $0x80  }
0x1e: {  	s8 =	sadd.s32 $0x1, s8;
	s21 =	rddreg [dreg:$0x10]  }
0x1f: {  	p0 =	sne.s32 s8, s21  }
.Ltmp1:
0x20: {  	_ = 	snop;
	(pc) =	sbr.rel @!p0 .LBB2_24-.Ltmp1, $3  }
0x21: {  	_ =	sdelay $0x1  }
0x22: {  	[sflag:s20] =	ssyncset.done $0x0  }
0x23: {  	[sflag:s20] =	ssyncadd.s32 $0xFFFFFF80  }
.LBB2_1:
0x24: {  	[dreg:$0x11] =	wrdreg s8  }
0x25: {  	s0 =	rddreg [dreg:$0x5]  }
0x26: {  	[tilespmem:s17], [sflag:$0x1] =	stream.linear.gather [hbm4b:s0+s17], $0x4000, $0x38;
	[tilespmem:$0x10080] =	vst v63  }
0x27: {  	s19 =	rddreg [dreg:$0x7]  }
0x28: {  	[tilespmem:s22], [sflag:$0x2] =	stream.linear.gather [hbm4b:s19+s17], $0x4000, $0x38;
	[tilespmem:$0x10080] =	vst v63  }
0x29: {  	s20 =	rddreg [dreg:$0x8]  }
0x2a: {  	[tilespmem:s23], [sflag:$0x3] =	stream.linear.gather [hbm4b:s20+s17], $0x4000, $0x38;
	[tilespmem:$0x10080] =	vst v63  }
0x2b: {  	_ =	swait.ge [sflag:s7], $0x4000  }
0x2c: {  	s21 =	sand.u32 $0x3000, s17;
	s5 =	sand.u32 $0x380, s17;
	[sflag:s7] =	ssyncset.done $0x0  }
0x2d: {  	s5 =	sor.u32 s5, s21;
	[sflag:s7] =	ssyncadd.s32 $0xFFFFC000  }
0x2e: {  	v5 =	vld [tilespmem:s5+$0xC40]  }
0x2f: {  	v6 =	vld [tilespmem:s5+$0xC50]  }
0x30: {  	v7 =	vld [tilespmem:s5+$0xC60]  }
0x31: {  	v8 =	vld [tilespmem:s5+$0xC70]  }
0x32: {  	v9 =	vld [tilespmem:s5+$0xC00]  }
0x33: {  	v10 =	vld [tilespmem:s5+$0xC10]  }
0x34: {  	v11 =	vld [tilespmem:s5+$0xC20]  }
0x35: {  	v12 =	vld [tilespmem:s5+$0xC30]  }
0x36: {  	v13 =	vld [tilespmem:s5+$0x840]  }
0x37: {  	v14 =	vld [tilespmem:s5+$0x850]  }
0x38: {  	v15 =	vld [tilespmem:s5+$0x860]  }
0x39: {  	v16 =	vld [tilespmem:s5+$0x870]  }
0x3a: {  	v17 =	vld [tilespmem:s5+$0x800]  }
0x3b: {  	v19 =	vld [tilespmem:s5+$0x810]  }
0x3c: {  	v34 =	vld [tilespmem:s5+$0x820]  }
0x3d: {  	v37 =	vld [tilespmem:s5+$0x830]  }
0x3e: {  	v24 =	vld [tilespmem:s5+$0x440]  }
0x3f: {  	v22 =	vld [tilespmem:s5+$0x450]  }
0x40: {  	v23 =	vld [tilespmem:s5+$0x460]  }
0x41: {  	v20 =	vld [tilespmem:s5+$0x470]  }
0x42: {  	v28 =	vld [tilespmem:s5+$0x400]  }
0x43: {  	v25 =	vld [tilespmem:s5+$0x410]  }
0x44: {  	v4 =	vimm.f32 $0.0e+00;
	v32 =	vld [tilespmem:s5+$0x0]  }
0x45: {  	v36 =	vld [tilespmem:s5+$0x40];
	v18 =	vand.u32 $0x7FFFFFFF, v5;
	v5 =	vand.u32 $0x7FFFFFFF, v6;
	v6 =	vand.u32 $0x7FFFFFFF, v7  }
0x46: {  	v26 =	vld [tilespmem:s5+$0x420];
	v7 =	vand.u32 $0x7FFFFFFF, v8;
	v21 =	vand.u32 $0x7FFFFFFF, v9;
	v8 =	vand.u32 $0x7FFFFFFF, v10  }
0x47: {  	v29 =	vld [tilespmem:s5+$0x430];
	v9 =	vand.u32 $0x7FFFFFFF, v11;
	v27 =	vand.u32 $0x7FFFFFFF, v13;
	v11 =	vand.u32 $0x7FFFFFFF, v14  }
0x48: {  	v30 =	vld [tilespmem:s5+$0x50];
	v10 =	vand.u32 $0x7FFFFFFF, v12;
	v33 =	vand.u32 $0x7FFFFFFF, v17;
	v12 =	vand.u32 $0x7FFFFFFF, v15  }
0x49: {  	v31 =	vld [tilespmem:s5+$0x60];
	v13 =	vand.u32 $0x7FFFFFFF, v16;
	v14 =	vand.u32 $0x7FFFFFFF, v32;
	v16 =	vand.u32 $0x7FFFFFFF, v19  }
0x4a: {  	v32 =	vld [tilespmem:s5+$0x70];
	v17 =	vand.u32 $0x7FFFFFFF, v34;
	v36 =	vand.u32 $0x7FFFFFFF, v36;
	v19 =	vand.u32 $0x7FFFFFFF, v37  }
0x4b: {  	s8 =	simm.s32 $0x80;
	s0 =	simm.s32 $0x200;
	v34 =	vld [tilespmem:s5+$0x10];
	v15 =	vimm.f32 $0.0e+00;
	v35 =	vmax.f32 v4, v14;
	v14 =	vimm.f32 $0.0e+00  }
.LBB2_2:
0x4c: {  	s9 =	sand.u32 $0x3000, s0;
	s10 =	sand.u32 $0x380, s8;
	p0 =	sne.s32 s0, $0x3E00;
	v37 =	vld [tilespmem:s5+$0x20];
	v35 =	vmax.f32 v35, v36;
	v28 =	vand.u32 $0x7FFFFFFF, v28;
	v24 =	vand.u32 $0x7FFFFFFF, v24  }
0x4d: {  	v22 =	vand.u32 $0x7FFFFFFF, v22;
	v23 =	vand.u32 $0x7FFFFFFF, v23;
	v36 =	vld [tilespmem:s5+$0x30];
	s5 =	sor.u32 s10, s9;
	v28 =	vmax.f32 v35, v28  }
0x4e: {  	v25 =	vand.u32 $0x7FFFFFFF, v25;
	v20 =	vand.u32 $0x7FFFFFFF, v20;
	v35 =	vld [tilespmem:s5+$0xC40];
	v24 =	vmax.f32 v28, v24  }
0x4f: {  	v26 =	vand.u32 $0x7FFFFFFF, v26;
	v28 =	vand.u32 $0x7FFFFFFF, v29;
	v38 =	vld [tilespmem:s5+$0xC50];
	v24 =	vmax.f32 v24, v33  }
0x50: {  	v30 =	vand.u32 $0x7FFFFFFF, v30;
	v31 =	vand.u32 $0x7FFFFFFF, v31;
	v29 =	vld [tilespmem:s5+$0xC60];
	v24 =	vmax.f32 v24, v27  }
0x51: {  	v32 =	vand.u32 $0x7FFFFFFF, v32;
	v33 =	vand.u32 $0x7FFFFFFF, v34;
	v27 =	vld [tilespmem:s5+$0xC70];
	v21 =	vmax.f32 v24, v21  }
0x52: {  	v24 =	vand.u32 $0x7FFFFFFF, v37;
	v34 =	vld [tilespmem:s5+$0xC00];
	v36 =	vand.u32 $0x7FFFFFFF, v36;
	v37 =	vmax.f32 v21, v18  }
0x53: {  	v4 =	vmax.f32 v4, v33;
	v14 =	vmax.f32 v14, v24;
	v39 =	vld [tilespmem:s5+$0xC10];
	v15 =	vmax.f32 v15, v36  }
0x54: {  	v4 =	vmax.f32 v4, v30;
	v14 =	vmax.f32 v14, v31;
	v33 =	vld [tilespmem:s5+$0xC20];
	v15 =	vmax.f32 v15, v32  }
0x55: {  	v4 =	vmax.f32 v4, v25;
	v14 =	vmax.f32 v14, v26;
	v31 =	vld [tilespmem:s5+$0xC30];
	v15 =	vmax.f32 v15, v28  }
0x56: {  	v4 =	vmax.f32 v4, v22;
	v14 =	vmax.f32 v14, v23;
	v32 =	vld [tilespmem:s5+$0x840];
	v15 =	vmax.f32 v15, v20  }
0x57: {  	v4 =	vmax.f32 v4, v16;
	v14 =	vmax.f32 v14, v17;
	v36 =	vld [tilespmem:s5+$0x850];
	v15 =	vmax.f32 v15, v19  }
0x58: {  	v4 =	vmax.f32 v4, v11;
	v11 =	vmax.f32 v14, v12;
	v16 =	vld [tilespmem:s5+$0x860];
	v12 =	vmax.f32 v15, v13  }
0x59: {  	v4 =	vmax.f32 v4, v8;
	v8 =	vmax.f32 v11, v9;
	v13 =	vld [tilespmem:s5+$0x870];
	v9 =	vmax.f32 v12, v10  }
0x5a: {  	v4 =	vmax.f32 v4, v5;
	v14 =	vmax.f32 v8, v6;
	v12 =	vld [tilespmem:s5+$0x800];
	v15 =	vmax.f32 v9, v7  }
0x5b: {  	v17 =	vld [tilespmem:s5+$0x810]  }
0x5c: {  	v19 =	vld [tilespmem:s5+$0x820]  }
0x5d: {  	v40 =	vld [tilespmem:s5+$0x830]  }
0x5e: {  	v24 =	vld [tilespmem:s5+$0x440]  }
0x5f: {  	v22 =	vld [tilespmem:s5+$0x450]  }
0x60: {  	v23 =	vld [tilespmem:s5+$0x460]  }
0x61: {  	v20 =	vld [tilespmem:s5+$0x470]  }
0x62: {  	v28 =	vld [tilespmem:s5+$0x400]  }
0x63: {  	v25 =	vld [tilespmem:s5+$0x410]  }
0x64: {  	v26 =	vld [tilespmem:s5+$0x420]  }
0x65: {  	v18 =	vand.u32 $0x7FFFFFFF, v35;
	v41 =	vld [tilespmem:s5+$0x0]  }
0x66: {  	v5 =	vand.u32 $0x7FFFFFFF, v38;
	v6 =	vand.u32 $0x7FFFFFFF, v29;
	v7 =	vand.u32 $0x7FFFFFFF, v27;
	v42 =	vld [tilespmem:s5+$0x40]  }
.Ltmp2:
0x67: {  	v21 =	vand.u32 $0x7FFFFFFF, v34;
	v8 =	vand.u32 $0x7FFFFFFF, v39;
	v9 =	vand.u32 $0x7FFFFFFF, v33;
	v29 =	vld [tilespmem:s5+$0x430];
	(pc) =	sbr.rel @p0 .LBB2_2-.Ltmp2, $4  }
0x68: {  	v10 =	vand.u32 $0x7FFFFFFF, v31;
	v27 =	vand.u32 $0x7FFFFFFF, v32;
	v11 =	vand.u32 $0x7FFFFFFF, v36;
	v30 =	vld [tilespmem:s5+$0x50]  }
0x69: {  	v13 =	vand.u32 $0x7FFFFFFF, v13;
	v33 =	vand.u32 $0x7FFFFFFF, v12;
	v12 =	vand.u32 $0x7FFFFFFF, v16;
	v31 =	vld [tilespmem:s5+$0x60]  }
0x6a: {  	v16 =	vand.u32 $0x7FFFFFFF, v17;
	v17 =	vand.u32 $0x7FFFFFFF, v19;
	v34 =	vand.u32 $0x7FFFFFFF, v41;
	v32 =	vld [tilespmem:s5+$0x70]  }
0x6b: {  	s8 =	sadd.s32 $0x80, s8;
	s0 =	sadd.s32 $0x200, s0;
	v19 =	vand.u32 $0x7FFFFFFF, v40;
	v35 =	vmax.f32 v37, v34;
	v34 =	vld [tilespmem:s5+$0x10];
	v36 =	vand.u32 $0x7FFFFFFF, v42  }
0x6c: {  	v37 =	vld [tilespmem:s5+$0x20];
	s19 =	simm.s32 $0x0;
	s0 =	rddreg [dreg:$0x9]  }
0x6d: {  	v35 =	vmax.f32 v35, v36;
	v28 =	vand.u32 $0x7FFFFFFF, v28;
	v45 =	vld [tilespmem:s5+$0x30];
	[hbm4b:s0+s19] =	stream.linear.scatter [tilespmem:s19], [sflag:$0x5], $0x4000, $0x38  }
0x6e: {  	v24 =	vand.u32 $0x7FFFFFFF, v24;
	s20 =	rddreg [dreg:$0xa];
	v28 =	vmax.f32 v35, v28  }
0x6f: {  	v24 =	vmax.f32 v28, v24;
	[tilespmem:s24], [sflag:$0x4] =	stream.linear.gather [hbm4b:s20+s19], $0x4000, $0x38;
	[tilespmem:$0x10080] =	vst v63  }
0x70: {  	v22 =	vand.u32 $0x7FFFFFFF, v22;
	v23 =	vand.u32 $0x7FFFFFFF, v23;
	v24 =	vmax.f32 v24, v33;
	_ =	swait.ge [sflag:s25], $0x4000  }
0x71: {  	v25 =	vand.u32 $0x7FFFFFFF, v25;
	v20 =	vand.u32 $0x7FFFFFFF, v20;
	s8 =	sand.u32 $0x3000, s19;
	s21 =	sand.u32 $0x380, s19;
	v24 =	vmax.f32 v24, v27;
	[sflag:s25] =	ssyncset.done $0x0  }
0x72: {  	v26 =	vand.u32 $0x7FFFFFFF, v26;
	v46 =	vand.u32 $0x7FFFFFFF, v29;
	s0 =	sor.u32 s21, s8;
	v21 =	vmax.f32 v24, v21;
	[sflag:s25] =	ssyncadd.s32 $0xFFFFC000  }
0x73: {  	v47 =	vand.u32 $0x7FFFFFFF, v30;
	v48 =	vand.u32 $0x7FFFFFFF, v31;
	v18 =	vmax.f32 v21, v18;
	v21 =	vld [tilespmem:s0+$0x4030]  }
0x74: {  	v50 =	vand.u32 $0x7FFFFFFF, v32;
	v49 =	vand.u32 $0x7FFFFFFF, v34;
	v52 =	vand.u32 $0x7FFFFFFF, v45;
	v53 =	vld [tilespmem:s0+$0x4010]  }
0x75: {  	v51 =	vand.u32 $0x7FFFFFFF, v37;
	v4 =	vmax.f32 v4, v49;
	v15 =	vmax.f32 v15, v52;
	v54 =	vld [tilespmem:s0+$0x4000]  }
0x76: {  	v14 =	vmax.f32 v14, v51;
	v4 =	vmax.f32 v4, v47;
	v15 =	vmax.f32 v15, v50;
	v56 =	vld [tilespmem:s0+$0x4810]  }
0x77: {  	v14 =	vmax.f32 v14, v48;
	v4 =	vmax.f32 v4, v25;
	v57 =	vld [tilespmem:s0+$0x4070];
	v15 =	vmax.f32 v15, v46  }
0x78: {  	v14 =	vmax.f32 v14, v26;
	v4 =	vmax.f32 v4, v22;
	v15 =	vmax.f32 v15, v20;
	v20 =	vld [tilespmem:s0+$0x4870]  }
0x79: {  	v14 =	vmax.f32 v14, v23;
	v16 =	vmax.f32 v4, v16;
	v23 =	vld [tilespmem:s0+$0x4020]  }
0x7a: {  	v11 =	vmax.f32 v16, v11;
	v16 =	vld [tilespmem:s0+$0x4400]  }
0x7b: {  	s5 =	sor.u32 s8, s19;
	v14 =	vmax.f32 v14, v17;
	v17 =	vld [tilespmem:s0+$0x4060]  }
0x7c: {  	s5 =	sor.u32 $0x4C00, s5;
	v15 =	vmax.f32 v15, v19;
	v19 =	vld [tilespmem:s0+$0x4040]  }
0x7d: {  	v12 =	vmax.f32 v14, v12;
	v14 =	vld [tilespmem:s5+$0x60]  }
0x7e: {  	v13 =	vmax.f32 v15, v13;
	v15 =	vld [tilespmem:s0+$0x4410]  }
0x7f: {  	v9 =	vmax.f32 v12, v9;
	v12 =	vld [tilespmem:s0+$0x4440]  }
0x80: {  	v10 =	vmax.f32 v13, v10;
	v13 =	vld [tilespmem:s0+$0x4420]  }
0x81: {  	v22 =	vimm.f32 $0.0e+00;
	v8 =	vmax.f32 v11, v8;
	v7 =	vmax.f32 v10, v7;
	v10 =	vld [tilespmem:s0+$0x4460]  }
0x82: {  	v5 =	vmax.f32 v8, v5;
	v21 =	vand.u32 $0x7FFFFFFF, v21;
	v6 =	vmax.f32 v9, v6;
	v9 =	vld [tilespmem:s0+$0x4430]  }
0x83: {  	v25 =	vand.u32 $0x7FFFFFFF, v54;
	v5 =	vmax.f32 v18, v5;
	v18 =	vld [tilespmem:s0+$0x4050];
	v6 =	vmax.f32 v6, v7  }
0x84: {  	v62 =	vand.u32 $0x7FFFFFFF, v56;
	v63 =	vand.u32 $0x7FFFFFFF, v57;
	v7 =	vld [tilespmem:s0+$0x4450];
	v5 =	vmax.f32 v5, v6  }
0x85: {  	v8 =	vld [tilespmem:s0+$0x4470];
	v60 =	vmax.f32 v22, v21;
	v16 =	vand.u32 $0x7FFFFFFF, v16;
	v6 =	vperm.xlane v5, v0  }
0x86: {  	v11 =	vld [tilespmem:s0+$0x4800];
	v19 =	vand.u32 $0x7FFFFFFF, v19;
	v17 =	vand.u32 $0x7FFFFFFF, v17;
	v15 =	vand.u32 $0x7FFFFFFF, v15  }
0x87: {  	v13 =	vand.u32 $0x7FFFFFFF, v13;
	v12 =	vand.u32 $0x7FFFFFFF, v12;
	v5 =	vmax.f32 v5, v6  }
0x88: {  	v9 =	vand.u32 $0x7FFFFFFF, v9;
	v18 =	vand.u32 $0x7FFFFFFF, v18;
	v6 =	vperm.xlane v5, v1  }
0x89: {  	v58 =	vld [tilespmem:s0+$0x4840];
	v55 =	vand.u32 $0x7FFFFFFF, v7;
	v7 =	vand.u32 $0x7FFFFFFF, v20;
	v20 =	vand.u32 $0x7FFFFFFF, v10  }
0x8a: {  	v59 =	vld [tilespmem:s5+$0x10];
	v10 =	vand.u32 $0x7FFFFFFF, v8;
	v8 =	vand.u32 $0x7FFFFFFF, v14;
	v14 =	vand.u32 $0x7FFFFFFF, v23  }
0x8b: {  	v61 =	vld [tilespmem:s5+$0x0];
	v23 =	vand.u32 $0x7FFFFFFF, v11;
	v11 =	vand.u32 $0x7FFFFFFF, v53;
	v14 =	vmax.f32 v22, v14  }
0x8c: {  	v4 =	vld [tilespmem:s5+$0x20];
	v5 =	vmax.f32 v5, v6;
	v14 =	vmax.f32 v14, v17;
	v17 =	vmax.f32 v22, v25  }
0x8d: {  	v21 =	vmax.f32 v22, v11;
	v11 =	vld [tilespmem:s0+$0x4830];
	v6 =	vperm.xlane v5, v2;
	v17 =	vmax.f32 v17, v19  }
0x8e: {  	v19 =	vmax.f32 v21, v18;
	v18 =	vld [tilespmem:s0+$0x4820];
	v13 =	vmax.f32 v14, v13;
	v16 =	vmax.f32 v17, v16  }
0x8f: {  	v14 =	vld [tilespmem:s5+$0x40];
	v15 =	vmax.f32 v19, v15;
	v19 =	vand.u32 $0x7FFFFFFF, v58;
	v21 =	vmax.f32 v13, v20  }
0x90: {  	v17 =	vld [tilespmem:s0+$0x4860];
	v20 =	vand.u32 $0x7FFFFFFF, v61;
	v5 =	vmax.f32 v5, v6;
	v12 =	vmax.f32 v16, v12  }
0x91: {  	v15 =	vmax.f32 v15, v55;
	v16 =	vld [tilespmem:s5+$0x30];
	v6 =	vperm.xlane v5, v3;
	v22 =	vmax.f32 v12, v23  }
0x92: {  	s11 =	simm.s32 $0x200;
	s8 =	simm.s32 $0x80;
	v12 =	vand.u32 $0x7FFFFFFF, v59;
	v23 =	vmax.f32 v60, v63;
	v13 =	vmax.f32 v15, v62;
	v15 =	vld [tilespmem:s0+$0x4850]  }
.LBB2_4:
0x93: {  	s9 =	sand.u32 $0x3000, s11;
	s0 =	smov.u32 s11  }
0x94: {  	s10 =	sand.u32 $0x380, s8;
	v9 =	vmax.f32 v23, v9;
	v18 =	vand.u32 $0x7FFFFFFF, v18;
	v19 =	vmax.f32 v22, v19;
	v22 =	vld [tilespmem:s5+$0x70];
	s0 =	sadd.s32 $0x200, s11  }
0x95: {  	p0 =	sne.s32 s11, $0x3E00;
	s10 =	sor.u32 s10, s9;
	s9 =	sor.u32 s9, s8;
	v9 =	vmax.f32 v9, v10;
	v10 =	vmax.f32 v21, v18;
	v17 =	vand.u32 $0x7FFFFFFF, v17;
	v18 =	vld [tilespmem:s5+$0x50]  }
0x96: {  	s5 =	sor.u32 $0x4C00, s9;
	v10 =	vmax.f32 v10, v17;
	v17 =	vand.u32 $0x7FFFFFFF, v4;
	v16 =	vand.u32 $0x7FFFFFFF, v16;
	v21 =	vld [tilespmem:s10+$0x4870]  }
0x97: {  	v11 =	vand.u32 $0x7FFFFFFF, v11;
	v19 =	vmax.f32 v19, v20;
	v10 =	vmax.f32 v10, v17;
	v4 =	vld [tilespmem:s5+$0x20]  }
0x98: {  	v9 =	vmax.f32 v9, v11;
	v11 =	vand.u32 $0x7FFFFFFF, v14;
	v14 =	vmax.f32 v10, v8;
	v17 =	vld [tilespmem:s5+$0x60]  }
0x99: {  	v7 =	vmax.f32 v9, v7;
	v8 =	vand.u32 $0x7FFFFFFF, v15;
	v9 =	vand.u32 $0x7FFFFFFF, v22;
	v20 =	vld [tilespmem:s10+$0x4800]  }
0x9a: {  	v7 =	vmax.f32 v7, v16;
	v8 =	vmax.f32 v13, v8;
	v10 =	vld [tilespmem:s10+$0x4470];
	v13 =	vand.u32 $0x7FFFFFFF, v18  }
0x9b: {  	v11 =	vmax.f32 v19, v11;
	v8 =	vmax.f32 v8, v12;
	v12 =	vmax.f32 v7, v9;
	v15 =	vld [tilespmem:s10+$0x4460]  }
0x9c: {  	v13 =	vmax.f32 v8, v13;
	v7 =	vld [tilespmem:s10+$0x4450]  }
0x9d: {  	v8 =	vld [tilespmem:s10+$0x4440]  }
0x9e: {  	v9 =	vld [tilespmem:s10+$0x4430]  }
0x9f: {  	v16 =	vld [tilespmem:s10+$0x4420]  }
0xa0: {  	v18 =	vld [tilespmem:s10+$0x4410]  }
0xa1: {  	v19 =	vld [tilespmem:s10+$0x4400]  }
0xa2: {  	v22 =	vld [tilespmem:s10+$0x4060]  }
0xa3: {  	v23 =	vld [tilespmem:s10+$0x4050]  }
0xa4: {  	v24 =	vld [tilespmem:s10+$0x4040]  }
0xa5: {  	v16 =	vand.u32 $0x7FFFFFFF, v16;
	v25 =	vld [tilespmem:s10+$0x4030]  }
0xa6: {  	v9 =	vand.u32 $0x7FFFFFFF, v9;
	v26 =	vld [tilespmem:s10+$0x4020]  }
0xa7: {  	v28 =	vand.u32 $0x7FFFFFFF, v8;
	v19 =	vand.u32 $0x7FFFFFFF, v19;
	v27 =	vld [tilespmem:s10+$0x4010]  }
0xa8: {  	v30 =	vand.u32 $0x7FFFFFFF, v7;
	v7 =	vand.u32 $0x7FFFFFFF, v21;
	v29 =	vld [tilespmem:s10+$0x4000]  }
0xa9: {  	v15 =	vand.u32 $0x7FFFFFFF, v15;
	v23 =	vand.u32 $0x7FFFFFFF, v23;
	v21 =	vand.u32 $0x7FFFFFFF, v24;
	v24 =	vld [tilespmem:s10+$0x4810]  }
0xaa: {  	v10 =	vand.u32 $0x7FFFFFFF, v10;
	v8 =	vand.u32 $0x7FFFFFFF, v17;
	v25 =	vand.u32 $0x7FFFFFFF, v25;
	v31 =	vld [tilespmem:s10+$0x4070]  }
0xab: {  	v20 =	vand.u32 $0x7FFFFFFF, v20;
	v22 =	vand.u32 $0x7FFFFFFF, v22;
	v17 =	vand.u32 $0x7FFFFFFF, v26;
	v26 =	vld [tilespmem:s10+$0x4840]  }
0xac: {  	v27 =	vand.u32 $0x7FFFFFFF, v27;
	v14 =	vmax.f32 v14, v17;
	v17 =	vand.u32 $0x7FFFFFFF, v18;
	v32 =	vld [tilespmem:s5+$0x10]  }
0xad: {  	v25 =	vmax.f32 v12, v25;
	v18 =	vand.u32 $0x7FFFFFFF, v29;
	v12 =	vmax.f32 v14, v22;
	v29 =	vld [tilespmem:s5+$0x0]  }
0xae: {  	v13 =	vmax.f32 v13, v27;
	v14 =	vmax.f32 v11, v18;
	v24 =	vand.u32 $0x7FFFFFFF, v24;
	v11 =	vld [tilespmem:s10+$0x4830]  }
.Ltmp3:
0xaf: {  	v13 =	vmax.f32 v13, v23;
	v14 =	vmax.f32 v14, v21;
	v23 =	vand.u32 $0x7FFFFFFF, v31;
	v18 =	vld [tilespmem:s10+$0x4820];
	(pc) =	sbr.rel @p0 .LBB2_4-.Ltmp3, $4  }
0xb0: {  	v13 =	vmax.f32 v13, v17;
	v14 =	vmax.f32 v14, v19;
	v19 =	vand.u32 $0x7FFFFFFF, v26;
	v17 =	vld [tilespmem:s10+$0x4860]  }
0xb1: {  	v12 =	vmax.f32 v12, v16;
	v13 =	vmax.f32 v13, v30;
	v14 =	vmax.f32 v14, v28;
	v16 =	vld [tilespmem:s5+$0x30]  }
0xb2: {  	v21 =	vmax.f32 v12, v15;
	v12 =	vand.u32 $0x7FFFFFFF, v32;
	v22 =	vmax.f32 v14, v20;
	v14 =	vld [tilespmem:s5+$0x40]  }
0xb3: {  	s8 =	sadd.s32 $0x80, s8;
	s11 =	smov.u32 s0;
	v23 =	vmax.f32 v25, v23;
	v13 =	vmax.f32 v13, v24;
	v20 =	vand.u32 $0x7FFFFFFF, v29;
	v15 =	vld [tilespmem:s10+$0x4850]  }
0xb4: {  	v18 =	vand.u32 $0x7FFFFFFF, v18  }
0xb5: {  	v9 =	vmax.f32 v23, v9;
	v56 =	vld [tilespmem:s5+$0x70];
	v19 =	vmax.f32 v22, v19;
	v4 =	vand.u32 $0x7FFFFFFF, v4  }
0xb6: {  	v57 =	vld [tilespmem:s5+$0x50];
	v11 =	vand.u32 $0x7FFFFFFF, v11;
	v18 =	vmax.f32 v21, v18;
	v17 =	vand.u32 $0x7FFFFFFF, v17  }
0xb7: {  	v9 =	vmax.f32 v9, v10;
	v58 =	vmax.f32 v19, v20;
	v17 =	vmax.f32 v18, v17  }
0xb8: {  	v16 =	vand.u32 $0x7FFFFFFF, v16;
	v9 =	vmax.f32 v9, v11;
	v4 =	vmax.f32 v17, v4  }
0xb9: {  	v59 =	vand.u32 $0x7FFFFFFF, v14;
	v7 =	vmax.f32 v9, v7;
	v60 =	vand.u32 $0x7FFFFFFF, v15  }
0xba: {  	v4 =	vmax.f32 v4, v8;
	v7 =	vmax.f32 v7, v16;
	v8 =	vmax.f32 v13, v60  }
0xbb: {  	v61 =	vand.u32 $0x7FFFFFFF, v56;
	v10 =	vand.u32 $0x7FFFFFFF, v57;
	v8 =	vmax.f32 v8, v12  }
0xbc: {  	v11 =	vmax.f32 v58, v59;
	v7 =	vmax.f32 v7, v61;
	v8 =	vmax.f32 v8, v10  }
0xbd: {  	v4 =	vmax.f32 v4, v7;
	v8 =	vmax.f32 v11, v8  }
0xbe: {  	v4 =	vmax.f32 v8, v4  }
0xbf: {  	v62 =	vperm.xlane v4, v0;
	_ =	sdelay $0x1  }
0xc0: {  	v4 =	vmax.f32 v4, v62  }
0xc1: {  	v7 =	vperm.xlane v4, v1;
	_ =	sdelay $0x1  }
0xc2: {  	v4 =	vmax.f32 v4, v7  }
0xc3: {  	v7 =	vperm.xlane v4, v2;
	_ =	sdelay $0x1  }
0xc4: {  	v4 =	vmax.f32 v4, v7  }
0xc5: {  	v5 =	vmax.f32 v5, v6;
	v63 =	vperm.xlane v4, v3  }
0xc6: {  	(v2sf) =	vpush v5, $0x0  }
0xc7: {  	v4 =	vmax.f32 v4, v63  }
0xc8: {  	(v2sf) =	vpush v4, $0x0;
	_ =	sdelay $0xa  }
0xc9: {  	s10 =	simm.s32 $0x0;
	s4 =	rddreg [dreg:$0xb]  }
0xca: {  	[hbm4b:s4+s10] =	stream.linear.scatter [tilespmem:s22], [sflag:$0x6], $0x4000, $0x38;
	[tilespmem:$0x10080] =	vst v63  }
0xcb: {  	s0 =	spop (v2sf)  }
0xcc: {  	p0 =	sgt.f32 s0, $0.0e+00  }
0xcd: {  	s0 =	simm.s32 $0x1;
	s21 =	spop (v2sf)  }
0xce: {  	s0 =	simm.s32 @!p0 $0x0;
	p0 =	sgt.f32 s21, $0.0e+00  }
0xcf: {  	s5 =	sadd.s32 $0xFFFFFFFF, s0  }
0xd0: {  	s11 =	simm.s32 $0x0;
	s5 =	simm.s32 @p0 $0x1  }
.LBB2_6:
0xd1: {  	s21 =	sshll.u32 s11, $0x2  }
0xd2: {  	s13 =	sadd.s32 $0x4, s21  }
0xd3: {  	s0 =	sshll.u32 s13, $0xE  }
0xd4: {  	_ =	swait.ge [sflag:s26], $0x4000;
	s0 =	sadd.s32 s6, s0  }
0xd5: {  	[sflag:s26] =	ssyncset.done $0x0;
	s20 =	sshrl.u32 s0, $0x3  }
0xd6: {  	[sflag:s26] =	ssyncadd.s32 $0xFFFFC000;
	s0 =	sadd.s32 s1, s20  }
0xd7: {  	[tilespmem:s10], [sflag:$0x1] =	stream.linear.gather [hbm4b:s0+s10], $0x4000, $0x38;
	[tilespmem:$0x10080] =	vst v63  }
0xd8: {  	_ =	swait.ge [sflag:s28], $0x4000  }
0xd9: {  	s8 =	sand.u32 $0x3000, s10;
	s19 =	sand.u32 $0x380, s10;
	[sflag:s28] =	ssyncset.done $0x0  }
0xda: {  	s0 =	sor.u32 s19, s8;
	s8 =	sor.u32 s8, s10;
	[sflag:s28] =	ssyncadd.s32 $0xFFFFC000  }
0xdb: {  	s8 =	sor.u32 $0x8C00, s8;
	v5 =	vld [tilespmem:s0+$0x8870]  }
0xdc: {  	v4 =	vld [tilespmem:s8+$0x20]  }
0xdd: {  	v6 =	vld [tilespmem:s8+$0x60]  }
0xde: {  	v9 =	vld [tilespmem:s0+$0x8800]  }
0xdf: {  	v8 =	vld [tilespmem:s0+$0x8470]  }
0xe0: {  	v10 =	vld [tilespmem:s0+$0x8460]  }
0xe1: {  	v11 =	vld [tilespmem:s0+$0x8450]  }
0xe2: {  	v12 =	vld [tilespmem:s0+$0x8440]  }
0xe3: {  	v7 =	vld [tilespmem:s0+$0x8430]  }
0xe4: {  	v13 =	vld [tilespmem:s0+$0x8420]  }
0xe5: {  	v15 =	vld [tilespmem:s0+$0x8400]  }
0xe6: {  	v16 =	vld [tilespmem:s0+$0x8060]  }
0xe7: {  	v17 =	vld [tilespmem:s0+$0x8050]  }
0xe8: {  	v18 =	vld [tilespmem:s0+$0x8040]  }
0xe9: {  	v19 =	vld [tilespmem:s0+$0x8030]  }
0xea: {  	v21 =	vld [tilespmem:s0+$0x8020]  }
0xeb: {  	v20 =	vimm.f32 $0.0e+00;
	v22 =	vld [tilespmem:s0+$0x8010]  }
0xec: {  	v23 =	vld [tilespmem:s0+$0x8000];
	v13 =	vand.u32 $0x7FFFFFFF, v13;
	v7 =	vand.u32 $0x7FFFFFFF, v7;
	v15 =	vand.u32 $0x7FFFFFFF, v15  }
0xed: {  	v14 =	vld [tilespmem:s0+$0x8410];
	v12 =	vand.u32 $0x7FFFFFFF, v12;
	v11 =	vand.u32 $0x7FFFFFFF, v11;
	v5 =	vand.u32 $0x7FFFFFFF, v5  }
0xee: {  	v25 =	vld [tilespmem:s0+$0x8070];
	v18 =	vand.u32 $0x7FFFFFFF, v18;
	v17 =	vand.u32 $0x7FFFFFFF, v17;
	v24 =	vand.u32 $0x7FFFFFFF, v10  }
0xef: {  	v26 =	vld [tilespmem:s0+$0x8840];
	v19 =	vand.u32 $0x7FFFFFFF, v19;
	v8 =	vand.u32 $0x7FFFFFFF, v8;
	v6 =	vand.u32 $0x7FFFFFFF, v6  }
0xf0: {  	v27 =	vld [tilespmem:s8+$0x10];
	v21 =	vand.u32 $0x7FFFFFFF, v21;
	v16 =	vand.u32 $0x7FFFFFFF, v16;
	v9 =	vand.u32 $0x7FFFFFFF, v9  }
0xf1: {  	v29 =	vld [tilespmem:s8+$0x0];
	v22 =	vand.u32 $0x7FFFFFFF, v22;
	v23 =	vand.u32 $0x7FFFFFFF, v23;
	v21 =	vmax.f32 v20, v21  }
0xf2: {  	v10 =	vld [tilespmem:s0+$0x8810];
	v28 =	vmax.f32 v20, v19;
	v19 =	vmax.f32 v20, v23;
	v20 =	vmax.f32 v20, v22  }
0xf3: {  	v14 =	vand.u32 $0x7FFFFFFF, v14;
	v18 =	vmax.f32 v19, v18;
	v19 =	vmax.f32 v20, v17;
	v17 =	vld [tilespmem:s0+$0x8820]  }
0xf4: {  	v16 =	vmax.f32 v21, v16;
	v20 =	vmax.f32 v18, v15;
	v14 =	vmax.f32 v19, v14;
	v15 =	vld [tilespmem:s0+$0x8860]  }
0xf5: {  	v21 =	vand.u32 $0x7FFFFFFF, v25;
	v13 =	vmax.f32 v16, v13;
	v11 =	vmax.f32 v14, v11;
	v14 =	vld [tilespmem:s8+$0x30]  }
0xf6: {  	v18 =	vand.u32 $0x7FFFFFFF, v26;
	v21 =	vmax.f32 v28, v21;
	v19 =	vmax.f32 v13, v24;
	v13 =	vld [tilespmem:s0+$0x8850]  }
0xf7: {  	v16 =	vand.u32 $0x7FFFFFFF, v29;
	v12 =	vmax.f32 v20, v12;
	v22 =	vand.u32 $0x7FFFFFFF, v10;
	v10 =	vld [tilespmem:s0+$0x8830]  }
0xf8: {  	s17 =	simm.s32 $0x200;
	s12 =	simm.s32 $0x80;
	v20 =	vmax.f32 v12, v9;
	v9 =	vand.u32 $0x7FFFFFFF, v27;
	v12 =	vld [tilespmem:s8+$0x40];
	v11 =	vmax.f32 v11, v22  }
.LBB2_7:
0xf9: {  	s9 =	sand.u32 $0x3000, s17;
	s0 =	smov.u32 s17  }
0xfa: {  	s15 =	sand.u32 $0x380, s12;
	v7 =	vmax.f32 v21, v7;
	v17 =	vand.u32 $0x7FFFFFFF, v17;
	v18 =	vmax.f32 v20, v18;
	v20 =	vld [tilespmem:s8+$0x70];
	s0 =	sadd.s32 $0x200, s17  }
0xfb: {  	p0 =	sne.s32 s17, $0x3E00;
	s15 =	sor.u32 s15, s9;
	s9 =	sor.u32 s9, s12;
	v7 =	vmax.f32 v7, v8;
	v8 =	vmax.f32 v19, v17;
	v15 =	vand.u32 $0x7FFFFFFF, v15;
	v17 =	vld [tilespmem:s8+$0x50]  }
0xfc: {  	s8 =	sor.u32 $0x8C00, s9;
	v8 =	vmax.f32 v8, v15;
	v15 =	vand.u32 $0x7FFFFFFF, v4;
	v14 =	vand.u32 $0x7FFFFFFF, v14;
	v19 =	vld [tilespmem:s15+$0x8870]  }
0xfd: {  	v10 =	vand.u32 $0x7FFFFFFF, v10;
	v16 =	vmax.f32 v18, v16;
	v8 =	vmax.f32 v8, v15;
	v4 =	vld [tilespmem:s8+$0x20]  }
0xfe: {  	v7 =	vmax.f32 v7, v10;
	v10 =	vand.u32 $0x7FFFFFFF, v12;
	v12 =	vmax.f32 v8, v6;
	v15 =	vld [tilespmem:s8+$0x60]  }
0xff: {  	v5 =	vmax.f32 v7, v5;
	v6 =	vand.u32 $0x7FFFFFFF, v13;
	v7 =	vand.u32 $0x7FFFFFFF, v20;
	v18 =	vld [tilespmem:s15+$0x8800]  }
0x100: {  	v5 =	vmax.f32 v5, v14;
	v6 =	vmax.f32 v11, v6;
	v8 =	vld [tilespmem:s15+$0x8470];
	v11 =	vand.u32 $0x7FFFFFFF, v17  }
0x101: {  	v6 =	vmax.f32 v6, v9;
	v9 =	vmax.f32 v16, v10;
	v10 =	vmax.f32 v5, v7;
	v13 =	vld [tilespmem:s15+$0x8460]  }
0x102: {  	v11 =	vmax.f32 v6, v11;
	v5 =	vld [tilespmem:s15+$0x8450]  }
0x103: {  	v6 =	vld [tilespmem:s15+$0x8440]  }
0x104: {  	v7 =	vld [tilespmem:s15+$0x8430]  }
0x105: {  	v14 =	vld [tilespmem:s15+$0x8420]  }
0x106: {  	v16 =	vld [tilespmem:s15+$0x8410]  }
0x107: {  	v17 =	vld [tilespmem:s15+$0x8400]  }
0x108: {  	v20 =	vld [tilespmem:s15+$0x8060]  }
0x109: {  	v21 =	vld [tilespmem:s15+$0x8050]  }
0x10a: {  	v22 =	vld [tilespmem:s15+$0x8040]  }
0x10b: {  	v14 =	vand.u32 $0x7FFFFFFF, v14;
	v23 =	vld [tilespmem:s15+$0x8030]  }
0x10c: {  	v7 =	vand.u32 $0x7FFFFFFF, v7;
	v24 =	vld [tilespmem:s15+$0x8020]  }
0x10d: {  	v27 =	vand.u32 $0x7FFFFFFF, v6;
	v26 =	vand.u32 $0x7FFFFFFF, v17;
	v25 =	vld [tilespmem:s15+$0x8010]  }
0x10e: {  	v28 =	vand.u32 $0x7FFFFFFF, v5;
	v5 =	vand.u32 $0x7FFFFFFF, v19;
	v17 =	vld [tilespmem:s15+$0x8000]  }
0x10f: {  	v13 =	vand.u32 $0x7FFFFFFF, v13;
	v21 =	vand.u32 $0x7FFFFFFF, v21;
	v19 =	vand.u32 $0x7FFFFFFF, v22;
	v22 =	vld [tilespmem:s15+$0x8810]  }
0x110: {  	v8 =	vand.u32 $0x7FFFFFFF, v8;
	v6 =	vand.u32 $0x7FFFFFFF, v15;
	v23 =	vand.u32 $0x7FFFFFFF, v23;
	v29 =	vld [tilespmem:s15+$0x8070]  }
0x111: {  	v20 =	vand.u32 $0x7FFFFFFF, v20;
	v15 =	vand.u32 $0x7FFFFFFF, v24;
	v24 =	vand.u32 $0x7FFFFFFF, v18;
	v18 =	vld [tilespmem:s15+$0x8840]  }
0x112: {  	v25 =	vand.u32 $0x7FFFFFFF, v25;
	v12 =	vmax.f32 v12, v15;
	v15 =	vand.u32 $0x7FFFFFFF, v16;
	v16 =	vld [tilespmem:s8+$0x10]  }
0x113: {  	v23 =	vmax.f32 v10, v23;
	v17 =	vand.u32 $0x7FFFFFFF, v17;
	v12 =	vmax.f32 v12, v20;
	v30 =	vld [tilespmem:s8+$0x0]  }
0x114: {  	v11 =	vmax.f32 v11, v25;
	v9 =	vmax.f32 v9, v17;
	v22 =	vand.u32 $0x7FFFFFFF, v22;
	v10 =	vld [tilespmem:s15+$0x8830]  }
.Ltmp4:
0x115: {  	v11 =	vmax.f32 v11, v21;
	v9 =	vmax.f32 v9, v19;
	v21 =	vand.u32 $0x7FFFFFFF, v29;
	v17 =	vld [tilespmem:s15+$0x8820];
	(pc) =	sbr.rel @p0 .LBB2_7-.Ltmp4, $4  }
0x116: {  	v11 =	vmax.f32 v11, v15;
	v9 =	vmax.f32 v9, v26;
	v18 =	vand.u32 $0x7FFFFFFF, v18;
	v15 =	vld [tilespmem:s15+$0x8860]  }
0x117: {  	v12 =	vmax.f32 v12, v14;
	v11 =	vmax.f32 v11, v28;
	v9 =	vmax.f32 v9, v27;
	v14 =	vld [tilespmem:s8+$0x30]  }
0x118: {  	v19 =	vmax.f32 v12, v13;
	v20 =	vmax.f32 v9, v24;
	v9 =	vand.u32 $0x7FFFFFFF, v16;
	v12 =	vld [tilespmem:s8+$0x40]  }
0x119: {  	s12 =	sadd.s32 $0x80, s12;
	s17 =	smov.u32 s0;
	v21 =	vmax.f32 v23, v21;
	v11 =	vmax.f32 v11, v22;
	v16 =	vand.u32 $0x7FFFFFFF, v30;
	v13 =	vld [tilespmem:s15+$0x8850]  }
0x11a: {  	s18 =	sor.u32 $0x2, s21  }
0x11b: {  	s0 =	sshll.u32 s18, $0xE  }
0x11c: {  	s0 =	sadd.s32 s6, s0  }
0x11d: {  	v22 =	vld [tilespmem:s8+$0x70];
	s15 =	sadd.s32 $0x5, s21;
	s0 =	sshrl.u32 s0, $0x3  }
0x11e: {  	v23 =	vld [tilespmem:s8+$0x50];
	s9 =	simm.s32 $0x0;
	s8 =	sshll.u32 s15, $0xE;
	s0 =	sadd.s32 s3, s0  }
0x11f: {  	[hbm4b:s0+s9] =	stream.linear.scatter [tilespmem:s23], [sflag:$0x7], $0x4000, $0x38;
	[tilespmem:$0x10080] =	vst v63  }
0x120: {  	s0 =	sadd.s32 s6, s8;
	_ =	swait.ge [sflag:s29], $0x4000  }
0x121: {  	s19 =	sshrl.u32 s0, $0x3;
	[sflag:s29] =	ssyncset.done $0x0  }
0x122: {  	v17 =	vand.u32 $0x7FFFFFFF, v17;
	s0 =	sadd.s32 s1, s19;
	[sflag:s29] =	ssyncadd.s32 $0xFFFFC000  }
0x123: {  	v7 =	vmax.f32 v21, v7;
	v18 =	vmax.f32 v20, v18;
	v4 =	vand.u32 $0x7FFFFFFF, v4;
	[tilespmem:s22], [sflag:$0x2] =	stream.linear.gather [hbm4b:s0+s9], $0x4000, $0x38;
	[tilespmem:$0x10080] =	vst v63  }
0x124: {  	v10 =	vand.u32 $0x7FFFFFFF, v10;
	v17 =	vmax.f32 v19, v17;
	v15 =	vand.u32 $0x7FFFFFFF, v15;
	_ =	swait.ge [sflag:s30], $0x4000  }
0x125: {  	v7 =	vmax.f32 v7, v8;
	s12 =	sand.u32 $0x3000, s9;
	s17 =	sand.u32 $0x380, s9;
	v8 =	vmax.f32 v17, v15;
	v14 =	vand.u32 $0x7FFFFFFF, v14;
	[sflag:s30] =	ssyncset.done $0x0  }
0x126: {  	v15 =	vmax.f32 v18, v16;
	v7 =	vmax.f32 v7, v10;
	v4 =	vmax.f32 v8, v4;
	s8 =	sor.u32 s17, s12;
	s0 =	sor.u32 s12, s9;
	[sflag:s30] =	ssyncadd.s32 $0xFFFFC000  }
0x127: {  	v10 =	vand.u32 $0x7FFFFFFF, v12;
	v5 =	vmax.f32 v7, v5;
	v12 =	vand.u32 $0x7FFFFFFF, v13;
	s12 =	sor.u32 $0xCC00, s0;
	v8 =	vld [tilespmem:s8+$0xC870]  }
0x128: {  	v4 =	vmax.f32 v4, v6;
	v5 =	vmax.f32 v5, v14;
	v11 =	vmax.f32 v11, v12;
	v12 =	vld [tilespmem:s12+$0x60]  }
0x129: {  	v7 =	vand.u32 $0x7FFFFFFF, v22;
	v13 =	vand.u32 $0x7FFFFFFF, v23;
	v9 =	vmax.f32 v11, v9;
	v11 =	vld [tilespmem:s8+$0xC800]  }
0x12a: {  	v10 =	vmax.f32 v15, v10;
	v5 =	vmax.f32 v5, v7;
	v7 =	vmax.f32 v9, v13;
	v13 =	vld [tilespmem:s8+$0xC470]  }
0x12b: {  	v4 =	vmax.f32 v4, v5;
	v7 =	vmax.f32 v10, v7;
	v10 =	vld [tilespmem:s8+$0xC460]  }
0x12c: {  	v4 =	vmax.f32 v7, v4;
	v7 =	vld [tilespmem:s8+$0xC450]  }
0x12d: {  	v14 =	vld [tilespmem:s8+$0xC440]  }
0x12e: {  	v9 =	vld [tilespmem:s8+$0xC430]  }
0x12f: {  	v15 =	vld [tilespmem:s8+$0xC420]  }
0x130: {  	v5 =	vperm.xlane v4, v0;
	v16 =	vld [tilespmem:s8+$0xC410]  }
0x131: {  	v17 =	vld [tilespmem:s8+$0xC400]  }
0x132: {  	v4 =	vmax.f32 v4, v5;
	v18 =	vld [tilespmem:s8+$0xC060]  }
0x133: {  	v5 =	vperm.xlane v4, v1;
	v19 =	vld [tilespmem:s8+$0xC050]  }
0x134: {  	v20 =	vld [tilespmem:s8+$0xC040]  }
0x135: {  	v21 =	vld [tilespmem:s8+$0xC030];
	v4 =	vmax.f32 v4, v5  }
0x136: {  	v23 =	vld [tilespmem:s8+$0xC020];
	v5 =	vperm.xlane v4, v2  }
0x137: {  	v24 =	vld [tilespmem:s8+$0xC010]  }
0x138: {  	v22 =	vimm.f32 $0.0e+00;
	v25 =	vld [tilespmem:s8+$0xC000];
	v4 =	vmax.f32 v4, v5;
	v15 =	vand.u32 $0x7FFFFFFF, v15  }
0x139: {  	v28 =	vld [tilespmem:s8+$0xC810];
	v9 =	vand.u32 $0x7FFFFFFF, v9;
	v17 =	vand.u32 $0x7FFFFFFF, v17;
	v14 =	vand.u32 $0x7FFFFFFF, v14  }
0x13a: {  	v29 =	vld [tilespmem:s8+$0xC070];
	v26 =	vand.u32 $0x7FFFFFFF, v7;
	v7 =	vand.u32 $0x7FFFFFFF, v8;
	v20 =	vand.u32 $0x7FFFFFFF, v20  }
0x13b: {  	v19 =	vand.u32 $0x7FFFFFFF, v19;
	v27 =	vand.u32 $0x7FFFFFFF, v10;
	v21 =	vand.u32 $0x7FFFFFFF, v21  }
0x13c: {  	v6 =	vld [tilespmem:s12+$0x20];
	v10 =	vand.u32 $0x7FFFFFFF, v13;
	v8 =	vand.u32 $0x7FFFFFFF, v12;
	v12 =	vand.u32 $0x7FFFFFFF, v23  }
0x13d: {  	v61 =	vld [tilespmem:s12+$0x10];
	v13 =	vand.u32 $0x7FFFFFFF, v18;
	v11 =	vand.u32 $0x7FFFFFFF, v11;
	v18 =	vand.u32 $0x7FFFFFFF, v24  }
0x13e: {  	v31 =	vld [tilespmem:s12+$0x0];
	v16 =	vand.u32 $0x7FFFFFFF, v16;
	v25 =	vand.u32 $0x7FFFFFFF, v25;
	v62 =	vand.u32 $0x7FFFFFFF, v28  }
0x13f: {  	v23 =	vld [tilespmem:s8+$0xC840];
	v63 =	vand.u32 $0x7FFFFFFF, v29;
	v12 =	vmax.f32 v22, v12;
	v30 =	vmax.f32 v22, v21  }
0x140: {  	v21 =	vmax.f32 v22, v25;
	v18 =	vmax.f32 v22, v18;
	v13 =	vmax.f32 v12, v13;
	v12 =	vld [tilespmem:s8+$0xC830]  }
0x141: {  	v5 =	vperm.xlane v4, v3;
	v20 =	vmax.f32 v21, v20;
	v19 =	vmax.f32 v18, v19;
	v18 =	vld [tilespmem:s8+$0xC820]  }
0x142: {  	v20 =	vmax.f32 v20, v17;
	v16 =	vmax.f32 v19, v16;
	v17 =	vld [tilespmem:s8+$0xC860];
	v13 =	vmax.f32 v13, v15  }
0x143: {  	v14 =	vmax.f32 v20, v14;
	v15 =	vmax.f32 v16, v26;
	v16 =	vld [tilespmem:s12+$0x30];
	v21 =	vmax.f32 v13, v27  }
0x144: {  	v20 =	vand.u32 $0x7FFFFFFF, v31;
	v19 =	vand.u32 $0x7FFFFFFF, v23;
	v22 =	vmax.f32 v14, v11;
	v14 =	vld [tilespmem:s12+$0x40]  }
0x145: {  	s0 =	simm.s32 $0x200;
	v11 =	vand.u32 $0x7FFFFFFF, v61;
	v23 =	vmax.f32 v30, v63;
	v13 =	vmax.f32 v15, v62;
	v15 =	vld [tilespmem:s8+$0xC850];
	s8 =	simm.s32 $0x80  }
.LBB2_9:
0x146: {  	s4 =	sand.u32 $0x3000, s0;
	s9 =	smov.u32 s0  }
0x147: {  	s17 =	sand.u32 $0x380, s8;
	v9 =	vmax.f32 v23, v9;
	v18 =	vand.u32 $0x7FFFFFFF, v18;
	v19 =	vmax.f32 v22, v19;
	v22 =	vld [tilespmem:s12+$0x70];
	s9 =	sadd.s32 $0x200, s0  }
0x148: {  	p0 =	sne.s32 s0, $0x3E00;
	s17 =	sor.u32 s17, s4;
	s4 =	sor.u32 s4, s8;
	v9 =	vmax.f32 v9, v10;
	v10 =	vmax.f32 v21, v18;
	v17 =	vand.u32 $0x7FFFFFFF, v17;
	v18 =	vld [tilespmem:s12+$0x50]  }
0x149: {  	s12 =	sor.u32 $0xCC00, s4;
	v10 =	vmax.f32 v10, v17;
	v17 =	vand.u32 $0x7FFFFFFF, v6;
	v16 =	vand.u32 $0x7FFFFFFF, v16;
	v21 =	vld [tilespmem:s17+$0xC870]  }
0x14a: {  	v12 =	vand.u32 $0x7FFFFFFF, v12;
	v19 =	vmax.f32 v19, v20;
	v10 =	vmax.f32 v10, v17;
	v6 =	vld [tilespmem:s12+$0x20]  }
0x14b: {  	v9 =	vmax.f32 v9, v12;
	v12 =	vand.u32 $0x7FFFFFFF, v14;
	v14 =	vmax.f32 v10, v8;
	v17 =	vld [tilespmem:s12+$0x60]  }
0x14c: {  	v7 =	vmax.f32 v9, v7;
	v8 =	vand.u32 $0x7FFFFFFF, v15;
	v9 =	vand.u32 $0x7FFFFFFF, v22;
	v20 =	vld [tilespmem:s17+$0xC800]  }
0x14d: {  	v7 =	vmax.f32 v7, v16;
	v8 =	vmax.f32 v13, v8;
	v10 =	vld [tilespmem:s17+$0xC470];
	v13 =	vand.u32 $0x7FFFFFFF, v18  }
0x14e: {  	v8 =	vmax.f32 v8, v11;
	v11 =	vmax.f32 v19, v12;
	v12 =	vmax.f32 v7, v9;
	v15 =	vld [tilespmem:s17+$0xC460]  }
0x14f: {  	v13 =	vmax.f32 v8, v13;
	v7 =	vld [tilespmem:s17+$0xC450]  }
0x150: {  	v8 =	vld [tilespmem:s17+$0xC440]  }
0x151: {  	v9 =	vld [tilespmem:s17+$0xC430]  }
0x152: {  	v16 =	vld [tilespmem:s17+$0xC420]  }
0x153: {  	v18 =	vld [tilespmem:s17+$0xC410]  }
0x154: {  	v19 =	vld [tilespmem:s17+$0xC400]  }
0x155: {  	v22 =	vld [tilespmem:s17+$0xC060]  }
0x156: {  	v23 =	vld [tilespmem:s17+$0xC050]  }
0x157: {  	v24 =	vld [tilespmem:s17+$0xC040]  }
0x158: {  	v16 =	vand.u32 $0x7FFFFFFF, v16;
	v25 =	vld [tilespmem:s17+$0xC030]  }
0x159: {  	v9 =	vand.u32 $0x7FFFFFFF, v9;
	v26 =	vld [tilespmem:s17+$0xC020]  }
0x15a: {  	v28 =	vand.u32 $0x7FFFFFFF, v8;
	v19 =	vand.u32 $0x7FFFFFFF, v19;
	v27 =	vld [tilespmem:s17+$0xC010]  }
0x15b: {  	v30 =	vand.u32 $0x7FFFFFFF, v7;
	v7 =	vand.u32 $0x7FFFFFFF, v21;
	v29 =	vld [tilespmem:s17+$0xC000]  }
0x15c: {  	v15 =	vand.u32 $0x7FFFFFFF, v15;
	v23 =	vand.u32 $0x7FFFFFFF, v23;
	v21 =	vand.u32 $0x7FFFFFFF, v24;
	v24 =	vld [tilespmem:s17+$0xC810]  }
0x15d: {  	v10 =	vand.u32 $0x7FFFFFFF, v10;
	v8 =	vand.u32 $0x7FFFFFFF, v17;
	v25 =	vand.u32 $0x7FFFFFFF, v25;
	v31 =	vld [tilespmem:s17+$0xC070]  }
0x15e: {  	v20 =	vand.u32 $0x7FFFFFFF, v20;
	v22 =	vand.u32 $0x7FFFFFFF, v22;
	v17 =	vand.u32 $0x7FFFFFFF, v26;
	v26 =	vld [tilespmem:s17+$0xC840]  }
0x15f: {  	v27 =	vand.u32 $0x7FFFFFFF, v27;
	v14 =	vmax.f32 v14, v17;
	v17 =	vand.u32 $0x7FFFFFFF, v18;
	v32 =	vld [tilespmem:s12+$0x10]  }
0x160: {  	v25 =	vmax.f32 v12, v25;
	v18 =	vand.u32 $0x7FFFFFFF, v29;
	v14 =	vmax.f32 v14, v22;
	v29 =	vld [tilespmem:s12+$0x0]  }
0x161: {  	v13 =	vmax.f32 v13, v27;
	v11 =	vmax.f32 v11, v18;
	v24 =	vand.u32 $0x7FFFFFFF, v24;
	v12 =	vld [tilespmem:s17+$0xC830]  }
.Ltmp5:
0x162: {  	v13 =	vmax.f32 v13, v23;
	v11 =	vmax.f32 v11, v21;
	v23 =	vand.u32 $0x7FFFFFFF, v31;
	v18 =	vld [tilespmem:s17+$0xC820];
	(pc) =	sbr.rel @p0 .LBB2_9-.Ltmp5, $4  }
0x163: {  	v13 =	vmax.f32 v13, v17;
	v11 =	vmax.f32 v11, v19;
	v19 =	vand.u32 $0x7FFFFFFF, v26;
	v17 =	vld [tilespmem:s17+$0xC860]  }
0x164: {  	v14 =	vmax.f32 v14, v16;
	v13 =	vmax.f32 v13, v30;
	v11 =	vmax.f32 v11, v28;
	v16 =	vld [tilespmem:s12+$0x30]  }
0x165: {  	v21 =	vmax.f32 v14, v15;
	v22 =	vmax.f32 v11, v20;
	v11 =	vand.u32 $0x7FFFFFFF, v32;
	v14 =	vld [tilespmem:s12+$0x40]  }
0x166: {  	s8 =	sadd.s32 $0x80, s8;
	s0 =	smov.u32 s9;
	v23 =	vmax.f32 v25, v23;
	v13 =	vmax.f32 v13, v24;
	v20 =	vand.u32 $0x7FFFFFFF, v29;
	v15 =	vld [tilespmem:s17+$0xC850]  }
0x167: {  	s21 =	sor.u32 $0x3, s21  }
0x168: {  	s0 =	sshll.u32 s21, $0xE  }
0x169: {  	s0 =	sadd.s32 s6, s0  }
0x16a: {  	v24 =	vld [tilespmem:s12+$0x70];
	s0 =	sshrl.u32 s0, $0x3  }
0x16b: {  	v25 =	vld [tilespmem:s12+$0x50];
	s4 =	simm.s32 $0x0;
	s12 =	sshll.u32 s11, $0x10;
	s0 =	sadd.s32 s3, s0  }
0x16c: {  	[hbm4b:s0+s4] =	stream.linear.scatter [tilespmem:s24], [sflag:$0x8], $0x4000, $0x38;
	[tilespmem:$0x10080] =	vst v63  }
0x16d: {  	s9 =	sadd.s32 s12, s14;
	_ =	swait.ge [sflag:s31], $0x4000  }
0x16e: {  	s0 =	sshrl.u32 s9, $0x3;
	[sflag:s31] =	ssyncset.done $0x0  }
0x16f: {  	s0 =	sadd.s32 s1, s0;
	[sflag:s31] =	ssyncadd.s32 $0xFFFFC000  }
0x170: {  	[tilespmem:s23], [sflag:$0x3] =	stream.linear.gather [hbm4b:s0+s4], $0x4000, $0x38;
	[tilespmem:$0x10080] =	vst v63  }
0x171: {  	_ =	swait.ge [sflag:s7], $0x4000  }
0x172: {  	s17 =	sand.u32 $0x3000, s4;
	s4 =	sand.u32 $0x380, s4;
	[sflag:s7] =	ssyncset.done $0x0  }
0x173: {  	s8 =	sor.u32 s4, s17;
	[sflag:s7] =	ssyncadd.s32 $0xFFFFC000  }
0x174: {  	v30 =	vld [tilespmem:s8+$0xC40]  }
0x175: {  	v31 =	vld [tilespmem:s8+$0xC50]  }
0x176: {  	v18 =	vand.u32 $0x7FFFFFFF, v18;
	v32 =	vld [tilespmem:s8+$0xC60]  }
0x177: {  	v9 =	vmax.f32 v23, v9;
	v18 =	vmax.f32 v21, v18;
	v17 =	vand.u32 $0x7FFFFFFF, v17;
	v21 =	vld [tilespmem:s8+$0xC70]  }
0x178: {  	v9 =	vmax.f32 v9, v10;
	v10 =	vmax.f32 v18, v17;
	v17 =	vld [tilespmem:s8+$0xC00]  }
0x179: {  	v19 =	vmax.f32 v22, v19;
	v6 =	vand.u32 $0x7FFFFFFF, v6;
	v18 =	vld [tilespmem:s8+$0xC10]  }
0x17a: {  	v12 =	vand.u32 $0x7FFFFFFF, v12;
	v19 =	vmax.f32 v19, v20;
	v16 =	vand.u32 $0x7FFFFFFF, v16;
	v20 =	vld [tilespmem:s8+$0xC20]  }
0x17b: {  	v9 =	vmax.f32 v9, v12;
	v6 =	vmax.f32 v10, v6;
	v10 =	vand.u32 $0x7FFFFFFF, v14;
	v14 =	vld [tilespmem:s8+$0xC30]  }
0x17c: {  	v7 =	vmax.f32 v9, v7;
	v6 =	vmax.f32 v6, v8;
	v8 =	vand.u32 $0x7FFFFFFF, v15;
	v15 =	vld [tilespmem:s8+$0x840]  }
0x17d: {  	v7 =	vmax.f32 v7, v16;
	v10 =	vmax.f32 v19, v10;
	v8 =	vmax.f32 v13, v8;
	v16 =	vld [tilespmem:s8+$0x850]  }
0x17e: {  	v9 =	vand.u32 $0x7FFFFFFF, v24;
	v12 =	vand.u32 $0x7FFFFFFF, v25;
	v8 =	vmax.f32 v8, v11;
	v19 =	vld [tilespmem:s8+$0x860]  }
0x17f: {  	v7 =	vmax.f32 v7, v9;
	v8 =	vmax.f32 v8, v12;
	v23 =	vld [tilespmem:s8+$0x870]  }
0x180: {  	v6 =	vmax.f32 v6, v7;
	v8 =	vmax.f32 v10, v8;
	v35 =	vld [tilespmem:s8+$0x800]  }
0x181: {  	v6 =	vmax.f32 v8, v6;
	v36 =	vld [tilespmem:s8+$0x810]  }
0x182: {  	v7 =	vperm.xlane v6, v0;
	v38 =	vld [tilespmem:s8+$0x820]  }
0x183: {  	v41 =	vld [tilespmem:s8+$0x830]  }
0x184: {  	v6 =	vmax.f32 v6, v7;
	v28 =	vld [tilespmem:s8+$0x440]  }
0x185: {  	v7 =	vperm.xlane v6, v1;
	v26 =	vld [tilespmem:s8+$0x450]  }
0x186: {  	v27 =	vld [tilespmem:s8+$0x460]  }
0x187: {  	v24 =	vld [tilespmem:s8+$0x470];
	v6 =	vmax.f32 v6, v7  }
0x188: {  	v33 =	vld [tilespmem:s8+$0x400];
	v7 =	vperm.xlane v6, v2  }
0x189: {  	v29 =	vld [tilespmem:s8+$0x410]  }
0x18a: {  	v10 =	vimm.f32 $0.0e+00;
	v39 =	vld [tilespmem:s8+$0x0];
	v6 =	vmax.f32 v6, v7;
	v22 =	vand.u32 $0x7FFFFFFF, v30  }
0x18b: {  	v40 =	vld [tilespmem:s8+$0x40];
	v8 =	vand.u32 $0x7FFFFFFF, v31;
	v9 =	vand.u32 $0x7FFFFFFF, v32;
	v11 =	vand.u32 $0x7FFFFFFF, v21  }
0x18c: {  	v34 =	vld [tilespmem:s8+$0x50];
	v25 =	vand.u32 $0x7FFFFFFF, v17;
	v12 =	vand.u32 $0x7FFFFFFF, v18;
	v13 =	vand.u32 $0x7FFFFFFF, v20  }
0x18d: {  	v30 =	vld [tilespmem:s8+$0x420];
	v31 =	vand.u32 $0x7FFFFFFF, v15;
	v15 =	vand.u32 $0x7FFFFFFF, v16;
	v14 =	vand.u32 $0x7FFFFFFF, v14  }
0x18e: {  	v32 =	vld [tilespmem:s8+$0x430];
	v37 =	vand.u32 $0x7FFFFFFF, v35;
	v16 =	vand.u32 $0x7FFFFFFF, v19;
	v17 =	vand.u32 $0x7FFFFFFF, v23  }
0x18f: {  	v35 =	vld [tilespmem:s8+$0x60];
	v18 =	vand.u32 $0x7FFFFFFF, v39;
	v20 =	vand.u32 $0x7FFFFFFF, v36;
	v21 =	vand.u32 $0x7FFFFFFF, v38  }
0x190: {  	v36 =	vld [tilespmem:s8+$0x70];
	v40 =	vand.u32 $0x7FFFFFFF, v40;
	v23 =	vand.u32 $0x7FFFFFFF, v41;
	v19 =	vimm.f32 $0.0e+00  }
0x191: {  	s0 =	simm.s32 $0x80;
	s17 =	simm.s32 $0x200;
	v38 =	vld [tilespmem:s8+$0x10];
	v7 =	vperm.xlane v6, v3;
	v39 =	vmax.f32 v10, v18;
	v18 =	vimm.f32 $0.0e+00  }
.LBB2_11:
0x192: {  	s4 =	sand.u32 $0x3000, s17;
	s9 =	sand.u32 $0x380, s0;
	p0 =	sne.s32 s17, $0x3E00;
	v41 =	vld [tilespmem:s8+$0x20];
	v39 =	vmax.f32 v39, v40;
	v33 =	vand.u32 $0x7FFFFFFF, v33;
	v28 =	vand.u32 $0x7FFFFFFF, v28  }
0x193: {  	v26 =	vand.u32 $0x7FFFFFFF, v26;
	v27 =	vand.u32 $0x7FFFFFFF, v27;
	v40 =	vld [tilespmem:s8+$0x30];
	s8 =	sor.u32 s9, s4;
	v33 =	vmax.f32 v39, v33  }
0x194: {  	v29 =	vand.u32 $0x7FFFFFFF, v29;
	v24 =	vand.u32 $0x7FFFFFFF, v24;
	v39 =	vld [tilespmem:s8+$0xC40];
	v28 =	vmax.f32 v33, v28  }
0x195: {  	v30 =	vand.u32 $0x7FFFFFFF, v30;
	v32 =	vand.u32 $0x7FFFFFFF, v32;
	v42 =	vld [tilespmem:s8+$0xC50];
	v28 =	vmax.f32 v28, v37  }
0x196: {  	v33 =	vand.u32 $0x7FFFFFFF, v34;
	v34 =	vand.u32 $0x7FFFFFFF, v35;
	v37 =	vld [tilespmem:s8+$0xC60];
	v28 =	vmax.f32 v28, v31  }
0x197: {  	v36 =	vand.u32 $0x7FFFFFFF, v36;
	v35 =	vand.u32 $0x7FFFFFFF, v38;
	v31 =	vld [tilespmem:s8+$0xC70];
	v25 =	vmax.f32 v28, v25  }
0x198: {  	v28 =	vand.u32 $0x7FFFFFFF, v41;
	v38 =	vld [tilespmem:s8+$0xC00];
	v40 =	vand.u32 $0x7FFFFFFF, v40;
	v41 =	vmax.f32 v25, v22  }
0x199: {  	v10 =	vmax.f32 v10, v35;
	v18 =	vmax.f32 v18, v28;
	v43 =	vld [tilespmem:s8+$0xC10];
	v19 =	vmax.f32 v19, v40  }
0x19a: {  	v10 =	vmax.f32 v10, v33;
	v18 =	vmax.f32 v18, v34;
	v35 =	vld [tilespmem:s8+$0xC20];
	v19 =	vmax.f32 v19, v36  }
0x19b: {  	v10 =	vmax.f32 v10, v29;
	v18 =	vmax.f32 v18, v30;
	v36 =	vld [tilespmem:s8+$0xC30];
	v19 =	vmax.f32 v19, v32  }
0x19c: {  	v10 =	vmax.f32 v10, v26;
	v18 =	vmax.f32 v18, v27;
	v40 =	vld [tilespmem:s8+$0x840];
	v19 =	vmax.f32 v19, v24  }
0x19d: {  	v10 =	vmax.f32 v10, v20;
	v18 =	vmax.f32 v18, v21;
	v44 =	vld [tilespmem:s8+$0x850];
	v19 =	vmax.f32 v19, v23  }
0x19e: {  	v10 =	vmax.f32 v10, v15;
	v15 =	vmax.f32 v18, v16;
	v20 =	vld [tilespmem:s8+$0x860];
	v16 =	vmax.f32 v19, v17  }
0x19f: {  	v10 =	vmax.f32 v10, v12;
	v12 =	vmax.f32 v15, v13;
	v17 =	vld [tilespmem:s8+$0x870];
	v13 =	vmax.f32 v16, v14  }
0x1a0: {  	v10 =	vmax.f32 v10, v8;
	v18 =	vmax.f32 v12, v9;
	v16 =	vld [tilespmem:s8+$0x800];
	v19 =	vmax.f32 v13, v11  }
0x1a1: {  	v21 =	vld [tilespmem:s8+$0x810]  }
0x1a2: {  	v23 =	vld [tilespmem:s8+$0x820]  }
0x1a3: {  	v45 =	vld [tilespmem:s8+$0x830]  }
0x1a4: {  	v28 =	vld [tilespmem:s8+$0x440]  }
0x1a5: {  	v26 =	vld [tilespmem:s8+$0x450]  }
0x1a6: {  	v27 =	vld [tilespmem:s8+$0x460]  }
0x1a7: {  	v24 =	vld [tilespmem:s8+$0x470]  }
0x1a8: {  	v33 =	vld [tilespmem:s8+$0x400]  }
0x1a9: {  	v29 =	vld [tilespmem:s8+$0x410]  }
0x1aa: {  	v30 =	vld [tilespmem:s8+$0x420]  }
0x1ab: {  	v22 =	vand.u32 $0x7FFFFFFF, v39;
	v46 =	vld [tilespmem:s8+$0x0]  }
0x1ac: {  	v8 =	vand.u32 $0x7FFFFFFF, v42;
	v9 =	vand.u32 $0x7FFFFFFF, v37;
	v11 =	vand.u32 $0x7FFFFFFF, v31;
	v47 =	vld [tilespmem:s8+$0x40]  }
.Ltmp6:
0x1ad: {  	v25 =	vand.u32 $0x7FFFFFFF, v38;
	v12 =	vand.u32 $0x7FFFFFFF, v43;
	v13 =	vand.u32 $0x7FFFFFFF, v35;
	v32 =	vld [tilespmem:s8+$0x430];
	(pc) =	sbr.rel @p0 .LBB2_11-.Ltmp6, $4  }
0x1ae: {  	v14 =	vand.u32 $0x7FFFFFFF, v36;
	v31 =	vand.u32 $0x7FFFFFFF, v40;
	v15 =	vand.u32 $0x7FFFFFFF, v44;
	v34 =	vld [tilespmem:s8+$0x50]  }
0x1af: {  	v17 =	vand.u32 $0x7FFFFFFF, v17;
	v37 =	vand.u32 $0x7FFFFFFF, v16;
	v16 =	vand.u32 $0x7FFFFFFF, v20;
	v35 =	vld [tilespmem:s8+$0x60]  }
0x1b0: {  	v20 =	vand.u32 $0x7FFFFFFF, v21;
	v21 =	vand.u32 $0x7FFFFFFF, v23;
	v38 =	vand.u32 $0x7FFFFFFF, v46;
	v36 =	vld [tilespmem:s8+$0x70]  }
0x1b1: {  	s0 =	sadd.s32 $0x80, s0;
	s17 =	sadd.s32 $0x200, s17;
	v23 =	vand.u32 $0x7FFFFFFF, v45;
	v39 =	vmax.f32 v41, v38;
	v38 =	vld [tilespmem:s8+$0x10];
	v40 =	vand.u32 $0x7FFFFFFF, v47  }
0x1b2: {  	v51 =	vld [tilespmem:s8+$0x30];
	s0 =	sadd.s32 s3, s20;
	s4 =	simm.s32 $0x0  }
0x1b3: {  	v41 =	vld [tilespmem:s8+$0x20];
	[hbm4b:s0+s4] =	stream.linear.scatter [tilespmem:s4], [sflag:$0x5], $0x4000, $0x38  }
0x1b4: {  	v39 =	vmax.f32 v39, v40;
	v33 =	vand.u32 $0x7FFFFFFF, v33;
	v28 =	vand.u32 $0x7FFFFFFF, v28;
	s12 =	sadd.s32 s12, s16;
	_ =	swait.ge [sflag:s2], $0x4000  }
0x1b5: {  	v27 =	vand.u32 $0x7FFFFFFF, v27;
	v24 =	vand.u32 $0x7FFFFFFF, v24;
	v33 =	vmax.f32 v39, v33;
	s0 =	sshrl.u32 s12, $0x3;
	[sflag:s2] =	ssyncset.done $0x0  }
0x1b6: {  	v30 =	vand.u32 $0x7FFFFFFF, v30;
	v32 =	vand.u32 $0x7FFFFFFF, v32;
	v28 =	vmax.f32 v33, v28;
	s0 =	sadd.s32 s1, s0;
	[sflag:s2] =	ssyncadd.s32 $0xFFFFC000  }
0x1b7: {  	v52 =	vand.u32 $0x7FFFFFFF, v34;
	v28 =	vmax.f32 v28, v37;
	v56 =	vand.u32 $0x7FFFFFFF, v51;
	[tilespmem:s24], [sflag:$0x4] =	stream.linear.gather [hbm4b:s0+s4], $0x4000, $0x38;
	[tilespmem:$0x10080] =	vst v63  }
0x1b8: {  	v55 =	vand.u32 $0x7FFFFFFF, v36;
	v28 =	vmax.f32 v28, v31;
	v19 =	vmax.f32 v19, v56;
	_ =	swait.ge [sflag:s25], $0x4000  }
0x1b9: {  	s17 =	sand.u32 $0x3000, s4;
	s20 =	sand.u32 $0x380, s4;
	v25 =	vmax.f32 v28, v25;
	v28 =	vand.u32 $0x7FFFFFFF, v41;
	v19 =	vmax.f32 v19, v55;
	[sflag:s25] =	ssyncset.done $0x0  }
0x1ba: {  	v53 =	vand.u32 $0x7FFFFFFF, v35;
	s0 =	sor.u32 s20, s17;
	v18 =	vmax.f32 v18, v28;
	v19 =	vmax.f32 v19, v32;
	[sflag:s25] =	ssyncadd.s32 $0xFFFFC000  }
0x1bb: {  	v54 =	vand.u32 $0x7FFFFFFF, v38;
	v18 =	vmax.f32 v18, v53;
	v19 =	vmax.f32 v19, v24;
	v24 =	vld [tilespmem:s0+$0x4870]  }
0x1bc: {  	v10 =	vmax.f32 v10, v54;
	v22 =	vmax.f32 v25, v22;
	v18 =	vmax.f32 v18, v30;
	v25 =	vld [tilespmem:s0+$0x4030]  }
0x1bd: {  	v29 =	vand.u32 $0x7FFFFFFF, v29;
	v10 =	vmax.f32 v10, v52;
	v18 =	vmax.f32 v18, v27;
	v27 =	vld [tilespmem:s0+$0x4020]  }
0x1be: {  	v26 =	vand.u32 $0x7FFFFFFF, v26;
	v10 =	vmax.f32 v10, v29;
	v28 =	vld [tilespmem:s0+$0x4010]  }
0x1bf: {  	v10 =	vmax.f32 v10, v26;
	v29 =	vld [tilespmem:s0+$0x4000]  }
0x1c0: {  	v20 =	vmax.f32 v10, v20;
	v59 =	vld [tilespmem:s0+$0x4070]  }
0x1c1: {  	v15 =	vmax.f32 v20, v15;
	v20 =	vld [tilespmem:s0+$0x4400]  }
0x1c2: {  	s4 =	sor.u32 s17, s4;
	v18 =	vmax.f32 v18, v21;
	v21 =	vld [tilespmem:s0+$0x4060]  }
0x1c3: {  	s12 =	sor.u32 $0x4C00, s4;
	v19 =	vmax.f32 v19, v23;
	v23 =	vld [tilespmem:s0+$0x4040]  }
0x1c4: {  	v16 =	vmax.f32 v18, v16;
	v18 =	vld [tilespmem:s12+$0x60]  }
0x1c5: {  	v17 =	vmax.f32 v19, v17;
	v12 =	vmax.f32 v15, v12;
	v19 =	vld [tilespmem:s0+$0x4410]  }
0x1c6: {  	v8 =	vmax.f32 v12, v8;
	v12 =	vld [tilespmem:s0+$0x4470]  }
0x1c7: {  	v13 =	vmax.f32 v16, v13;
	v16 =	vld [tilespmem:s0+$0x4440]  }
0x1c8: {  	v26 =	vimm.f32 $0.0e+00;
	v14 =	vmax.f32 v17, v14;
	v17 =	vld [tilespmem:s0+$0x4420]  }
0x1c9: {  	v9 =	vmax.f32 v13, v9;
	v11 =	vmax.f32 v14, v11;
	v8 =	vmax.f32 v22, v8;
	v13 =	vld [tilespmem:s0+$0x4430]  }
0x1ca: {  	v9 =	vmax.f32 v9, v11;
	v11 =	vld [tilespmem:s0+$0x4450];
	v25 =	vand.u32 $0x7FFFFFFF, v25;
	v29 =	vand.u32 $0x7FFFFFFF, v29  }
0x1cb: {  	v14 =	vld [tilespmem:s0+$0x4460];
	v63 =	vand.u32 $0x7FFFFFFF, v59;
	v8 =	vmax.f32 v8, v9;
	v20 =	vand.u32 $0x7FFFFFFF, v20  }
0x1cc: {  	v15 =	vld [tilespmem:s0+$0x4800];
	v23 =	vand.u32 $0x7FFFFFFF, v23;
	v21 =	vand.u32 $0x7FFFFFFF, v21;
	v9 =	vperm.xlane v8, v0  }
0x1cd: {  	v22 =	vld [tilespmem:s0+$0x4050];
	v61 =	vmax.f32 v26, v25;
	v19 =	vand.u32 $0x7FFFFFFF, v19;
	v17 =	vand.u32 $0x7FFFFFFF, v17  }
0x1ce: {  	v16 =	vand.u32 $0x7FFFFFFF, v16;
	v8 =	vmax.f32 v8, v9;
	v13 =	vand.u32 $0x7FFFFFFF, v13  }
0x1cf: {  	v58 =	vld [tilespmem:s0+$0x4810];
	v9 =	vperm.xlane v8, v1;
	v57 =	vand.u32 $0x7FFFFFFF, v11;
	v11 =	vand.u32 $0x7FFFFFFF, v24  }
0x1d0: {  	v10 =	vld [tilespmem:s12+$0x20];
	v24 =	vand.u32 $0x7FFFFFFF, v14;
	v14 =	vand.u32 $0x7FFFFFFF, v12;
	v12 =	vand.u32 $0x7FFFFFFF, v18  }
0x1d1: {  	v60 =	vld [tilespmem:s0+$0x4840];
	v18 =	vand.u32 $0x7FFFFFFF, v27;
	v27 =	vand.u32 $0x7FFFFFFF, v15;
	v15 =	vand.u32 $0x7FFFFFFF, v28  }
0x1d2: {  	v62 =	vld [tilespmem:s12+$0x0];
	v22 =	vand.u32 $0x7FFFFFFF, v22;
	v18 =	vmax.f32 v26, v18;
	v25 =	vmax.f32 v26, v15  }
0x1d3: {  	v28 =	vld [tilespmem:s12+$0x10];
	v8 =	vmax.f32 v8, v9;
	v18 =	vmax.f32 v18, v21;
	v21 =	vmax.f32 v26, v29  }
0x1d4: {  	v15 =	vld [tilespmem:s0+$0x4830];
	v29 =	vand.u32 $0x7FFFFFFF, v58;
	v9 =	vperm.xlane v8, v2;
	v21 =	vmax.f32 v21, v23  }
0x1d5: {  	v23 =	vmax.f32 v25, v22;
	v22 =	vld [tilespmem:s0+$0x4820];
	v17 =	vmax.f32 v18, v17;
	v20 =	vmax.f32 v21, v20  }
0x1d6: {  	v18 =	vld [tilespmem:s12+$0x40];
	v19 =	vmax.f32 v23, v19;
	v23 =	vand.u32 $0x7FFFFFFF, v60;
	v25 =	vmax.f32 v17, v24  }
0x1d7: {  	v21 =	vld [tilespmem:s0+$0x4860];
	v24 =	vand.u32 $0x7FFFFFFF, v62;
	v8 =	vmax.f32 v8, v9;
	v16 =	vmax.f32 v20, v16  }
0x1d8: {  	v19 =	vmax.f32 v19, v57;
	v20 =	vld [tilespmem:s12+$0x30];
	v9 =	vperm.xlane v8, v3;
	v26 =	vmax.f32 v16, v27  }
0x1d9: {  	s9 =	simm.s32 $0x200;
	s8 =	simm.s32 $0x80;
	v16 =	vand.u32 $0x7FFFFFFF, v28;
	v27 =	vmax.f32 v61, v63;
	v17 =	vmax.f32 v19, v29;
	v19 =	vld [tilespmem:s0+$0x4850]  }
.LBB2_13:
0x1da: {  	s4 =	sand.u32 $0x3000, s9;
	s0 =	smov.u32 s9  }
0x1db: {  	s17 =	sand.u32 $0x380, s8;
	v13 =	vmax.f32 v27, v13;
	v22 =	vand.u32 $0x7FFFFFFF, v22;
	v23 =	vmax.f32 v26, v23;
	v26 =	vld [tilespmem:s12+$0x70];
	s0 =	sadd.s32 $0x200, s9  }
0x1dc: {  	p0 =	sne.s32 s9, $0x3E00;
	s17 =	sor.u32 s17, s4;
	s4 =	sor.u32 s4, s8;
	v13 =	vmax.f32 v13, v14;
	v14 =	vmax.f32 v25, v22;
	v21 =	vand.u32 $0x7FFFFFFF, v21;
	v22 =	vld [tilespmem:s12+$0x50]  }
0x1dd: {  	s12 =	sor.u32 $0x4C00, s4;
	v14 =	vmax.f32 v14, v21;
	v21 =	vand.u32 $0x7FFFFFFF, v10;
	v20 =	vand.u32 $0x7FFFFFFF, v20;
	v25 =	vld [tilespmem:s17+$0x4870]  }
0x1de: {  	v15 =	vand.u32 $0x7FFFFFFF, v15;
	v23 =	vmax.f32 v23, v24;
	v14 =	vmax.f32 v14, v21;
	v10 =	vld [tilespmem:s12+$0x20]  }
0x1df: {  	v13 =	vmax.f32 v13, v15;
	v15 =	vand.u32 $0x7FFFFFFF, v18;
	v18 =	vmax.f32 v14, v12;
	v21 =	vld [tilespmem:s12+$0x60]  }
0x1e0: {  	v11 =	vmax.f32 v13, v11;
	v12 =	vand.u32 $0x7FFFFFFF, v19;
	v13 =	vand.u32 $0x7FFFFFFF, v26;
	v24 =	vld [tilespmem:s17+$0x4800]  }
0x1e1: {  	v11 =	vmax.f32 v11, v20;
	v12 =	vmax.f32 v17, v12;
	v14 =	vld [tilespmem:s17+$0x4470];
	v17 =	vand.u32 $0x7FFFFFFF, v22  }
0x1e2: {  	v15 =	vmax.f32 v23, v15;
	v12 =	vmax.f32 v12, v16;
	v16 =	vmax.f32 v11, v13;
	v19 =	vld [tilespmem:s17+$0x4460]  }
0x1e3: {  	v17 =	vmax.f32 v12, v17;
	v11 =	vld [tilespmem:s17+$0x4450]  }
0x1e4: {  	v12 =	vld [tilespmem:s17+$0x4440]  }
0x1e5: {  	v13 =	vld [tilespmem:s17+$0x4430]  }
0x1e6: {  	v20 =	vld [tilespmem:s17+$0x4420]  }
0x1e7: {  	v22 =	vld [tilespmem:s17+$0x4410]  }
0x1e8: {  	v23 =	vld [tilespmem:s17+$0x4400]  }
0x1e9: {  	v26 =	vld [tilespmem:s17+$0x4060]  }
0x1ea: {  	v27 =	vld [tilespmem:s17+$0x4050]  }
0x1eb: {  	v28 =	vld [tilespmem:s17+$0x4040]  }
0x1ec: {  	v20 =	vand.u32 $0x7FFFFFFF, v20;
	v29 =	vld [tilespmem:s17+$0x4030]  }
0x1ed: {  	v13 =	vand.u32 $0x7FFFFFFF, v13;
	v30 =	vld [tilespmem:s17+$0x4020]  }
0x1ee: {  	v32 =	vand.u32 $0x7FFFFFFF, v12;
	v23 =	vand.u32 $0x7FFFFFFF, v23;
	v31 =	vld [tilespmem:s17+$0x4010]  }
0x1ef: {  	v34 =	vand.u32 $0x7FFFFFFF, v11;
	v11 =	vand.u32 $0x7FFFFFFF, v25;
	v33 =	vld [tilespmem:s17+$0x4000]  }
0x1f0: {  	v19 =	vand.u32 $0x7FFFFFFF, v19;
	v27 =	vand.u32 $0x7FFFFFFF, v27;
	v25 =	vand.u32 $0x7FFFFFFF, v28;
	v28 =	vld [tilespmem:s17+$0x4810]  }
0x1f1: {  	v14 =	vand.u32 $0x7FFFFFFF, v14;
	v12 =	vand.u32 $0x7FFFFFFF, v21;
	v29 =	vand.u32 $0x7FFFFFFF, v29;
	v35 =	vld [tilespmem:s17+$0x4070]  }
0x1f2: {  	v24 =	vand.u32 $0x7FFFFFFF, v24;
	v26 =	vand.u32 $0x7FFFFFFF, v26;
	v21 =	vand.u32 $0x7FFFFFFF, v30;
	v30 =	vld [tilespmem:s17+$0x4840]  }
0x1f3: {  	v31 =	vand.u32 $0x7FFFFFFF, v31;
	v18 =	vmax.f32 v18, v21;
	v21 =	vand.u32 $0x7FFFFFFF, v22;
	v36 =	vld [tilespmem:s12+$0x10]  }
0x1f4: {  	v29 =	vmax.f32 v16, v29;
	v22 =	vand.u32 $0x7FFFFFFF, v33;
	v16 =	vmax.f32 v18, v26;
	v33 =	vld [tilespmem:s12+$0x0]  }
0x1f5: {  	v17 =	vmax.f32 v17, v31;
	v18 =	vmax.f32 v15, v22;
	v28 =	vand.u32 $0x7FFFFFFF, v28;
	v15 =	vld [tilespmem:s17+$0x4830]  }
.Ltmp7:
0x1f6: {  	v17 =	vmax.f32 v17, v27;
	v18 =	vmax.f32 v18, v25;
	v27 =	vand.u32 $0x7FFFFFFF, v35;
	v22 =	vld [tilespmem:s17+$0x4820];
	(pc) =	sbr.rel @p0 .LBB2_13-.Ltmp7, $4  }
0x1f7: {  	v17 =	vmax.f32 v17, v21;
	v18 =	vmax.f32 v18, v23;
	v23 =	vand.u32 $0x7FFFFFFF, v30;
	v21 =	vld [tilespmem:s17+$0x4860]  }
0x1f8: {  	v16 =	vmax.f32 v16, v20;
	v17 =	vmax.f32 v17, v34;
	v18 =	vmax.f32 v18, v32;
	v20 =	vld [tilespmem:s12+$0x30]  }
0x1f9: {  	v25 =	vmax.f32 v16, v19;
	v16 =	vand.u32 $0x7FFFFFFF, v36;
	v26 =	vmax.f32 v18, v24;
	v18 =	vld [tilespmem:s12+$0x40]  }
0x1fa: {  	s8 =	sadd.s32 $0x80, s8;
	s9 =	smov.u32 s0;
	v27 =	vmax.f32 v29, v27;
	v17 =	vmax.f32 v17, v28;
	v24 =	vand.u32 $0x7FFFFFFF, v33;
	v19 =	vld [tilespmem:s17+$0x4850]  }
0x1fb: {  	v22 =	vand.u32 $0x7FFFFFFF, v22  }
0x1fc: {  	v13 =	vmax.f32 v27, v13;
	v56 =	vld [tilespmem:s12+$0x70];
	v23 =	vmax.f32 v26, v23;
	v10 =	vand.u32 $0x7FFFFFFF, v10  }
0x1fd: {  	v57 =	vld [tilespmem:s12+$0x50];
	v15 =	vand.u32 $0x7FFFFFFF, v15;
	v22 =	vmax.f32 v25, v22;
	v21 =	vand.u32 $0x7FFFFFFF, v21  }
0x1fe: {  	v13 =	vmax.f32 v13, v14;
	v58 =	vmax.f32 v23, v24;
	v21 =	vmax.f32 v22, v21  }
0x1ff: {  	v20 =	vand.u32 $0x7FFFFFFF, v20;
	v13 =	vmax.f32 v13, v15;
	v10 =	vmax.f32 v21, v10  }
0x200: {  	v59 =	vand.u32 $0x7FFFFFFF, v18;
	v11 =	vmax.f32 v13, v11;
	v60 =	vand.u32 $0x7FFFFFFF, v19  }
0x201: {  	v10 =	vmax.f32 v10, v12;
	v11 =	vmax.f32 v11, v20;
	v12 =	vmax.f32 v17, v60  }
0x202: {  	v61 =	vand.u32 $0x7FFFFFFF, v56;
	v14 =	vand.u32 $0x7FFFFFFF, v57;
	v12 =	vmax.f32 v12, v16  }
0x203: {  	v15 =	vmax.f32 v58, v59;
	v11 =	vmax.f32 v11, v61;
	v12 =	vmax.f32 v12, v14  }
0x204: {  	v10 =	vmax.f32 v10, v11;
	v12 =	vmax.f32 v15, v12  }
0x205: {  	v10 =	vmax.f32 v12, v10  }
0x206: {  	v62 =	vperm.xlane v10, v0;
	_ =	sdelay $0x1  }
0x207: {  	v10 =	vmax.f32 v10, v62  }
0x208: {  	v11 =	vperm.xlane v10, v1;
	_ =	sdelay $0x1  }
0x209: {  	v10 =	vmax.f32 v10, v11  }
0x20a: {  	v4 =	vmax.f32 v4, v5;
	v5 =	vperm.xlane v10, v2  }
0x20b: {  	(v2sf) =	vpush v4, $0x0  }
0x20c: {  	v4 =	vmax.f32 v10, v5;
	v5 =	vmax.f32 v6, v7  }
0x20d: {  	(v2sf) =	vpush v5, $0x0;
	v5 =	vmax.f32 v8, v9  }
0x20e: {  	(v2sf) =	vpush v5, $0x0;
	_ =	sdelay $0x1  }
0x20f: {  	v63 =	vperm.xlane v4, v3;
	_ =	sdelay $0x1  }
0x210: {  	v4 =	vmax.f32 v4, v63  }
0x211: {  	(v2sf) =	vpush v4, $0x0;
	_ =	sdelay $0x6  }
0x212: {  	s0 =	spop (v2sf)  }
0x213: {  	p0 =	sgt.f32 s0, $0.0e+00  }
0x214: {  	s17 =	spop (v2sf)  }
0x215: {  	s5 =	smov.u32 @p0 s18;
	s4 =	spop (v2sf);
	p0 =	sgt.f32 s17, $0.0e+00  }
0x216: {  	p1 =	sgt.f32 s4, $0.0e+00  }
0x217: {  	s11 =	sadd.s32 $0x1, s11;
	s5 =	smov.u32 @p0 s21  }
0x218: {  	s5 =	smov.u32 @p1 s13;
	p1 =	sne.s32 s11, $0xF  }
.Ltmp8:
0x219: {  	_ = 	snop;
	(pc) =	sbr.rel @p1 .LBB2_6-.Ltmp8, $4  }
0x21a: {  	s18 =	spop (v2sf)  }
0x21b: {  	s20 =	sadd.s32 s3, s19;
	s17 =	simm.s32 $0x0;
	p0 =	sgt.f32 s18, $0.0e+00  }
0x21c: {  	[hbm4b:s20+s17] =	stream.linear.scatter [tilespmem:s22], [sflag:$0x6], $0x4000, $0x38;
	[tilespmem:$0x10080] =	vst v63  }
0x21d: {  	s5 =	smov.u32 @p0 s15  }
0x21e: {  	_ =	swait.ge [sflag:s26], $0x4000  }
0x21f: {  	[sflag:s26] =	ssyncset.done $0x0  }
0x220: {  	s4 =	simm.s32 $0x0;
	s20 =	rddreg [dreg:$0xc];
	[sflag:s26] =	ssyncadd.s32 $0xFFFFC000  }
0x221: {  	[tilespmem:s4], [sflag:$0x1] =	stream.linear.gather [hbm4b:s20+s4], $0x4000, $0x38;
	[tilespmem:$0x10080] =	vst v63  }
0x222: {  	_ =	swait.ge [sflag:s28], $0x4000  }
0x223: {  	s8 =	sand.u32 $0x3000, s4;
	s0 =	sand.u32 $0x380, s4;
	[sflag:s28] =	ssyncset.done $0x0  }
0x224: {  	s0 =	sor.u32 s0, s8;
	s4 =	sor.u32 s8, s4;
	[sflag:s28] =	ssyncadd.s32 $0xFFFFC000  }
0x225: {  	s8 =	sor.u32 $0x8C00, s4;
	v5 =	vld [tilespmem:s0+$0x8870]  }
0x226: {  	v4 =	vld [tilespmem:s8+$0x20]  }
0x227: {  	v9 =	vld [tilespmem:s8+$0x60]  }
0x228: {  	v10 =	vld [tilespmem:s0+$0x8800]  }
0x229: {  	v8 =	vld [tilespmem:s0+$0x8470]  }
0x22a: {  	v11 =	vld [tilespmem:s0+$0x8460]  }
0x22b: {  	v6 =	vld [tilespmem:s0+$0x8450]  }
0x22c: {  	v12 =	vld [tilespmem:s0+$0x8440]  }
0x22d: {  	v7 =	vld [tilespmem:s0+$0x8430]  }
0x22e: {  	v13 =	vld [tilespmem:s0+$0x8420]  }
0x22f: {  	v15 =	vld [tilespmem:s0+$0x8400]  }
0x230: {  	v16 =	vld [tilespmem:s0+$0x8060]  }
0x231: {  	v17 =	vld [tilespmem:s0+$0x8050]  }
0x232: {  	v18 =	vld [tilespmem:s0+$0x8040]  }
0x233: {  	v19 =	vld [tilespmem:s0+$0x8030]  }
0x234: {  	v21 =	vld [tilespmem:s0+$0x8020]  }
0x235: {  	v20 =	vimm.f32 $0.0e+00;
	v22 =	vld [tilespmem:s0+$0x8010]  }
0x236: {  	v23 =	vld [tilespmem:s0+$0x8000];
	v13 =	vand.u32 $0x7FFFFFFF, v13;
	v7 =	vand.u32 $0x7FFFFFFF, v7;
	v15 =	vand.u32 $0x7FFFFFFF, v15  }
0x237: {  	v14 =	vld [tilespmem:s0+$0x8410];
	v12 =	vand.u32 $0x7FFFFFFF, v12;
	v24 =	vand.u32 $0x7FFFFFFF, v6;
	v6 =	vand.u32 $0x7FFFFFFF, v5  }
0x238: {  	v26 =	vld [tilespmem:s0+$0x8070];
	v18 =	vand.u32 $0x7FFFFFFF, v18;
	v17 =	vand.u32 $0x7FFFFFFF, v17;
	v11 =	vand.u32 $0x7FFFFFFF, v11  }
0x239: {  	v25 =	vld [tilespmem:s0+$0x8810];
	v19 =	vand.u32 $0x7FFFFFFF, v19;
	v8 =	vand.u32 $0x7FFFFFFF, v8;
	v5 =	vand.u32 $0x7FFFFFFF, v9  }
0x23a: {  	v27 =	vld [tilespmem:s0+$0x8840];
	v9 =	vand.u32 $0x7FFFFFFF, v21;
	v16 =	vand.u32 $0x7FFFFFFF, v16;
	v21 =	vand.u32 $0x7FFFFFFF, v10  }
0x23b: {  	v10 =	vand.u32 $0x7FFFFFFF, v22;
	v22 =	vld [tilespmem:s8+$0x10];
	v23 =	vand.u32 $0x7FFFFFFF, v23;
	v9 =	vmax.f32 v20, v9  }
0x23c: {  	v28 =	vmax.f32 v20, v19;
	v19 =	vmax.f32 v20, v23;
	v20 =	vmax.f32 v20, v10;
	v10 =	vld [tilespmem:s0+$0x8830]  }
0x23d: {  	v14 =	vand.u32 $0x7FFFFFFF, v14;
	v63 =	vand.u32 $0x7FFFFFFF, v26;
	v9 =	vmax.f32 v9, v16;
	v16 =	vld [tilespmem:s8+$0x0]  }
0x23e: {  	v23 =	vand.u32 $0x7FFFFFFF, v25;
	v18 =	vmax.f32 v19, v18;
	v19 =	vmax.f32 v20, v17;
	v17 =	vld [tilespmem:s0+$0x8820]  }
0x23f: {  	v20 =	vmax.f32 v18, v15;
	v14 =	vmax.f32 v19, v14;
	v18 =	vand.u32 $0x7FFFFFFF, v27;
	v15 =	vld [tilespmem:s0+$0x8860]  }
0x240: {  	v9 =	vmax.f32 v9, v13;
	v12 =	vmax.f32 v20, v12;
	v13 =	vmax.f32 v14, v24;
	v14 =	vld [tilespmem:s8+$0x30]  }
0x241: {  	v19 =	vmax.f32 v9, v11;
	v20 =	vmax.f32 v12, v21;
	v9 =	vand.u32 $0x7FFFFFFF, v22;
	v12 =	vld [tilespmem:s8+$0x40]  }
0x242: {  	s9 =	simm.s32 $0x200;
	s10 =	simm.s32 $0x80;
	v21 =	vmax.f32 v28, v63;
	v11 =	vmax.f32 v13, v23;
	v13 =	vld [tilespmem:s0+$0x8850];
	v16 =	vand.u32 $0x7FFFFFFF, v16  }
.LBB2_16:
0x243: {  	s4 =	sand.u32 $0x3000, s9;
	s0 =	smov.u32 s9  }
0x244: {  	s11 =	sand.u32 $0x380, s10;
	v7 =	vmax.f32 v21, v7;
	v17 =	vand.u32 $0x7FFFFFFF, v17;
	v18 =	vmax.f32 v20, v18;
	v20 =	vld [tilespmem:s8+$0x70];
	s0 =	sadd.s32 $0x200, s9  }
0x245: {  	p0 =	sne.s32 s9, $0x3E00;
	s11 =	sor.u32 s11, s4;
	s4 =	sor.u32 s4, s10;
	v7 =	vmax.f32 v7, v8;
	v8 =	vmax.f32 v19, v17;
	v15 =	vand.u32 $0x7FFFFFFF, v15;
	v17 =	vld [tilespmem:s8+$0x50]  }
0x246: {  	s8 =	sor.u32 $0x8C00, s4;
	v8 =	vmax.f32 v8, v15;
	v15 =	vand.u32 $0x7FFFFFFF, v4;
	v14 =	vand.u32 $0x7FFFFFFF, v14;
	v19 =	vld [tilespmem:s11+$0x8870]  }
0x247: {  	v10 =	vand.u32 $0x7FFFFFFF, v10;
	v16 =	vmax.f32 v18, v16;
	v8 =	vmax.f32 v8, v15;
	v4 =	vld [tilespmem:s8+$0x20]  }
0x248: {  	v7 =	vmax.f32 v7, v10;
	v10 =	vand.u32 $0x7FFFFFFF, v12;
	v12 =	vmax.f32 v8, v5;
	v15 =	vld [tilespmem:s8+$0x60]  }
0x249: {  	v6 =	vmax.f32 v7, v6;
	v5 =	vand.u32 $0x7FFFFFFF, v13;
	v7 =	vand.u32 $0x7FFFFFFF, v20;
	v18 =	vld [tilespmem:s11+$0x8800]  }
0x24a: {  	v6 =	vmax.f32 v6, v14;
	v5 =	vmax.f32 v11, v5;
	v8 =	vld [tilespmem:s11+$0x8470];
	v11 =	vand.u32 $0x7FFFFFFF, v17  }
0x24b: {  	v5 =	vmax.f32 v5, v9;
	v9 =	vmax.f32 v16, v10;
	v10 =	vmax.f32 v6, v7;
	v13 =	vld [tilespmem:s11+$0x8460]  }
0x24c: {  	v11 =	vmax.f32 v5, v11;
	v6 =	vld [tilespmem:s11+$0x8450]  }
0x24d: {  	v5 =	vld [tilespmem:s11+$0x8440]  }
0x24e: {  	v7 =	vld [tilespmem:s11+$0x8430]  }
0x24f: {  	v14 =	vld [tilespmem:s11+$0x8420]  }
0x250: {  	v16 =	vld [tilespmem:s11+$0x8410]  }
0x251: {  	v17 =	vld [tilespmem:s11+$0x8400]  }
0x252: {  	v20 =	vld [tilespmem:s11+$0x8060]  }
0x253: {  	v21 =	vld [tilespmem:s11+$0x8050]  }
0x254: {  	v22 =	vld [tilespmem:s11+$0x8040]  }
0x255: {  	v14 =	vand.u32 $0x7FFFFFFF, v14;
	v23 =	vld [tilespmem:s11+$0x8030]  }
0x256: {  	v7 =	vand.u32 $0x7FFFFFFF, v7;
	v24 =	vld [tilespmem:s11+$0x8020]  }
0x257: {  	v27 =	vand.u32 $0x7FFFFFFF, v5;
	v26 =	vand.u32 $0x7FFFFFFF, v17;
	v25 =	vld [tilespmem:s11+$0x8010]  }
0x258: {  	v28 =	vand.u32 $0x7FFFFFFF, v6;
	v6 =	vand.u32 $0x7FFFFFFF, v19;
	v17 =	vld [tilespmem:s11+$0x8000]  }
0x259: {  	v13 =	vand.u32 $0x7FFFFFFF, v13;
	v21 =	vand.u32 $0x7FFFFFFF, v21;
	v19 =	vand.u32 $0x7FFFFFFF, v22;
	v22 =	vld [tilespmem:s11+$0x8810]  }
0x25a: {  	v8 =	vand.u32 $0x7FFFFFFF, v8;
	v5 =	vand.u32 $0x7FFFFFFF, v15;
	v23 =	vand.u32 $0x7FFFFFFF, v23;
	v29 =	vld [tilespmem:s11+$0x8070]  }
0x25b: {  	v20 =	vand.u32 $0x7FFFFFFF, v20;
	v15 =	vand.u32 $0x7FFFFFFF, v24;
	v24 =	vand.u32 $0x7FFFFFFF, v18;
	v18 =	vld [tilespmem:s11+$0x8840]  }
0x25c: {  	v25 =	vand.u32 $0x7FFFFFFF, v25;
	v12 =	vmax.f32 v12, v15;
	v15 =	vand.u32 $0x7FFFFFFF, v16;
	v16 =	vld [tilespmem:s8+$0x10]  }
0x25d: {  	v23 =	vmax.f32 v10, v23;
	v17 =	vand.u32 $0x7FFFFFFF, v17;
	v12 =	vmax.f32 v12, v20;
	v30 =	vld [tilespmem:s8+$0x0]  }
0x25e: {  	v11 =	vmax.f32 v11, v25;
	v9 =	vmax.f32 v9, v17;
	v22 =	vand.u32 $0x7FFFFFFF, v22;
	v10 =	vld [tilespmem:s11+$0x8830]  }
.Ltmp9:
0x25f: {  	v11 =	vmax.f32 v11, v21;
	v9 =	vmax.f32 v9, v19;
	v21 =	vand.u32 $0x7FFFFFFF, v29;
	v17 =	vld [tilespmem:s11+$0x8820];
	(pc) =	sbr.rel @p0 .LBB2_16-.Ltmp9, $4  }
0x260: {  	v11 =	vmax.f32 v11, v15;
	v9 =	vmax.f32 v9, v26;
	v18 =	vand.u32 $0x7FFFFFFF, v18;
	v15 =	vld [tilespmem:s11+$0x8860]  }
0x261: {  	v12 =	vmax.f32 v12, v14;
	v11 =	vmax.f32 v11, v28;
	v9 =	vmax.f32 v9, v27;
	v14 =	vld [tilespmem:s8+$0x30]  }
0x262: {  	v19 =	vmax.f32 v12, v13;
	v20 =	vmax.f32 v9, v24;
	v9 =	vand.u32 $0x7FFFFFFF, v16;
	v12 =	vld [tilespmem:s8+$0x40]  }
0x263: {  	s10 =	sadd.s32 $0x80, s10;
	s9 =	smov.u32 s0;
	v21 =	vmax.f32 v23, v21;
	v11 =	vmax.f32 v11, v22;
	v16 =	vand.u32 $0x7FFFFFFF, v30;
	v13 =	vld [tilespmem:s11+$0x8850]  }
0x264: {  	v22 =	vld [tilespmem:s8+$0x70];
	s4 =	simm.s32 $0x0;
	s0 =	rddreg [dreg:$0xd]  }
0x265: {  	v23 =	vld [tilespmem:s8+$0x50];
	[hbm4b:s0+s4] =	stream.linear.scatter [tilespmem:s23], [sflag:$0x7], $0x4000, $0x38  }
0x266: {  	_ =	swait.ge [sflag:s29], $0x4000  }
0x267: {  	[sflag:s29] =	ssyncset.done $0x0  }
0x268: {  	v17 =	vand.u32 $0x7FFFFFFF, v17;
	[sflag:s29] =	ssyncadd.s32 $0xFFFFC000  }
0x269: {  	v7 =	vmax.f32 v21, v7;
	v18 =	vmax.f32 v20, v18;
	v4 =	vand.u32 $0x7FFFFFFF, v4;
	[tilespmem:s22], [sflag:$0x2] =	stream.linear.gather [hbm4b:s20+s4], $0x4000, $0x38;
	[tilespmem:$0x10080] =	vst v63  }
0x26a: {  	v10 =	vand.u32 $0x7FFFFFFF, v10;
	v17 =	vmax.f32 v19, v17;
	v15 =	vand.u32 $0x7FFFFFFF, v15;
	_ =	swait.ge [sflag:s30], $0x4000  }
0x26b: {  	v7 =	vmax.f32 v7, v8;
	s21 =	sand.u32 $0x380, s4;
	v8 =	vmax.f32 v17, v15;
	v14 =	vand.u32 $0x7FFFFFFF, v14;
	s20 =	sand.u32 $0x3000, s4;
	[sflag:s30] =	ssyncset.done $0x0  }
0x26c: {  	v15 =	vmax.f32 v18, v16;
	v7 =	vmax.f32 v7, v10;
	v4 =	vmax.f32 v8, v4;
	s0 =	sor.u32 s21, s20;
	s4 =	sor.u32 s20, s4;
	[sflag:s30] =	ssyncadd.s32 $0xFFFFC000  }
0x26d: {  	v10 =	vand.u32 $0x7FFFFFFF, v12;
	v6 =	vmax.f32 v7, v6;
	v12 =	vand.u32 $0x7FFFFFFF, v13;
	s10 =	sor.u32 $0xCC00, s4;
	v8 =	vld [tilespmem:s0+$0xC870]  }
0x26e: {  	v4 =	vmax.f32 v4, v5;
	v6 =	vmax.f32 v6, v14;
	v11 =	vmax.f32 v11, v12;
	v12 =	vld [tilespmem:s10+$0x60]  }
0x26f: {  	v7 =	vand.u32 $0x7FFFFFFF, v22;
	v13 =	vand.u32 $0x7FFFFFFF, v23;
	v9 =	vmax.f32 v11, v9;
	v11 =	vld [tilespmem:s0+$0xC800]  }
0x270: {  	v10 =	vmax.f32 v15, v10;
	v6 =	vmax.f32 v6, v7;
	v7 =	vmax.f32 v9, v13;
	v13 =	vld [tilespmem:s0+$0xC470]  }
0x271: {  	v4 =	vmax.f32 v4, v6;
	v7 =	vmax.f32 v10, v7;
	v10 =	vld [tilespmem:s0+$0xC460]  }
0x272: {  	v4 =	vmax.f32 v7, v4;
	v7 =	vld [tilespmem:s0+$0xC450]  }
0x273: {  	v14 =	vld [tilespmem:s0+$0xC440]  }
0x274: {  	v9 =	vld [tilespmem:s0+$0xC430]  }
0x275: {  	v15 =	vld [tilespmem:s0+$0xC420]  }
0x276: {  	v16 =	vld [tilespmem:s0+$0xC410]  }
0x277: {  	v17 =	vld [tilespmem:s0+$0xC400]  }
0x278: {  	v18 =	vld [tilespmem:s0+$0xC060]  }
0x279: {  	v19 =	vld [tilespmem:s0+$0xC050]  }
0x27a: {  	v20 =	vld [tilespmem:s0+$0xC040];
	v6 =	vperm.xlane v4, v0  }
0x27b: {  	v21 =	vld [tilespmem:s0+$0xC030]  }
0x27c: {  	v23 =	vld [tilespmem:s0+$0xC020];
	v4 =	vmax.f32 v4, v6  }
0x27d: {  	v22 =	vimm.f32 $0.0e+00;
	v24 =	vld [tilespmem:s0+$0xC010];
	v6 =	vperm.xlane v4, v1;
	v15 =	vand.u32 $0x7FFFFFFF, v15  }
0x27e: {  	v25 =	vld [tilespmem:s0+$0xC000];
	v9 =	vand.u32 $0x7FFFFFFF, v9;
	v17 =	vand.u32 $0x7FFFFFFF, v17;
	v14 =	vand.u32 $0x7FFFFFFF, v14  }
0x27f: {  	v28 =	vld [tilespmem:s0+$0xC810];
	v26 =	vand.u32 $0x7FFFFFFF, v7;
	v7 =	vand.u32 $0x7FFFFFFF, v8;
	v20 =	vand.u32 $0x7FFFFFFF, v20  }
0x280: {  	v19 =	vand.u32 $0x7FFFFFFF, v19;
	v27 =	vand.u32 $0x7FFFFFFF, v10;
	v21 =	vand.u32 $0x7FFFFFFF, v21  }
0x281: {  	v5 =	vld [tilespmem:s10+$0x20];
	v10 =	vand.u32 $0x7FFFFFFF, v13;
	v8 =	vand.u32 $0x7FFFFFFF, v12;
	v12 =	vand.u32 $0x7FFFFFFF, v23  }
0x282: {  	v29 =	vld [tilespmem:s0+$0xC070];
	v13 =	vand.u32 $0x7FFFFFFF, v18;
	v23 =	vand.u32 $0x7FFFFFFF, v11;
	v11 =	vand.u32 $0x7FFFFFFF, v24  }
0x283: {  	v30 =	vld [tilespmem:s0+$0xC840];
	v16 =	vand.u32 $0x7FFFFFFF, v16;
	v18 =	vand.u32 $0x7FFFFFFF, v25;
	v4 =	vmax.f32 v4, v6  }
0x284: {  	v62 =	vld [tilespmem:s10+$0x10];
	v28 =	vand.u32 $0x7FFFFFFF, v28;
	v12 =	vmax.f32 v22, v12;
	v6 =	vperm.xlane v4, v2  }
0x285: {  	v31 =	vld [tilespmem:s10+$0x0];
	v12 =	vmax.f32 v12, v13;
	v13 =	vmax.f32 v22, v18;
	v18 =	vmax.f32 v22, v11  }
0x286: {  	v63 =	vmax.f32 v22, v21;
	v11 =	vld [tilespmem:s0+$0xC830];
	v13 =	vmax.f32 v13, v20;
	v19 =	vmax.f32 v18, v19  }
0x287: {  	v20 =	vand.u32 $0x7FFFFFFF, v29;
	v18 =	vld [tilespmem:s0+$0xC820];
	v12 =	vmax.f32 v12, v15;
	v4 =	vmax.f32 v4, v6  }
0x288: {  	v13 =	vmax.f32 v13, v17;
	v16 =	vmax.f32 v19, v16;
	v19 =	vand.u32 $0x7FFFFFFF, v30;
	v17 =	vld [tilespmem:s0+$0xC860]  }
0x289: {  	v21 =	vmax.f32 v12, v27;
	v13 =	vmax.f32 v13, v14;
	v15 =	vmax.f32 v16, v26;
	v16 =	vld [tilespmem:s10+$0x30]  }
0x28a: {  	v12 =	vand.u32 $0x7FFFFFFF, v62;
	v6 =	vperm.xlane v4, v3;
	v14 =	vld [tilespmem:s10+$0x40];
	v22 =	vmax.f32 v13, v23  }
0x28b: {  	s9 =	simm.s32 $0x200;
	s8 =	simm.s32 $0x80;
	v23 =	vmax.f32 v63, v20;
	v13 =	vmax.f32 v15, v28;
	v15 =	vld [tilespmem:s0+$0xC850];
	v20 =	vand.u32 $0x7FFFFFFF, v31  }
.LBB2_18:
0x28c: {  	s4 =	sand.u32 $0x3000, s9;
	s0 =	smov.u32 s9  }
0x28d: {  	s11 =	sand.u32 $0x380, s8;
	v9 =	vmax.f32 v23, v9;
	v18 =	vand.u32 $0x7FFFFFFF, v18;
	v19 =	vmax.f32 v22, v19;
	v22 =	vld [tilespmem:s10+$0x70];
	s0 =	sadd.s32 $0x200, s9  }
0x28e: {  	p0 =	sne.s32 s9, $0x3E00;
	s11 =	sor.u32 s11, s4;
	s4 =	sor.u32 s4, s8;
	v9 =	vmax.f32 v9, v10;
	v10 =	vmax.f32 v21, v18;
	v17 =	vand.u32 $0x7FFFFFFF, v17;
	v18 =	vld [tilespmem:s10+$0x50]  }
0x28f: {  	s10 =	sor.u32 $0xCC00, s4;
	v10 =	vmax.f32 v10, v17;
	v17 =	vand.u32 $0x7FFFFFFF, v5;
	v16 =	vand.u32 $0x7FFFFFFF, v16;
	v21 =	vld [tilespmem:s11+$0xC870]  }
0x290: {  	v11 =	vand.u32 $0x7FFFFFFF, v11;
	v19 =	vmax.f32 v19, v20;
	v10 =	vmax.f32 v10, v17;
	v5 =	vld [tilespmem:s10+$0x20]  }
0x291: {  	v9 =	vmax.f32 v9, v11;
	v11 =	vand.u32 $0x7FFFFFFF, v14;
	v14 =	vmax.f32 v10, v8;
	v17 =	vld [tilespmem:s10+$0x60]  }
0x292: {  	v7 =	vmax.f32 v9, v7;
	v8 =	vand.u32 $0x7FFFFFFF, v15;
	v9 =	vand.u32 $0x7FFFFFFF, v22;
	v20 =	vld [tilespmem:s11+$0xC800]  }
0x293: {  	v7 =	vmax.f32 v7, v16;
	v8 =	vmax.f32 v13, v8;
	v10 =	vld [tilespmem:s11+$0xC470];
	v13 =	vand.u32 $0x7FFFFFFF, v18  }
0x294: {  	v11 =	vmax.f32 v19, v11;
	v8 =	vmax.f32 v8, v12;
	v12 =	vmax.f32 v7, v9;
	v15 =	vld [tilespmem:s11+$0xC460]  }
0x295: {  	v13 =	vmax.f32 v8, v13;
	v7 =	vld [tilespmem:s11+$0xC450]  }
0x296: {  	v8 =	vld [tilespmem:s11+$0xC440]  }
0x297: {  	v9 =	vld [tilespmem:s11+$0xC430]  }
0x298: {  	v16 =	vld [tilespmem:s11+$0xC420]  }
0x299: {  	v18 =	vld [tilespmem:s11+$0xC410]  }
0x29a: {  	v19 =	vld [tilespmem:s11+$0xC400]  }
0x29b: {  	v22 =	vld [tilespmem:s11+$0xC060]  }
0x29c: {  	v23 =	vld [tilespmem:s11+$0xC050]  }
0x29d: {  	v24 =	vld [tilespmem:s11+$0xC040]  }
0x29e: {  	v16 =	vand.u32 $0x7FFFFFFF, v16;
	v25 =	vld [tilespmem:s11+$0xC030]  }
0x29f: {  	v9 =	vand.u32 $0x7FFFFFFF, v9;
	v26 =	vld [tilespmem:s11+$0xC020]  }
0x2a0: {  	v28 =	vand.u32 $0x7FFFFFFF, v8;
	v19 =	vand.u32 $0x7FFFFFFF, v19;
	v27 =	vld [tilespmem:s11+$0xC010]  }
0x2a1: {  	v30 =	vand.u32 $0x7FFFFFFF, v7;
	v7 =	vand.u32 $0x7FFFFFFF, v21;
	v29 =	vld [tilespmem:s11+$0xC000]  }
0x2a2: {  	v15 =	vand.u32 $0x7FFFFFFF, v15;
	v23 =	vand.u32 $0x7FFFFFFF, v23;
	v21 =	vand.u32 $0x7FFFFFFF, v24;
	v24 =	vld [tilespmem:s11+$0xC810]  }
0x2a3: {  	v10 =	vand.u32 $0x7FFFFFFF, v10;
	v8 =	vand.u32 $0x7FFFFFFF, v17;
	v25 =	vand.u32 $0x7FFFFFFF, v25;
	v31 =	vld [tilespmem:s11+$0xC070]  }
0x2a4: {  	v20 =	vand.u32 $0x7FFFFFFF, v20;
	v22 =	vand.u32 $0x7FFFFFFF, v22;
	v17 =	vand.u32 $0x7FFFFFFF, v26;
	v26 =	vld [tilespmem:s11+$0xC840]  }
0x2a5: {  	v27 =	vand.u32 $0x7FFFFFFF, v27;
	v14 =	vmax.f32 v14, v17;
	v17 =	vand.u32 $0x7FFFFFFF, v18;
	v32 =	vld [tilespmem:s10+$0x10]  }
0x2a6: {  	v25 =	vmax.f32 v12, v25;
	v18 =	vand.u32 $0x7FFFFFFF, v29;
	v12 =	vmax.f32 v14, v22;
	v29 =	vld [tilespmem:s10+$0x0]  }
0x2a7: {  	v13 =	vmax.f32 v13, v27;
	v14 =	vmax.f32 v11, v18;
	v24 =	vand.u32 $0x7FFFFFFF, v24;
	v11 =	vld [tilespmem:s11+$0xC830]  }
.Ltmp10:
0x2a8: {  	v13 =	vmax.f32 v13, v23;
	v14 =	vmax.f32 v14, v21;
	v23 =	vand.u32 $0x7FFFFFFF, v31;
	v18 =	vld [tilespmem:s11+$0xC820];
	(pc) =	sbr.rel @p0 .LBB2_18-.Ltmp10, $4  }
0x2a9: {  	v13 =	vmax.f32 v13, v17;
	v14 =	vmax.f32 v14, v19;
	v19 =	vand.u32 $0x7FFFFFFF, v26;
	v17 =	vld [tilespmem:s11+$0xC860]  }
0x2aa: {  	v12 =	vmax.f32 v12, v16;
	v13 =	vmax.f32 v13, v30;
	v14 =	vmax.f32 v14, v28;
	v16 =	vld [tilespmem:s10+$0x30]  }
0x2ab: {  	v21 =	vmax.f32 v12, v15;
	v12 =	vand.u32 $0x7FFFFFFF, v32;
	v22 =	vmax.f32 v14, v20;
	v14 =	vld [tilespmem:s10+$0x40]  }
0x2ac: {  	s8 =	sadd.s32 $0x80, s8;
	s9 =	smov.u32 s0;
	v23 =	vmax.f32 v25, v23;
	v13 =	vmax.f32 v13, v24;
	v20 =	vand.u32 $0x7FFFFFFF, v29;
	v15 =	vld [tilespmem:s11+$0xC850]  }
0x2ad: {  	v18 =	vand.u32 $0x7FFFFFFF, v18  }
0x2ae: {  	v9 =	vmax.f32 v23, v9;
	v57 =	vld [tilespmem:s10+$0x70];
	v19 =	vmax.f32 v22, v19;
	v5 =	vand.u32 $0x7FFFFFFF, v5  }
0x2af: {  	v58 =	vld [tilespmem:s10+$0x50];
	v11 =	vand.u32 $0x7FFFFFFF, v11;
	v18 =	vmax.f32 v21, v18;
	v17 =	vand.u32 $0x7FFFFFFF, v17  }
0x2b0: {  	v9 =	vmax.f32 v9, v10;
	v59 =	vmax.f32 v19, v20;
	v17 =	vmax.f32 v18, v17  }
0x2b1: {  	v16 =	vand.u32 $0x7FFFFFFF, v16;
	v9 =	vmax.f32 v9, v11;
	v5 =	vmax.f32 v17, v5  }
0x2b2: {  	v60 =	vand.u32 $0x7FFFFFFF, v14;
	v7 =	vmax.f32 v9, v7;
	v61 =	vand.u32 $0x7FFFFFFF, v15  }
0x2b3: {  	v5 =	vmax.f32 v5, v8;
	v7 =	vmax.f32 v7, v16;
	v8 =	vmax.f32 v13, v61  }
0x2b4: {  	v62 =	vand.u32 $0x7FFFFFFF, v57;
	v10 =	vand.u32 $0x7FFFFFFF, v58;
	v8 =	vmax.f32 v8, v12  }
0x2b5: {  	v11 =	vmax.f32 v59, v60;
	v7 =	vmax.f32 v7, v62;
	v8 =	vmax.f32 v8, v10  }
0x2b6: {  	v5 =	vmax.f32 v5, v7;
	v8 =	vmax.f32 v11, v8  }
0x2b7: {  	v5 =	vmax.f32 v8, v5  }
0x2b8: {  	v63 =	vperm.xlane v5, v0;
	_ =	sdelay $0x1  }
0x2b9: {  	v5 =	vmax.f32 v5, v63  }
0x2ba: {  	v7 =	vperm.xlane v5, v1;
	_ =	sdelay $0x1  }
0x2bb: {  	v5 =	vmax.f32 v5, v7  }
0x2bc: {  	v7 =	vperm.xlane v5, v2;
	_ =	sdelay $0x1  }
0x2bd: {  	v5 =	vmax.f32 v5, v7  }
0x2be: {  	v7 =	vperm.xlane v5, v3  }
0x2bf: {  	v4 =	vmax.f32 v4, v6  }
0x2c0: {  	(v2sf) =	vpush v4, $0x0;
	v4 =	vmax.f32 v5, v7  }
0x2c1: {  	(v2sf) =	vpush v4, $0x0;
	_ =	sdelay $0xb  }
0x2c2: {  	s0 =	simm.s32 $0x0;
	s9 =	rddreg [dreg:$0xe]  }
0x2c3: {  	[hbm4b:s9+s0] =	stream.linear.scatter [tilespmem:s24], [sflag:$0x8], $0x4000, $0x38;
	[tilespmem:$0x10080] =	vst v63  }
0x2c4: {  	s4 =	spop (v2sf)  }
0x2c5: {  	s8 =	spop (v2sf)  }
0x2c6: {  	_ =	swait.ge [sflag:s31], $0x4000  }
0x2c7: {  	[sflag:s31] =	ssyncset.done $0x0  }
0x2c8: {  	p0 =	sgt.f32 s4, $0.0e+00;
	[sflag:s31] =	ssyncadd.s32 $0xFFFFC000  }
0x2c9: {  	p1 =	sgt.f32 s8, $0.0e+00;
	_ =	swait.ge [sflag:s2], $0x4000  }
0x2ca: {  	s5 =	simm.s32 @p0 $0x3E;
	[sflag:s2] =	ssyncset.done $0x0  }
0x2cb: {  	s5 =	simm.s32 @p1 $0x3F;
	[sflag:s2] =	ssyncadd.s32 $0xFFFFC000  }
0x2cc: {  	p0 =	slt.s32 s5, $0x0;
	_ =	swait.ge [sflag:s7], $0x4000  }
.Ltmp11:
0x2cd: {  	[sflag:s7] =	ssyncset.done $0x0;
	(pc) =	sbr.rel @p0 .LBB2_23-.Ltmp11, $4  }
0x2ce: {  	[sflag:s7] =	ssyncadd.s32 $0xFFFFC000  }
0x2cf: {  	_ =	swait.ge [sflag:s25], $0x4000  }
0x2d0: {  	[sflag:s25] =	ssyncset.done $0x0  }
0x2d1: {  	s8 =	rddreg [dreg:$0x11];
	[sflag:s25] =	ssyncadd.s32 $0xFFFFC000  }
0x2d2: {  	s0 =	sshll.u32 s5, $0x5;
	s4 =	rddreg [dreg:$0x6]  }
0x2d3: {  	s5 =	sadd.s32 s4, s0  }
0x2d4: {  	s12 =	rddreg [dreg:$0x4];
	s0 =	sshll.u32 s5, $0x9  }
0x2d5: {  	s0 =	sadd.s32 s12, s0  }
0x2d6: {  	s0 =	sshrl.u32 s0, $0x3  }
0x2d7: {  	s10 =	simm.s32 $0x0;
	s0 =	sadd.s32 s1, s0  }
0x2d8: {  	[tilespmem:s10], [sflag:$0x1] =	stream.linear.gather [hbm4b:s0+s10], $0x4000, $0x38;
	[tilespmem:$0x10080] =	vst v63  }
0x2d9: {  	_ =	swait.ge [sflag:s7], $0x4000  }
0x2da: {  	s13 =	sand.u32 $0x3000, s10;
	s15 =	sand.u32 $0x380, s10;
	[sflag:s7] =	ssyncset.done $0x0  }
0x2db: {  	s0 =	sor.u32 s15, s13;
	[sflag:s7] =	ssyncadd.s32 $0xFFFFC000  }
0x2dc: {  	v4 =	vld [tilespmem:s0+$0x0]  }
0x2dd: {  	v5 =	vld [tilespmem:s0+$0x10]  }
0x2de: {  	v6 =	vld [tilespmem:s0+$0x20]  }
0x2df: {  	v7 =	vld [tilespmem:s0+$0x30]  }
0x2e0: {  	v8 =	vld [tilespmem:s0+$0x40]  }
0x2e1: {  	v9 =	vld [tilespmem:s0+$0x50]  }
0x2e2: {  	v10 =	vld [tilespmem:s0+$0x60]  }
0x2e3: {  	v11 =	vld [tilespmem:s0+$0x70]  }
0x2e4: {  	v12 =	vld [tilespmem:s0+$0x400]  }
0x2e5: {  	v13 =	vld [tilespmem:s0+$0x410]  }
0x2e6: {  	v14 =	vld [tilespmem:s0+$0x420]  }
0x2e7: {  	v15 =	vld [tilespmem:s0+$0x430]  }
0x2e8: {  	v16 =	vld [tilespmem:s0+$0x440]  }
0x2e9: {  	v17 =	vld [tilespmem:s0+$0x450]  }
0x2ea: {  	v18 =	vld [tilespmem:s0+$0x460]  }
0x2eb: {  	v19 =	vld [tilespmem:s0+$0x470]  }
0x2ec: {  	v20 =	vld [tilespmem:s0+$0x800]  }
0x2ed: {  	v21 =	vld [tilespmem:s0+$0x810]  }
0x2ee: {  	v22 =	vld [tilespmem:s0+$0x820]  }
0x2ef: {  	v23 =	vld [tilespmem:s0+$0x830]  }
0x2f0: {  	v24 =	vld [tilespmem:s0+$0x840]  }
0x2f1: {  	v25 =	vld [tilespmem:s0+$0x850]  }
0x2f2: {  	v26 =	vld [tilespmem:s0+$0x860]  }
0x2f3: {  	v27 =	vld [tilespmem:s0+$0x870]  }
0x2f4: {  	v28 =	vld [tilespmem:s0+$0xC00]  }
0x2f5: {  	s18 =	simm.s32 $0x80;
	s8 =	simm.s32 $0x200;
	v29 =	vld [tilespmem:s0+$0xC10]  }
0x2f6: {  	s8 =	sand.u32 $0x3000, s8;
	s4 =	sand.u32 $0x380, s18;
	v30 =	vld [tilespmem:s0+$0xC20]  }
0x2f7: {  	s8 =	sor.u32 s4, s8;
	v31 =	vld [tilespmem:s0+$0xC30]  }
0x2f8: {  	v59 =	vld [tilespmem:s8+$0x60]  }
0x2f9: {  	v60 =	vld [tilespmem:s8+$0x70]  }
0x2fa: {  	v61 =	vld [tilespmem:s8+$0x400];
	v4 =	vand.u32 $0x7FFFFFFF, v4  }
0x2fb: {  	v62 =	vld [tilespmem:s8+$0x410];
	v5 =	vand.u32 $0x7FFFFFFF, v5;
	v4 =	vmax.f32 v4, $0.0e+00  }
0x2fc: {  	v63 =	vld [tilespmem:s8+$0x420];
	v4 =	vmax.f32 v4, v5;
	v5 =	vand.u32 $0x7FFFFFFF, v6  }
0x2fd: {  	v32 =	vld [tilespmem:s8+$0x430];
	v4 =	vmax.f32 v4, v5;
	v5 =	vand.u32 $0x7FFFFFFF, v7  }
0x2fe: {  	v33 =	vld [tilespmem:s8+$0x440];
	v4 =	vmax.f32 v4, v5;
	v5 =	vand.u32 $0x7FFFFFFF, v8  }
0x2ff: {  	v36 =	vld [tilespmem:s8+$0x820];
	v23 =	vand.u32 $0x7FFFFFFF, v23;
	v4 =	vmax.f32 v4, v5;
	v5 =	vand.u32 $0x7FFFFFFF, v9  }
0x300: {  	v37 =	vld [tilespmem:s8+$0x830];
	v34 =	vand.u32 $0x7FFFFFFF, v24;
	v4 =	vmax.f32 v4, v5;
	v5 =	vand.u32 $0x7FFFFFFF, v10  }
0x301: {  	v39 =	vld [tilespmem:s8+$0x840];
	v35 =	vand.u32 $0x7FFFFFFF, v25;
	v4 =	vmax.f32 v4, v5;
	v5 =	vand.u32 $0x7FFFFFFF, v11  }
0x302: {  	v40 =	vld [tilespmem:s8+$0x850];
	v38 =	vand.u32 $0x7FFFFFFF, v26;
	v4 =	vmax.f32 v4, v5;
	v5 =	vand.u32 $0x7FFFFFFF, v12  }
0x303: {  	v41 =	vand.u32 $0x7FFFFFFF, v27;
	v6 =	vld [tilespmem:s0+$0xC40];
	v4 =	vmax.f32 v4, v5;
	v5 =	vand.u32 $0x7FFFFFFF, v13  }
0x304: {  	v43 =	vand.u32 $0x7FFFFFFF, v28;
	v7 =	vld [tilespmem:s0+$0xC50];
	v4 =	vmax.f32 v4, v5;
	v5 =	vand.u32 $0x7FFFFFFF, v14  }
0x305: {  	v44 =	vand.u32 $0x7FFFFFFF, v29;
	v8 =	vld [tilespmem:s0+$0xC60];
	v4 =	vmax.f32 v4, v5;
	v5 =	vand.u32 $0x7FFFFFFF, v15  }
0x306: {  	v46 =	vand.u32 $0x7FFFFFFF, v30;
	v9 =	vld [tilespmem:s0+$0xC70];
	v4 =	vmax.f32 v4, v5;
	v5 =	vand.u32 $0x7FFFFFFF, v16  }
0x307: {  	v48 =	vand.u32 $0x7FFFFFFF, v31;
	v10 =	vld [tilespmem:s8+$0x0];
	v4 =	vmax.f32 v4, v5;
	v5 =	vand.u32 $0x7FFFFFFF, v17  }
0x308: {  	v11 =	vld [tilespmem:s8+$0x10];
	v6 =	vand.u32 $0x7FFFFFFF, v6;
	v4 =	vmax.f32 v4, v5;
	v5 =	vand.u32 $0x7FFFFFFF, v18  }
0x309: {  	v12 =	vld [tilespmem:s8+$0x20];
	v7 =	vand.u32 $0x7FFFFFFF, v7;
	v4 =	vmax.f32 v4, v5;
	v5 =	vand.u32 $0x7FFFFFFF, v19  }
0x30a: {  	v13 =	vld [tilespmem:s8+$0x30];
	v8 =	vand.u32 $0x7FFFFFFF, v8;
	v4 =	vmax.f32 v4, v5;
	v5 =	vand.u32 $0x7FFFFFFF, v20  }
0x30b: {  	v14 =	vld [tilespmem:s8+$0x40];
	v9 =	vand.u32 $0x7FFFFFFF, v9;
	v4 =	vmax.f32 v4, v5;
	v5 =	vand.u32 $0x7FFFFFFF, v21  }
0x30c: {  	v15 =	vld [tilespmem:s8+$0x50];
	v10 =	vand.u32 $0x7FFFFFFF, v10;
	v4 =	vmax.f32 v4, v5;
	v5 =	vand.u32 $0x7FFFFFFF, v22  }
0x30d: {  	v42 =	vld [tilespmem:s8+$0x860];
	v4 =	vmax.f32 v4, v5;
	v5 =	vmax.f32 v10, $0.0e+00;
	v10 =	vand.u32 $0x7FFFFFFF, v11  }
0x30e: {  	v45 =	vld [tilespmem:s8+$0xC00];
	v5 =	vmax.f32 v5, v10;
	v10 =	vand.u32 $0x7FFFFFFF, v12;
	v4 =	vmax.f32 v4, v23  }
0x30f: {  	v47 =	vld [tilespmem:s8+$0xC10];
	v5 =	vmax.f32 v5, v10;
	v10 =	vand.u32 $0x7FFFFFFF, v13;
	v4 =	vmax.f32 v4, v34  }
0x310: {  	v49 =	vld [tilespmem:s8+$0xC20];
	v5 =	vmax.f32 v5, v10;
	v10 =	vand.u32 $0x7FFFFFFF, v14;
	v4 =	vmax.f32 v4, v35  }
0x311: {  	v50 =	vld [tilespmem:s8+$0xC30];
	v5 =	vmax.f32 v5, v10;
	v10 =	vand.u32 $0x7FFFFFFF, v15;
	v4 =	vmax.f32 v4, v38  }
0x312: {  	v53 =	vld [tilespmem:s8+$0xC70];
	v5 =	vmax.f32 v5, v10;
	v10 =	vand.u32 $0x7FFFFFFF, v59;
	v4 =	vmax.f32 v4, v41  }
0x313: {  	s19 =	simm.s32 $0x100;
	s20 =	simm.s32 $0x400;
	v11 =	vld [tilespmem:s8+$0x450];
	v5 =	vmax.f32 v5, v10;
	v10 =	vand.u32 $0x7FFFFFFF, v60;
	v4 =	vmax.f32 v4, v43  }
0x314: {  	s4 =	sand.u32 $0x3000, s20;
	s0 =	sand.u32 $0x380, s19;
	v12 =	vld [tilespmem:s8+$0x460];
	v5 =	vmax.f32 v5, v10;
	v10 =	vand.u32 $0x7FFFFFFF, v61;
	v4 =	vmax.f32 v4, v44  }
0x315: {  	s11 =	sor.u32 s0, s4;
	v13 =	vld [tilespmem:s8+$0x470];
	v5 =	vmax.f32 v5, v10;
	v10 =	vand.u32 $0x7FFFFFFF, v62;
	v4 =	vmax.f32 v4, v46  }
0x316: {  	v52 =	vld [tilespmem:s11+$0x50];
	v5 =	vmax.f32 v5, v10;
	v10 =	vand.u32 $0x7FFFFFFF, v63;
	v4 =	vmax.f32 v4, v48  }
0x317: {  	v21 =	vand.u32 $0x7FFFFFFF, v32;
	v14 =	vld [tilespmem:s8+$0x800];
	v5 =	vmax.f32 v5, v10;
	v4 =	vmax.f32 v4, v6  }
0x318: {  	v22 =	vand.u32 $0x7FFFFFFF, v33;
	v15 =	vld [tilespmem:s8+$0x810];
	v5 =	vmax.f32 v5, v21;
	v4 =	vmax.f32 v4, v7  }
0x319: {  	v51 =	vld [tilespmem:s11+$0x40];
	v11 =	vand.u32 $0x7FFFFFFF, v11;
	v5 =	vmax.f32 v5, v22;
	v4 =	vmax.f32 v4, v8  }
0x31a: {  	v8 =	vand.u32 $0x7FFFFFFF, v13;
	v13 =	vld [tilespmem:s11+$0x10];
	v5 =	vmax.f32 v5, v11;
	v11 =	vand.u32 $0x7FFFFFFF, v12  }
0x31b: {  	v55 =	vand.u32 $0x7FFFFFFF, v40;
	v4 =	vmax.f32 v4, v9;
	v9 =	vld [tilespmem:s11+$0x0];
	v5 =	vmax.f32 v5, v11  }
0x31c: {  	v56 =	vld [tilespmem:s11+$0x420];
	v11 =	vperm.xlane v4, v0;
	v5 =	vmax.f32 v5, v8;
	v8 =	vand.u32 $0x7FFFFFFF, v14  }
0x31d: {  	v54 =	vand.u32 $0x7FFFFFFF, v52;
	v14 =	vld [tilespmem:s11+$0x20];
	v5 =	vmax.f32 v5, v8;
	v8 =	vand.u32 $0x7FFFFFFF, v15  }
0x31e: {  	v4 =	vmax.f32 v4, v11;
	v11 =	vld [tilespmem:s11+$0x30];
	v5 =	vmax.f32 v5, v8;
	v8 =	vand.u32 $0x7FFFFFFF, v36  }
0x31f: {  	v57 =	vld [tilespmem:s11+$0x440];
	v15 =	vperm.xlane v4, v1;
	v5 =	vmax.f32 v5, v8;
	v8 =	vand.u32 $0x7FFFFFFF, v37  }
0x320: {  	v58 =	vld [tilespmem:s11+$0x810];
	v13 =	vand.u32 $0x7FFFFFFF, v13;
	v9 =	vand.u32 $0x7FFFFFFF, v9;
	v5 =	vmax.f32 v5, v8  }
0x321: {  	v8 =	vand.u32 $0x7FFFFFFF, v39;
	v4 =	vmax.f32 v4, v15;
	v9 =	vmax.f32 v9, $0.0e+00;
	v15 =	vld [tilespmem:s11+$0x60]  }
0x322: {  	v10 =	vld [tilespmem:s8+$0x870];
	v9 =	vmax.f32 v9, v13;
	v13 =	vperm.xlane v4, v2;
	v14 =	vand.u32 $0x7FFFFFFF, v14  }
0x323: {  	v5 =	vmax.f32 v5, v8;
	v8 =	vmax.f32 v9, v14;
	v9 =	vld [tilespmem:s11+$0x70];
	v11 =	vand.u32 $0x7FFFFFFF, v11  }
0x324: {  	v4 =	vmax.f32 v4, v13;
	v13 =	vld [tilespmem:s11+$0x400];
	v8 =	vmax.f32 v8, v11;
	v11 =	vand.u32 $0x7FFFFFFF, v51  }
0x325: {  	v61 =	vand.u32 $0x7FFFFFFF, v49;
	v14 =	vld [tilespmem:s11+$0x410];
	v8 =	vmax.f32 v8, v11;
	v11 =	vperm.xlane v4, v3  }
0x326: {  	v63 =	vand.u32 $0x7FFFFFFF, v47;
	v6 =	vld [tilespmem:s8+$0xC40];
	v8 =	vmax.f32 v8, v54;
	v15 =	vand.u32 $0x7FFFFFFF, v15  }
0x327: {  	v5 =	vmax.f32 v5, v55;
	v4 =	vmax.f32 v4, v11;
	v8 =	vmax.f32 v8, v15;
	v11 =	vld [tilespmem:s11+$0x430]  }
0x328: {  	v7 =	vld [tilespmem:s8+$0xC50];
	v15 =	vand.u32 $0x7FFFFFFF, v42;
	v9 =	vand.u32 $0x7FFFFFFF, v9;
	(v2sf) =	vpush v4, $0x0  }
0x329: {  	v4 =	vmax.f32 v5, v15;
	v5 =	vmax.f32 v8, v9;
	v8 =	vand.u32 $0x7FFFFFFF, v13;
	v9 =	vld [tilespmem:s11+$0x450]  }
0x32a: {  	v10 =	vand.u32 $0x7FFFFFFF, v10;
	v13 =	vld [tilespmem:s11+$0x460];
	v5 =	vmax.f32 v5, v8;
	v8 =	vand.u32 $0x7FFFFFFF, v14  }
0x32b: {  	v14 =	vmax.f32 v4, v10;
	v4 =	vmax.f32 v5, v8;
	v5 =	vand.u32 $0x7FFFFFFF, v56;
	v8 =	vld [tilespmem:s11+$0x470]  }
0x32c: {  	v60 =	vand.u32 $0x7FFFFFFF, v6;
	v5 =	vmax.f32 v4, v5;
	v10 =	vand.u32 $0x7FFFFFFF, v11;
	v11 =	vld [tilespmem:s11+$0x800]  }
0x32d: {  	v12 =	vld [tilespmem:s8+$0xC60];
	v15 =	vand.u32 $0x7FFFFFFF, v45;
	v5 =	vmax.f32 v5, v10;
	v10 =	vand.u32 $0x7FFFFFFF, v57  }
0x32e: {  	v59 =	vld [tilespmem:s11+$0x820];
	v14 =	vmax.f32 v14, v15;
	v5 =	vmax.f32 v5, v10;
	v9 =	vand.u32 $0x7FFFFFFF, v9  }
0x32f: {  	v14 =	vmax.f32 v14, v63;
	v6 =	vand.u32 $0x7FFFFFFF, v13;
	v5 =	vmax.f32 v5, v9;
	v9 =	vld [tilespmem:s11+$0x830]  }
0x330: {  	v14 =	vmax.f32 v14, v61;
	v5 =	vmax.f32 v5, v6;
	v6 =	vand.u32 $0x7FFFFFFF, v8;
	v8 =	vld [tilespmem:s11+$0x840]  }
0x331: {  	v13 =	vand.u32 $0x7FFFFFFF, v7;
	v7 =	vld [tilespmem:s11+$0x850];
	v5 =	vmax.f32 v5, v6;
	v6 =	vand.u32 $0x7FFFFFFF, v11  }
0x332: {  	v10 =	vand.u32 $0x7FFFFFFF, v12;
	v12 =	vld [tilespmem:s11+$0x860];
	v5 =	vmax.f32 v5, v6;
	v6 =	vand.u32 $0x7FFFFFFF, v58  }
0x333: {  	v62 =	vld [tilespmem:s11+$0x870];
	v11 =	vand.u32 $0x7FFFFFFF, v50;
	v5 =	vmax.f32 v5, v6;
	v6 =	vand.u32 $0x7FFFFFFF, v59  }
0x334: {  	v11 =	vmax.f32 v14, v11;
	v5 =	vmax.f32 v5, v6;
	v6 =	vand.u32 $0x7FFFFFFF, v9;
	v9 =	vld [tilespmem:s11+$0xC00]  }
0x335: {  	v15 =	vmax.f32 v11, v60;
	v11 =	vld [tilespmem:s11+$0xC50];
	v6 =	vmax.f32 v5, v6;
	v8 =	vand.u32 $0x7FFFFFFF, v8  }
0x336: {  	v7 =	vand.u32 $0x7FFFFFFF, v7;
	v5 =	vld [tilespmem:s11+$0xC10];
	v8 =	vmax.f32 v6, v8  }
0x337: {  	s18 =	simm.s32 $0x180;
	v12 =	vand.u32 $0x7FFFFFFF, v12;
	v6 =	vld [tilespmem:s11+$0xC20];
	v8 =	vmax.f32 v8, v7;
	s21 =	spop (v2sf)  }
0x338: {  	s12 =	simm.s32 $0x2;
	s15 =	simm.s32 $0x3;
	v4 =	vand.u32 $0x7FFFFFFF, v53;
	v14 =	vand.u32 $0x7FFFFFFF, v62;
	v7 =	vld [tilespmem:s11+$0xC30];
	v8 =	vmax.f32 v8, v12;
	p1 =	sgt.f32 s21, $0.0e+00  }
0x339: {  	s13 =	simm.s32 $0x0;
	s19 =	simm.s32 $0x600;
	s8 =	simm.s32 $0x1;
	v13 =	vmax.f32 v15, v13;
	v12 =	vld [tilespmem:s11+$0xC40];
	v8 =	vmax.f32 v8, v14;
	v9 =	vand.u32 $0x7FFFFFFF, v9  }
.LBB2_21:
0x33a: {  	s0 =	sand.u32 $0x3000, s19;
	s4 =	sand.u32 $0x380, s18;
	s10 =	smov.u32 @p1 s13  }
0x33b: {  	v14 =	vld [tilespmem:s11+$0xC60];
	v10 =	vmax.f32 v13, v10;
	s13 =	smov.u32 s8;
	s8 =	smov.u32 s12;
	s12 =	smov.u32 s15  }
0x33c: {  	p0 =	sne.s32 s15, $0x1F;
	s15 =	sadd.s32 $0x1, s15;
	v13 =	vld [tilespmem:s11+$0xC70];
	s11 =	sor.u32 s4, s0;
	v4 =	vmax.f32 v10, v4  }
0x33d: {  	v10 =	vld [tilespmem:s11+$0x0];
	v15 =	vperm.xlane v4, v0  }
0x33e: {  	v16 =	vld [tilespmem:s11+$0x10]  }
0x33f: {  	v17 =	vld [tilespmem:s11+$0x20];
	v15 =	vmax.f32 v4, v15  }
0x340: {  	v18 =	vld [tilespmem:s11+$0x30];
	v19 =	vperm.xlane v15, v1  }
0x341: {  	v20 =	vld [tilespmem:s11+$0x40];
	v4 =	vand.u32 $0x7FFFFFFF, v13  }
0x342: {  	v10 =	vand.u32 $0x7FFFFFFF, v10;
	v13 =	vld [tilespmem:s11+$0x50];
	v15 =	vmax.f32 v15, v19  }
0x343: {  	v10 =	vmax.f32 v10, $0.0e+00;
	v16 =	vand.u32 $0x7FFFFFFF, v16;
	v19 =	vld [tilespmem:s11+$0x60];
	v21 =	vperm.xlane v15, v2  }
0x344: {  	v10 =	vmax.f32 v10, v16;
	v16 =	vand.u32 $0x7FFFFFFF, v17;
	v17 =	vld [tilespmem:s11+$0x70]  }
0x345: {  	v10 =	vmax.f32 v10, v16;
	v16 =	vand.u32 $0x7FFFFFFF, v18;
	v18 =	vld [tilespmem:s11+$0x400];
	v15 =	vmax.f32 v15, v21  }
0x346: {  	v10 =	vmax.f32 v10, v16;
	v16 =	vand.u32 $0x7FFFFFFF, v20;
	v20 =	vld [tilespmem:s11+$0x410];
	v21 =	vperm.xlane v15, v3  }
0x347: {  	v10 =	vmax.f32 v10, v16;
	v13 =	vand.u32 $0x7FFFFFFF, v13;
	v16 =	vld [tilespmem:s11+$0x420]  }
0x348: {  	v10 =	vmax.f32 v10, v13;
	v13 =	vand.u32 $0x7FFFFFFF, v19;
	v19 =	vld [tilespmem:s11+$0x430];
	v15 =	vmax.f32 v15, v21  }
0x349: {  	v10 =	vmax.f32 v10, v13;
	v13 =	vand.u32 $0x7FFFFFFF, v17;
	v17 =	vld [tilespmem:s11+$0x440];
	(v2sf) =	vpush v15, $0x0  }
0x34a: {  	v10 =	vmax.f32 v10, v13;
	v13 =	vand.u32 $0x7FFFFFFF, v18;
	v15 =	vld [tilespmem:s11+$0x450]  }
0x34b: {  	v10 =	vmax.f32 v10, v13;
	v13 =	vand.u32 $0x7FFFFFFF, v20;
	v18 =	vld [tilespmem:s11+$0x460]  }
0x34c: {  	v10 =	vmax.f32 v10, v13;
	v13 =	vand.u32 $0x7FFFFFFF, v16;
	v16 =	vld [tilespmem:s11+$0x470]  }
0x34d: {  	v10 =	vmax.f32 v10, v13;
	v13 =	vand.u32 $0x7FFFFFFF, v19;
	v19 =	vld [tilespmem:s11+$0x800]  }
0x34e: {  	v10 =	vmax.f32 v10, v13;
	v13 =	vand.u32 $0x7FFFFFFF, v17;
	v17 =	vld [tilespmem:s11+$0x810]  }
0x34f: {  	v20 =	vand.u32 $0x7FFFFFFF, v12;
	v10 =	vmax.f32 v10, v13;
	v13 =	vand.u32 $0x7FFFFFFF, v15;
	v15 =	vld [tilespmem:s11+$0x820]  }
0x350: {  	v12 =	vmax.f32 v10, v13;
	v13 =	vand.u32 $0x7FFFFFFF, v18;
	v18 =	vld [tilespmem:s11+$0x830];
	v10 =	vand.u32 $0x7FFFFFFF, v14  }
0x351: {  	v12 =	vmax.f32 v12, v13;
	v13 =	vand.u32 $0x7FFFFFFF, v16;
	v14 =	vld [tilespmem:s11+$0x840];
	v16 =	vand.u32 $0x7FFFFFFF, v11  }
0x352: {  	v11 =	vmax.f32 v12, v13;
	v12 =	vand.u32 $0x7FFFFFFF, v19;
	v13 =	vld [tilespmem:s11+$0x850];
	v19 =	vand.u32 $0x7FFFFFFF, v7  }
0x353: {  	v7 =	vmax.f32 v11, v12;
	v11 =	vand.u32 $0x7FFFFFFF, v17;
	v12 =	vld [tilespmem:s11+$0x860];
	v17 =	vand.u32 $0x7FFFFFFF, v6  }
0x354: {  	v6 =	vmax.f32 v7, v11;
	v7 =	vand.u32 $0x7FFFFFFF, v15;
	v11 =	vld [tilespmem:s11+$0x870];
	v15 =	vand.u32 $0x7FFFFFFF, v5  }
0x355: {  	v5 =	vmax.f32 v6, v7;
	v6 =	vand.u32 $0x7FFFFFFF, v18;
	v18 =	vld [tilespmem:s11+$0xC00];
	v7 =	vmax.f32 v8, v9  }
.Ltmp12:
0x356: {  	v6 =	vmax.f32 v5, v6;
	v8 =	vand.u32 $0x7FFFFFFF, v14;
	v5 =	vld [tilespmem:s11+$0xC10];
	v7 =	vmax.f32 v7, v15;
	(pc) =	sbr.rel @p0 .LBB2_21-.Ltmp12, $4  }
0x357: {  	v8 =	vmax.f32 v6, v8;
	v9 =	vand.u32 $0x7FFFFFFF, v13;
	v6 =	vld [tilespmem:s11+$0xC20];
	v13 =	vmax.f32 v7, v17  }
0x358: {  	v8 =	vmax.f32 v8, v9;
	v9 =	vand.u32 $0x7FFFFFFF, v12;
	v7 =	vld [tilespmem:s11+$0xC30];
	v13 =	vmax.f32 v13, v19;
	s0 =	spop (v2sf)  }
0x359: {  	v8 =	vmax.f32 v8, v9;
	v9 =	vand.u32 $0x7FFFFFFF, v11;
	v12 =	vld [tilespmem:s11+$0xC40];
	v13 =	vmax.f32 v13, v20;
	p1 =	sgt.f32 s0, $0.0e+00  }
0x35a: {  	s18 =	sadd.s32 $0x80, s18;
	s19 =	sadd.s32 $0x200, s19;
	v8 =	vmax.f32 v8, v9;
	v9 =	vand.u32 $0x7FFFFFFF, v18;
	v11 =	vld [tilespmem:s11+$0xC50];
	v13 =	vmax.f32 v13, v16  }
0x35b: {  	v14 =	vld [tilespmem:s11+$0xC60];
	v5 =	vand.u32 $0x7FFFFFFF, v5;
	v8 =	vmax.f32 v8, v9  }
0x35c: {  	v57 =	vld [tilespmem:s11+$0xC70];
	v6 =	vand.u32 $0x7FFFFFFF, v6;
	v5 =	vmax.f32 v8, v5  }
0x35d: {  	v7 =	vand.u32 $0x7FFFFFFF, v7;
	v5 =	vmax.f32 v5, v6  }
0x35e: {  	v58 =	vand.u32 $0x7FFFFFFF, v12;
	v5 =	vmax.f32 v5, v7  }
0x35f: {  	v59 =	vand.u32 $0x7FFFFFFF, v11;
	v5 =	vmax.f32 v5, v58  }
0x360: {  	v60 =	vmax.f32 v13, v10;
	v61 =	vand.u32 $0x7FFFFFFF, v14;
	v5 =	vmax.f32 v5, v59  }
0x361: {  	v4 =	vmax.f32 v60, v4;
	v62 =	vand.u32 $0x7FFFFFFF, v57;
	v5 =	vmax.f32 v5, v61  }
0x362: {  	v63 =	vperm.xlane v4, v0;
	v5 =	vmax.f32 v5, v62  }
0x363: {  	v6 =	vperm.xlane v5, v0  }
0x364: {  	v4 =	vmax.f32 v4, v63  }
0x365: {  	v7 =	vperm.xlane v4, v1;
	v5 =	vmax.f32 v5, v6  }
0x366: {  	v6 =	vperm.xlane v5, v1  }
0x367: {  	v4 =	vmax.f32 v4, v7  }
0x368: {  	v7 =	vperm.xlane v4, v2;
	v5 =	vmax.f32 v5, v6  }
0x369: {  	v6 =	vperm.xlane v5, v2  }
0x36a: {  	v4 =	vmax.f32 v4, v7  }
0x36b: {  	v7 =	vperm.xlane v4, v3;
	v5 =	vmax.f32 v5, v6  }
0x36c: {  	v6 =	vperm.xlane v5, v3  }
0x36d: {  	v4 =	vmax.f32 v4, v7  }
0x36e: {  	(v2sf) =	vpush v4, $0x0;
	v4 =	vmax.f32 v5, v6  }
0x36f: {  	(v2sf) =	vpush v4, $0x0;
	_ =	sdelay $0xd  }
0x370: {  	s0 =	spop (v2sf)  }
0x371: {  	p0 =	sgt.f32 s0, $0.0e+00;
	s20 =	spop (v2sf)  }
.Ltmp13:
0x372: {  	s10 =	smov.u32 @p1 s13;
	p1 =	sgt.f32 s20, $0.0e+00;
	(pc) =	sbr.rel .LBB2_23-.Ltmp13, $4  }
0x373: {  	s10 =	smov.u32 @p0 s8  }
0x374: {  	s10 =	smov.u32 @p1 s12  }
0x375: {  	s21 =	sadd.s32 s5, s10  }
0x376: {  	s8 =	rddreg [dreg:$0x11];
	s0 =	sadd.s32 $0x1, s21  }
.LBB2_24:
0x377: {  	_ =	sfence.sel $0x180000  }
0x378: {  	[bflag:$0x0] =	sbarrier.arrive $0xFFFF  }
0x379: {  	_ =	strace $0x90000047  }
0x37a: {  	s0 =	stileid.u32;
	[bflag:$0x2] =	sbarrier.arrive $0xFFFF  }
0x37b: {  	p0 =	sne.s32 s0, $0x0;
	s0 =	rddreg [dreg:$0x3]  }
0x37c: {  	s0 =	sadd.s32 @!p0 $0x100000, s0  }
0x37d: {  	[sflag:s0] =	ssyncadd.tile.s32 @!p0 $0x1;
	_ =	shalt  }
.Lfunc_end2:
_tile_overlayer_lowered:
.L_overlay_start_2:
0x37e: {  	(tag) =	ssettag $0x2  }
0x37f: {  	s0 =	rddreg [dreg:$0x0];
	s2 =	stileid.u32  }
0x380: {  	s1 =	rddreg [dreg:$0x1];
	p0 =	sne.s32 s2, $0x0  }
0x381: {  	s3 =	rddreg [dreg:$0x2];
	[bflag:$0x3] =	sbarrier.arrive $0xFFFF;
	s2 =	simm.s32 @!p0 $0x1C0A  }
0x382: {  	[timem:s3], [sflag:s2] =	dma.local @!p0 [hbm:s0], s1  }
0x383: {  	s0 =	simm.s32 @!p0 $0xA  }
0x384: {  	_ =	swait.ge @!p0 [sflag:s0], s1  }
0x385: {  	s1 =	ssub.s32 @!p0 $0x0, s1;
	[sflag:s0] =	ssyncset.done @!p0 $0x0  }
0x386: {  	[sflag:s0] =	ssyncadd.s32 @!p0 s1  }
0x387: {  	[bflag:$0x3] =	sbarrier.arrive $0xFFFF  }
0x388: {  	_ =	shalt  }

</sc_bundles>
